<compile_context>
chip_gen: v7x
topology: tpu7x:2x2x1
jax: 0.10.2.dev20260603
libtpu: 0.0.44.dev20260713+nightly
codegen_flags: <defaults>
</compile_context>

<pallas_src>
import functools

import jax
import jax.numpy as jnp
from jax import lax
from jax.experimental import pallas as pl
from jax.experimental.pallas import tpu as pltpu
from jax.experimental.pallas import tpu_sc as plsc

_NUM = 1000000
_RANK = 16
_OUT_DIM = 64
_B = 16384
_L = 50
_N = _B * _L
_PACK = 128 // _RANK
_NP = _N // _PACK

_NC = 2
_NS = 16
_NW = _NC * _NS
_PROWS_PER_W = _NP // _NW
_PCHUNK = 800
_NCHUNKS = _PROWS_PER_W // _PCHUNK


def _sc_gather(emb_table, idx):
    mesh = plsc.VectorSubcoreMesh(
        core_axis_name="c", subcore_axis_name="s", num_cores=_NC,
        num_subcores=_NS)

    @functools.partial(
        pl.kernel,
        out_type=jax.ShapeDtypeStruct((_NP, 128), jnp.float32),
        mesh=mesh,
        scratch_types=[
            pltpu.VMEM((_PACK, _PCHUNK), jnp.int32),
            pltpu.VMEM((_PACK, _PCHUNK, _RANK), jnp.float32),
            pltpu.SemaphoreType.DMA,
            pltpu.SemaphoreType.DMA,
        ],
        compiler_params=pltpu.CompilerParams(use_tc_tiling_on_sc=False),
    )
    def gather_kernel(table_hbm, idx_hbm, out_hbm, idx_v, rows_v, sem,
                      out_sem):
        wid = lax.axis_index("s") * _NC + lax.axis_index("c")
        base = wid * _PROWS_PER_W
        for c in range(_NCHUNKS):
            p0 = base + c * _PCHUNK
            pltpu.sync_copy(idx_hbm.at[:, pl.ds(p0, _PCHUNK)], idx_v)
            copies = [
                pltpu.async_copy(
                    table_hbm.at[idx_v.at[j]], rows_v.at[j], sem)
                for j in range(_PACK)
            ]
            for cp in copies:
                cp.wait()
            writes = [
                pltpu.async_copy(
                    rows_v.at[j],
                    out_hbm.at[pl.ds(p0, _PCHUNK),
                               pl.ds(j * _RANK, _RANK)],
                    out_sem)
                for j in range(_PACK)
            ]
            for wr in writes:
                wr.wait()

    return gather_kernel(emb_table, idx)


_TC_ROWS = 1600
_BPS = _TC_ROWS // _L


def _tc_matmul_kernel(emb_ref, w_ref, out_ref):
    emb = emb_ref[...]
    for j in range(_PACK):
        r = lax.dot_general(
            emb, w_ref[j],
            dimension_numbers=(((1,), (0,)), ((), ())),
            preferred_element_type=jnp.float32)
        out_ref[j] = r.reshape(_BPS, _L, _OUT_DIM)


def _tc_project(packed, W):
    eye = jnp.eye(_PACK, dtype=W.dtype)
    w8 = jnp.einsum('jk,ro->jkro', eye, W.T).reshape(_PACK, 128, _OUT_DIM)
    grid_i = _NP // _TC_ROWS
    out4 = pl.pallas_call(
        _tc_matmul_kernel,
        grid=(grid_i,),
        in_specs=[
            pl.BlockSpec((_TC_ROWS, 128), lambda i: (i, 0)),
            pl.BlockSpec((_PACK, 128, _OUT_DIM), lambda i: (0, 0, 0)),
        ],
        out_specs=pl.BlockSpec(
            (_PACK, _BPS, _L, _OUT_DIM), lambda i: (0, i, 0, 0)),
        out_shape=jax.ShapeDtypeStruct(
            (_PACK, _B // _PACK, _L, _OUT_DIM), jnp.float32),
    )(packed, w8)
    return out4.reshape(_B, _L, _OUT_DIM)


def kernel(src, emb_table, W):
    idx2 = src.reshape(_PACK, _NP)
    packed = _sc_gather(emb_table, idx2)
    return _tc_project(packed, W)

# --- scband reference (transcript-rebuilt; emitter-appended) ---
"""Pipeline reference for scband-svdembedding-31731218383115 (READ-ONLY COPY).

The authoritative reference and input builder live on the scoring server;
editing this copy changes nothing except your own understanding.
"""

import jax, jax.numpy as jnp
import numpy as np

NUM = 1000000
RANK = 16
OUT_DIM = 64
B = 16384
L = 50

def setup_inputs(seed: int = 0) -> dict:
    key = jax.random.key(seed)
    k_idx, k_emb, k_w = jax.random.split(key, 3)
    src = jax.random.randint(k_idx, (B, L), 0, NUM, dtype=jnp.int64 if jax.config.jax_enable_x64 else jnp.int32).astype(jnp.int32)
    # embedding table initialized like nn.init.normal_
    emb_table = jax.random.normal(k_emb, (NUM, RANK), dtype=jnp.float32)
    # linear weight [out_dim, rank], xavier_uniform-like
    limit = float(np.sqrt(6.0 / (RANK + OUT_DIM)))
    W = jax.random.uniform(k_w, (OUT_DIM, RANK), dtype=jnp.float32, minval=-limit, maxval=limit)
    return {"src": src, "emb_table": emb_table, "W": W}

def reference(src, emb_table, W):
    # embedding lookup: [B, L, RANK]
    emb = jnp.take(emb_table, src, axis=0)
    # linear (no bias): out = emb @ W.T -> [B, L, OUT_DIM]
    out = jnp.einsum('blr,or->blo', emb, W)
    return out

if __name__ == "__main__":
    import jax
    _d = setup_inputs()
    print(jax.jit(kernel)(*tuple(_d.values())))

</pallas_src>

<mosaic_0001>
#map = affine_map<(d0, d1) -> (0, 0)>
module attributes {stable_mosaic.version = 14 : i64} {
  func.func @gather_kernel(%arg0: i32, %arg1: i32, %arg2: memref<1000000x16xf32, #tpu.memory_space<hbm>>, %arg3: memref<8x102400xi32, #tpu.memory_space<hbm>>, %arg4: memref<102400x128xf32, #tpu.memory_space<hbm>>, %arg5: memref<8x800xi32, #tpu.memory_space<vmem>>, %arg6: memref<8x800x16xf32, #tpu.memory_space<vmem>>, %arg7: memref<!tpu.dma_semaphore, #tpu.memory_space<semaphore_mem>>, %arg8: memref<!tpu.dma_semaphore, #tpu.memory_space<semaphore_mem>>) attributes {dimension_semantics = [#tpu.dimension_semantics<core_parallel>, #tpu.dimension_semantics<subcore_parallel>], iteration_bounds = array<i64: 2, 16>, scalar_prefetch = 0 : i64, scratch_operands = 4 : i64, tpu.core_type = #tpu.core_type<sc_vector_subcore>, window_params = [{transform_indices = #map}, {transform_indices = #map}, {transform_indices = #map}]} {
    %mul3A = arith.constant 2 : i32
    %mul3A_0 = arith.muli %arg1, %mul3A : i32
    %add3A = arith.addi %mul3A_0, %arg0 : i32
    %mul3A_1 = arith.constant 3200 : i32
    %mul3A_2 = arith.muli %add3A, %mul3A_1 : i32
    %add3A_3 = arith.constant 0 : i32
    %add3A_4 = arith.addi %mul3A_2, %add3A_3 : i32
    "tpu.region"() ({
      %run_scoped3A = tpu.sem_alloc : memref<!tpu.dma_semaphore, #tpu.memory_space<semaphore_mem>>
      %dma_start3A_1609 = arith.constant 0 : i32
      %dma_start3A_1610 = tpu.memref_slice %arg3[%dma_start3A_1609, %add3A_4] : memref<8x102400xi32, #tpu.memory_space<hbm>> -> memref<8x800xi32, #tpu.memory_space<hbm>>
      %dma_start3A_1611 = arith.constant 0 : i32
      %dma_start3A_1612 = tpu.memref_slice %arg3[%dma_start3A_1611, %add3A_4] : memref<8x102400xi32, #tpu.memory_space<hbm>> -> memref<8x800xi32, #tpu.memory_space<hbm>>
      tpu.enqueue_dma source(%dma_start3A_1612 : memref<8x800xi32, #tpu.memory_space<hbm>>) target(%arg5 : memref<8x800xi32, #tpu.memory_space<vmem>>) target_semaphore(%run_scoped3A : memref<!tpu.dma_semaphore, #tpu.memory_space<semaphore_mem>>)
      %dma_wait3A_1613 = arith.constant 0 : i32
      %dma_wait3A_1614 = tpu.memref_slice %arg3[%dma_wait3A_1613, %add3A_4] : memref<8x102400xi32, #tpu.memory_space<hbm>> -> memref<8x800xi32, #tpu.memory_space<hbm>>
      %dma_wait3A_1615 = arith.constant 0 : i32
      %dma_wait3A_1616 = tpu.memref_slice %arg3[%dma_wait3A_1615, %add3A_4] : memref<8x102400xi32, #tpu.memory_space<hbm>> -> memref<8x800xi32, #tpu.memory_space<hbm>>
      tpu.wait_dma2 semaphore(%run_scoped3A : memref<!tpu.dma_semaphore, #tpu.memory_space<semaphore_mem>>) src(%dma_wait3A_1616 : memref<8x800xi32, #tpu.memory_space<hbm>>) dst(%arg5 : memref<8x800xi32, #tpu.memory_space<vmem>>)
      tpu.yield
    }) : () -> ()
    %dma_start3A = arith.constant 0 : i32
    %dma_start3A_5 = arith.constant 0 : i32
    %dma_start3A_6 = arith.constant 0 : i32
    %dma_start3A_7 = arith.constant 0 : i32
    %dma_start3A_8 = tpu.memref_slice %arg6[%dma_start3A_5, %dma_start3A_6, %dma_start3A_7] : memref<8x800x16xf32, #tpu.memory_space<vmem>> -> memref<1x800x16xf32, #tpu.memory_space<vmem>>
    %dma_start3A_9 = tpu.memref_squeeze %dma_start3A_8 : memref<1x800x16xf32, #tpu.memory_space<vmem>> -> memref<800x16xf32, #tpu.memory_space<vmem>>
    %dma_start3A_10 = arith.constant 0 : i32
    %dma_start3A_11 = tpu.memref_slice %arg5[%dma_start3A, %dma_start3A_10] : memref<8x800xi32, #tpu.memory_space<vmem>> -> memref<1x800xi32, #tpu.memory_space<vmem>>
    %dma_start3A_12 = tpu.memref_squeeze %dma_start3A_11 : memref<1x800xi32, #tpu.memory_space<vmem>> -> memref<800xi32, #tpu.memory_space<vmem>>
    %dma_start3A_13 = arith.constant 0 : i32
    %dma_start3A_14 = arith.constant 0 : i32
    %dma_start3A_15 = tpu.memref_slice %arg2[%dma_start3A_13, %dma_start3A_14] : memref<1000000x16xf32, #tpu.memory_space<hbm>> -> memref<1000000x16xf32, #tpu.memory_space<hbm>>
    tpu.enqueue_indirect_dma source(%dma_start3A_15 : memref<1000000x16xf32, #tpu.memory_space<hbm>>) target(%dma_start3A_9 : memref<800x16xf32, #tpu.memory_space<vmem>>) offsets(%dma_start3A_12 : memref<800xi32, #tpu.memory_space<vmem>>) semaphore(%arg7 : memref<!tpu.dma_semaphore, #tpu.memory_space<semaphore_mem>>)
    %dma_start3A_16 = arith.constant 1 : i32
    %dma_start3A_17 = arith.constant 1 : i32
    %dma_start3A_18 = arith.constant 0 : i32
    %dma_start3A_19 = arith.constant 0 : i32
    %dma_start3A_20 = tpu.memref_slice %arg6[%dma_start3A_17, %dma_start3A_18, %dma_start3A_19] : memref<8x800x16xf32, #tpu.memory_space<vmem>> -> memref<1x800x16xf32, #tpu.memory_space<vmem>>
    %dma_start3A_21 = tpu.memref_squeeze %dma_start3A_20 : memref<1x800x16xf32, #tpu.memory_space<vmem>> -> memref<800x16xf32, #tpu.memory_space<vmem>>
    %dma_start3A_22 = arith.constant 0 : i32
    %dma_start3A_23 = tpu.memref_slice %arg5[%dma_start3A_16, %dma_start3A_22] : memref<8x800xi32, #tpu.memory_space<vmem>> -> memref<1x800xi32, #tpu.memory_space<vmem>>
    %dma_start3A_24 = tpu.memref_squeeze %dma_start3A_23 : memref<1x800xi32, #tpu.memory_space<vmem>> -> memref<800xi32, #tpu.memory_space<vmem>>
    %dma_start3A_25 = arith.constant 0 : i32
    %dma_start3A_26 = arith.constant 0 : i32
    %dma_start3A_27 = tpu.memref_slice %arg2[%dma_start3A_25, %dma_start3A_26] : memref<1000000x16xf32, #tpu.memory_space<hbm>> -> memref<1000000x16xf32, #tpu.memory_space<hbm>>
    tpu.enqueue_indirect_dma source(%dma_start3A_27 : memref<1000000x16xf32, #tpu.memory_space<hbm>>) target(%dma_start3A_21 : memref<800x16xf32, #tpu.memory_space<vmem>>) offsets(%dma_start3A_24 : memref<800xi32, #tpu.memory_space<vmem>>) semaphore(%arg7 : memref<!tpu.dma_semaphore, #tpu.memory_space<semaphore_mem>>)
    %dma_start3A_28 = arith.constant 2 : i32
    %dma_start3A_29 = arith.constant 2 : i32
    %dma_start3A_30 = arith.constant 0 : i32
    %dma_start3A_31 = arith.constant 0 : i32
    %dma_start3A_32 = tpu.memref_slice %arg6[%dma_start3A_29, %dma_start3A_30, %dma_start3A_31] : memref<8x800x16xf32, #tpu.memory_space<vmem>> -> memref<1x800x16xf32, #tpu.memory_space<vmem>>
    %dma_start3A_33 = tpu.memref_squeeze %dma_start3A_32 : memref<1x800x16xf32, #tpu.memory_space<vmem>> -> memref<800x16xf32, #tpu.memory_space<vmem>>
    %dma_start3A_34 = arith.constant 0 : i32
    %dma_start3A_35 = tpu.memref_slice %arg5[%dma_start3A_28, %dma_start3A_34] : memref<8x800xi32, #tpu.memory_space<vmem>> -> memref<1x800xi32, #tpu.memory_space<vmem>>
    %dma_start3A_36 = tpu.memref_squeeze %dma_start3A_35 : memref<1x800xi32, #tpu.memory_space<vmem>> -> memref<800xi32, #tpu.memory_space<vmem>>
    %dma_start3A_37 = arith.constant 0 : i32
    %dma_start3A_38 = arith.constant 0 : i32
    %dma_start3A_39 = tpu.memref_slice %arg2[%dma_start3A_37, %dma_start3A_38] : memref<1000000x16xf32, #tpu.memory_space<hbm>> -> memref<1000000x16xf32, #tpu.memory_space<hbm>>
    tpu.enqueue_indirect_dma source(%dma_start3A_39 : memref<1000000x16xf32, #tpu.memory_space<hbm>>) target(%dma_start3A_33 : memref<800x16xf32, #tpu.memory_space<vmem>>) offsets(%dma_start3A_36 : memref<800xi32, #tpu.memory_space<vmem>>) semaphore(%arg7 : memref<!tpu.dma_semaphore, #tpu.memory_space<semaphore_mem>>)
    %dma_start3A_40 = arith.constant 3 : i32
    %dma_start3A_41 = arith.constant 3 : i32
    %dma_start3A_42 = arith.constant 0 : i32
    %dma_start3A_43 = arith.constant 0 : i32
    %dma_start3A_44 = tpu.memref_slice %arg6[%dma_start3A_41, %dma_start3A_42, %dma_start3A_43] : memref<8x800x16xf32, #tpu.memory_space<vmem>> -> memref<1x800x16xf32, #tpu.memory_space<vmem>>
    %dma_start3A_45 = tpu.memref_squeeze %dma_start3A_44 : memref<1x800x16xf32, #tpu.memory_space<vmem>> -> memref<800x16xf32, #tpu.memory_space<vmem>>
    %dma_start3A_46 = arith.constant 0 : i32
    %dma_start3A_47 = tpu.memref_slice %arg5[%dma_start3A_40, %dma_start3A_46] : memref<8x800xi32, #tpu.memory_space<vmem>> -> memref<1x800xi32, #tpu.memory_space<vmem>>
    %dma_start3A_48 = tpu.memref_squeeze %dma_start3A_47 : memref<1x800xi32, #tpu.memory_space<vmem>> -> memref<800xi32, #tpu.memory_space<vmem>>
    %dma_start3A_49 = arith.constant 0 : i32
    %dma_start3A_50 = arith.constant 0 : i32
    %dma_start3A_51 = tpu.memref_slice %arg2[%dma_start3A_49, %dma_start3A_50] : memref<1000000x16xf32, #tpu.memory_space<hbm>> -> memref<1000000x16xf32, #tpu.memory_space<hbm>>
    tpu.enqueue_indirect_dma source(%dma_start3A_51 : memref<1000000x16xf32, #tpu.memory_space<hbm>>) target(%dma_start3A_45 : memref<800x16xf32, #tpu.memory_space<vmem>>) offsets(%dma_start3A_48 : memref<800xi32, #tpu.memory_space<vmem>>) semaphore(%arg7 : memref<!tpu.dma_semaphore, #tpu.memory_space<semaphore_mem>>)
    %dma_start3A_52 = arith.constant 4 : i32
    %dma_start3A_53 = arith.constant 4 : i32
    %dma_start3A_54 = arith.constant 0 : i32
    %dma_start3A_55 = arith.constant 0 : i32
    %dma_start3A_56 = tpu.memref_slice %arg6[%dma_start3A_53, %dma_start3A_54, %dma_start3A_55] : memref<8x800x16xf32, #tpu.memory_space<vmem>> -> memref<1x800x16xf32, #tpu.memory_space<vmem>>
    %dma_start3A_57 = tpu.memref_squeeze %dma_start3A_56 : memref<1x800x16xf32, #tpu.memory_space<vmem>> -> memref<800x16xf32, #tpu.memory_space<vmem>>
    %dma_start3A_58 = arith.constant 0 : i32
    %dma_start3A_59 = tpu.memref_slice %arg5[%dma_start3A_52, %dma_start3A_58] : memref<8x800xi32, #tpu.memory_space<vmem>> -> memref<1x800xi32, #tpu.memory_space<vmem>>
    %dma_start3A_60 = tpu.memref_squeeze %dma_start3A_59 : memref<1x800xi32, #tpu.memory_space<vmem>> -> memref<800xi32, #tpu.memory_space<vmem>>
    %dma_start3A_61 = arith.constant 0 : i32
    %dma_start3A_62 = arith.constant 0 : i32
    %dma_start3A_63 = tpu.memref_slice %arg2[%dma_start3A_61, %dma_start3A_62] : memref<1000000x16xf32, #tpu.memory_space<hbm>> -> memref<1000000x16xf32, #tpu.memory_space<hbm>>
    tpu.enqueue_indirect_dma source(%dma_start3A_63 : memref<1000000x16xf32, #tpu.memory_space<hbm>>) target(%dma_start3A_57 : memref<800x16xf32, #tpu.memory_space<vmem>>) offsets(%dma_start3A_60 : memref<800xi32, #tpu.memory_space<vmem>>) semaphore(%arg7 : memref<!tpu.dma_semaphore, #tpu.memory_space<semaphore_mem>>)
    %dma_start3A_64 = arith.constant 5 : i32
    %dma_start3A_65 = arith.constant 5 : i32
    %dma_start3A_66 = arith.constant 0 : i32
    %dma_start3A_67 = arith.constant 0 : i32
    %dma_start3A_68 = tpu.memref_slice %arg6[%dma_start3A_65, %dma_start3A_66, %dma_start3A_67] : memref<8x800x16xf32, #tpu.memory_space<vmem>> -> memref<1x800x16xf32, #tpu.memory_space<vmem>>
    %dma_start3A_69 = tpu.memref_squeeze %dma_start3A_68 : memref<1x800x16xf32, #tpu.memory_space<vmem>> -> memref<800x16xf32, #tpu.memory_space<vmem>>
    %dma_start3A_70 = arith.constant 0 : i32
    %dma_start3A_71 = tpu.memref_slice %arg5[%dma_start3A_64, %dma_start3A_70] : memref<8x800xi32, #tpu.memory_space<vmem>> -> memref<1x800xi32, #tpu.memory_space<vmem>>
    %dma_start3A_72 = tpu.memref_squeeze %dma_start3A_71 : memref<1x800xi32, #tpu.memory_space<vmem>> -> memref<800xi32, #tpu.memory_space<vmem>>
    %dma_start3A_73 = arith.constant 0 : i32
    %dma_start3A_74 = arith.constant 0 : i32
    %dma_start3A_75 = tpu.memref_slice %arg2[%dma_start3A_73, %dma_start3A_74] : memref<1000000x16xf32, #tpu.memory_space<hbm>> -> memref<1000000x16xf32, #tpu.memory_space<hbm>>
    tpu.enqueue_indirect_dma source(%dma_start3A_75 : memref<1000000x16xf32, #tpu.memory_space<hbm>>) target(%dma_start3A_69 : memref<800x16xf32, #tpu.memory_space<vmem>>) offsets(%dma_start3A_72 : memref<800xi32, #tpu.memory_space<vmem>>) semaphore(%arg7 : memref<!tpu.dma_semaphore, #tpu.memory_space<semaphore_mem>>)
    %dma_start3A_76 = arith.constant 6 : i32
    %dma_start3A_77 = arith.constant 6 : i32
    %dma_start3A_78 = arith.constant 0 : i32
    %dma_start3A_79 = arith.constant 0 : i32
    %dma_start3A_80 = tpu.memref_slice %arg6[%dma_start3A_77, %dma_start3A_78, %dma_start3A_79] : memref<8x800x16xf32, #tpu.memory_space<vmem>> -> memref<1x800x16xf32, #tpu.memory_space<vmem>>
    %dma_start3A_81 = tpu.memref_squeeze %dma_start3A_80 : memref<1x800x16xf32, #tpu.memory_space<vmem>> -> memref<800x16xf32, #tpu.memory_space<vmem>>
    %dma_start3A_82 = arith.constant 0 : i32
    %dma_start3A_83 = tpu.memref_slice %arg5[%dma_start3A_76, %dma_start3A_82] : memref<8x800xi32, #tpu.memory_space<vmem>> -> memref<1x800xi32, #tpu.memory_space<vmem>>
    %dma_start3A_84 = tpu.memref_squeeze %dma_start3A_83 : memref<1x800xi32, #tpu.memory_space<vmem>> -> memref<800xi32, #tpu.memory_space<vmem>>
    %dma_start3A_85 = arith.constant 0 : i32
    %dma_start3A_86 = arith.constant 0 : i32
    %dma_start3A_87 = tpu.memref_slice %arg2[%dma_start3A_85, %dma_start3A_86] : memref<1000000x16xf32, #tpu.memory_space<hbm>> -> memref<1000000x16xf32, #tpu.memory_space<hbm>>
    tpu.enqueue_indirect_dma source(%dma_start3A_87 : memref<1000000x16xf32, #tpu.memory_space<hbm>>) target(%dma_start3A_81 : memref<800x16xf32, #tpu.memory_space<vmem>>) offsets(%dma_start3A_84 : memref<800xi32, #tpu.memory_space<vmem>>) semaphore(%arg7 : memref<!tpu.dma_semaphore, #tpu.memory_space<semaphore_mem>>)
    %dma_start3A_88 = arith.constant 7 : i32
    %dma_start3A_89 = arith.constant 7 : i32
    %dma_start3A_90 = arith.constant 0 : i32
    %dma_start3A_91 = arith.constant 0 : i32
    %dma_start3A_92 = tpu.memref_slice %arg6[%dma_start3A_89, %dma_start3A_90, %dma_start3A_91] : memref<8x800x16xf32, #tpu.memory_space<vmem>> -> memref<1x800x16xf32, #tpu.memory_space<vmem>>
    %dma_start3A_93 = tpu.memref_squeeze %dma_start3A_92 : memref<1x800x16xf32, #tpu.memory_space<vmem>> -> memref<800x16xf32, #tpu.memory_space<vmem>>
    %dma_start3A_94 = arith.constant 0 : i32
    %dma_start3A_95 = tpu.memref_slice %arg5[%dma_start3A_88, %dma_start3A_94] : memref<8x800xi32, #tpu.memory_space<vmem>> -> memref<1x800xi32, #tpu.memory_space<vmem>>
    %dma_start3A_96 = tpu.memref_squeeze %dma_start3A_95 : memref<1x800xi32, #tpu.memory_space<vmem>> -> memref<800xi32, #tpu.memory_space<vmem>>
    %dma_start3A_97 = arith.constant 0 : i32
    %dma_start3A_98 = arith.constant 0 : i32
    %dma_start3A_99 = tpu.memref_slice %arg2[%dma_start3A_97, %dma_start3A_98] : memref<1000000x16xf32, #tpu.memory_space<hbm>> -> memref<1000000x16xf32, #tpu.memory_space<hbm>>
    tpu.enqueue_indirect_dma source(%dma_start3A_99 : memref<1000000x16xf32, #tpu.memory_space<hbm>>) target(%dma_start3A_93 : memref<800x16xf32, #tpu.memory_space<vmem>>) offsets(%dma_start3A_96 : memref<800xi32, #tpu.memory_space<vmem>>) semaphore(%arg7 : memref<!tpu.dma_semaphore, #tpu.memory_space<semaphore_mem>>)
    %dma_wait3A = arith.constant 0 : i32
    %dma_wait3A_100 = arith.constant 0 : i32
    %dma_wait3A_101 = arith.constant 0 : i32
    %dma_wait3A_102 = arith.constant 0 : i32
    %dma_wait3A_103 = tpu.memref_slice %arg6[%dma_wait3A_100, %dma_wait3A_101, %dma_wait3A_102] : memref<8x800x16xf32, #tpu.memory_space<vmem>> -> memref<1x800x16xf32, #tpu.memory_space<vmem>>
    %dma_wait3A_104 = tpu.memref_squeeze %dma_wait3A_103 : memref<1x800x16xf32, #tpu.memory_space<vmem>> -> memref<800x16xf32, #tpu.memory_space<vmem>>
    %dma_wait3A_105 = arith.constant 0 : i32
    %dma_wait3A_106 = tpu.memref_slice %arg5[%dma_wait3A, %dma_wait3A_105] : memref<8x800xi32, #tpu.memory_space<vmem>> -> memref<1x800xi32, #tpu.memory_space<vmem>>
    %dma_wait3A_107 = tpu.memref_squeeze %dma_wait3A_106 : memref<1x800xi32, #tpu.memory_space<vmem>> -> memref<800xi32, #tpu.memory_space<vmem>>
    %dma_wait3A_108 = arith.constant 0 : i32
    %dma_wait3A_109 = arith.constant 0 : i32
    %dma_wait3A_110 = tpu.memref_slice %arg2[%dma_wait3A_108, %dma_wait3A_109] : memref<1000000x16xf32, #tpu.memory_space<hbm>> -> memref<1000000x16xf32, #tpu.memory_space<hbm>>
    tpu.wait_indirect_dma semaphore(%arg7 : memref<!tpu.dma_semaphore, #tpu.memory_space<semaphore_mem>>) src(%dma_wait3A_110 : memref<1000000x16xf32, #tpu.memory_space<hbm>>) dst(%dma_wait3A_104 : memref<800x16xf32, #tpu.memory_space<vmem>>)
    %dma_wait3A_111 = arith.constant 1 : i32
    %dma_wait3A_112 = arith.constant 1 : i32
    %dma_wait3A_113 = arith.constant 0 : i32
    %dma_wait3A_114 = arith.constant 0 : i32
    %dma_wait3A_115 = tpu.memref_slice %arg6[%dma_wait3A_112, %dma_wait3A_113, %dma_wait3A_114] : memref<8x800x16xf32, #tpu.memory_space<vmem>> -> memref<1x800x16xf32, #tpu.memory_space<vmem>>
    %dma_wait3A_116 = tpu.memref_squeeze %dma_wait3A_115 : memref<1x800x16xf32, #tpu.memory_space<vmem>> -> memref<800x16xf32, #tpu.memory_space<vmem>>
    %dma_wait3A_117 = arith.constant 0 : i32
    %dma_wait3A_118 = tpu.memref_slice %arg5[%dma_wait3A_111, %dma_wait3A_117] : memref<8x800xi32, #tpu.memory_space<vmem>> -> memref<1x800xi32, #tpu.memory_space<vmem>>
    %dma_wait3A_119 = tpu.memref_squeeze %dma_wait3A_118 : memref<1x800xi32, #tpu.memory_space<vmem>> -> memref<800xi32, #tpu.memory_space<vmem>>
    %dma_wait3A_120 = arith.constant 0 : i32
    %dma_wait3A_121 = arith.constant 0 : i32
    %dma_wait3A_122 = tpu.memref_slice %arg2[%dma_wait3A_120, %dma_wait3A_121] : memref<1000000x16xf32, #tpu.memory_space<hbm>> -> memref<1000000x16xf32, #tpu.memory_space<hbm>>
    tpu.wait_indirect_dma semaphore(%arg7 : memref<!tpu.dma_semaphore, #tpu.memory_space<semaphore_mem>>) src(%dma_wait3A_122 : memref<1000000x16xf32, #tpu.memory_space<hbm>>) dst(%dma_wait3A_116 : memref<800x16xf32, #tpu.memory_space<vmem>>)
    %dma_wait3A_123 = arith.constant 2 : i32
    %dma_wait3A_124 = arith.constant 2 : i32
    %dma_wait3A_125 = arith.constant 0 : i32
    %dma_wait3A_126 = arith.constant 0 : i32
    %dma_wait3A_127 = tpu.memref_slice %arg6[%dma_wait3A_124, %dma_wait3A_125, %dma_wait3A_126] : memref<8x800x16xf32, #tpu.memory_space<vmem>> -> memref<1x800x16xf32, #tpu.memory_space<vmem>>
    %dma_wait3A_128 = tpu.memref_squeeze %dma_wait3A_127 : memref<1x800x16xf32, #tpu.memory_space<vmem>> -> memref<800x16xf32, #tpu.memory_space<vmem>>
    %dma_wait3A_129 = arith.constant 0 : i32
    %dma_wait3A_130 = tpu.memref_slice %arg5[%dma_wait3A_123, %dma_wait3A_129] : memref<8x800xi32, #tpu.memory_space<vmem>> -> memref<1x800xi32, #tpu.memory_space<vmem>>
    %dma_wait3A_131 = tpu.memref_squeeze %dma_wait3A_130 : memref<1x800xi32, #tpu.memory_space<vmem>> -> memref<800xi32, #tpu.memory_space<vmem>>
    %dma_wait3A_132 = arith.constant 0 : i32
    %dma_wait3A_133 = arith.constant 0 : i32
    %dma_wait3A_134 = tpu.memref_slice %arg2[%dma_wait3A_132, %dma_wait3A_133] : memref<1000000x16xf32, #tpu.memory_space<hbm>> -> memref<1000000x16xf32, #tpu.memory_space<hbm>>
    tpu.wait_indirect_dma semaphore(%arg7 : memref<!tpu.dma_semaphore, #tpu.memory_space<semaphore_mem>>) src(%dma_wait3A_134 : memref<1000000x16xf32, #tpu.memory_space<hbm>>) dst(%dma_wait3A_128 : memref<800x16xf32, #tpu.memory_space<vmem>>)
    %dma_wait3A_135 = arith.constant 3 : i32
    %dma_wait3A_136 = arith.constant 3 : i32
    %dma_wait3A_137 = arith.constant 0 : i32
    %dma_wait3A_138 = arith.constant 0 : i32
    %dma_wait3A_139 = tpu.memref_slice %arg6[%dma_wait3A_136, %dma_wait3A_137, %dma_wait3A_138] : memref<8x800x16xf32, #tpu.memory_space<vmem>> -> memref<1x800x16xf32, #tpu.memory_space<vmem>>
    %dma_wait3A_140 = tpu.memref_squeeze %dma_wait3A_139 : memref<1x800x16xf32, #tpu.memory_space<vmem>> -> memref<800x16xf32, #tpu.memory_space<vmem>>
    %dma_wait3A_141 = arith.constant 0 : i32
    %dma_wait3A_142 = tpu.memref_slice %arg5[%dma_wait3A_135, %dma_wait3A_141] : memref<8x800xi32, #tpu.memory_space<vmem>> -> memref<1x800xi32, #tpu.memory_space<vmem>>
    %dma_wait3A_143 = tpu.memref_squeeze %dma_wait3A_142 : memref<1x800xi32, #tpu.memory_space<vmem>> -> memref<800xi32, #tpu.memory_space<vmem>>
    %dma_wait3A_144 = arith.constant 0 : i32
    %dma_wait3A_145 = arith.constant 0 : i32
    %dma_wait3A_146 = tpu.memref_slice %arg2[%dma_wait3A_144, %dma_wait3A_145] : memref<1000000x16xf32, #tpu.memory_space<hbm>> -> memref<1000000x16xf32, #tpu.memory_space<hbm>>
    tpu.wait_indirect_dma semaphore(%arg7 : memref<!tpu.dma_semaphore, #tpu.memory_space<semaphore_mem>>) src(%dma_wait3A_146 : memref<1000000x16xf32, #tpu.memory_space<hbm>>) dst(%dma_wait3A_140 : memref<800x16xf32, #tpu.memory_space<vmem>>)
    %dma_wait3A_147 = arith.constant 4 : i32
    %dma_wait3A_148 = arith.constant 4 : i32
    %dma_wait3A_149 = arith.constant 0 : i32
    %dma_wait3A_150 = arith.constant 0 : i32
    %dma_wait3A_151 = tpu.memref_slice %arg6[%dma_wait3A_148, %dma_wait3A_149, %dma_wait3A_150] : memref<8x800x16xf32, #tpu.memory_space<vmem>> -> memref<1x800x16xf32, #tpu.memory_space<vmem>>
    %dma_wait3A_152 = tpu.memref_squeeze %dma_wait3A_151 : memref<1x800x16xf32, #tpu.memory_space<vmem>> -> memref<800x16xf32, #tpu.memory_space<vmem>>
    %dma_wait3A_153 = arith.constant 0 : i32
    %dma_wait3A_154 = tpu.memref_slice %arg5[%dma_wait3A_147, %dma_wait3A_153] : memref<8x800xi32, #tpu.memory_space<vmem>> -> memref<1x800xi32, #tpu.memory_space<vmem>>
    %dma_wait3A_155 = tpu.memref_squeeze %dma_wait3A_154 : memref<1x800xi32, #tpu.memory_space<vmem>> -> memref<800xi32, #tpu.memory_space<vmem>>
    %dma_wait3A_156 = arith.constant 0 : i32
    %dma_wait3A_157 = arith.constant 0 : i32
    %dma_wait3A_158 = tpu.memref_slice %arg2[%dma_wait3A_156, %dma_wait3A_157] : memref<1000000x16xf32, #tpu.memory_space<hbm>> -> memref<1000000x16xf32, #tpu.memory_space<hbm>>
    tpu.wait_indirect_dma semaphore(%arg7 : memref<!tpu.dma_semaphore, #tpu.memory_space<semaphore_mem>>) src(%dma_wait3A_158 : memref<1000000x16xf32, #tpu.memory_space<hbm>>) dst(%dma_wait3A_152 : memref<800x16xf32, #tpu.memory_space<vmem>>)
    %dma_wait3A_159 = arith.constant 5 : i32
    %dma_wait3A_160 = arith.constant 5 : i32
    %dma_wait3A_161 = arith.constant 0 : i32
    %dma_wait3A_162 = arith.constant 0 : i32
    %dma_wait3A_163 = tpu.memref_slice %arg6[%dma_wait3A_160, %dma_wait3A_161, %dma_wait3A_162] : memref<8x800x16xf32, #tpu.memory_space<vmem>> -> memref<1x800x16xf32, #tpu.memory_space<vmem>>
    %dma_wait3A_164 = tpu.memref_squeeze %dma_wait3A_163 : memref<1x800x16xf32, #tpu.memory_space<vmem>> -> memref<800x16xf32, #tpu.memory_space<vmem>>
    %dma_wait3A_165 = arith.constant 0 : i32
    %dma_wait3A_166 = tpu.memref_slice %arg5[%dma_wait3A_159, %dma_wait3A_165] : memref<8x800xi32, #tpu.memory_space<vmem>> -> memref<1x800xi32, #tpu.memory_space<vmem>>
    %dma_wait3A_167 = tpu.memref_squeeze %dma_wait3A_166 : memref<1x800xi32, #tpu.memory_space<vmem>> -> memref<800xi32, #tpu.memory_space<vmem>>
    %dma_wait3A_168 = arith.constant 0 : i32
    %dma_wait3A_169 = arith.constant 0 : i32
    %dma_wait3A_170 = tpu.memref_slice %arg2[%dma_wait3A_168, %dma_wait3A_169] : memref<1000000x16xf32, #tpu.memory_space<hbm>> -> memref<1000000x16xf32, #tpu.memory_space<hbm>>
    tpu.wait_indirect_dma semaphore(%arg7 : memref<!tpu.dma_semaphore, #tpu.memory_space<semaphore_mem>>) src(%dma_wait3A_170 : memref<1000000x16xf32, #tpu.memory_space<hbm>>) dst(%dma_wait3A_164 : memref<800x16xf32, #tpu.memory_space<vmem>>)
    %dma_wait3A_171 = arith.constant 6 : i32
    %dma_wait3A_172 = arith.constant 6 : i32
    %dma_wait3A_173 = arith.constant 0 : i32
    %dma_wait3A_174 = arith.constant 0 : i32
    %dma_wait3A_175 = tpu.memref_slice %arg6[%dma_wait3A_172, %dma_wait3A_173, %dma_wait3A_174] : memref<8x800x16xf32, #tpu.memory_space<vmem>> -> memref<1x800x16xf32, #tpu.memory_space<vmem>>
    %dma_wait3A_176 = tpu.memref_squeeze %dma_wait3A_175 : memref<1x800x16xf32, #tpu.memory_space<vmem>> -> memref<800x16xf32, #tpu.memory_space<vmem>>
    %dma_wait3A_177 = arith.constant 0 : i32
    %dma_wait3A_178 = tpu.memref_slice %arg5[%dma_wait3A_171, %dma_wait3A_177] : memref<8x800xi32, #tpu.memory_space<vmem>> -> memref<1x800xi32, #tpu.memory_space<vmem>>
    %dma_wait3A_179 = tpu.memref_squeeze %dma_wait3A_178 : memref<1x800xi32, #tpu.memory_space<vmem>> -> memref<800xi32, #tpu.memory_space<vmem>>
    %dma_wait3A_180 = arith.constant 0 : i32
    %dma_wait3A_181 = arith.constant 0 : i32
    %dma_wait3A_182 = tpu.memref_slice %arg2[%dma_wait3A_180, %dma_wait3A_181] : memref<1000000x16xf32, #tpu.memory_space<hbm>> -> memref<1000000x16xf32, #tpu.memory_space<hbm>>
    tpu.wait_indirect_dma semaphore(%arg7 : memref<!tpu.dma_semaphore, #tpu.memory_space<semaphore_mem>>) src(%dma_wait3A_182 : memref<1000000x16xf32, #tpu.memory_space<hbm>>) dst(%dma_wait3A_176 : memref<800x16xf32, #tpu.memory_space<vmem>>)
    %dma_wait3A_183 = arith.constant 7 : i32
    %dma_wait3A_184 = arith.constant 7 : i32
    %dma_wait3A_185 = arith.constant 0 : i32
    %dma_wait3A_186 = arith.constant 0 : i32
    %dma_wait3A_187 = tpu.memref_slice %arg6[%dma_wait3A_184, %dma_wait3A_185, %dma_wait3A_186] : memref<8x800x16xf32, #tpu.memory_space<vmem>> -> memref<1x800x16xf32, #tpu.memory_space<vmem>>
    %dma_wait3A_188 = tpu.memref_squeeze %dma_wait3A_187 : memref<1x800x16xf32, #tpu.memory_space<vmem>> -> memref<800x16xf32, #tpu.memory_space<vmem>>
    %dma_wait3A_189 = arith.constant 0 : i32
    %dma_wait3A_190 = tpu.memref_slice %arg5[%dma_wait3A_183, %dma_wait3A_189] : memref<8x800xi32, #tpu.memory_space<vmem>> -> memref<1x800xi32, #tpu.memory_space<vmem>>
    %dma_wait3A_191 = tpu.memref_squeeze %dma_wait3A_190 : memref<1x800xi32, #tpu.memory_space<vmem>> -> memref<800xi32, #tpu.memory_space<vmem>>
    %dma_wait3A_192 = arith.constant 0 : i32
    %dma_wait3A_193 = arith.constant 0 : i32
    %dma_wait3A_194 = tpu.memref_slice %arg2[%dma_wait3A_192, %dma_wait3A_193] : memref<1000000x16xf32, #tpu.memory_space<hbm>> -> memref<1000000x16xf32, #tpu.memory_space<hbm>>
    tpu.wait_indirect_dma semaphore(%arg7 : memref<!tpu.dma_semaphore, #tpu.memory_space<semaphore_mem>>) src(%dma_wait3A_194 : memref<1000000x16xf32, #tpu.memory_space<hbm>>) dst(%dma_wait3A_188 : memref<800x16xf32, #tpu.memory_space<vmem>>)
    %dma_start3A_195 = arith.constant 0 : i32
    %dma_start3A_196 = arith.constant 0 : i32
    %dma_start3A_197 = arith.constant 0 : i32
    %dma_start3A_198 = tpu.memref_slice %arg6[%dma_start3A_195, %dma_start3A_196, %dma_start3A_197] : memref<8x800x16xf32, #tpu.memory_space<vmem>> -> memref<1x800x16xf32, #tpu.memory_space<vmem>>
    %dma_start3A_199 = tpu.memref_squeeze %dma_start3A_198 : memref<1x800x16xf32, #tpu.memory_space<vmem>> -> memref<800x16xf32, #tpu.memory_space<vmem>>
    %dma_start3A_200 = arith.constant 0 : i32
    %dma_start3A_201 = tpu.memref_slice %arg4[%add3A_4, %dma_start3A_200] : memref<102400x128xf32, #tpu.memory_space<hbm>> -> memref<800x16xf32, #tpu.memory_space<hbm>>
    %dma_start3A_202 = arith.constant 0 : i32
    %dma_start3A_203 = tpu.memref_slice %arg4[%add3A_4, %dma_start3A_202] : memref<102400x128xf32, #tpu.memory_space<hbm>> -> memref<800x16xf32, #tpu.memory_space<hbm>>
    %dma_start3A_204 = arith.constant 0 : i32
    %dma_start3A_205 = arith.constant 0 : i32
    %dma_start3A_206 = tpu.memref_slice %arg6[%dma_start3A_195, %dma_start3A_204, %dma_start3A_205] : memref<8x800x16xf32, #tpu.memory_space<vmem>> -> memref<1x800x16xf32, #tpu.memory_space<vmem>>
    %dma_start3A_207 = tpu.memref_squeeze %dma_start3A_206 : memref<1x800x16xf32, #tpu.memory_space<vmem>> -> memref<800x16xf32, #tpu.memory_space<vmem>>
    tpu.enqueue_dma source(%dma_start3A_207 : memref<800x16xf32, #tpu.memory_space<vmem>>) target(%dma_start3A_203 : memref<800x16xf32, #tpu.memory_space<hbm>>) target_semaphore(%arg8 : memref<!tpu.dma_semaphore, #tpu.memory_space<semaphore_mem>>)
    %dma_start3A_208 = arith.constant 1 : i32
    %dma_start3A_209 = arith.constant 0 : i32
    %dma_start3A_210 = arith.constant 0 : i32
    %dma_start3A_211 = tpu.memref_slice %arg6[%dma_start3A_208, %dma_start3A_209, %dma_start3A_210] : memref<8x800x16xf32, #tpu.memory_space<vmem>> -> memref<1x800x16xf32, #tpu.memory_space<vmem>>
    %dma_start3A_212 = tpu.memref_squeeze %dma_start3A_211 : memref<1x800x16xf32, #tpu.memory_space<vmem>> -> memref<800x16xf32, #tpu.memory_space<vmem>>
    %dma_start3A_213 = arith.constant 16 : i32
    %dma_start3A_214 = tpu.memref_slice %arg4[%add3A_4, %dma_start3A_213] : memref<102400x128xf32, #tpu.memory_space<hbm>> -> memref<800x16xf32, #tpu.memory_space<hbm>>
    %dma_start3A_215 = arith.constant 16 : i32
    %dma_start3A_216 = tpu.memref_slice %arg4[%add3A_4, %dma_start3A_215] : memref<102400x128xf32, #tpu.memory_space<hbm>> -> memref<800x16xf32, #tpu.memory_space<hbm>>
    %dma_start3A_217 = arith.constant 0 : i32
    %dma_start3A_218 = arith.constant 0 : i32
    %dma_start3A_219 = tpu.memref_slice %arg6[%dma_start3A_208, %dma_start3A_217, %dma_start3A_218] : memref<8x800x16xf32, #tpu.memory_space<vmem>> -> memref<1x800x16xf32, #tpu.memory_space<vmem>>
    %dma_start3A_220 = tpu.memref_squeeze %dma_start3A_219 : memref<1x800x16xf32, #tpu.memory_space<vmem>> -> memref<800x16xf32, #tpu.memory_space<vmem>>
    tpu.enqueue_dma source(%dma_start3A_220 : memref<800x16xf32, #tpu.memory_space<vmem>>) target(%dma_start3A_216 : memref<800x16xf32, #tpu.memory_space<hbm>>) target_semaphore(%arg8 : memref<!tpu.dma_semaphore, #tpu.memory_space<semaphore_mem>>)
    %dma_start3A_221 = arith.constant 2 : i32
    %dma_start3A_222 = arith.constant 0 : i32
    %dma_start3A_223 = arith.constant 0 : i32
    %dma_start3A_224 = tpu.memref_slice %arg6[%dma_start3A_221, %dma_start3A_222, %dma_start3A_223] : memref<8x800x16xf32, #tpu.memory_space<vmem>> -> memref<1x800x16xf32, #tpu.memory_space<vmem>>
    %dma_start3A_225 = tpu.memref_squeeze %dma_start3A_224 : memref<1x800x16xf32, #tpu.memory_space<vmem>> -> memref<800x16xf32, #tpu.memory_space<vmem>>
    %dma_start3A_226 = arith.constant 32 : i32
    %dma_start3A_227 = tpu.memref_slice %arg4[%add3A_4, %dma_start3A_226] : memref<102400x128xf32, #tpu.memory_space<hbm>> -> memref<800x16xf32, #tpu.memory_space<hbm>>
    %dma_start3A_228 = arith.constant 32 : i32
    %dma_start3A_229 = tpu.memref_slice %arg4[%add3A_4, %dma_start3A_228] : memref<102400x128xf32, #tpu.memory_space<hbm>> -> memref<800x16xf32, #tpu.memory_space<hbm>>
    %dma_start3A_230 = arith.constant 0 : i32
    %dma_start3A_231 = arith.constant 0 : i32
    %dma_start3A_232 = tpu.memref_slice %arg6[%dma_start3A_221, %dma_start3A_230, %dma_start3A_231] : memref<8x800x16xf32, #tpu.memory_space<vmem>> -> memref<1x800x16xf32, #tpu.memory_space<vmem>>
    %dma_start3A_233 = tpu.memref_squeeze %dma_start3A_232 : memref<1x800x16xf32, #tpu.memory_space<vmem>> -> memref<800x16xf32, #tpu.memory_space<vmem>>
    tpu.enqueue_dma source(%dma_start3A_233 : memref<800x16xf32, #tpu.memory_space<vmem>>) target(%dma_start3A_229 : memref<800x16xf32, #tpu.memory_space<hbm>>) target_semaphore(%arg8 : memref<!tpu.dma_semaphore, #tpu.memory_space<semaphore_mem>>)
    %dma_start3A_234 = arith.constant 3 : i32
    %dma_start3A_235 = arith.constant 0 : i32
    %dma_start3A_236 = arith.constant 0 : i32
    %dma_start3A_237 = tpu.memref_slice %arg6[%dma_start3A_234, %dma_start3A_235, %dma_start3A_236] : memref<8x800x16xf32, #tpu.memory_space<vmem>> -> memref<1x800x16xf32, #tpu.memory_space<vmem>>
    %dma_start3A_238 = tpu.memref_squeeze %dma_start3A_237 : memref<1x800x16xf32, #tpu.memory_space<vmem>> -> memref<800x16xf32, #tpu.memory_space<vmem>>
    %dma_start3A_239 = arith.constant 48 : i32
    %dma_start3A_240 = tpu.memref_slice %arg4[%add3A_4, %dma_start3A_239] : memref<102400x128xf32, #tpu.memory_space<hbm>> -> memref<800x16xf32, #tpu.memory_space<hbm>>
    %dma_start3A_241 = arith.constant 48 : i32
    %dma_start3A_242 = tpu.memref_slice %arg4[%add3A_4, %dma_start3A_241] : memref<102400x128xf32, #tpu.memory_space<hbm>> -> memref<800x16xf32, #tpu.memory_space<hbm>>
    %dma_start3A_243 = arith.constant 0 : i32
    %dma_start3A_244 = arith.constant 0 : i32
    %dma_start3A_245 = tpu.memref_slice %arg6[%dma_start3A_234, %dma_start3A_243, %dma_start3A_244] : memref<8x800x16xf32, #tpu.memory_space<vmem>> -> memref<1x800x16xf32, #tpu.memory_space<vmem>>
    %dma_start3A_246 = tpu.memref_squeeze %dma_start3A_245 : memref<1x800x16xf32, #tpu.memory_space<vmem>> -> memref<800x16xf32, #tpu.memory_space<vmem>>
    tpu.enqueue_dma source(%dma_start3A_246 : memref<800x16xf32, #tpu.memory_space<vmem>>) target(%dma_start3A_242 : memref<800x16xf32, #tpu.memory_space<hbm>>) target_semaphore(%arg8 : memref<!tpu.dma_semaphore, #tpu.memory_space<semaphore_mem>>)
    %dma_start3A_247 = arith.constant 4 : i32
    %dma_start3A_248 = arith.constant 0 : i32
    %dma_start3A_249 = arith.constant 0 : i32
    %dma_start3A_250 = tpu.memref_slice %arg6[%dma_start3A_247, %dma_start3A_248, %dma_start3A_249] : memref<8x800x16xf32, #tpu.memory_space<vmem>> -> memref<1x800x16xf32, #tpu.memory_space<vmem>>
    %dma_start3A_251 = tpu.memref_squeeze %dma_start3A_250 : memref<1x800x16xf32, #tpu.memory_space<vmem>> -> memref<800x16xf32, #tpu.memory_space<vmem>>
    %dma_start3A_252 = arith.constant 64 : i32
    %dma_start3A_253 = tpu.memref_slice %arg4[%add3A_4, %dma_start3A_252] : memref<102400x128xf32, #tpu.memory_space<hbm>> -> memref<800x16xf32, #tpu.memory_space<hbm>>
    %dma_start3A_254 = arith.constant 64 : i32
    %dma_start3A_255 = tpu.memref_slice %arg4[%add3A_4, %dma_start3A_254] : memref<102400x128xf32, #tpu.memory_space<hbm>> -> memref<800x16xf32, #tpu.memory_space<hbm>>
    %dma_start3A_256 = arith.constant 0 : i32
    %dma_start3A_257 = arith.constant 0 : i32
    %dma_start3A_258 = tpu.memref_slice %arg6[%dma_start3A_247, %dma_start3A_256, %dma_start3A_257] : memref<8x800x16xf32, #tpu.memory_space<vmem>> -> memref<1x800x16xf32, #tpu.memory_space<vmem>>
    %dma_start3A_259 = tpu.memref_squeeze %dma_start3A_258 : memref<1x800x16xf32, #tpu.memory_space<vmem>> -> memref<800x16xf32, #tpu.memory_space<vmem>>
    tpu.enqueue_dma source(%dma_start3A_259 : memref<800x16xf32, #tpu.memory_space<vmem>>) target(%dma_start3A_255 : memref<800x16xf32, #tpu.memory_space<hbm>>) target_semaphore(%arg8 : memref<!tpu.dma_semaphore, #tpu.memory_space<semaphore_mem>>)
    %dma_start3A_260 = arith.constant 5 : i32
    %dma_start3A_261 = arith.constant 0 : i32
    %dma_start3A_262 = arith.constant 0 : i32
    %dma_start3A_263 = tpu.memref_slice %arg6[%dma_start3A_260, %dma_start3A_261, %dma_start3A_262] : memref<8x800x16xf32, #tpu.memory_space<vmem>> -> memref<1x800x16xf32, #tpu.memory_space<vmem>>
    %dma_start3A_264 = tpu.memref_squeeze %dma_start3A_263 : memref<1x800x16xf32, #tpu.memory_space<vmem>> -> memref<800x16xf32, #tpu.memory_space<vmem>>
    %dma_start3A_265 = arith.constant 80 : i32
    %dma_start3A_266 = tpu.memref_slice %arg4[%add3A_4, %dma_start3A_265] : memref<102400x128xf32, #tpu.memory_space<hbm>> -> memref<800x16xf32, #tpu.memory_space<hbm>>
    %dma_start3A_267 = arith.constant 80 : i32
    %dma_start3A_268 = tpu.memref_slice %arg4[%add3A_4, %dma_start3A_267] : memref<102400x128xf32, #tpu.memory_space<hbm>> -> memref<800x16xf32, #tpu.memory_space<hbm>>
    %dma_start3A_269 = arith.constant 0 : i32
    %dma_start3A_270 = arith.constant 0 : i32
    %dma_start3A_271 = tpu.memref_slice %arg6[%dma_start3A_260, %dma_start3A_269, %dma_start3A_270] : memref<8x800x16xf32, #tpu.memory_space<vmem>> -> memref<1x800x16xf32, #tpu.memory_space<vmem>>
    %dma_start3A_272 = tpu.memref_squeeze %dma_start3A_271 : memref<1x800x16xf32, #tpu.memory_space<vmem>> -> memref<800x16xf32, #tpu.memory_space<vmem>>
    tpu.enqueue_dma source(%dma_start3A_272 : memref<800x16xf32, #tpu.memory_space<vmem>>) target(%dma_start3A_268 : memref<800x16xf32, #tpu.memory_space<hbm>>) target_semaphore(%arg8 : memref<!tpu.dma_semaphore, #tpu.memory_space<semaphore_mem>>)
    %dma_start3A_273 = arith.constant 6 : i32
    %dma_start3A_274 = arith.constant 0 : i32
    %dma_start3A_275 = arith.constant 0 : i32
    %dma_start3A_276 = tpu.memref_slice %arg6[%dma_start3A_273, %dma_start3A_274, %dma_start3A_275] : memref<8x800x16xf32, #tpu.memory_space<vmem>> -> memref<1x800x16xf32, #tpu.memory_space<vmem>>
    %dma_start3A_277 = tpu.memref_squeeze %dma_start3A_276 : memref<1x800x16xf32, #tpu.memory_space<vmem>> -> memref<800x16xf32, #tpu.memory_space<vmem>>
    %dma_start3A_278 = arith.constant 96 : i32
    %dma_start3A_279 = tpu.memref_slice %arg4[%add3A_4, %dma_start3A_278] : memref<102400x128xf32, #tpu.memory_space<hbm>> -> memref<800x16xf32, #tpu.memory_space<hbm>>
    %dma_start3A_280 = arith.constant 96 : i32
    %dma_start3A_281 = tpu.memref_slice %arg4[%add3A_4, %dma_start3A_280] : memref<102400x128xf32, #tpu.memory_space<hbm>> -> memref<800x16xf32, #tpu.memory_space<hbm>>
    %dma_start3A_282 = arith.constant 0 : i32
    %dma_start3A_283 = arith.constant 0 : i32
    %dma_start3A_284 = tpu.memref_slice %arg6[%dma_start3A_273, %dma_start3A_282, %dma_start3A_283] : memref<8x800x16xf32, #tpu.memory_space<vmem>> -> memref<1x800x16xf32, #tpu.memory_space<vmem>>
    %dma_start3A_285 = tpu.memref_squeeze %dma_start3A_284 : memref<1x800x16xf32, #tpu.memory_space<vmem>> -> memref<800x16xf32, #tpu.memory_space<vmem>>
    tpu.enqueue_dma source(%dma_start3A_285 : memref<800x16xf32, #tpu.memory_space<vmem>>) target(%dma_start3A_281 : memref<800x16xf32, #tpu.memory_space<hbm>>) target_semaphore(%arg8 : memref<!tpu.dma_semaphore, #tpu.memory_space<semaphore_mem>>)
    %dma_start3A_286 = arith.constant 7 : i32
    %dma_start3A_287 = arith.constant 0 : i32
    %dma_start3A_288 = arith.constant 0 : i32
    %dma_start3A_289 = tpu.memref_slice %arg6[%dma_start3A_286, %dma_start3A_287, %dma_start3A_288] : memref<8x800x16xf32, #tpu.memory_space<vmem>> -> memref<1x800x16xf32, #tpu.memory_space<vmem>>
    %dma_start3A_290 = tpu.memref_squeeze %dma_start3A_289 : memref<1x800x16xf32, #tpu.memory_space<vmem>> -> memref<800x16xf32, #tpu.memory_space<vmem>>
    %dma_start3A_291 = arith.constant 112 : i32
    %dma_start3A_292 = tpu.memref_slice %arg4[%add3A_4, %dma_start3A_291] : memref<102400x128xf32, #tpu.memory_space<hbm>> -> memref<800x16xf32, #tpu.memory_space<hbm>>
    %dma_start3A_293 = arith.constant 112 : i32
    %dma_start3A_294 = tpu.memref_slice %arg4[%add3A_4, %dma_start3A_293] : memref<102400x128xf32, #tpu.memory_space<hbm>> -> memref<800x16xf32, #tpu.memory_space<hbm>>
    %dma_start3A_295 = arith.constant 0 : i32
    %dma_start3A_296 = arith.constant 0 : i32
    %dma_start3A_297 = tpu.memref_slice %arg6[%dma_start3A_286, %dma_start3A_295, %dma_start3A_296] : memref<8x800x16xf32, #tpu.memory_space<vmem>> -> memref<1x800x16xf32, #tpu.memory_space<vmem>>
    %dma_start3A_298 = tpu.memref_squeeze %dma_start3A_297 : memref<1x800x16xf32, #tpu.memory_space<vmem>> -> memref<800x16xf32, #tpu.memory_space<vmem>>
    tpu.enqueue_dma source(%dma_start3A_298 : memref<800x16xf32, #tpu.memory_space<vmem>>) target(%dma_start3A_294 : memref<800x16xf32, #tpu.memory_space<hbm>>) target_semaphore(%arg8 : memref<!tpu.dma_semaphore, #tpu.memory_space<semaphore_mem>>)
    %dma_wait3A_299 = arith.constant 0 : i32
    %dma_wait3A_300 = arith.constant 0 : i32
    %dma_wait3A_301 = arith.constant 0 : i32
    %dma_wait3A_302 = tpu.memref_slice %arg6[%dma_wait3A_299, %dma_wait3A_300, %dma_wait3A_301] : memref<8x800x16xf32, #tpu.memory_space<vmem>> -> memref<1x800x16xf32, #tpu.memory_space<vmem>>
    %dma_wait3A_303 = tpu.memref_squeeze %dma_wait3A_302 : memref<1x800x16xf32, #tpu.memory_space<vmem>> -> memref<800x16xf32, #tpu.memory_space<vmem>>
    %dma_wait3A_304 = arith.constant 0 : i32
    %dma_wait3A_305 = tpu.memref_slice %arg4[%add3A_4, %dma_wait3A_304] : memref<102400x128xf32, #tpu.memory_space<hbm>> -> memref<800x16xf32, #tpu.memory_space<hbm>>
    %dma_wait3A_306 = arith.constant 0 : i32
    %dma_wait3A_307 = tpu.memref_slice %arg4[%add3A_4, %dma_wait3A_306] : memref<102400x128xf32, #tpu.memory_space<hbm>> -> memref<800x16xf32, #tpu.memory_space<hbm>>
    %dma_wait3A_308 = arith.constant 0 : i32
    %dma_wait3A_309 = arith.constant 0 : i32
    %dma_wait3A_310 = tpu.memref_slice %arg6[%dma_wait3A_299, %dma_wait3A_308, %dma_wait3A_309] : memref<8x800x16xf32, #tpu.memory_space<vmem>> -> memref<1x800x16xf32, #tpu.memory_space<vmem>>
    %dma_wait3A_311 = tpu.memref_squeeze %dma_wait3A_310 : memref<1x800x16xf32, #tpu.memory_space<vmem>> -> memref<800x16xf32, #tpu.memory_space<vmem>>
    tpu.wait_dma2 semaphore(%arg8 : memref<!tpu.dma_semaphore, #tpu.memory_space<semaphore_mem>>) src(%dma_wait3A_311 : memref<800x16xf32, #tpu.memory_space<vmem>>) dst(%dma_wait3A_307 : memref<800x16xf32, #tpu.memory_space<hbm>>)
    %dma_wait3A_312 = arith.constant 1 : i32
    %dma_wait3A_313 = arith.constant 0 : i32
    %dma_wait3A_314 = arith.constant 0 : i32
    %dma_wait3A_315 = tpu.memref_slice %arg6[%dma_wait3A_312, %dma_wait3A_313, %dma_wait3A_314] : memref<8x800x16xf32, #tpu.memory_space<vmem>> -> memref<1x800x16xf32, #tpu.memory_space<vmem>>
    %dma_wait3A_316 = tpu.memref_squeeze %dma_wait3A_315 : memref<1x800x16xf32, #tpu.memory_space<vmem>> -> memref<800x16xf32, #tpu.memory_space<vmem>>
    %dma_wait3A_317 = arith.constant 16 : i32
    %dma_wait3A_318 = tpu.memref_slice %arg4[%add3A_4, %dma_wait3A_317] : memref<102400x128xf32, #tpu.memory_space<hbm>> -> memref<800x16xf32, #tpu.memory_space<hbm>>
    %dma_wait3A_319 = arith.constant 16 : i32
    %dma_wait3A_320 = tpu.memref_slice %arg4[%add3A_4, %dma_wait3A_319] : memref<102400x128xf32, #tpu.memory_space<hbm>> -> memref<800x16xf32, #tpu.memory_space<hbm>>
    %dma_wait3A_321 = arith.constant 0 : i32
    %dma_wait3A_322 = arith.constant 0 : i32
    %dma_wait3A_323 = tpu.memref_slice %arg6[%dma_wait3A_312, %dma_wait3A_321, %dma_wait3A_322] : memref<8x800x16xf32, #tpu.memory_space<vmem>> -> memref<1x800x16xf32, #tpu.memory_space<vmem>>
    %dma_wait3A_324 = tpu.memref_squeeze %dma_wait3A_323 : memref<1x800x16xf32, #tpu.memory_space<vmem>> -> memref<800x16xf32, #tpu.memory_space<vmem>>
    tpu.wait_dma2 semaphore(%arg8 : memref<!tpu.dma_semaphore, #tpu.memory_space<semaphore_mem>>) src(%dma_wait3A_324 : memref<800x16xf32, #tpu.memory_space<vmem>>) dst(%dma_wait3A_320 : memref<800x16xf32, #tpu.memory_space<hbm>>)
    %dma_wait3A_325 = arith.constant 2 : i32
    %dma_wait3A_326 = arith.constant 0 : i32
    %dma_wait3A_327 = arith.constant 0 : i32
    %dma_wait3A_328 = tpu.memref_slice %arg6[%dma_wait3A_325, %dma_wait3A_326, %dma_wait3A_327] : memref<8x800x16xf32, #tpu.memory_space<vmem>> -> memref<1x800x16xf32, #tpu.memory_space<vmem>>
    %dma_wait3A_329 = tpu.memref_squeeze %dma_wait3A_328 : memref<1x800x16xf32, #tpu.memory_space<vmem>> -> memref<800x16xf32, #tpu.memory_space<vmem>>
    %dma_wait3A_330 = arith.constant 32 : i32
    %dma_wait3A_331 = tpu.memref_slice %arg4[%add3A_4, %dma_wait3A_330] : memref<102400x128xf32, #tpu.memory_space<hbm>> -> memref<800x16xf32, #tpu.memory_space<hbm>>
    %dma_wait3A_332 = arith.constant 32 : i32
    %dma_wait3A_333 = tpu.memref_slice %arg4[%add3A_4, %dma_wait3A_332] : memref<102400x128xf32, #tpu.memory_space<hbm>> -> memref<800x16xf32, #tpu.memory_space<hbm>>
    %dma_wait3A_334 = arith.constant 0 : i32
    %dma_wait3A_335 = arith.constant 0 : i32
    %dma_wait3A_336 = tpu.memref_slice %arg6[%dma_wait3A_325, %dma_wait3A_334, %dma_wait3A_335] : memref<8x800x16xf32, #tpu.memory_space<vmem>> -> memref<1x800x16xf32, #tpu.memory_space<vmem>>
    %dma_wait3A_337 = tpu.memref_squeeze %dma_wait3A_336 : memref<1x800x16xf32, #tpu.memory_space<vmem>> -> memref<800x16xf32, #tpu.memory_space<vmem>>
    tpu.wait_dma2 semaphore(%arg8 : memref<!tpu.dma_semaphore, #tpu.memory_space<semaphore_mem>>) src(%dma_wait3A_337 : memref<800x16xf32, #tpu.memory_space<vmem>>) dst(%dma_wait3A_333 : memref<800x16xf32, #tpu.memory_space<hbm>>)
    %dma_wait3A_338 = arith.constant 3 : i32
    %dma_wait3A_339 = arith.constant 0 : i32
    %dma_wait3A_340 = arith.constant 0 : i32
    %dma_wait3A_341 = tpu.memref_slice %arg6[%dma_wait3A_338, %dma_wait3A_339, %dma_wait3A_340] : memref<8x800x16xf32, #tpu.memory_space<vmem>> -> memref<1x800x16xf32, #tpu.memory_space<vmem>>
    %dma_wait3A_342 = tpu.memref_squeeze %dma_wait3A_341 : memref<1x800x16xf32, #tpu.memory_space<vmem>> -> memref<800x16xf32, #tpu.memory_space<vmem>>
    %dma_wait3A_343 = arith.constant 48 : i32
    %dma_wait3A_344 = tpu.memref_slice %arg4[%add3A_4, %dma_wait3A_343] : memref<102400x128xf32, #tpu.memory_space<hbm>> -> memref<800x16xf32, #tpu.memory_space<hbm>>
    %dma_wait3A_345 = arith.constant 48 : i32
    %dma_wait3A_346 = tpu.memref_slice %arg4[%add3A_4, %dma_wait3A_345] : memref<102400x128xf32, #tpu.memory_space<hbm>> -> memref<800x16xf32, #tpu.memory_space<hbm>>
    %dma_wait3A_347 = arith.constant 0 : i32
    %dma_wait3A_348 = arith.constant 0 : i32
    %dma_wait3A_349 = tpu.memref_slice %arg6[%dma_wait3A_338, %dma_wait3A_347, %dma_wait3A_348] : memref<8x800x16xf32, #tpu.memory_space<vmem>> -> memref<1x800x16xf32, #tpu.memory_space<vmem>>
    %dma_wait3A_350 = tpu.memref_squeeze %dma_wait3A_349 : memref<1x800x16xf32, #tpu.memory_space<vmem>> -> memref<800x16xf32, #tpu.memory_space<vmem>>
    tpu.wait_dma2 semaphore(%arg8 : memref<!tpu.dma_semaphore, #tpu.memory_space<semaphore_mem>>) src(%dma_wait3A_350 : memref<800x16xf32, #tpu.memory_space<vmem>>) dst(%dma_wait3A_346 : memref<800x16xf32, #tpu.memory_space<hbm>>)
    %dma_wait3A_351 = arith.constant 4 : i32
    %dma_wait3A_352 = arith.constant 0 : i32
    %dma_wait3A_353 = arith.constant 0 : i32
    %dma_wait3A_354 = tpu.memref_slice %arg6[%dma_wait3A_351, %dma_wait3A_352, %dma_wait3A_353] : memref<8x800x16xf32, #tpu.memory_space<vmem>> -> memref<1x800x16xf32, #tpu.memory_space<vmem>>
    %dma_wait3A_355 = tpu.memref_squeeze %dma_wait3A_354 : memref<1x800x16xf32, #tpu.memory_space<vmem>> -> memref<800x16xf32, #tpu.memory_space<vmem>>
    %dma_wait3A_356 = arith.constant 64 : i32
    %dma_wait3A_357 = tpu.memref_slice %arg4[%add3A_4, %dma_wait3A_356] : memref<102400x128xf32, #tpu.memory_space<hbm>> -> memref<800x16xf32, #tpu.memory_space<hbm>>
    %dma_wait3A_358 = arith.constant 64 : i32
    %dma_wait3A_359 = tpu.memref_slice %arg4[%add3A_4, %dma_wait3A_358] : memref<102400x128xf32, #tpu.memory_space<hbm>> -> memref<800x16xf32, #tpu.memory_space<hbm>>
    %dma_wait3A_360 = arith.constant 0 : i32
    %dma_wait3A_361 = arith.constant 0 : i32
    %dma_wait3A_362 = tpu.memref_slice %arg6[%dma_wait3A_351, %dma_wait3A_360, %dma_wait3A_361] : memref<8x800x16xf32, #tpu.memory_space<vmem>> -> memref<1x800x16xf32, #tpu.memory_space<vmem>>
    %dma_wait3A_363 = tpu.memref_squeeze %dma_wait3A_362 : memref<1x800x16xf32, #tpu.memory_space<vmem>> -> memref<800x16xf32, #tpu.memory_space<vmem>>
    tpu.wait_dma2 semaphore(%arg8 : memref<!tpu.dma_semaphore, #tpu.memory_space<semaphore_mem>>) src(%dma_wait3A_363 : memref<800x16xf32, #tpu.memory_space<vmem>>) dst(%dma_wait3A_359 : memref<800x16xf32, #tpu.memory_space<hbm>>)
    %dma_wait3A_364 = arith.constant 5 : i32
    %dma_wait3A_365 = arith.constant 0 : i32
    %dma_wait3A_366 = arith.constant 0 : i32
    %dma_wait3A_367 = tpu.memref_slice %arg6[%dma_wait3A_364, %dma_wait3A_365, %dma_wait3A_366] : memref<8x800x16xf32, #tpu.memory_space<vmem>> -> memref<1x800x16xf32, #tpu.memory_space<vmem>>
    %dma_wait3A_368 = tpu.memref_squeeze %dma_wait3A_367 : memref<1x800x16xf32, #tpu.memory_space<vmem>> -> memref<800x16xf32, #tpu.memory_space<vmem>>
    %dma_wait3A_369 = arith.constant 80 : i32
    %dma_wait3A_370 = tpu.memref_slice %arg4[%add3A_4, %dma_wait3A_369] : memref<102400x128xf32, #tpu.memory_space<hbm>> -> memref<800x16xf32, #tpu.memory_space<hbm>>
    %dma_wait3A_371 = arith.constant 80 : i32
    %dma_wait3A_372 = tpu.memref_slice %arg4[%add3A_4, %dma_wait3A_371] : memref<102400x128xf32, #tpu.memory_space<hbm>> -> memref<800x16xf32, #tpu.memory_space<hbm>>
    %dma_wait3A_373 = arith.constant 0 : i32
    %dma_wait3A_374 = arith.constant 0 : i32
    %dma_wait3A_375 = tpu.memref_slice %arg6[%dma_wait3A_364, %dma_wait3A_373, %dma_wait3A_374] : memref<8x800x16xf32, #tpu.memory_space<vmem>> -> memref<1x800x16xf32, #tpu.memory_space<vmem>>
    %dma_wait3A_376 = tpu.memref_squeeze %dma_wait3A_375 : memref<1x800x16xf32, #tpu.memory_space<vmem>> -> memref<800x16xf32, #tpu.memory_space<vmem>>
    tpu.wait_dma2 semaphore(%arg8 : memref<!tpu.dma_semaphore, #tpu.memory_space<semaphore_mem>>) src(%dma_wait3A_376 : memref<800x16xf32, #tpu.memory_space<vmem>>) dst(%dma_wait3A_372 : memref<800x16xf32, #tpu.memory_space<hbm>>)
    %dma_wait3A_377 = arith.constant 6 : i32
    %dma_wait3A_378 = arith.constant 0 : i32
    %dma_wait3A_379 = arith.constant 0 : i32
    %dma_wait3A_380 = tpu.memref_slice %arg6[%dma_wait3A_377, %dma_wait3A_378, %dma_wait3A_379] : memref<8x800x16xf32, #tpu.memory_space<vmem>> -> memref<1x800x16xf32, #tpu.memory_space<vmem>>
    %dma_wait3A_381 = tpu.memref_squeeze %dma_wait3A_380 : memref<1x800x16xf32, #tpu.memory_space<vmem>> -> memref<800x16xf32, #tpu.memory_space<vmem>>
    %dma_wait3A_382 = arith.constant 96 : i32
    %dma_wait3A_383 = tpu.memref_slice %arg4[%add3A_4, %dma_wait3A_382] : memref<102400x128xf32, #tpu.memory_space<hbm>> -> memref<800x16xf32, #tpu.memory_space<hbm>>
    %dma_wait3A_384 = arith.constant 96 : i32
    %dma_wait3A_385 = tpu.memref_slice %arg4[%add3A_4, %dma_wait3A_384] : memref<102400x128xf32, #tpu.memory_space<hbm>> -> memref<800x16xf32, #tpu.memory_space<hbm>>
    %dma_wait3A_386 = arith.constant 0 : i32
    %dma_wait3A_387 = arith.constant 0 : i32
    %dma_wait3A_388 = tpu.memref_slice %arg6[%dma_wait3A_377, %dma_wait3A_386, %dma_wait3A_387] : memref<8x800x16xf32, #tpu.memory_space<vmem>> -> memref<1x800x16xf32, #tpu.memory_space<vmem>>
    %dma_wait3A_389 = tpu.memref_squeeze %dma_wait3A_388 : memref<1x800x16xf32, #tpu.memory_space<vmem>> -> memref<800x16xf32, #tpu.memory_space<vmem>>
    tpu.wait_dma2 semaphore(%arg8 : memref<!tpu.dma_semaphore, #tpu.memory_space<semaphore_mem>>) src(%dma_wait3A_389 : memref<800x16xf32, #tpu.memory_space<vmem>>) dst(%dma_wait3A_385 : memref<800x16xf32, #tpu.memory_space<hbm>>)
    %dma_wait3A_390 = arith.constant 7 : i32
    %dma_wait3A_391 = arith.constant 0 : i32
    %dma_wait3A_392 = arith.constant 0 : i32
    %dma_wait3A_393 = tpu.memref_slice %arg6[%dma_wait3A_390, %dma_wait3A_391, %dma_wait3A_392] : memref<8x800x16xf32, #tpu.memory_space<vmem>> -> memref<1x800x16xf32, #tpu.memory_space<vmem>>
    %dma_wait3A_394 = tpu.memref_squeeze %dma_wait3A_393 : memref<1x800x16xf32, #tpu.memory_space<vmem>> -> memref<800x16xf32, #tpu.memory_space<vmem>>
    %dma_wait3A_395 = arith.constant 112 : i32
    %dma_wait3A_396 = tpu.memref_slice %arg4[%add3A_4, %dma_wait3A_395] : memref<102400x128xf32, #tpu.memory_space<hbm>> -> memref<800x16xf32, #tpu.memory_space<hbm>>
    %dma_wait3A_397 = arith.constant 112 : i32
    %dma_wait3A_398 = tpu.memref_slice %arg4[%add3A_4, %dma_wait3A_397] : memref<102400x128xf32, #tpu.memory_space<hbm>> -> memref<800x16xf32, #tpu.memory_space<hbm>>
    %dma_wait3A_399 = arith.constant 0 : i32
    %dma_wait3A_400 = arith.constant 0 : i32
    %dma_wait3A_401 = tpu.memref_slice %arg6[%dma_wait3A_390, %dma_wait3A_399, %dma_wait3A_400] : memref<8x800x16xf32, #tpu.memory_space<vmem>> -> memref<1x800x16xf32, #tpu.memory_space<vmem>>
    %dma_wait3A_402 = tpu.memref_squeeze %dma_wait3A_401 : memref<1x800x16xf32, #tpu.memory_space<vmem>> -> memref<800x16xf32, #tpu.memory_space<vmem>>
    tpu.wait_dma2 semaphore(%arg8 : memref<!tpu.dma_semaphore, #tpu.memory_space<semaphore_mem>>) src(%dma_wait3A_402 : memref<800x16xf32, #tpu.memory_space<vmem>>) dst(%dma_wait3A_398 : memref<800x16xf32, #tpu.memory_space<hbm>>)
    %add3A_403 = arith.constant 800 : i32
    %add3A_404 = arith.addi %mul3A_2, %add3A_403 : i32
    "tpu.region"() ({
      %run_scoped3A = tpu.sem_alloc : memref<!tpu.dma_semaphore, #tpu.memory_space<semaphore_mem>>
      %dma_start3A_1609 = arith.constant 0 : i32
      %dma_start3A_1610 = tpu.memref_slice %arg3[%dma_start3A_1609, %add3A_404] : memref<8x102400xi32, #tpu.memory_space<hbm>> -> memref<8x800xi32, #tpu.memory_space<hbm>>
      %dma_start3A_1611 = arith.constant 0 : i32
      %dma_start3A_1612 = tpu.memref_slice %arg3[%dma_start3A_1611, %add3A_404] : memref<8x102400xi32, #tpu.memory_space<hbm>> -> memref<8x800xi32, #tpu.memory_space<hbm>>
      tpu.enqueue_dma source(%dma_start3A_1612 : memref<8x800xi32, #tpu.memory_space<hbm>>) target(%arg5 : memref<8x800xi32, #tpu.memory_space<vmem>>) target_semaphore(%run_scoped3A : memref<!tpu.dma_semaphore, #tpu.memory_space<semaphore_mem>>)
      %dma_wait3A_1613 = arith.constant 0 : i32
      %dma_wait3A_1614 = tpu.memref_slice %arg3[%dma_wait3A_1613, %add3A_404] : memref<8x102400xi32, #tpu.memory_space<hbm>> -> memref<8x800xi32, #tpu.memory_space<hbm>>
      %dma_wait3A_1615 = arith.constant 0 : i32
      %dma_wait3A_1616 = tpu.memref_slice %arg3[%dma_wait3A_1615, %add3A_404] : memref<8x102400xi32, #tpu.memory_space<hbm>> -> memref<8x800xi32, #tpu.memory_space<hbm>>
      tpu.wait_dma2 semaphore(%run_scoped3A : memref<!tpu.dma_semaphore, #tpu.memory_space<semaphore_mem>>) src(%dma_wait3A_1616 : memref<8x800xi32, #tpu.memory_space<hbm>>) dst(%arg5 : memref<8x800xi32, #tpu.memory_space<vmem>>)
      tpu.yield
    }) : () -> ()
    %dma_start3A_405 = arith.constant 0 : i32
    %dma_start3A_406 = arith.constant 0 : i32
    %dma_start3A_407 = arith.constant 0 : i32
    %dma_start3A_408 = arith.constant 0 : i32
    %dma_start3A_409 = tpu.memref_slice %arg6[%dma_start3A_406, %dma_start3A_407, %dma_start3A_408] : memref<8x800x16xf32, #tpu.memory_space<vmem>> -> memref<1x800x16xf32, #tpu.memory_space<vmem>>
    %dma_start3A_410 = tpu.memref_squeeze %dma_start3A_409 : memref<1x800x16xf32, #tpu.memory_space<vmem>> -> memref<800x16xf32, #tpu.memory_space<vmem>>
    %dma_start3A_411 = arith.constant 0 : i32
    %dma_start3A_412 = tpu.memref_slice %arg5[%dma_start3A_405, %dma_start3A_411] : memref<8x800xi32, #tpu.memory_space<vmem>> -> memref<1x800xi32, #tpu.memory_space<vmem>>
    %dma_start3A_413 = tpu.memref_squeeze %dma_start3A_412 : memref<1x800xi32, #tpu.memory_space<vmem>> -> memref<800xi32, #tpu.memory_space<vmem>>
    %dma_start3A_414 = arith.constant 0 : i32
    %dma_start3A_415 = arith.constant 0 : i32
    %dma_start3A_416 = tpu.memref_slice %arg2[%dma_start3A_414, %dma_start3A_415] : memref<1000000x16xf32, #tpu.memory_space<hbm>> -> memref<1000000x16xf32, #tpu.memory_space<hbm>>
    tpu.enqueue_indirect_dma source(%dma_start3A_416 : memref<1000000x16xf32, #tpu.memory_space<hbm>>) target(%dma_start3A_410 : memref<800x16xf32, #tpu.memory_space<vmem>>) offsets(%dma_start3A_413 : memref<800xi32, #tpu.memory_space<vmem>>) semaphore(%arg7 : memref<!tpu.dma_semaphore, #tpu.memory_space<semaphore_mem>>)
    %dma_start3A_417 = arith.constant 1 : i32
    %dma_start3A_418 = arith.constant 1 : i32
    %dma_start3A_419 = arith.constant 0 : i32
    %dma_start3A_420 = arith.constant 0 : i32
    %dma_start3A_421 = tpu.memref_slice %arg6[%dma_start3A_418, %dma_start3A_419, %dma_start3A_420] : memref<8x800x16xf32, #tpu.memory_space<vmem>> -> memref<1x800x16xf32, #tpu.memory_space<vmem>>
    %dma_start3A_422 = tpu.memref_squeeze %dma_start3A_421 : memref<1x800x16xf32, #tpu.memory_space<vmem>> -> memref<800x16xf32, #tpu.memory_space<vmem>>
    %dma_start3A_423 = arith.constant 0 : i32
    %dma_start3A_424 = tpu.memref_slice %arg5[%dma_start3A_417, %dma_start3A_423] : memref<8x800xi32, #tpu.memory_space<vmem>> -> memref<1x800xi32, #tpu.memory_space<vmem>>
    %dma_start3A_425 = tpu.memref_squeeze %dma_start3A_424 : memref<1x800xi32, #tpu.memory_space<vmem>> -> memref<800xi32, #tpu.memory_space<vmem>>
    %dma_start3A_426 = arith.constant 0 : i32
    %dma_start3A_427 = arith.constant 0 : i32
    %dma_start3A_428 = tpu.memref_slice %arg2[%dma_start3A_426, %dma_start3A_427] : memref<1000000x16xf32, #tpu.memory_space<hbm>> -> memref<1000000x16xf32, #tpu.memory_space<hbm>>
    tpu.enqueue_indirect_dma source(%dma_start3A_428 : memref<1000000x16xf32, #tpu.memory_space<hbm>>) target(%dma_start3A_422 : memref<800x16xf32, #tpu.memory_space<vmem>>) offsets(%dma_start3A_425 : memref<800xi32, #tpu.memory_space<vmem>>) semaphore(%arg7 : memref<!tpu.dma_semaphore, #tpu.memory_space<semaphore_mem>>)
    %dma_start3A_429 = arith.constant 2 : i32
    %dma_start3A_430 = arith.constant 2 : i32
    %dma_start3A_431 = arith.constant 0 : i32
    %dma_start3A_432 = arith.constant 0 : i32
    %dma_start3A_433 = tpu.memref_slice %arg6[%dma_start3A_430, %dma_start3A_431, %dma_start3A_432] : memref<8x800x16xf32, #tpu.memory_space<vmem>> -> memref<1x800x16xf32, #tpu.memory_space<vmem>>
    %dma_start3A_434 = tpu.memref_squeeze %dma_start3A_433 : memref<1x800x16xf32, #tpu.memory_space<vmem>> -> memref<800x16xf32, #tpu.memory_space<vmem>>
    %dma_start3A_435 = arith.constant 0 : i32
    %dma_start3A_436 = tpu.memref_slice %arg5[%dma_start3A_429, %dma_start3A_435] : memref<8x800xi32, #tpu.memory_space<vmem>> -> memref<1x800xi32, #tpu.memory_space<vmem>>
    %dma_start3A_437 = tpu.memref_squeeze %dma_start3A_436 : memref<1x800xi32, #tpu.memory_space<vmem>> -> memref<800xi32, #tpu.memory_space<vmem>>
    %dma_start3A_438 = arith.constant 0 : i32
    %dma_start3A_439 = arith.constant 0 : i32
    %dma_start3A_440 = tpu.memref_slice %arg2[%dma_start3A_438, %dma_start3A_439] : memref<1000000x16xf32, #tpu.memory_space<hbm>> -> memref<1000000x16xf32, #tpu.memory_space<hbm>>
    tpu.enqueue_indirect_dma source(%dma_start3A_440 : memref<1000000x16xf32, #tpu.memory_space<hbm>>) target(%dma_start3A_434 : memref<800x16xf32, #tpu.memory_space<vmem>>) offsets(%dma_start3A_437 : memref<800xi32, #tpu.memory_space<vmem>>) semaphore(%arg7 : memref<!tpu.dma_semaphore, #tpu.memory_space<semaphore_mem>>)
    %dma_start3A_441 = arith.constant 3 : i32
    %dma_start3A_442 = arith.constant 3 : i32
    %dma_start3A_443 = arith.constant 0 : i32
    %dma_start3A_444 = arith.constant 0 : i32
    %dma_start3A_445 = tpu.memref_slice %arg6[%dma_start3A_442, %dma_start3A_443, %dma_start3A_444] : memref<8x800x16xf32, #tpu.memory_space<vmem>> -> memref<1x800x16xf32, #tpu.memory_space<vmem>>
    %dma_start3A_446 = tpu.memref_squeeze %dma_start3A_445 : memref<1x800x16xf32, #tpu.memory_space<vmem>> -> memref<800x16xf32, #tpu.memory_space<vmem>>
    %dma_start3A_447 = arith.constant 0 : i32
    %dma_start3A_448 = tpu.memref_slice %arg5[%dma_start3A_441, %dma_start3A_447] : memref<8x800xi32, #tpu.memory_space<vmem>> -> memref<1x800xi32, #tpu.memory_space<vmem>>
    %dma_start3A_449 = tpu.memref_squeeze %dma_start3A_448 : memref<1x800xi32, #tpu.memory_space<vmem>> -> memref<800xi32, #tpu.memory_space<vmem>>
    %dma_start3A_450 = arith.constant 0 : i32
    %dma_start3A_451 = arith.constant 0 : i32
    %dma_start3A_452 = tpu.memref_slice %arg2[%dma_start3A_450, %dma_start3A_451] : memref<1000000x16xf32, #tpu.memory_space<hbm>> -> memref<1000000x16xf32, #tpu.memory_space<hbm>>
    tpu.enqueue_indirect_dma source(%dma_start3A_452 : memref<1000000x16xf32, #tpu.memory_space<hbm>>) target(%dma_start3A_446 : memref<800x16xf32, #tpu.memory_space<vmem>>) offsets(%dma_start3A_449 : memref<800xi32, #tpu.memory_space<vmem>>) semaphore(%arg7 : memref<!tpu.dma_semaphore, #tpu.memory_space<semaphore_mem>>)
    %dma_start3A_453 = arith.constant 4 : i32
    %dma_start3A_454 = arith.constant 4 : i32
    %dma_start3A_455 = arith.constant 0 : i32
    %dma_start3A_456 = arith.constant 0 : i32
    %dma_start3A_457 = tpu.memref_slice %arg6[%dma_start3A_454, %dma_start3A_455, %dma_start3A_456] : memref<8x800x16xf32, #tpu.memory_space<vmem>> -> memref<1x800x16xf32, #tpu.memory_space<vmem>>
    %dma_start3A_458 = tpu.memref_squeeze %dma_start3A_457 : memref<1x800x16xf32, #tpu.memory_space<vmem>> -> memref<800x16xf32, #tpu.memory_space<vmem>>
    %dma_start3A_459 = arith.constant 0 : i32
    %dma_start3A_460 = tpu.memref_slice %arg5[%dma_start3A_453, %dma_start3A_459] : memref<8x800xi32, #tpu.memory_space<vmem>> -> memref<1x800xi32, #tpu.memory_space<vmem>>
    %dma_start3A_461 = tpu.memref_squeeze %dma_start3A_460 : memref<1x800xi32, #tpu.memory_space<vmem>> -> memref<800xi32, #tpu.memory_space<vmem>>
    %dma_start3A_462 = arith.constant 0 : i32
    %dma_start3A_463 = arith.constant 0 : i32
    %dma_start3A_464 = tpu.memref_slice %arg2[%dma_start3A_462, %dma_start3A_463] : memref<1000000x16xf32, #tpu.memory_space<hbm>> -> memref<1000000x16xf32, #tpu.memory_space<hbm>>
    tpu.enqueue_indirect_dma source(%dma_start3A_464 : memref<1000000x16xf32, #tpu.memory_space<hbm>>) target(%dma_start3A_458 : memref<800x16xf32, #tpu.memory_space<vmem>>) offsets(%dma_start3A_461 : memref<800xi32, #tpu.memory_space<vmem>>) semaphore(%arg7 : memref<!tpu.dma_semaphore, #tpu.memory_space<semaphore_mem>>)
    %dma_start3A_465 = arith.constant 5 : i32
    %dma_start3A_466 = arith.constant 5 : i32
    %dma_start3A_467 = arith.constant 0 : i32
    %dma_start3A_468 = arith.constant 0 : i32
    %dma_start3A_469 = tpu.memref_slice %arg6[%dma_start3A_466, %dma_start3A_467, %dma_start3A_468] : memref<8x800x16xf32, #tpu.memory_space<vmem>> -> memref<1x800x16xf32, #tpu.memory_space<vmem>>
    %dma_start3A_470 = tpu.memref_squeeze %dma_start3A_469 : memref<1x800x16xf32, #tpu.memory_space<vmem>> -> memref<800x16xf32, #tpu.memory_space<vmem>>
    %dma_start3A_471 = arith.constant 0 : i32
    %dma_start3A_472 = tpu.memref_slice %arg5[%dma_start3A_465, %dma_start3A_471] : memref<8x800xi32, #tpu.memory_space<vmem>> -> memref<1x800xi32, #tpu.memory_space<vmem>>
    %dma_start3A_473 = tpu.memref_squeeze %dma_start3A_472 : memref<1x800xi32, #tpu.memory_space<vmem>> -> memref<800xi32, #tpu.memory_space<vmem>>
    %dma_start3A_474 = arith.constant 0 : i32
    %dma_start3A_475 = arith.constant 0 : i32
    %dma_start3A_476 = tpu.memref_slice %arg2[%dma_start3A_474, %dma_start3A_475] : memref<1000000x16xf32, #tpu.memory_space<hbm>> -> memref<1000000x16xf32, #tpu.memory_space<hbm>>
    tpu.enqueue_indirect_dma source(%dma_start3A_476 : memref<1000000x16xf32, #tpu.memory_space<hbm>>) target(%dma_start3A_470 : memref<800x16xf32, #tpu.memory_space<vmem>>) offsets(%dma_start3A_473 : memref<800xi32, #tpu.memory_space<vmem>>) semaphore(%arg7 : memref<!tpu.dma_semaphore, #tpu.memory_space<semaphore_mem>>)
    %dma_start3A_477 = arith.constant 6 : i32
    %dma_start3A_478 = arith.constant 6 : i32
    %dma_start3A_479 = arith.constant 0 : i32
    %dma_start3A_480 = arith.constant 0 : i32
    %dma_start3A_481 = tpu.memref_slice %arg6[%dma_start3A_478, %dma_start3A_479, %dma_start3A_480] : memref<8x800x16xf32, #tpu.memory_space<vmem>> -> memref<1x800x16xf32, #tpu.memory_space<vmem>>
    %dma_start3A_482 = tpu.memref_squeeze %dma_start3A_481 : memref<1x800x16xf32, #tpu.memory_space<vmem>> -> memref<800x16xf32, #tpu.memory_space<vmem>>
    %dma_start3A_483 = arith.constant 0 : i32
    %dma_start3A_484 = tpu.memref_slice %arg5[%dma_start3A_477, %dma_start3A_483] : memref<8x800xi32, #tpu.memory_space<vmem>> -> memref<1x800xi32, #tpu.memory_space<vmem>>
    %dma_start3A_485 = tpu.memref_squeeze %dma_start3A_484 : memref<1x800xi32, #tpu.memory_space<vmem>> -> memref<800xi32, #tpu.memory_space<vmem>>
    %dma_start3A_486 = arith.constant 0 : i32
    %dma_start3A_487 = arith.constant 0 : i32
    %dma_start3A_488 = tpu.memref_slice %arg2[%dma_start3A_486, %dma_start3A_487] : memref<1000000x16xf32, #tpu.memory_space<hbm>> -> memref<1000000x16xf32, #tpu.memory_space<hbm>>
    tpu.enqueue_indirect_dma source(%dma_start3A_488 : memref<1000000x16xf32, #tpu.memory_space<hbm>>) target(%dma_start3A_482 : memref<800x16xf32, #tpu.memory_space<vmem>>) offsets(%dma_start3A_485 : memref<800xi32, #tpu.memory_space<vmem>>) semaphore(%arg7 : memref<!tpu.dma_semaphore, #tpu.memory_space<semaphore_mem>>)
    %dma_start3A_489 = arith.constant 7 : i32
    %dma_start3A_490 = arith.constant 7 : i32
    %dma_start3A_491 = arith.constant 0 : i32
    %dma_start3A_492 = arith.constant 0 : i32
    %dma_start3A_493 = tpu.memref_slice %arg6[%dma_start3A_490, %dma_start3A_491, %dma_start3A_492] : memref<8x800x16xf32, #tpu.memory_space<vmem>> -> memref<1x800x16xf32, #tpu.memory_space<vmem>>
    %dma_start3A_494 = tpu.memref_squeeze %dma_start3A_493 : memref<1x800x16xf32, #tpu.memory_space<vmem>> -> memref<800x16xf32, #tpu.memory_space<vmem>>
    %dma_start3A_495 = arith.constant 0 : i32
    %dma_start3A_496 = tpu.memref_slice %arg5[%dma_start3A_489, %dma_start3A_495] : memref<8x800xi32, #tpu.memory_space<vmem>> -> memref<1x800xi32, #tpu.memory_space<vmem>>
    %dma_start3A_497 = tpu.memref_squeeze %dma_start3A_496 : memref<1x800xi32, #tpu.memory_space<vmem>> -> memref<800xi32, #tpu.memory_space<vmem>>
    %dma_start3A_498 = arith.constant 0 : i32
    %dma_start3A_499 = arith.constant 0 : i32
    %dma_start3A_500 = tpu.memref_slice %arg2[%dma_start3A_498, %dma_start3A_499] : memref<1000000x16xf32, #tpu.memory_space<hbm>> -> memref<1000000x16xf32, #tpu.memory_space<hbm>>
    tpu.enqueue_indirect_dma source(%dma_start3A_500 : memref<1000000x16xf32, #tpu.memory_space<hbm>>) target(%dma_start3A_494 : memref<800x16xf32, #tpu.memory_space<vmem>>) offsets(%dma_start3A_497 : memref<800xi32, #tpu.memory_space<vmem>>) semaphore(%arg7 : memref<!tpu.dma_semaphore, #tpu.memory_space<semaphore_mem>>)
    %dma_wait3A_501 = arith.constant 0 : i32
    %dma_wait3A_502 = arith.constant 0 : i32
    %dma_wait3A_503 = arith.constant 0 : i32
    %dma_wait3A_504 = arith.constant 0 : i32
    %dma_wait3A_505 = tpu.memref_slice %arg6[%dma_wait3A_502, %dma_wait3A_503, %dma_wait3A_504] : memref<8x800x16xf32, #tpu.memory_space<vmem>> -> memref<1x800x16xf32, #tpu.memory_space<vmem>>
    %dma_wait3A_506 = tpu.memref_squeeze %dma_wait3A_505 : memref<1x800x16xf32, #tpu.memory_space<vmem>> -> memref<800x16xf32, #tpu.memory_space<vmem>>
    %dma_wait3A_507 = arith.constant 0 : i32
    %dma_wait3A_508 = tpu.memref_slice %arg5[%dma_wait3A_501, %dma_wait3A_507] : memref<8x800xi32, #tpu.memory_space<vmem>> -> memref<1x800xi32, #tpu.memory_space<vmem>>
    %dma_wait3A_509 = tpu.memref_squeeze %dma_wait3A_508 : memref<1x800xi32, #tpu.memory_space<vmem>> -> memref<800xi32, #tpu.memory_space<vmem>>
    %dma_wait3A_510 = arith.constant 0 : i32
    %dma_wait3A_511 = arith.constant 0 : i32
    %dma_wait3A_512 = tpu.memref_slice %arg2[%dma_wait3A_510, %dma_wait3A_511] : memref<1000000x16xf32, #tpu.memory_space<hbm>> -> memref<1000000x16xf32, #tpu.memory_space<hbm>>
    tpu.wait_indirect_dma semaphore(%arg7 : memref<!tpu.dma_semaphore, #tpu.memory_space<semaphore_mem>>) src(%dma_wait3A_512 : memref<1000000x16xf32, #tpu.memory_space<hbm>>) dst(%dma_wait3A_506 : memref<800x16xf32, #tpu.memory_space<vmem>>)
    %dma_wait3A_513 = arith.constant 1 : i32
    %dma_wait3A_514 = arith.constant 1 : i32
    %dma_wait3A_515 = arith.constant 0 : i32
    %dma_wait3A_516 = arith.constant 0 : i32
    %dma_wait3A_517 = tpu.memref_slice %arg6[%dma_wait3A_514, %dma_wait3A_515, %dma_wait3A_516] : memref<8x800x16xf32, #tpu.memory_space<vmem>> -> memref<1x800x16xf32, #tpu.memory_space<vmem>>
    %dma_wait3A_518 = tpu.memref_squeeze %dma_wait3A_517 : memref<1x800x16xf32, #tpu.memory_space<vmem>> -> memref<800x16xf32, #tpu.memory_space<vmem>>
    %dma_wait3A_519 = arith.constant 0 : i32
    %dma_wait3A_520 = tpu.memref_slice %arg5[%dma_wait3A_513, %dma_wait3A_519] : memref<8x800xi32, #tpu.memory_space<vmem>> -> memref<1x800xi32, #tpu.memory_space<vmem>>
    %dma_wait3A_521 = tpu.memref_squeeze %dma_wait3A_520 : memref<1x800xi32, #tpu.memory_space<vmem>> -> memref<800xi32, #tpu.memory_space<vmem>>
    %dma_wait3A_522 = arith.constant 0 : i32
    %dma_wait3A_523 = arith.constant 0 : i32
    %dma_wait3A_524 = tpu.memref_slice %arg2[%dma_wait3A_522, %dma_wait3A_523] : memref<1000000x16xf32, #tpu.memory_space<hbm>> -> memref<1000000x16xf32, #tpu.memory_space<hbm>>
    tpu.wait_indirect_dma semaphore(%arg7 : memref<!tpu.dma_semaphore, #tpu.memory_space<semaphore_mem>>) src(%dma_wait3A_524 : memref<1000000x16xf32, #tpu.memory_space<hbm>>) dst(%dma_wait3A_518 : memref<800x16xf32, #tpu.memory_space<vmem>>)
    %dma_wait3A_525 = arith.constant 2 : i32
    %dma_wait3A_526 = arith.constant 2 : i32
    %dma_wait3A_527 = arith.constant 0 : i32
    %dma_wait3A_528 = arith.constant 0 : i32
    %dma_wait3A_529 = tpu.memref_slice %arg6[%dma_wait3A_526, %dma_wait3A_527, %dma_wait3A_528] : memref<8x800x16xf32, #tpu.memory_space<vmem>> -> memref<1x800x16xf32, #tpu.memory_space<vmem>>
    %dma_wait3A_530 = tpu.memref_squeeze %dma_wait3A_529 : memref<1x800x16xf32, #tpu.memory_space<vmem>> -> memref<800x16xf32, #tpu.memory_space<vmem>>
    %dma_wait3A_531 = arith.constant 0 : i32
    %dma_wait3A_532 = tpu.memref_slice %arg5[%dma_wait3A_525, %dma_wait3A_531] : memref<8x800xi32, #tpu.memory_space<vmem>> -> memref<1x800xi32, #tpu.memory_space<vmem>>
    %dma_wait3A_533 = tpu.memref_squeeze %dma_wait3A_532 : memref<1x800xi32, #tpu.memory_space<vmem>> -> memref<800xi32, #tpu.memory_space<vmem>>
    %dma_wait3A_534 = arith.constant 0 : i32
    %dma_wait3A_535 = arith.constant 0 : i32
    %dma_wait3A_536 = tpu.memref_slice %arg2[%dma_wait3A_534, %dma_wait3A_535] : memref<1000000x16xf32, #tpu.memory_space<hbm>> -> memref<1000000x16xf32, #tpu.memory_space<hbm>>
    tpu.wait_indirect_dma semaphore(%arg7 : memref<!tpu.dma_semaphore, #tpu.memory_space<semaphore_mem>>) src(%dma_wait3A_536 : memref<1000000x16xf32, #tpu.memory_space<hbm>>) dst(%dma_wait3A_530 : memref<800x16xf32, #tpu.memory_space<vmem>>)
    %dma_wait3A_537 = arith.constant 3 : i32
    %dma_wait3A_538 = arith.constant 3 : i32
    %dma_wait3A_539 = arith.constant 0 : i32
    %dma_wait3A_540 = arith.constant 0 : i32
    %dma_wait3A_541 = tpu.memref_slice %arg6[%dma_wait3A_538, %dma_wait3A_539, %dma_wait3A_540] : memref<8x800x16xf32, #tpu.memory_space<vmem>> -> memref<1x800x16xf32, #tpu.memory_space<vmem>>
    %dma_wait3A_542 = tpu.memref_squeeze %dma_wait3A_541 : memref<1x800x16xf32, #tpu.memory_space<vmem>> -> memref<800x16xf32, #tpu.memory_space<vmem>>
    %dma_wait3A_543 = arith.constant 0 : i32
    %dma_wait3A_544 = tpu.memref_slice %arg5[%dma_wait3A_537, %dma_wait3A_543] : memref<8x800xi32, #tpu.memory_space<vmem>> -> memref<1x800xi32, #tpu.memory_space<vmem>>
    %dma_wait3A_545 = tpu.memref_squeeze %dma_wait3A_544 : memref<1x800xi32, #tpu.memory_space<vmem>> -> memref<800xi32, #tpu.memory_space<vmem>>
    %dma_wait3A_546 = arith.constant 0 : i32
    %dma_wait3A_547 = arith.constant 0 : i32
    %dma_wait3A_548 = tpu.memref_slice %arg2[%dma_wait3A_546, %dma_wait3A_547] : memref<1000000x16xf32, #tpu.memory_space<hbm>> -> memref<1000000x16xf32, #tpu.memory_space<hbm>>
    tpu.wait_indirect_dma semaphore(%arg7 : memref<!tpu.dma_semaphore, #tpu.memory_space<semaphore_mem>>) src(%dma_wait3A_548 : memref<1000000x16xf32, #tpu.memory_space<hbm>>) dst(%dma_wait3A_542 : memref<800x16xf32, #tpu.memory_space<vmem>>)
    %dma_wait3A_549 = arith.constant 4 : i32
    %dma_wait3A_550 = arith.constant 4 : i32
    %dma_wait3A_551 = arith.constant 0 : i32
    %dma_wait3A_552 = arith.constant 0 : i32
    %dma_wait3A_553 = tpu.memref_slice %arg6[%dma_wait3A_550, %dma_wait3A_551, %dma_wait3A_552] : memref<8x800x16xf32, #tpu.memory_space<vmem>> -> memref<1x800x16xf32, #tpu.memory_space<vmem>>
    %dma_wait3A_554 = tpu.memref_squeeze %dma_wait3A_553 : memref<1x800x16xf32, #tpu.memory_space<vmem>> -> memref<800x16xf32, #tpu.memory_space<vmem>>
    %dma_wait3A_555 = arith.constant 0 : i32
    %dma_wait3A_556 = tpu.memref_slice %arg5[%dma_wait3A_549, %dma_wait3A_555] : memref<8x800xi32, #tpu.memory_space<vmem>> -> memref<1x800xi32, #tpu.memory_space<vmem>>
    %dma_wait3A_557 = tpu.memref_squeeze %dma_wait3A_556 : memref<1x800xi32, #tpu.memory_space<vmem>> -> memref<800xi32, #tpu.memory_space<vmem>>
    %dma_wait3A_558 = arith.constant 0 : i32
    %dma_wait3A_559 = arith.constant 0 : i32
    %dma_wait3A_560 = tpu.memref_slice %arg2[%dma_wait3A_558, %dma_wait3A_559] : memref<1000000x16xf32, #tpu.memory_space<hbm>> -> memref<1000000x16xf32, #tpu.memory_space<hbm>>
    tpu.wait_indirect_dma semaphore(%arg7 : memref<!tpu.dma_semaphore, #tpu.memory_space<semaphore_mem>>) src(%dma_wait3A_560 : memref<1000000x16xf32, #tpu.memory_space<hbm>>) dst(%dma_wait3A_554 : memref<800x16xf32, #tpu.memory_space<vmem>>)
    %dma_wait3A_561 = arith.constant 5 : i32
    %dma_wait3A_562 = arith.constant 5 : i32
    %dma_wait3A_563 = arith.constant 0 : i32
    %dma_wait3A_564 = arith.constant 0 : i32
    %dma_wait3A_565 = tpu.memref_slice %arg6[%dma_wait3A_562, %dma_wait3A_563, %dma_wait3A_564] : memref<8x800x16xf32, #tpu.memory_space<vmem>> -> memref<1x800x16xf32, #tpu.memory_space<vmem>>
    %dma_wait3A_566 = tpu.memref_squeeze %dma_wait3A_565 : memref<1x800x16xf32, #tpu.memory_space<vmem>> -> memref<800x16xf32, #tpu.memory_space<vmem>>
    %dma_wait3A_567 = arith.constant 0 : i32
    %dma_wait3A_568 = tpu.memref_slice %arg5[%dma_wait3A_561, %dma_wait3A_567] : memref<8x800xi32, #tpu.memory_space<vmem>> -> memref<1x800xi32, #tpu.memory_space<vmem>>
    %dma_wait3A_569 = tpu.memref_squeeze %dma_wait3A_568 : memref<1x800xi32, #tpu.memory_space<vmem>> -> memref<800xi32, #tpu.memory_space<vmem>>
    %dma_wait3A_570 = arith.constant 0 : i32
    %dma_wait3A_571 = arith.constant 0 : i32
    %dma_wait3A_572 = tpu.memref_slice %arg2[%dma_wait3A_570, %dma_wait3A_571] : memref<1000000x16xf32, #tpu.memory_space<hbm>> -> memref<1000000x16xf32, #tpu.memory_space<hbm>>
    tpu.wait_indirect_dma semaphore(%arg7 : memref<!tpu.dma_semaphore, #tpu.memory_space<semaphore_mem>>) src(%dma_wait3A_572 : memref<1000000x16xf32, #tpu.memory_space<hbm>>) dst(%dma_wait3A_566 : memref<800x16xf32, #tpu.memory_space<vmem>>)
    %dma_wait3A_573 = arith.constant 6 : i32
    %dma_wait3A_574 = arith.constant 6 : i32
    %dma_wait3A_575 = arith.constant 0 : i32
    %dma_wait3A_576 = arith.constant 0 : i32
    %dma_wait3A_577 = tpu.memref_slice %arg6[%dma_wait3A_574, %dma_wait3A_575, %dma_wait3A_576] : memref<8x800x16xf32, #tpu.memory_space<vmem>> -> memref<1x800x16xf32, #tpu.memory_space<vmem>>
    %dma_wait3A_578 = tpu.memref_squeeze %dma_wait3A_577 : memref<1x800x16xf32, #tpu.memory_space<vmem>> -> memref<800x16xf32, #tpu.memory_space<vmem>>
    %dma_wait3A_579 = arith.constant 0 : i32
    %dma_wait3A_580 = tpu.memref_slice %arg5[%dma_wait3A_573, %dma_wait3A_579] : memref<8x800xi32, #tpu.memory_space<vmem>> -> memref<1x800xi32, #tpu.memory_space<vmem>>
    %dma_wait3A_581 = tpu.memref_squeeze %dma_wait3A_580 : memref<1x800xi32, #tpu.memory_space<vmem>> -> memref<800xi32, #tpu.memory_space<vmem>>
    %dma_wait3A_582 = arith.constant 0 : i32
    %dma_wait3A_583 = arith.constant 0 : i32
    %dma_wait3A_584 = tpu.memref_slice %arg2[%dma_wait3A_582, %dma_wait3A_583] : memref<1000000x16xf32, #tpu.memory_space<hbm>> -> memref<1000000x16xf32, #tpu.memory_space<hbm>>
    tpu.wait_indirect_dma semaphore(%arg7 : memref<!tpu.dma_semaphore, #tpu.memory_space<semaphore_mem>>) src(%dma_wait3A_584 : memref<1000000x16xf32, #tpu.memory_space<hbm>>) dst(%dma_wait3A_578 : memref<800x16xf32, #tpu.memory_space<vmem>>)
    %dma_wait3A_585 = arith.constant 7 : i32
    %dma_wait3A_586 = arith.constant 7 : i32
    %dma_wait3A_587 = arith.constant 0 : i32
    %dma_wait3A_588 = arith.constant 0 : i32
    %dma_wait3A_589 = tpu.memref_slice %arg6[%dma_wait3A_586, %dma_wait3A_587, %dma_wait3A_588] : memref<8x800x16xf32, #tpu.memory_space<vmem>> -> memref<1x800x16xf32, #tpu.memory_space<vmem>>
    %dma_wait3A_590 = tpu.memref_squeeze %dma_wait3A_589 : memref<1x800x16xf32, #tpu.memory_space<vmem>> -> memref<800x16xf32, #tpu.memory_space<vmem>>
    %dma_wait3A_591 = arith.constant 0 : i32
    %dma_wait3A_592 = tpu.memref_slice %arg5[%dma_wait3A_585, %dma_wait3A_591] : memref<8x800xi32, #tpu.memory_space<vmem>> -> memref<1x800xi32, #tpu.memory_space<vmem>>
    %dma_wait3A_593 = tpu.memref_squeeze %dma_wait3A_592 : memref<1x800xi32, #tpu.memory_space<vmem>> -> memref<800xi32, #tpu.memory_space<vmem>>
    %dma_wait3A_594 = arith.constant 0 : i32
    %dma_wait3A_595 = arith.constant 0 : i32
    %dma_wait3A_596 = tpu.memref_slice %arg2[%dma_wait3A_594, %dma_wait3A_595] : memref<1000000x16xf32, #tpu.memory_space<hbm>> -> memref<1000000x16xf32, #tpu.memory_space<hbm>>
    tpu.wait_indirect_dma semaphore(%arg7 : memref<!tpu.dma_semaphore, #tpu.memory_space<semaphore_mem>>) src(%dma_wait3A_596 : memref<1000000x16xf32, #tpu.memory_space<hbm>>) dst(%dma_wait3A_590 : memref<800x16xf32, #tpu.memory_space<vmem>>)
    %dma_start3A_597 = arith.constant 0 : i32
    %dma_start3A_598 = arith.constant 0 : i32
    %dma_start3A_599 = arith.constant 0 : i32
    %dma_start3A_600 = tpu.memref_slice %arg6[%dma_start3A_597, %dma_start3A_598, %dma_start3A_599] : memref<8x800x16xf32, #tpu.memory_space<vmem>> -> memref<1x800x16xf32, #tpu.memory_space<vmem>>
    %dma_start3A_601 = tpu.memref_squeeze %dma_start3A_600 : memref<1x800x16xf32, #tpu.memory_space<vmem>> -> memref<800x16xf32, #tpu.memory_space<vmem>>
    %dma_start3A_602 = arith.constant 0 : i32
    %dma_start3A_603 = tpu.memref_slice %arg4[%add3A_404, %dma_start3A_602] : memref<102400x128xf32, #tpu.memory_space<hbm>> -> memref<800x16xf32, #tpu.memory_space<hbm>>
    %dma_start3A_604 = arith.constant 0 : i32
    %dma_start3A_605 = tpu.memref_slice %arg4[%add3A_404, %dma_start3A_604] : memref<102400x128xf32, #tpu.memory_space<hbm>> -> memref<800x16xf32, #tpu.memory_space<hbm>>
    %dma_start3A_606 = arith.constant 0 : i32
    %dma_start3A_607 = arith.constant 0 : i32
    %dma_start3A_608 = tpu.memref_slice %arg6[%dma_start3A_597, %dma_start3A_606, %dma_start3A_607] : memref<8x800x16xf32, #tpu.memory_space<vmem>> -> memref<1x800x16xf32, #tpu.memory_space<vmem>>
    %dma_start3A_609 = tpu.memref_squeeze %dma_start3A_608 : memref<1x800x16xf32, #tpu.memory_space<vmem>> -> memref<800x16xf32, #tpu.memory_space<vmem>>
    tpu.enqueue_dma source(%dma_start3A_609 : memref<800x16xf32, #tpu.memory_space<vmem>>) target(%dma_start3A_605 : memref<800x16xf32, #tpu.memory_space<hbm>>) target_semaphore(%arg8 : memref<!tpu.dma_semaphore, #tpu.memory_space<semaphore_mem>>)
    %dma_start3A_610 = arith.constant 1 : i32
    %dma_start3A_611 = arith.constant 0 : i32
    %dma_start3A_612 = arith.constant 0 : i32
    %dma_start3A_613 = tpu.memref_slice %arg6[%dma_start3A_610, %dma_start3A_611, %dma_start3A_612] : memref<8x800x16xf32, #tpu.memory_space<vmem>> -> memref<1x800x16xf32, #tpu.memory_space<vmem>>
    %dma_start3A_614 = tpu.memref_squeeze %dma_start3A_613 : memref<1x800x16xf32, #tpu.memory_space<vmem>> -> memref<800x16xf32, #tpu.memory_space<vmem>>
    %dma_start3A_615 = arith.constant 16 : i32
    %dma_start3A_616 = tpu.memref_slice %arg4[%add3A_404, %dma_start3A_615] : memref<102400x128xf32, #tpu.memory_space<hbm>> -> memref<800x16xf32, #tpu.memory_space<hbm>>
    %dma_start3A_617 = arith.constant 16 : i32
    %dma_start3A_618 = tpu.memref_slice %arg4[%add3A_404, %dma_start3A_617] : memref<102400x128xf32, #tpu.memory_space<hbm>> -> memref<800x16xf32, #tpu.memory_space<hbm>>
    %dma_start3A_619 = arith.constant 0 : i32
    %dma_start3A_620 = arith.constant 0 : i32
    %dma_start3A_621 = tpu.memref_slice %arg6[%dma_start3A_610, %dma_start3A_619, %dma_start3A_620] : memref<8x800x16xf32, #tpu.memory_space<vmem>> -> memref<1x800x16xf32, #tpu.memory_space<vmem>>
    %dma_start3A_622 = tpu.memref_squeeze %dma_start3A_621 : memref<1x800x16xf32, #tpu.memory_space<vmem>> -> memref<800x16xf32, #tpu.memory_space<vmem>>
    tpu.enqueue_dma source(%dma_start3A_622 : memref<800x16xf32, #tpu.memory_space<vmem>>) target(%dma_start3A_618 : memref<800x16xf32, #tpu.memory_space<hbm>>) target_semaphore(%arg8 : memref<!tpu.dma_semaphore, #tpu.memory_space<semaphore_mem>>)
    %dma_start3A_623 = arith.constant 2 : i32
    %dma_start3A_624 = arith.constant 0 : i32
    %dma_start3A_625 = arith.constant 0 : i32
    %dma_start3A_626 = tpu.memref_slice %arg6[%dma_start3A_623, %dma_start3A_624, %dma_start3A_625] : memref<8x800x16xf32, #tpu.memory_space<vmem>> -> memref<1x800x16xf32, #tpu.memory_space<vmem>>
    %dma_start3A_627 = tpu.memref_squeeze %dma_start3A_626 : memref<1x800x16xf32, #tpu.memory_space<vmem>> -> memref<800x16xf32, #tpu.memory_space<vmem>>
    %dma_start3A_628 = arith.constant 32 : i32
    %dma_start3A_629 = tpu.memref_slice %arg4[%add3A_404, %dma_start3A_628] : memref<102400x128xf32, #tpu.memory_space<hbm>> -> memref<800x16xf32, #tpu.memory_space<hbm>>
    %dma_start3A_630 = arith.constant 32 : i32
    %dma_start3A_631 = tpu.memref_slice %arg4[%add3A_404, %dma_start3A_630] : memref<102400x128xf32, #tpu.memory_space<hbm>> -> memref<800x16xf32, #tpu.memory_space<hbm>>
    %dma_start3A_632 = arith.constant 0 : i32
    %dma_start3A_633 = arith.constant 0 : i32
    %dma_start3A_634 = tpu.memref_slice %arg6[%dma_start3A_623, %dma_start3A_632, %dma_start3A_633] : memref<8x800x16xf32, #tpu.memory_space<vmem>> -> memref<1x800x16xf32, #tpu.memory_space<vmem>>
    %dma_start3A_635 = tpu.memref_squeeze %dma_start3A_634 : memref<1x800x16xf32, #tpu.memory_space<vmem>> -> memref<800x16xf32, #tpu.memory_space<vmem>>
    tpu.enqueue_dma source(%dma_start3A_635 : memref<800x16xf32, #tpu.memory_space<vmem>>) target(%dma_start3A_631 : memref<800x16xf32, #tpu.memory_space<hbm>>) target_semaphore(%arg8 : memref<!tpu.dma_semaphore, #tpu.memory_space<semaphore_mem>>)
    %dma_start3A_636 = arith.constant 3 : i32
    %dma_start3A_637 = arith.constant 0 : i32
    %dma_start3A_638 = arith.constant 0 : i32
    %dma_start3A_639 = tpu.memref_slice %arg6[%dma_start3A_636, %dma_start3A_637, %dma_start3A_638] : memref<8x800x16xf32, #tpu.memory_space<vmem>> -> memref<1x800x16xf32, #tpu.memory_space<vmem>>
    %dma_start3A_640 = tpu.memref_squeeze %dma_start3A_639 : memref<1x800x16xf32, #tpu.memory_space<vmem>> -> memref<800x16xf32, #tpu.memory_space<vmem>>
    %dma_start3A_641 = arith.constant 48 : i32
    %dma_start3A_642 = tpu.memref_slice %arg4[%add3A_404, %dma_start3A_641] : memref<102400x128xf32, #tpu.memory_space<hbm>> -> memref<800x16xf32, #tpu.memory_space<hbm>>
    %dma_start3A_643 = arith.constant 48 : i32
    %dma_start3A_644 = tpu.memref_slice %arg4[%add3A_404, %dma_start3A_643] : memref<102400x128xf32, #tpu.memory_space<hbm>> -> memref<800x16xf32, #tpu.memory_space<hbm>>
    %dma_start3A_645 = arith.constant 0 : i32
    %dma_start3A_646 = arith.constant 0 : i32
    %dma_start3A_647 = tpu.memref_slice %arg6[%dma_start3A_636, %dma_start3A_645, %dma_start3A_646] : memref<8x800x16xf32, #tpu.memory_space<vmem>> -> memref<1x800x16xf32, #tpu.memory_space<vmem>>
    %dma_start3A_648 = tpu.memref_squeeze %dma_start3A_647 : memref<1x800x16xf32, #tpu.memory_space<vmem>> -> memref<800x16xf32, #tpu.memory_space<vmem>>
    tpu.enqueue_dma source(%dma_start3A_648 : memref<800x16xf32, #tpu.memory_space<vmem>>) target(%dma_start3A_644 : memref<800x16xf32, #tpu.memory_space<hbm>>) target_semaphore(%arg8 : memref<!tpu.dma_semaphore, #tpu.memory_space<semaphore_mem>>)
    %dma_start3A_649 = arith.constant 4 : i32
    %dma_start3A_650 = arith.constant 0 : i32
    %dma_start3A_651 = arith.constant 0 : i32
    %dma_start3A_652 = tpu.memref_slice %arg6[%dma_start3A_649, %dma_start3A_650, %dma_start3A_651] : memref<8x800x16xf32, #tpu.memory_space<vmem>> -> memref<1x800x16xf32, #tpu.memory_space<vmem>>
    %dma_start3A_653 = tpu.memref_squeeze %dma_start3A_652 : memref<1x800x16xf32, #tpu.memory_space<vmem>> -> memref<800x16xf32, #tpu.memory_space<vmem>>
    %dma_start3A_654 = arith.constant 64 : i32
    %dma_start3A_655 = tpu.memref_slice %arg4[%add3A_404, %dma_start3A_654] : memref<102400x128xf32, #tpu.memory_space<hbm>> -> memref<800x16xf32, #tpu.memory_space<hbm>>
    %dma_start3A_656 = arith.constant 64 : i32
    %dma_start3A_657 = tpu.memref_slice %arg4[%add3A_404, %dma_start3A_656] : memref<102400x128xf32, #tpu.memory_space<hbm>> -> memref<800x16xf32, #tpu.memory_space<hbm>>
    %dma_start3A_658 = arith.constant 0 : i32
    %dma_start3A_659 = arith.constant 0 : i32
    %dma_start3A_660 = tpu.memref_slice %arg6[%dma_start3A_649, %dma_start3A_658, %dma_start3A_659] : memref<8x800x16xf32, #tpu.memory_space<vmem>> -> memref<1x800x16xf32, #tpu.memory_space<vmem>>
    %dma_start3A_661 = tpu.memref_squeeze %dma_start3A_660 : memref<1x800x16xf32, #tpu.memory_space<vmem>> -> memref<800x16xf32, #tpu.memory_space<vmem>>
    tpu.enqueue_dma source(%dma_start3A_661 : memref<800x16xf32, #tpu.memory_space<vmem>>) target(%dma_start3A_657 : memref<800x16xf32, #tpu.memory_space<hbm>>) target_semaphore(%arg8 : memref<!tpu.dma_semaphore, #tpu.memory_space<semaphore_mem>>)
    %dma_start3A_662 = arith.constant 5 : i32
    %dma_start3A_663 = arith.constant 0 : i32
    %dma_start3A_664 = arith.constant 0 : i32
    %dma_start3A_665 = tpu.memref_slice %arg6[%dma_start3A_662, %dma_start3A_663, %dma_start3A_664] : memref<8x800x16xf32, #tpu.memory_space<vmem>> -> memref<1x800x16xf32, #tpu.memory_space<vmem>>
    %dma_start3A_666 = tpu.memref_squeeze %dma_start3A_665 : memref<1x800x16xf32, #tpu.memory_space<vmem>> -> memref<800x16xf32, #tpu.memory_space<vmem>>
    %dma_start3A_667 = arith.constant 80 : i32
    %dma_start3A_668 = tpu.memref_slice %arg4[%add3A_404, %dma_start3A_667] : memref<102400x128xf32, #tpu.memory_space<hbm>> -> memref<800x16xf32, #tpu.memory_space<hbm>>
    %dma_start3A_669 = arith.constant 80 : i32
    %dma_start3A_670 = tpu.memref_slice %arg4[%add3A_404, %dma_start3A_669] : memref<102400x128xf32, #tpu.memory_space<hbm>> -> memref<800x16xf32, #tpu.memory_space<hbm>>
    %dma_start3A_671 = arith.constant 0 : i32
    %dma_start3A_672 = arith.constant 0 : i32
    %dma_start3A_673 = tpu.memref_slice %arg6[%dma_start3A_662, %dma_start3A_671, %dma_start3A_672] : memref<8x800x16xf32, #tpu.memory_space<vmem>> -> memref<1x800x16xf32, #tpu.memory_space<vmem>>
    %dma_start3A_674 = tpu.memref_squeeze %dma_start3A_673 : memref<1x800x16xf32, #tpu.memory_space<vmem>> -> memref<800x16xf32, #tpu.memory_space<vmem>>
    tpu.enqueue_dma source(%dma_start3A_674 : memref<800x16xf32, #tpu.memory_space<vmem>>) target(%dma_start3A_670 : memref<800x16xf32, #tpu.memory_space<hbm>>) target_semaphore(%arg8 : memref<!tpu.dma_semaphore, #tpu.memory_space<semaphore_mem>>)
    %dma_start3A_675 = arith.constant 6 : i32
    %dma_start3A_676 = arith.constant 0 : i32
    %dma_start3A_677 = arith.constant 0 : i32
    %dma_start3A_678 = tpu.memref_slice %arg6[%dma_start3A_675, %dma_start3A_676, %dma_start3A_677] : memref<8x800x16xf32, #tpu.memory_space<vmem>> -> memref<1x800x16xf32, #tpu.memory_space<vmem>>
    %dma_start3A_679 = tpu.memref_squeeze %dma_start3A_678 : memref<1x800x16xf32, #tpu.memory_space<vmem>> -> memref<800x16xf32, #tpu.memory_space<vmem>>
    %dma_start3A_680 = arith.constant 96 : i32
    %dma_start3A_681 = tpu.memref_slice %arg4[%add3A_404, %dma_start3A_680] : memref<102400x128xf32, #tpu.memory_space<hbm>> -> memref<800x16xf32, #tpu.memory_space<hbm>>
    %dma_start3A_682 = arith.constant 96 : i32
    %dma_start3A_683 = tpu.memref_slice %arg4[%add3A_404, %dma_start3A_682] : memref<102400x128xf32, #tpu.memory_space<hbm>> -> memref<800x16xf32, #tpu.memory_space<hbm>>
    %dma_start3A_684 = arith.constant 0 : i32
    %dma_start3A_685 = arith.constant 0 : i32
    %dma_start3A_686 = tpu.memref_slice %arg6[%dma_start3A_675, %dma_start3A_684, %dma_start3A_685] : memref<8x800x16xf32, #tpu.memory_space<vmem>> -> memref<1x800x16xf32, #tpu.memory_space<vmem>>
    %dma_start3A_687 = tpu.memref_squeeze %dma_start3A_686 : memref<1x800x16xf32, #tpu.memory_space<vmem>> -> memref<800x16xf32, #tpu.memory_space<vmem>>
    tpu.enqueue_dma source(%dma_start3A_687 : memref<800x16xf32, #tpu.memory_space<vmem>>) target(%dma_start3A_683 : memref<800x16xf32, #tpu.memory_space<hbm>>) target_semaphore(%arg8 : memref<!tpu.dma_semaphore, #tpu.memory_space<semaphore_mem>>)
    %dma_start3A_688 = arith.constant 7 : i32
    %dma_start3A_689 = arith.constant 0 : i32
    %dma_start3A_690 = arith.constant 0 : i32
    %dma_start3A_691 = tpu.memref_slice %arg6[%dma_start3A_688, %dma_start3A_689, %dma_start3A_690] : memref<8x800x16xf32, #tpu.memory_space<vmem>> -> memref<1x800x16xf32, #tpu.memory_space<vmem>>
    %dma_start3A_692 = tpu.memref_squeeze %dma_start3A_691 : memref<1x800x16xf32, #tpu.memory_space<vmem>> -> memref<800x16xf32, #tpu.memory_space<vmem>>
    %dma_start3A_693 = arith.constant 112 : i32
    %dma_start3A_694 = tpu.memref_slice %arg4[%add3A_404, %dma_start3A_693] : memref<102400x128xf32, #tpu.memory_space<hbm>> -> memref<800x16xf32, #tpu.memory_space<hbm>>
    %dma_start3A_695 = arith.constant 112 : i32
    %dma_start3A_696 = tpu.memref_slice %arg4[%add3A_404, %dma_start3A_695] : memref<102400x128xf32, #tpu.memory_space<hbm>> -> memref<800x16xf32, #tpu.memory_space<hbm>>
    %dma_start3A_697 = arith.constant 0 : i32
    %dma_start3A_698 = arith.constant 0 : i32
    %dma_start3A_699 = tpu.memref_slice %arg6[%dma_start3A_688, %dma_start3A_697, %dma_start3A_698] : memref<8x800x16xf32, #tpu.memory_space<vmem>> -> memref<1x800x16xf32, #tpu.memory_space<vmem>>
    %dma_start3A_700 = tpu.memref_squeeze %dma_start3A_699 : memref<1x800x16xf32, #tpu.memory_space<vmem>> -> memref<800x16xf32, #tpu.memory_space<vmem>>
    tpu.enqueue_dma source(%dma_start3A_700 : memref<800x16xf32, #tpu.memory_space<vmem>>) target(%dma_start3A_696 : memref<800x16xf32, #tpu.memory_space<hbm>>) target_semaphore(%arg8 : memref<!tpu.dma_semaphore, #tpu.memory_space<semaphore_mem>>)
    %dma_wait3A_701 = arith.constant 0 : i32
    %dma_wait3A_702 = arith.constant 0 : i32
    %dma_wait3A_703 = arith.constant 0 : i32
    %dma_wait3A_704 = tpu.memref_slice %arg6[%dma_wait3A_701, %dma_wait3A_702, %dma_wait3A_703] : memref<8x800x16xf32, #tpu.memory_space<vmem>> -> memref<1x800x16xf32, #tpu.memory_space<vmem>>
    %dma_wait3A_705 = tpu.memref_squeeze %dma_wait3A_704 : memref<1x800x16xf32, #tpu.memory_space<vmem>> -> memref<800x16xf32, #tpu.memory_space<vmem>>
    %dma_wait3A_706 = arith.constant 0 : i32
    %dma_wait3A_707 = tpu.memref_slice %arg4[%add3A_404, %dma_wait3A_706] : memref<102400x128xf32, #tpu.memory_space<hbm>> -> memref<800x16xf32, #tpu.memory_space<hbm>>
    %dma_wait3A_708 = arith.constant 0 : i32
    %dma_wait3A_709 = tpu.memref_slice %arg4[%add3A_404, %dma_wait3A_708] : memref<102400x128xf32, #tpu.memory_space<hbm>> -> memref<800x16xf32, #tpu.memory_space<hbm>>
    %dma_wait3A_710 = arith.constant 0 : i32
    %dma_wait3A_711 = arith.constant 0 : i32
    %dma_wait3A_712 = tpu.memref_slice %arg6[%dma_wait3A_701, %dma_wait3A_710, %dma_wait3A_711] : memref<8x800x16xf32, #tpu.memory_space<vmem>> -> memref<1x800x16xf32, #tpu.memory_space<vmem>>
    %dma_wait3A_713 = tpu.memref_squeeze %dma_wait3A_712 : memref<1x800x16xf32, #tpu.memory_space<vmem>> -> memref<800x16xf32, #tpu.memory_space<vmem>>
    tpu.wait_dma2 semaphore(%arg8 : memref<!tpu.dma_semaphore, #tpu.memory_space<semaphore_mem>>) src(%dma_wait3A_713 : memref<800x16xf32, #tpu.memory_space<vmem>>) dst(%dma_wait3A_709 : memref<800x16xf32, #tpu.memory_space<hbm>>)
    %dma_wait3A_714 = arith.constant 1 : i32
    %dma_wait3A_715 = arith.constant 0 : i32
    %dma_wait3A_716 = arith.constant 0 : i32
    %dma_wait3A_717 = tpu.memref_slice %arg6[%dma_wait3A_714, %dma_wait3A_715, %dma_wait3A_716] : memref<8x800x16xf32, #tpu.memory_space<vmem>> -> memref<1x800x16xf32, #tpu.memory_space<vmem>>
    %dma_wait3A_718 = tpu.memref_squeeze %dma_wait3A_717 : memref<1x800x16xf32, #tpu.memory_space<vmem>> -> memref<800x16xf32, #tpu.memory_space<vmem>>
    %dma_wait3A_719 = arith.constant 16 : i32
    %dma_wait3A_720 = tpu.memref_slice %arg4[%add3A_404, %dma_wait3A_719] : memref<102400x128xf32, #tpu.memory_space<hbm>> -> memref<800x16xf32, #tpu.memory_space<hbm>>
    %dma_wait3A_721 = arith.constant 16 : i32
    %dma_wait3A_722 = tpu.memref_slice %arg4[%add3A_404, %dma_wait3A_721] : memref<102400x128xf32, #tpu.memory_space<hbm>> -> memref<800x16xf32, #tpu.memory_space<hbm>>
    %dma_wait3A_723 = arith.constant 0 : i32
    %dma_wait3A_724 = arith.constant 0 : i32
    %dma_wait3A_725 = tpu.memref_slice %arg6[%dma_wait3A_714, %dma_wait3A_723, %dma_wait3A_724] : memref<8x800x16xf32, #tpu.memory_space<vmem>> -> memref<1x800x16xf32, #tpu.memory_space<vmem>>
    %dma_wait3A_726 = tpu.memref_squeeze %dma_wait3A_725 : memref<1x800x16xf32, #tpu.memory_space<vmem>> -> memref<800x16xf32, #tpu.memory_space<vmem>>
    tpu.wait_dma2 semaphore(%arg8 : memref<!tpu.dma_semaphore, #tpu.memory_space<semaphore_mem>>) src(%dma_wait3A_726 : memref<800x16xf32, #tpu.memory_space<vmem>>) dst(%dma_wait3A_722 : memref<800x16xf32, #tpu.memory_space<hbm>>)
    %dma_wait3A_727 = arith.constant 2 : i32
    %dma_wait3A_728 = arith.constant 0 : i32
    %dma_wait3A_729 = arith.constant 0 : i32
    %dma_wait3A_730 = tpu.memref_slice %arg6[%dma_wait3A_727, %dma_wait3A_728, %dma_wait3A_729] : memref<8x800x16xf32, #tpu.memory_space<vmem>> -> memref<1x800x16xf32, #tpu.memory_space<vmem>>
    %dma_wait3A_731 = tpu.memref_squeeze %dma_wait3A_730 : memref<1x800x16xf32, #tpu.memory_space<vmem>> -> memref<800x16xf32, #tpu.memory_space<vmem>>
    %dma_wait3A_732 = arith.constant 32 : i32
    %dma_wait3A_733 = tpu.memref_slice %arg4[%add3A_404, %dma_wait3A_732] : memref<102400x128xf32, #tpu.memory_space<hbm>> -> memref<800x16xf32, #tpu.memory_space<hbm>>
    %dma_wait3A_734 = arith.constant 32 : i32
    %dma_wait3A_735 = tpu.memref_slice %arg4[%add3A_404, %dma_wait3A_734] : memref<102400x128xf32, #tpu.memory_space<hbm>> -> memref<800x16xf32, #tpu.memory_space<hbm>>
    %dma_wait3A_736 = arith.constant 0 : i32
    %dma_wait3A_737 = arith.constant 0 : i32
    %dma_wait3A_738 = tpu.memref_slice %arg6[%dma_wait3A_727, %dma_wait3A_736, %dma_wait3A_737] : memref<8x800x16xf32, #tpu.memory_space<vmem>> -> memref<1x800x16xf32, #tpu.memory_space<vmem>>
    %dma_wait3A_739 = tpu.memref_squeeze %dma_wait3A_738 : memref<1x800x16xf32, #tpu.memory_space<vmem>> -> memref<800x16xf32, #tpu.memory_space<vmem>>
    tpu.wait_dma2 semaphore(%arg8 : memref<!tpu.dma_semaphore, #tpu.memory_space<semaphore_mem>>) src(%dma_wait3A_739 : memref<800x16xf32, #tpu.memory_space<vmem>>) dst(%dma_wait3A_735 : memref<800x16xf32, #tpu.memory_space<hbm>>)
    %dma_wait3A_740 = arith.constant 3 : i32
    %dma_wait3A_741 = arith.constant 0 : i32
    %dma_wait3A_742 = arith.constant 0 : i32
    %dma_wait3A_743 = tpu.memref_slice %arg6[%dma_wait3A_740, %dma_wait3A_741, %dma_wait3A_742] : memref<8x800x16xf32, #tpu.memory_space<vmem>> -> memref<1x800x16xf32, #tpu.memory_space<vmem>>
    %dma_wait3A_744 = tpu.memref_squeeze %dma_wait3A_743 : memref<1x800x16xf32, #tpu.memory_space<vmem>> -> memref<800x16xf32, #tpu.memory_space<vmem>>
    %dma_wait3A_745 = arith.constant 48 : i32
    %dma_wait3A_746 = tpu.memref_slice %arg4[%add3A_404, %dma_wait3A_745] : memref<102400x128xf32, #tpu.memory_space<hbm>> -> memref<800x16xf32, #tpu.memory_space<hbm>>
    %dma_wait3A_747 = arith.constant 48 : i32
    %dma_wait3A_748 = tpu.memref_slice %arg4[%add3A_404, %dma_wait3A_747] : memref<102400x128xf32, #tpu.memory_space<hbm>> -> memref<800x16xf32, #tpu.memory_space<hbm>>
    %dma_wait3A_749 = arith.constant 0 : i32
    %dma_wait3A_750 = arith.constant 0 : i32
    %dma_wait3A_751 = tpu.memref_slice %arg6[%dma_wait3A_740, %dma_wait3A_749, %dma_wait3A_750] : memref<8x800x16xf32, #tpu.memory_space<vmem>> -> memref<1x800x16xf32, #tpu.memory_space<vmem>>
    %dma_wait3A_752 = tpu.memref_squeeze %dma_wait3A_751 : memref<1x800x16xf32, #tpu.memory_space<vmem>> -> memref<800x16xf32, #tpu.memory_space<vmem>>
    tpu.wait_dma2 semaphore(%arg8 : memref<!tpu.dma_semaphore, #tpu.memory_space<semaphore_mem>>) src(%dma_wait3A_752 : memref<800x16xf32, #tpu.memory_space<vmem>>) dst(%dma_wait3A_748 : memref<800x16xf32, #tpu.memory_space<hbm>>)
    %dma_wait3A_753 = arith.constant 4 : i32
    %dma_wait3A_754 = arith.constant 0 : i32
    %dma_wait3A_755 = arith.constant 0 : i32
    %dma_wait3A_756 = tpu.memref_slice %arg6[%dma_wait3A_753, %dma_wait3A_754, %dma_wait3A_755] : memref<8x800x16xf32, #tpu.memory_space<vmem>> -> memref<1x800x16xf32, #tpu.memory_space<vmem>>
    %dma_wait3A_757 = tpu.memref_squeeze %dma_wait3A_756 : memref<1x800x16xf32, #tpu.memory_space<vmem>> -> memref<800x16xf32, #tpu.memory_space<vmem>>
    %dma_wait3A_758 = arith.constant 64 : i32
    %dma_wait3A_759 = tpu.memref_slice %arg4[%add3A_404, %dma_wait3A_758] : memref<102400x128xf32, #tpu.memory_space<hbm>> -> memref<800x16xf32, #tpu.memory_space<hbm>>
    %dma_wait3A_760 = arith.constant 64 : i32
    %dma_wait3A_761 = tpu.memref_slice %arg4[%add3A_404, %dma_wait3A_760] : memref<102400x128xf32, #tpu.memory_space<hbm>> -> memref<800x16xf32, #tpu.memory_space<hbm>>
    %dma_wait3A_762 = arith.constant 0 : i32
    %dma_wait3A_763 = arith.constant 0 : i32
    %dma_wait3A_764 = tpu.memref_slice %arg6[%dma_wait3A_753, %dma_wait3A_762, %dma_wait3A_763] : memref<8x800x16xf32, #tpu.memory_space<vmem>> -> memref<1x800x16xf32, #tpu.memory_space<vmem>>
    %dma_wait3A_765 = tpu.memref_squeeze %dma_wait3A_764 : memref<1x800x16xf32, #tpu.memory_space<vmem>> -> memref<800x16xf32, #tpu.memory_space<vmem>>
    tpu.wait_dma2 semaphore(%arg8 : memref<!tpu.dma_semaphore, #tpu.memory_space<semaphore_mem>>) src(%dma_wait3A_765 : memref<800x16xf32, #tpu.memory_space<vmem>>) dst(%dma_wait3A_761 : memref<800x16xf32, #tpu.memory_space<hbm>>)
    %dma_wait3A_766 = arith.constant 5 : i32
    %dma_wait3A_767 = arith.constant 0 : i32
    %dma_wait3A_768 = arith.constant 0 : i32
    %dma_wait3A_769 = tpu.memref_slice %arg6[%dma_wait3A_766, %dma_wait3A_767, %dma_wait3A_768] : memref<8x800x16xf32, #tpu.memory_space<vmem>> -> memref<1x800x16xf32, #tpu.memory_space<vmem>>
    %dma_wait3A_770 = tpu.memref_squeeze %dma_wait3A_769 : memref<1x800x16xf32, #tpu.memory_space<vmem>> -> memref<800x16xf32, #tpu.memory_space<vmem>>
    %dma_wait3A_771 = arith.constant 80 : i32
    %dma_wait3A_772 = tpu.memref_slice %arg4[%add3A_404, %dma_wait3A_771] : memref<102400x128xf32, #tpu.memory_space<hbm>> -> memref<800x16xf32, #tpu.memory_space<hbm>>
    %dma_wait3A_773 = arith.constant 80 : i32
    %dma_wait3A_774 = tpu.memref_slice %arg4[%add3A_404, %dma_wait3A_773] : memref<102400x128xf32, #tpu.memory_space<hbm>> -> memref<800x16xf32, #tpu.memory_space<hbm>>
    %dma_wait3A_775 = arith.constant 0 : i32
    %dma_wait3A_776 = arith.constant 0 : i32
    %dma_wait3A_777 = tpu.memref_slice %arg6[%dma_wait3A_766, %dma_wait3A_775, %dma_wait3A_776] : memref<8x800x16xf32, #tpu.memory_space<vmem>> -> memref<1x800x16xf32, #tpu.memory_space<vmem>>
    %dma_wait3A_778 = tpu.memref_squeeze %dma_wait3A_777 : memref<1x800x16xf32, #tpu.memory_space<vmem>> -> memref<800x16xf32, #tpu.memory_space<vmem>>
    tpu.wait_dma2 semaphore(%arg8 : memref<!tpu.dma_semaphore, #tpu.memory_space<semaphore_mem>>) src(%dma_wait3A_778 : memref<800x16xf32, #tpu.memory_space<vmem>>) dst(%dma_wait3A_774 : memref<800x16xf32, #tpu.memory_space<hbm>>)
    %dma_wait3A_779 = arith.constant 6 : i32
    %dma_wait3A_780 = arith.constant 0 : i32
    %dma_wait3A_781 = arith.constant 0 : i32
    %dma_wait3A_782 = tpu.memref_slice %arg6[%dma_wait3A_779, %dma_wait3A_780, %dma_wait3A_781] : memref<8x800x16xf32, #tpu.memory_space<vmem>> -> memref<1x800x16xf32, #tpu.memory_space<vmem>>
    %dma_wait3A_783 = tpu.memref_squeeze %dma_wait3A_782 : memref<1x800x16xf32, #tpu.memory_space<vmem>> -> memref<800x16xf32, #tpu.memory_space<vmem>>
    %dma_wait3A_784 = arith.constant 96 : i32
    %dma_wait3A_785 = tpu.memref_slice %arg4[%add3A_404, %dma_wait3A_784] : memref<102400x128xf32, #tpu.memory_space<hbm>> -> memref<800x16xf32, #tpu.memory_space<hbm>>
    %dma_wait3A_786 = arith.constant 96 : i32
    %dma_wait3A_787 = tpu.memref_slice %arg4[%add3A_404, %dma_wait3A_786] : memref<102400x128xf32, #tpu.memory_space<hbm>> -> memref<800x16xf32, #tpu.memory_space<hbm>>
    %dma_wait3A_788 = arith.constant 0 : i32
    %dma_wait3A_789 = arith.constant 0 : i32
    %dma_wait3A_790 = tpu.memref_slice %arg6[%dma_wait3A_779, %dma_wait3A_788, %dma_wait3A_789] : memref<8x800x16xf32, #tpu.memory_space<vmem>> -> memref<1x800x16xf32, #tpu.memory_space<vmem>>
    %dma_wait3A_791 = tpu.memref_squeeze %dma_wait3A_790 : memref<1x800x16xf32, #tpu.memory_space<vmem>> -> memref<800x16xf32, #tpu.memory_space<vmem>>
    tpu.wait_dma2 semaphore(%arg8 : memref<!tpu.dma_semaphore, #tpu.memory_space<semaphore_mem>>) src(%dma_wait3A_791 : memref<800x16xf32, #tpu.memory_space<vmem>>) dst(%dma_wait3A_787 : memref<800x16xf32, #tpu.memory_space<hbm>>)
    %dma_wait3A_792 = arith.constant 7 : i32
    %dma_wait3A_793 = arith.constant 0 : i32
    %dma_wait3A_794 = arith.constant 0 : i32
    %dma_wait3A_795 = tpu.memref_slice %arg6[%dma_wait3A_792, %dma_wait3A_793, %dma_wait3A_794] : memref<8x800x16xf32, #tpu.memory_space<vmem>> -> memref<1x800x16xf32, #tpu.memory_space<vmem>>
    %dma_wait3A_796 = tpu.memref_squeeze %dma_wait3A_795 : memref<1x800x16xf32, #tpu.memory_space<vmem>> -> memref<800x16xf32, #tpu.memory_space<vmem>>
    %dma_wait3A_797 = arith.constant 112 : i32
    %dma_wait3A_798 = tpu.memref_slice %arg4[%add3A_404, %dma_wait3A_797] : memref<102400x128xf32, #tpu.memory_space<hbm>> -> memref<800x16xf32, #tpu.memory_space<hbm>>
    %dma_wait3A_799 = arith.constant 112 : i32
    %dma_wait3A_800 = tpu.memref_slice %arg4[%add3A_404, %dma_wait3A_799] : memref<102400x128xf32, #tpu.memory_space<hbm>> -> memref<800x16xf32, #tpu.memory_space<hbm>>
    %dma_wait3A_801 = arith.constant 0 : i32
    %dma_wait3A_802 = arith.constant 0 : i32
    %dma_wait3A_803 = tpu.memref_slice %arg6[%dma_wait3A_792, %dma_wait3A_801, %dma_wait3A_802] : memref<8x800x16xf32, #tpu.memory_space<vmem>> -> memref<1x800x16xf32, #tpu.memory_space<vmem>>
    %dma_wait3A_804 = tpu.memref_squeeze %dma_wait3A_803 : memref<1x800x16xf32, #tpu.memory_space<vmem>> -> memref<800x16xf32, #tpu.memory_space<vmem>>
    tpu.wait_dma2 semaphore(%arg8 : memref<!tpu.dma_semaphore, #tpu.memory_space<semaphore_mem>>) src(%dma_wait3A_804 : memref<800x16xf32, #tpu.memory_space<vmem>>) dst(%dma_wait3A_800 : memref<800x16xf32, #tpu.memory_space<hbm>>)
    %add3A_805 = arith.constant 1600 : i32
    %add3A_806 = arith.addi %mul3A_2, %add3A_805 : i32
    "tpu.region"() ({
      %run_scoped3A = tpu.sem_alloc : memref<!tpu.dma_semaphore, #tpu.memory_space<semaphore_mem>>
      %dma_start3A_1609 = arith.constant 0 : i32
      %dma_start3A_1610 = tpu.memref_slice %arg3[%dma_start3A_1609, %add3A_806] : memref<8x102400xi32, #tpu.memory_space<hbm>> -> memref<8x800xi32, #tpu.memory_space<hbm>>
      %dma_start3A_1611 = arith.constant 0 : i32
      %dma_start3A_1612 = tpu.memref_slice %arg3[%dma_start3A_1611, %add3A_806] : memref<8x102400xi32, #tpu.memory_space<hbm>> -> memref<8x800xi32, #tpu.memory_space<hbm>>
      tpu.enqueue_dma source(%dma_start3A_1612 : memref<8x800xi32, #tpu.memory_space<hbm>>) target(%arg5 : memref<8x800xi32, #tpu.memory_space<vmem>>) target_semaphore(%run_scoped3A : memref<!tpu.dma_semaphore, #tpu.memory_space<semaphore_mem>>)
      %dma_wait3A_1613 = arith.constant 0 : i32
      %dma_wait3A_1614 = tpu.memref_slice %arg3[%dma_wait3A_1613, %add3A_806] : memref<8x102400xi32, #tpu.memory_space<hbm>> -> memref<8x800xi32, #tpu.memory_space<hbm>>
      %dma_wait3A_1615 = arith.constant 0 : i32
      %dma_wait3A_1616 = tpu.memref_slice %arg3[%dma_wait3A_1615, %add3A_806] : memref<8x102400xi32, #tpu.memory_space<hbm>> -> memref<8x800xi32, #tpu.memory_space<hbm>>
      tpu.wait_dma2 semaphore(%run_scoped3A : memref<!tpu.dma_semaphore, #tpu.memory_space<semaphore_mem>>) src(%dma_wait3A_1616 : memref<8x800xi32, #tpu.memory_space<hbm>>) dst(%arg5 : memref<8x800xi32, #tpu.memory_space<vmem>>)
      tpu.yield
    }) : () -> ()
    %dma_start3A_807 = arith.constant 0 : i32
    %dma_start3A_808 = arith.constant 0 : i32
    %dma_start3A_809 = arith.constant 0 : i32
    %dma_start3A_810 = arith.constant 0 : i32
    %dma_start3A_811 = tpu.memref_slice %arg6[%dma_start3A_808, %dma_start3A_809, %dma_start3A_810] : memref<8x800x16xf32, #tpu.memory_space<vmem>> -> memref<1x800x16xf32, #tpu.memory_space<vmem>>
    %dma_start3A_812 = tpu.memref_squeeze %dma_start3A_811 : memref<1x800x16xf32, #tpu.memory_space<vmem>> -> memref<800x16xf32, #tpu.memory_space<vmem>>
    %dma_start3A_813 = arith.constant 0 : i32
    %dma_start3A_814 = tpu.memref_slice %arg5[%dma_start3A_807, %dma_start3A_813] : memref<8x800xi32, #tpu.memory_space<vmem>> -> memref<1x800xi32, #tpu.memory_space<vmem>>
    %dma_start3A_815 = tpu.memref_squeeze %dma_start3A_814 : memref<1x800xi32, #tpu.memory_space<vmem>> -> memref<800xi32, #tpu.memory_space<vmem>>
    %dma_start3A_816 = arith.constant 0 : i32
    %dma_start3A_817 = arith.constant 0 : i32
    %dma_start3A_818 = tpu.memref_slice %arg2[%dma_start3A_816, %dma_start3A_817] : memref<1000000x16xf32, #tpu.memory_space<hbm>> -> memref<1000000x16xf32, #tpu.memory_space<hbm>>
    tpu.enqueue_indirect_dma source(%dma_start3A_818 : memref<1000000x16xf32, #tpu.memory_space<hbm>>) target(%dma_start3A_812 : memref<800x16xf32, #tpu.memory_space<vmem>>) offsets(%dma_start3A_815 : memref<800xi32, #tpu.memory_space<vmem>>) semaphore(%arg7 : memref<!tpu.dma_semaphore, #tpu.memory_space<semaphore_mem>>)
    %dma_start3A_819 = arith.constant 1 : i32
    %dma_start3A_820 = arith.constant 1 : i32
    %dma_start3A_821 = arith.constant 0 : i32
    %dma_start3A_822 = arith.constant 0 : i32
    %dma_start3A_823 = tpu.memref_slice %arg6[%dma_start3A_820, %dma_start3A_821, %dma_start3A_822] : memref<8x800x16xf32, #tpu.memory_space<vmem>> -> memref<1x800x16xf32, #tpu.memory_space<vmem>>
    %dma_start3A_824 = tpu.memref_squeeze %dma_start3A_823 : memref<1x800x16xf32, #tpu.memory_space<vmem>> -> memref<800x16xf32, #tpu.memory_space<vmem>>
    %dma_start3A_825 = arith.constant 0 : i32
    %dma_start3A_826 = tpu.memref_slice %arg5[%dma_start3A_819, %dma_start3A_825] : memref<8x800xi32, #tpu.memory_space<vmem>> -> memref<1x800xi32, #tpu.memory_space<vmem>>
    %dma_start3A_827 = tpu.memref_squeeze %dma_start3A_826 : memref<1x800xi32, #tpu.memory_space<vmem>> -> memref<800xi32, #tpu.memory_space<vmem>>
    %dma_start3A_828 = arith.constant 0 : i32
    %dma_start3A_829 = arith.constant 0 : i32
    %dma_start3A_830 = tpu.memref_slice %arg2[%dma_start3A_828, %dma_start3A_829] : memref<1000000x16xf32, #tpu.memory_space<hbm>> -> memref<1000000x16xf32, #tpu.memory_space<hbm>>
    tpu.enqueue_indirect_dma source(%dma_start3A_830 : memref<1000000x16xf32, #tpu.memory_space<hbm>>) target(%dma_start3A_824 : memref<800x16xf32, #tpu.memory_space<vmem>>) offsets(%dma_start3A_827 : memref<800xi32, #tpu.memory_space<vmem>>) semaphore(%arg7 : memref<!tpu.dma_semaphore, #tpu.memory_space<semaphore_mem>>)
    %dma_start3A_831 = arith.constant 2 : i32
    %dma_start3A_832 = arith.constant 2 : i32
    %dma_start3A_833 = arith.constant 0 : i32
    %dma_start3A_834 = arith.constant 0 : i32
    %dma_start3A_835 = tpu.memref_slice %arg6[%dma_start3A_832, %dma_start3A_833, %dma_start3A_834] : memref<8x800x16xf32, #tpu.memory_space<vmem>> -> memref<1x800x16xf32, #tpu.memory_space<vmem>>
    %dma_start3A_836 = tpu.memref_squeeze %dma_start3A_835 : memref<1x800x16xf32, #tpu.memory_space<vmem>> -> memref<800x16xf32, #tpu.memory_space<vmem>>
    %dma_start3A_837 = arith.constant 0 : i32
    %dma_start3A_838 = tpu.memref_slice %arg5[%dma_start3A_831, %dma_start3A_837] : memref<8x800xi32, #tpu.memory_space<vmem>> -> memref<1x800xi32, #tpu.memory_space<vmem>>
    %dma_start3A_839 = tpu.memref_squeeze %dma_start3A_838 : memref<1x800xi32, #tpu.memory_space<vmem>> -> memref<800xi32, #tpu.memory_space<vmem>>
    %dma_start3A_840 = arith.constant 0 : i32
    %dma_start3A_841 = arith.constant 0 : i32
    %dma_start3A_842 = tpu.memref_slice %arg2[%dma_start3A_840, %dma_start3A_841] : memref<1000000x16xf32, #tpu.memory_space<hbm>> -> memref<1000000x16xf32, #tpu.memory_space<hbm>>
    tpu.enqueue_indirect_dma source(%dma_start3A_842 : memref<1000000x16xf32, #tpu.memory_space<hbm>>) target(%dma_start3A_836 : memref<800x16xf32, #tpu.memory_space<vmem>>) offsets(%dma_start3A_839 : memref<800xi32, #tpu.memory_space<vmem>>) semaphore(%arg7 : memref<!tpu.dma_semaphore, #tpu.memory_space<semaphore_mem>>)
    %dma_start3A_843 = arith.constant 3 : i32
    %dma_start3A_844 = arith.constant 3 : i32
    %dma_start3A_845 = arith.constant 0 : i32
    %dma_start3A_846 = arith.constant 0 : i32
    %dma_start3A_847 = tpu.memref_slice %arg6[%dma_start3A_844, %dma_start3A_845, %dma_start3A_846] : memref<8x800x16xf32, #tpu.memory_space<vmem>> -> memref<1x800x16xf32, #tpu.memory_space<vmem>>
    %dma_start3A_848 = tpu.memref_squeeze %dma_start3A_847 : memref<1x800x16xf32, #tpu.memory_space<vmem>> -> memref<800x16xf32, #tpu.memory_space<vmem>>
    %dma_start3A_849 = arith.constant 0 : i32
    %dma_start3A_850 = tpu.memref_slice %arg5[%dma_start3A_843, %dma_start3A_849] : memref<8x800xi32, #tpu.memory_space<vmem>> -> memref<1x800xi32, #tpu.memory_space<vmem>>
    %dma_start3A_851 = tpu.memref_squeeze %dma_start3A_850 : memref<1x800xi32, #tpu.memory_space<vmem>> -> memref<800xi32, #tpu.memory_space<vmem>>
    %dma_start3A_852 = arith.constant 0 : i32
    %dma_start3A_853 = arith.constant 0 : i32
    %dma_start3A_854 = tpu.memref_slice %arg2[%dma_start3A_852, %dma_start3A_853] : memref<1000000x16xf32, #tpu.memory_space<hbm>> -> memref<1000000x16xf32, #tpu.memory_space<hbm>>
    tpu.enqueue_indirect_dma source(%dma_start3A_854 : memref<1000000x16xf32, #tpu.memory_space<hbm>>) target(%dma_start3A_848 : memref<800x16xf32, #tpu.memory_space<vmem>>) offsets(%dma_start3A_851 : memref<800xi32, #tpu.memory_space<vmem>>) semaphore(%arg7 : memref<!tpu.dma_semaphore, #tpu.memory_space<semaphore_mem>>)
    %dma_start3A_855 = arith.constant 4 : i32
    %dma_start3A_856 = arith.constant 4 : i32
    %dma_start3A_857 = arith.constant 0 : i32
    %dma_start3A_858 = arith.constant 0 : i32
    %dma_start3A_859 = tpu.memref_slice %arg6[%dma_start3A_856, %dma_start3A_857, %dma_start3A_858] : memref<8x800x16xf32, #tpu.memory_space<vmem>> -> memref<1x800x16xf32, #tpu.memory_space<vmem>>
    %dma_start3A_860 = tpu.memref_squeeze %dma_start3A_859 : memref<1x800x16xf32, #tpu.memory_space<vmem>> -> memref<800x16xf32, #tpu.memory_space<vmem>>
    %dma_start3A_861 = arith.constant 0 : i32
    %dma_start3A_862 = tpu.memref_slice %arg5[%dma_start3A_855, %dma_start3A_861] : memref<8x800xi32, #tpu.memory_space<vmem>> -> memref<1x800xi32, #tpu.memory_space<vmem>>
    %dma_start3A_863 = tpu.memref_squeeze %dma_start3A_862 : memref<1x800xi32, #tpu.memory_space<vmem>> -> memref<800xi32, #tpu.memory_space<vmem>>
    %dma_start3A_864 = arith.constant 0 : i32
    %dma_start3A_865 = arith.constant 0 : i32
    %dma_start3A_866 = tpu.memref_slice %arg2[%dma_start3A_864, %dma_start3A_865] : memref<1000000x16xf32, #tpu.memory_space<hbm>> -> memref<1000000x16xf32, #tpu.memory_space<hbm>>
    tpu.enqueue_indirect_dma source(%dma_start3A_866 : memref<1000000x16xf32, #tpu.memory_space<hbm>>) target(%dma_start3A_860 : memref<800x16xf32, #tpu.memory_space<vmem>>) offsets(%dma_start3A_863 : memref<800xi32, #tpu.memory_space<vmem>>) semaphore(%arg7 : memref<!tpu.dma_semaphore, #tpu.memory_space<semaphore_mem>>)
    %dma_start3A_867 = arith.constant 5 : i32
    %dma_start3A_868 = arith.constant 5 : i32
    %dma_start3A_869 = arith.constant 0 : i32
    %dma_start3A_870 = arith.constant 0 : i32
    %dma_start3A_871 = tpu.memref_slice %arg6[%dma_start3A_868, %dma_start3A_869, %dma_start3A_870] : memref<8x800x16xf32, #tpu.memory_space<vmem>> -> memref<1x800x16xf32, #tpu.memory_space<vmem>>
    %dma_start3A_872 = tpu.memref_squeeze %dma_start3A_871 : memref<1x800x16xf32, #tpu.memory_space<vmem>> -> memref<800x16xf32, #tpu.memory_space<vmem>>
    %dma_start3A_873 = arith.constant 0 : i32
    %dma_start3A_874 = tpu.memref_slice %arg5[%dma_start3A_867, %dma_start3A_873] : memref<8x800xi32, #tpu.memory_space<vmem>> -> memref<1x800xi32, #tpu.memory_space<vmem>>
    %dma_start3A_875 = tpu.memref_squeeze %dma_start3A_874 : memref<1x800xi32, #tpu.memory_space<vmem>> -> memref<800xi32, #tpu.memory_space<vmem>>
    %dma_start3A_876 = arith.constant 0 : i32
    %dma_start3A_877 = arith.constant 0 : i32
    %dma_start3A_878 = tpu.memref_slice %arg2[%dma_start3A_876, %dma_start3A_877] : memref<1000000x16xf32, #tpu.memory_space<hbm>> -> memref<1000000x16xf32, #tpu.memory_space<hbm>>
    tpu.enqueue_indirect_dma source(%dma_start3A_878 : memref<1000000x16xf32, #tpu.memory_space<hbm>>) target(%dma_start3A_872 : memref<800x16xf32, #tpu.memory_space<vmem>>) offsets(%dma_start3A_875 : memref<800xi32, #tpu.memory_space<vmem>>) semaphore(%arg7 : memref<!tpu.dma_semaphore, #tpu.memory_space<semaphore_mem>>)
    %dma_start3A_879 = arith.constant 6 : i32
    %dma_start3A_880 = arith.constant 6 : i32
    %dma_start3A_881 = arith.constant 0 : i32
    %dma_start3A_882 = arith.constant 0 : i32
    %dma_start3A_883 = tpu.memref_slice %arg6[%dma_start3A_880, %dma_start3A_881, %dma_start3A_882] : memref<8x800x16xf32, #tpu.memory_space<vmem>> -> memref<1x800x16xf32, #tpu.memory_space<vmem>>
    %dma_start3A_884 = tpu.memref_squeeze %dma_start3A_883 : memref<1x800x16xf32, #tpu.memory_space<vmem>> -> memref<800x16xf32, #tpu.memory_space<vmem>>
    %dma_start3A_885 = arith.constant 0 : i32
    %dma_start3A_886 = tpu.memref_slice %arg5[%dma_start3A_879, %dma_start3A_885] : memref<8x800xi32, #tpu.memory_space<vmem>> -> memref<1x800xi32, #tpu.memory_space<vmem>>
    %dma_start3A_887 = tpu.memref_squeeze %dma_start3A_886 : memref<1x800xi32, #tpu.memory_space<vmem>> -> memref<800xi32, #tpu.memory_space<vmem>>
    %dma_start3A_888 = arith.constant 0 : i32
    %dma_start3A_889 = arith.constant 0 : i32
    %dma_start3A_890 = tpu.memref_slice %arg2[%dma_start3A_888, %dma_start3A_889] : memref<1000000x16xf32, #tpu.memory_space<hbm>> -> memref<1000000x16xf32, #tpu.memory_space<hbm>>
    tpu.enqueue_indirect_dma source(%dma_start3A_890 : memref<1000000x16xf32, #tpu.memory_space<hbm>>) target(%dma_start3A_884 : memref<800x16xf32, #tpu.memory_space<vmem>>) offsets(%dma_start3A_887 : memref<800xi32, #tpu.memory_space<vmem>>) semaphore(%arg7 : memref<!tpu.dma_semaphore, #tpu.memory_space<semaphore_mem>>)
    %dma_start3A_891 = arith.constant 7 : i32
    %dma_start3A_892 = arith.constant 7 : i32
    %dma_start3A_893 = arith.constant 0 : i32
    %dma_start3A_894 = arith.constant 0 : i32
    %dma_start3A_895 = tpu.memref_slice %arg6[%dma_start3A_892, %dma_start3A_893, %dma_start3A_894] : memref<8x800x16xf32, #tpu.memory_space<vmem>> -> memref<1x800x16xf32, #tpu.memory_space<vmem>>
    %dma_start3A_896 = tpu.memref_squeeze %dma_start3A_895 : memref<1x800x16xf32, #tpu.memory_space<vmem>> -> memref<800x16xf32, #tpu.memory_space<vmem>>
    %dma_start3A_897 = arith.constant 0 : i32
    %dma_start3A_898 = tpu.memref_slice %arg5[%dma_start3A_891, %dma_start3A_897] : memref<8x800xi32, #tpu.memory_space<vmem>> -> memref<1x800xi32, #tpu.memory_space<vmem>>
    %dma_start3A_899 = tpu.memref_squeeze %dma_start3A_898 : memref<1x800xi32, #tpu.memory_space<vmem>> -> memref<800xi32, #tpu.memory_space<vmem>>
    %dma_start3A_900 = arith.constant 0 : i32
    %dma_start3A_901 = arith.constant 0 : i32
    %dma_start3A_902 = tpu.memref_slice %arg2[%dma_start3A_900, %dma_start3A_901] : memref<1000000x16xf32, #tpu.memory_space<hbm>> -> memref<1000000x16xf32, #tpu.memory_space<hbm>>
    tpu.enqueue_indirect_dma source(%dma_start3A_902 : memref<1000000x16xf32, #tpu.memory_space<hbm>>) target(%dma_start3A_896 : memref<800x16xf32, #tpu.memory_space<vmem>>) offsets(%dma_start3A_899 : memref<800xi32, #tpu.memory_space<vmem>>) semaphore(%arg7 : memref<!tpu.dma_semaphore, #tpu.memory_space<semaphore_mem>>)
    %dma_wait3A_903 = arith.constant 0 : i32
    %dma_wait3A_904 = arith.constant 0 : i32
    %dma_wait3A_905 = arith.constant 0 : i32
    %dma_wait3A_906 = arith.constant 0 : i32
    %dma_wait3A_907 = tpu.memref_slice %arg6[%dma_wait3A_904, %dma_wait3A_905, %dma_wait3A_906] : memref<8x800x16xf32, #tpu.memory_space<vmem>> -> memref<1x800x16xf32, #tpu.memory_space<vmem>>
    %dma_wait3A_908 = tpu.memref_squeeze %dma_wait3A_907 : memref<1x800x16xf32, #tpu.memory_space<vmem>> -> memref<800x16xf32, #tpu.memory_space<vmem>>
    %dma_wait3A_909 = arith.constant 0 : i32
    %dma_wait3A_910 = tpu.memref_slice %arg5[%dma_wait3A_903, %dma_wait3A_909] : memref<8x800xi32, #tpu.memory_space<vmem>> -> memref<1x800xi32, #tpu.memory_space<vmem>>
    %dma_wait3A_911 = tpu.memref_squeeze %dma_wait3A_910 : memref<1x800xi32, #tpu.memory_space<vmem>> -> memref<800xi32, #tpu.memory_space<vmem>>
    %dma_wait3A_912 = arith.constant 0 : i32
    %dma_wait3A_913 = arith.constant 0 : i32
    %dma_wait3A_914 = tpu.memref_slice %arg2[%dma_wait3A_912, %dma_wait3A_913] : memref<1000000x16xf32, #tpu.memory_space<hbm>> -> memref<1000000x16xf32, #tpu.memory_space<hbm>>
    tpu.wait_indirect_dma semaphore(%arg7 : memref<!tpu.dma_semaphore, #tpu.memory_space<semaphore_mem>>) src(%dma_wait3A_914 : memref<1000000x16xf32, #tpu.memory_space<hbm>>) dst(%dma_wait3A_908 : memref<800x16xf32, #tpu.memory_space<vmem>>)
    %dma_wait3A_915 = arith.constant 1 : i32
    %dma_wait3A_916 = arith.constant 1 : i32
    %dma_wait3A_917 = arith.constant 0 : i32
    %dma_wait3A_918 = arith.constant 0 : i32
    %dma_wait3A_919 = tpu.memref_slice %arg6[%dma_wait3A_916, %dma_wait3A_917, %dma_wait3A_918] : memref<8x800x16xf32, #tpu.memory_space<vmem>> -> memref<1x800x16xf32, #tpu.memory_space<vmem>>
    %dma_wait3A_920 = tpu.memref_squeeze %dma_wait3A_919 : memref<1x800x16xf32, #tpu.memory_space<vmem>> -> memref<800x16xf32, #tpu.memory_space<vmem>>
    %dma_wait3A_921 = arith.constant 0 : i32
    %dma_wait3A_922 = tpu.memref_slice %arg5[%dma_wait3A_915, %dma_wait3A_921] : memref<8x800xi32, #tpu.memory_space<vmem>> -> memref<1x800xi32, #tpu.memory_space<vmem>>
    %dma_wait3A_923 = tpu.memref_squeeze %dma_wait3A_922 : memref<1x800xi32, #tpu.memory_space<vmem>> -> memref<800xi32, #tpu.memory_space<vmem>>
    %dma_wait3A_924 = arith.constant 0 : i32
    %dma_wait3A_925 = arith.constant 0 : i32
    %dma_wait3A_926 = tpu.memref_slice %arg2[%dma_wait3A_924, %dma_wait3A_925] : memref<1000000x16xf32, #tpu.memory_space<hbm>> -> memref<1000000x16xf32, #tpu.memory_space<hbm>>
    tpu.wait_indirect_dma semaphore(%arg7 : memref<!tpu.dma_semaphore, #tpu.memory_space<semaphore_mem>>) src(%dma_wait3A_926 : memref<1000000x16xf32, #tpu.memory_space<hbm>>) dst(%dma_wait3A_920 : memref<800x16xf32, #tpu.memory_space<vmem>>)
    %dma_wait3A_927 = arith.constant 2 : i32
    %dma_wait3A_928 = arith.constant 2 : i32
    %dma_wait3A_929 = arith.constant 0 : i32
    %dma_wait3A_930 = arith.constant 0 : i32
    %dma_wait3A_931 = tpu.memref_slice %arg6[%dma_wait3A_928, %dma_wait3A_929, %dma_wait3A_930] : memref<8x800x16xf32, #tpu.memory_space<vmem>> -> memref<1x800x16xf32, #tpu.memory_space<vmem>>
    %dma_wait3A_932 = tpu.memref_squeeze %dma_wait3A_931 : memref<1x800x16xf32, #tpu.memory_space<vmem>> -> memref<800x16xf32, #tpu.memory_space<vmem>>
    %dma_wait3A_933 = arith.constant 0 : i32
    %dma_wait3A_934 = tpu.memref_slice %arg5[%dma_wait3A_927, %dma_wait3A_933] : memref<8x800xi32, #tpu.memory_space<vmem>> -> memref<1x800xi32, #tpu.memory_space<vmem>>
    %dma_wait3A_935 = tpu.memref_squeeze %dma_wait3A_934 : memref<1x800xi32, #tpu.memory_space<vmem>> -> memref<800xi32, #tpu.memory_space<vmem>>
    %dma_wait3A_936 = arith.constant 0 : i32
    %dma_wait3A_937 = arith.constant 0 : i32
    %dma_wait3A_938 = tpu.memref_slice %arg2[%dma_wait3A_936, %dma_wait3A_937] : memref<1000000x16xf32, #tpu.memory_space<hbm>> -> memref<1000000x16xf32, #tpu.memory_space<hbm>>
    tpu.wait_indirect_dma semaphore(%arg7 : memref<!tpu.dma_semaphore, #tpu.memory_space<semaphore_mem>>) src(%dma_wait3A_938 : memref<1000000x16xf32, #tpu.memory_space<hbm>>) dst(%dma_wait3A_932 : memref<800x16xf32, #tpu.memory_space<vmem>>)
    %dma_wait3A_939 = arith.constant 3 : i32
    %dma_wait3A_940 = arith.constant 3 : i32
    %dma_wait3A_941 = arith.constant 0 : i32
    %dma_wait3A_942 = arith.constant 0 : i32
    %dma_wait3A_943 = tpu.memref_slice %arg6[%dma_wait3A_940, %dma_wait3A_941, %dma_wait3A_942] : memref<8x800x16xf32, #tpu.memory_space<vmem>> -> memref<1x800x16xf32, #tpu.memory_space<vmem>>
    %dma_wait3A_944 = tpu.memref_squeeze %dma_wait3A_943 : memref<1x800x16xf32, #tpu.memory_space<vmem>> -> memref<800x16xf32, #tpu.memory_space<vmem>>
    %dma_wait3A_945 = arith.constant 0 : i32
    %dma_wait3A_946 = tpu.memref_slice %arg5[%dma_wait3A_939, %dma_wait3A_945] : memref<8x800xi32, #tpu.memory_space<vmem>> -> memref<1x800xi32, #tpu.memory_space<vmem>>
    %dma_wait3A_947 = tpu.memref_squeeze %dma_wait3A_946 : memref<1x800xi32, #tpu.memory_space<vmem>> -> memref<800xi32, #tpu.memory_space<vmem>>
    %dma_wait3A_948 = arith.constant 0 : i32
    %dma_wait3A_949 = arith.constant 0 : i32
    %dma_wait3A_950 = tpu.memref_slice %arg2[%dma_wait3A_948, %dma_wait3A_949] : memref<1000000x16xf32, #tpu.memory_space<hbm>> -> memref<1000000x16xf32, #tpu.memory_space<hbm>>
    tpu.wait_indirect_dma semaphore(%arg7 : memref<!tpu.dma_semaphore, #tpu.memory_space<semaphore_mem>>) src(%dma_wait3A_950 : memref<1000000x16xf32, #tpu.memory_space<hbm>>) dst(%dma_wait3A_944 : memref<800x16xf32, #tpu.memory_space<vmem>>)
    %dma_wait3A_951 = arith.constant 4 : i32
    %dma_wait3A_952 = arith.constant 4 : i32
    %dma_wait3A_953 = arith.constant 0 : i32
    %dma_wait3A_954 = arith.constant 0 : i32
    %dma_wait3A_955 = tpu.memref_slice %arg6[%dma_wait3A_952, %dma_wait3A_953, %dma_wait3A_954] : memref<8x800x16xf32, #tpu.memory_space<vmem>> -> memref<1x800x16xf32, #tpu.memory_space<vmem>>
    %dma_wait3A_956 = tpu.memref_squeeze %dma_wait3A_955 : memref<1x800x16xf32, #tpu.memory_space<vmem>> -> memref<800x16xf32, #tpu.memory_space<vmem>>
    %dma_wait3A_957 = arith.constant 0 : i32
    %dma_wait3A_958 = tpu.memref_slice %arg5[%dma_wait3A_951, %dma_wait3A_957] : memref<8x800xi32, #tpu.memory_space<vmem>> -> memref<1x800xi32, #tpu.memory_space<vmem>>
    %dma_wait3A_959 = tpu.memref_squeeze %dma_wait3A_958 : memref<1x800xi32, #tpu.memory_space<vmem>> -> memref<800xi32, #tpu.memory_space<vmem>>
    %dma_wait3A_960 = arith.constant 0 : i32
    %dma_wait3A_961 = arith.constant 0 : i32
    %dma_wait3A_962 = tpu.memref_slice %arg2[%dma_wait3A_960, %dma_wait3A_961] : memref<1000000x16xf32, #tpu.memory_space<hbm>> -> memref<1000000x16xf32, #tpu.memory_space<hbm>>
    tpu.wait_indirect_dma semaphore(%arg7 : memref<!tpu.dma_semaphore, #tpu.memory_space<semaphore_mem>>) src(%dma_wait3A_962 : memref<1000000x16xf32, #tpu.memory_space<hbm>>) dst(%dma_wait3A_956 : memref<800x16xf32, #tpu.memory_space<vmem>>)
    %dma_wait3A_963 = arith.constant 5 : i32
    %dma_wait3A_964 = arith.constant 5 : i32
    %dma_wait3A_965 = arith.constant 0 : i32
    %dma_wait3A_966 = arith.constant 0 : i32
    %dma_wait3A_967 = tpu.memref_slice %arg6[%dma_wait3A_964, %dma_wait3A_965, %dma_wait3A_966] : memref<8x800x16xf32, #tpu.memory_space<vmem>> -> memref<1x800x16xf32, #tpu.memory_space<vmem>>
    %dma_wait3A_968 = tpu.memref_squeeze %dma_wait3A_967 : memref<1x800x16xf32, #tpu.memory_space<vmem>> -> memref<800x16xf32, #tpu.memory_space<vmem>>
    %dma_wait3A_969 = arith.constant 0 : i32
    %dma_wait3A_970 = tpu.memref_slice %arg5[%dma_wait3A_963, %dma_wait3A_969] : memref<8x800xi32, #tpu.memory_space<vmem>> -> memref<1x800xi32, #tpu.memory_space<vmem>>
    %dma_wait3A_971 = tpu.memref_squeeze %dma_wait3A_970 : memref<1x800xi32, #tpu.memory_space<vmem>> -> memref<800xi32, #tpu.memory_space<vmem>>
    %dma_wait3A_972 = arith.constant 0 : i32
    %dma_wait3A_973 = arith.constant 0 : i32
    %dma_wait3A_974 = tpu.memref_slice %arg2[%dma_wait3A_972, %dma_wait3A_973] : memref<1000000x16xf32, #tpu.memory_space<hbm>> -> memref<1000000x16xf32, #tpu.memory_space<hbm>>
    tpu.wait_indirect_dma semaphore(%arg7 : memref<!tpu.dma_semaphore, #tpu.memory_space<semaphore_mem>>) src(%dma_wait3A_974 : memref<1000000x16xf32, #tpu.memory_space<hbm>>) dst(%dma_wait3A_968 : memref<800x16xf32, #tpu.memory_space<vmem>>)
    %dma_wait3A_975 = arith.constant 6 : i32
    %dma_wait3A_976 = arith.constant 6 : i32
    %dma_wait3A_977 = arith.constant 0 : i32
    %dma_wait3A_978 = arith.constant 0 : i32
    %dma_wait3A_979 = tpu.memref_slice %arg6[%dma_wait3A_976, %dma_wait3A_977, %dma_wait3A_978] : memref<8x800x16xf32, #tpu.memory_space<vmem>> -> memref<1x800x16xf32, #tpu.memory_space<vmem>>
    %dma_wait3A_980 = tpu.memref_squeeze %dma_wait3A_979 : memref<1x800x16xf32, #tpu.memory_space<vmem>> -> memref<800x16xf32, #tpu.memory_space<vmem>>
    %dma_wait3A_981 = arith.constant 0 : i32
    %dma_wait3A_982 = tpu.memref_slice %arg5[%dma_wait3A_975, %dma_wait3A_981] : memref<8x800xi32, #tpu.memory_space<vmem>> -> memref<1x800xi32, #tpu.memory_space<vmem>>
    %dma_wait3A_983 = tpu.memref_squeeze %dma_wait3A_982 : memref<1x800xi32, #tpu.memory_space<vmem>> -> memref<800xi32, #tpu.memory_space<vmem>>
    %dma_wait3A_984 = arith.constant 0 : i32
    %dma_wait3A_985 = arith.constant 0 : i32
    %dma_wait3A_986 = tpu.memref_slice %arg2[%dma_wait3A_984, %dma_wait3A_985] : memref<1000000x16xf32, #tpu.memory_space<hbm>> -> memref<1000000x16xf32, #tpu.memory_space<hbm>>
    tpu.wait_indirect_dma semaphore(%arg7 : memref<!tpu.dma_semaphore, #tpu.memory_space<semaphore_mem>>) src(%dma_wait3A_986 : memref<1000000x16xf32, #tpu.memory_space<hbm>>) dst(%dma_wait3A_980 : memref<800x16xf32, #tpu.memory_space<vmem>>)
    %dma_wait3A_987 = arith.constant 7 : i32
    %dma_wait3A_988 = arith.constant 7 : i32
    %dma_wait3A_989 = arith.constant 0 : i32
    %dma_wait3A_990 = arith.constant 0 : i32
    %dma_wait3A_991 = tpu.memref_slice %arg6[%dma_wait3A_988, %dma_wait3A_989, %dma_wait3A_990] : memref<8x800x16xf32, #tpu.memory_space<vmem>> -> memref<1x800x16xf32, #tpu.memory_space<vmem>>
    %dma_wait3A_992 = tpu.memref_squeeze %dma_wait3A_991 : memref<1x800x16xf32, #tpu.memory_space<vmem>> -> memref<800x16xf32, #tpu.memory_space<vmem>>
    %dma_wait3A_993 = arith.constant 0 : i32
    %dma_wait3A_994 = tpu.memref_slice %arg5[%dma_wait3A_987, %dma_wait3A_993] : memref<8x800xi32, #tpu.memory_space<vmem>> -> memref<1x800xi32, #tpu.memory_space<vmem>>
    %dma_wait3A_995 = tpu.memref_squeeze %dma_wait3A_994 : memref<1x800xi32, #tpu.memory_space<vmem>> -> memref<800xi32, #tpu.memory_space<vmem>>
    %dma_wait3A_996 = arith.constant 0 : i32
    %dma_wait3A_997 = arith.constant 0 : i32
    %dma_wait3A_998 = tpu.memref_slice %arg2[%dma_wait3A_996, %dma_wait3A_997] : memref<1000000x16xf32, #tpu.memory_space<hbm>> -> memref<1000000x16xf32, #tpu.memory_space<hbm>>
    tpu.wait_indirect_dma semaphore(%arg7 : memref<!tpu.dma_semaphore, #tpu.memory_space<semaphore_mem>>) src(%dma_wait3A_998 : memref<1000000x16xf32, #tpu.memory_space<hbm>>) dst(%dma_wait3A_992 : memref<800x16xf32, #tpu.memory_space<vmem>>)
    %dma_start3A_999 = arith.constant 0 : i32
    %dma_start3A_1000 = arith.constant 0 : i32
    %dma_start3A_1001 = arith.constant 0 : i32
    %dma_start3A_1002 = tpu.memref_slice %arg6[%dma_start3A_999, %dma_start3A_1000, %dma_start3A_1001] : memref<8x800x16xf32, #tpu.memory_space<vmem>> -> memref<1x800x16xf32, #tpu.memory_space<vmem>>
    %dma_start3A_1003 = tpu.memref_squeeze %dma_start3A_1002 : memref<1x800x16xf32, #tpu.memory_space<vmem>> -> memref<800x16xf32, #tpu.memory_space<vmem>>
    %dma_start3A_1004 = arith.constant 0 : i32
    %dma_start3A_1005 = tpu.memref_slice %arg4[%add3A_806, %dma_start3A_1004] : memref<102400x128xf32, #tpu.memory_space<hbm>> -> memref<800x16xf32, #tpu.memory_space<hbm>>
    %dma_start3A_1006 = arith.constant 0 : i32
    %dma_start3A_1007 = tpu.memref_slice %arg4[%add3A_806, %dma_start3A_1006] : memref<102400x128xf32, #tpu.memory_space<hbm>> -> memref<800x16xf32, #tpu.memory_space<hbm>>
    %dma_start3A_1008 = arith.constant 0 : i32
    %dma_start3A_1009 = arith.constant 0 : i32
    %dma_start3A_1010 = tpu.memref_slice %arg6[%dma_start3A_999, %dma_start3A_1008, %dma_start3A_1009] : memref<8x800x16xf32, #tpu.memory_space<vmem>> -> memref<1x800x16xf32, #tpu.memory_space<vmem>>
    %dma_start3A_1011 = tpu.memref_squeeze %dma_start3A_1010 : memref<1x800x16xf32, #tpu.memory_space<vmem>> -> memref<800x16xf32, #tpu.memory_space<vmem>>
    tpu.enqueue_dma source(%dma_start3A_1011 : memref<800x16xf32, #tpu.memory_space<vmem>>) target(%dma_start3A_1007 : memref<800x16xf32, #tpu.memory_space<hbm>>) target_semaphore(%arg8 : memref<!tpu.dma_semaphore, #tpu.memory_space<semaphore_mem>>)
    %dma_start3A_1012 = arith.constant 1 : i32
    %dma_start3A_1013 = arith.constant 0 : i32
    %dma_start3A_1014 = arith.constant 0 : i32
    %dma_start3A_1015 = tpu.memref_slice %arg6[%dma_start3A_1012, %dma_start3A_1013, %dma_start3A_1014] : memref<8x800x16xf32, #tpu.memory_space<vmem>> -> memref<1x800x16xf32, #tpu.memory_space<vmem>>
    %dma_start3A_1016 = tpu.memref_squeeze %dma_start3A_1015 : memref<1x800x16xf32, #tpu.memory_space<vmem>> -> memref<800x16xf32, #tpu.memory_space<vmem>>
    %dma_start3A_1017 = arith.constant 16 : i32
    %dma_start3A_1018 = tpu.memref_slice %arg4[%add3A_806, %dma_start3A_1017] : memref<102400x128xf32, #tpu.memory_space<hbm>> -> memref<800x16xf32, #tpu.memory_space<hbm>>
    %dma_start3A_1019 = arith.constant 16 : i32
    %dma_start3A_1020 = tpu.memref_slice %arg4[%add3A_806, %dma_start3A_1019] : memref<102400x128xf32, #tpu.memory_space<hbm>> -> memref<800x16xf32, #tpu.memory_space<hbm>>
    %dma_start3A_1021 = arith.constant 0 : i32
    %dma_start3A_1022 = arith.constant 0 : i32
    %dma_start3A_1023 = tpu.memref_slice %arg6[%dma_start3A_1012, %dma_start3A_1021, %dma_start3A_1022] : memref<8x800x16xf32, #tpu.memory_space<vmem>> -> memref<1x800x16xf32, #tpu.memory_space<vmem>>
    %dma_start3A_1024 = tpu.memref_squeeze %dma_start3A_1023 : memref<1x800x16xf32, #tpu.memory_space<vmem>> -> memref<800x16xf32, #tpu.memory_space<vmem>>
    tpu.enqueue_dma source(%dma_start3A_1024 : memref<800x16xf32, #tpu.memory_space<vmem>>) target(%dma_start3A_1020 : memref<800x16xf32, #tpu.memory_space<hbm>>) target_semaphore(%arg8 : memref<!tpu.dma_semaphore, #tpu.memory_space<semaphore_mem>>)
    %dma_start3A_1025 = arith.constant 2 : i32
    %dma_start3A_1026 = arith.constant 0 : i32
    %dma_start3A_1027 = arith.constant 0 : i32
    %dma_start3A_1028 = tpu.memref_slice %arg6[%dma_start3A_1025, %dma_start3A_1026, %dma_start3A_1027] : memref<8x800x16xf32, #tpu.memory_space<vmem>> -> memref<1x800x16xf32, #tpu.memory_space<vmem>>
    %dma_start3A_1029 = tpu.memref_squeeze %dma_start3A_1028 : memref<1x800x16xf32, #tpu.memory_space<vmem>> -> memref<800x16xf32, #tpu.memory_space<vmem>>
    %dma_start3A_1030 = arith.constant 32 : i32
    %dma_start3A_1031 = tpu.memref_slice %arg4[%add3A_806, %dma_start3A_1030] : memref<102400x128xf32, #tpu.memory_space<hbm>> -> memref<800x16xf32, #tpu.memory_space<hbm>>
    %dma_start3A_1032 = arith.constant 32 : i32
    %dma_start3A_1033 = tpu.memref_slice %arg4[%add3A_806, %dma_start3A_1032] : memref<102400x128xf32, #tpu.memory_space<hbm>> -> memref<800x16xf32, #tpu.memory_space<hbm>>
    %dma_start3A_1034 = arith.constant 0 : i32
    %dma_start3A_1035 = arith.constant 0 : i32
    %dma_start3A_1036 = tpu.memref_slice %arg6[%dma_start3A_1025, %dma_start3A_1034, %dma_start3A_1035] : memref<8x800x16xf32, #tpu.memory_space<vmem>> -> memref<1x800x16xf32, #tpu.memory_space<vmem>>
    %dma_start3A_1037 = tpu.memref_squeeze %dma_start3A_1036 : memref<1x800x16xf32, #tpu.memory_space<vmem>> -> memref<800x16xf32, #tpu.memory_space<vmem>>
    tpu.enqueue_dma source(%dma_start3A_1037 : memref<800x16xf32, #tpu.memory_space<vmem>>) target(%dma_start3A_1033 : memref<800x16xf32, #tpu.memory_space<hbm>>) target_semaphore(%arg8 : memref<!tpu.dma_semaphore, #tpu.memory_space<semaphore_mem>>)
    %dma_start3A_1038 = arith.constant 3 : i32
    %dma_start3A_1039 = arith.constant 0 : i32
    %dma_start3A_1040 = arith.constant 0 : i32
    %dma_start3A_1041 = tpu.memref_slice %arg6[%dma_start3A_1038, %dma_start3A_1039, %dma_start3A_1040] : memref<8x800x16xf32, #tpu.memory_space<vmem>> -> memref<1x800x16xf32, #tpu.memory_space<vmem>>
    %dma_start3A_1042 = tpu.memref_squeeze %dma_start3A_1041 : memref<1x800x16xf32, #tpu.memory_space<vmem>> -> memref<800x16xf32, #tpu.memory_space<vmem>>
    %dma_start3A_1043 = arith.constant 48 : i32
    %dma_start3A_1044 = tpu.memref_slice %arg4[%add3A_806, %dma_start3A_1043] : memref<102400x128xf32, #tpu.memory_space<hbm>> -> memref<800x16xf32, #tpu.memory_space<hbm>>
    %dma_start3A_1045 = arith.constant 48 : i32
    %dma_start3A_1046 = tpu.memref_slice %arg4[%add3A_806, %dma_start3A_1045] : memref<102400x128xf32, #tpu.memory_space<hbm>> -> memref<800x16xf32, #tpu.memory_space<hbm>>
    %dma_start3A_1047 = arith.constant 0 : i32
    %dma_start3A_1048 = arith.constant 0 : i32
    %dma_start3A_1049 = tpu.memref_slice %arg6[%dma_start3A_1038, %dma_start3A_1047, %dma_start3A_1048] : memref<8x800x16xf32, #tpu.memory_space<vmem>> -> memref<1x800x16xf32, #tpu.memory_space<vmem>>
    %dma_start3A_1050 = tpu.memref_squeeze %dma_start3A_1049 : memref<1x800x16xf32, #tpu.memory_space<vmem>> -> memref<800x16xf32, #tpu.memory_space<vmem>>
    tpu.enqueue_dma source(%dma_start3A_1050 : memref<800x16xf32, #tpu.memory_space<vmem>>) target(%dma_start3A_1046 : memref<800x16xf32, #tpu.memory_space<hbm>>) target_semaphore(%arg8 : memref<!tpu.dma_semaphore, #tpu.memory_space<semaphore_mem>>)
    %dma_start3A_1051 = arith.constant 4 : i32
    %dma_start3A_1052 = arith.constant 0 : i32
    %dma_start3A_1053 = arith.constant 0 : i32
    %dma_start3A_1054 = tpu.memref_slice %arg6[%dma_start3A_1051, %dma_start3A_1052, %dma_start3A_1053] : memref<8x800x16xf32, #tpu.memory_space<vmem>> -> memref<1x800x16xf32, #tpu.memory_space<vmem>>
    %dma_start3A_1055 = tpu.memref_squeeze %dma_start3A_1054 : memref<1x800x16xf32, #tpu.memory_space<vmem>> -> memref<800x16xf32, #tpu.memory_space<vmem>>
    %dma_start3A_1056 = arith.constant 64 : i32
    %dma_start3A_1057 = tpu.memref_slice %arg4[%add3A_806, %dma_start3A_1056] : memref<102400x128xf32, #tpu.memory_space<hbm>> -> memref<800x16xf32, #tpu.memory_space<hbm>>
    %dma_start3A_1058 = arith.constant 64 : i32
    %dma_start3A_1059 = tpu.memref_slice %arg4[%add3A_806, %dma_start3A_1058] : memref<102400x128xf32, #tpu.memory_space<hbm>> -> memref<800x16xf32, #tpu.memory_space<hbm>>
    %dma_start3A_1060 = arith.constant 0 : i32
    %dma_start3A_1061 = arith.constant 0 : i32
    %dma_start3A_1062 = tpu.memref_slice %arg6[%dma_start3A_1051, %dma_start3A_1060, %dma_start3A_1061] : memref<8x800x16xf32, #tpu.memory_space<vmem>> -> memref<1x800x16xf32, #tpu.memory_space<vmem>>
    %dma_start3A_1063 = tpu.memref_squeeze %dma_start3A_1062 : memref<1x800x16xf32, #tpu.memory_space<vmem>> -> memref<800x16xf32, #tpu.memory_space<vmem>>
    tpu.enqueue_dma source(%dma_start3A_1063 : memref<800x16xf32, #tpu.memory_space<vmem>>) target(%dma_start3A_1059 : memref<800x16xf32, #tpu.memory_space<hbm>>) target_semaphore(%arg8 : memref<!tpu.dma_semaphore, #tpu.memory_space<semaphore_mem>>)
    %dma_start3A_1064 = arith.constant 5 : i32
    %dma_start3A_1065 = arith.constant 0 : i32
    %dma_start3A_1066 = arith.constant 0 : i32
    %dma_start3A_1067 = tpu.memref_slice %arg6[%dma_start3A_1064, %dma_start3A_1065, %dma_start3A_1066] : memref<8x800x16xf32, #tpu.memory_space<vmem>> -> memref<1x800x16xf32, #tpu.memory_space<vmem>>
    %dma_start3A_1068 = tpu.memref_squeeze %dma_start3A_1067 : memref<1x800x16xf32, #tpu.memory_space<vmem>> -> memref<800x16xf32, #tpu.memory_space<vmem>>
    %dma_start3A_1069 = arith.constant 80 : i32
    %dma_start3A_1070 = tpu.memref_slice %arg4[%add3A_806, %dma_start3A_1069] : memref<102400x128xf32, #tpu.memory_space<hbm>> -> memref<800x16xf32, #tpu.memory_space<hbm>>
    %dma_start3A_1071 = arith.constant 80 : i32
    %dma_start3A_1072 = tpu.memref_slice %arg4[%add3A_806, %dma_start3A_1071] : memref<102400x128xf32, #tpu.memory_space<hbm>> -> memref<800x16xf32, #tpu.memory_space<hbm>>
    %dma_start3A_1073 = arith.constant 0 : i32
    %dma_start3A_1074 = arith.constant 0 : i32
    %dma_start3A_1075 = tpu.memref_slice %arg6[%dma_start3A_1064, %dma_start3A_1073, %dma_start3A_1074] : memref<8x800x16xf32, #tpu.memory_space<vmem>> -> memref<1x800x16xf32, #tpu.memory_space<vmem>>
    %dma_start3A_1076 = tpu.memref_squeeze %dma_start3A_1075 : memref<1x800x16xf32, #tpu.memory_space<vmem>> -> memref<800x16xf32, #tpu.memory_space<vmem>>
    tpu.enqueue_dma source(%dma_start3A_1076 : memref<800x16xf32, #tpu.memory_space<vmem>>) target(%dma_start3A_1072 : memref<800x16xf32, #tpu.memory_space<hbm>>) target_semaphore(%arg8 : memref<!tpu.dma_semaphore, #tpu.memory_space<semaphore_mem>>)
    %dma_start3A_1077 = arith.constant 6 : i32
    %dma_start3A_1078 = arith.constant 0 : i32
    %dma_start3A_1079 = arith.constant 0 : i32
    %dma_start3A_1080 = tpu.memref_slice %arg6[%dma_start3A_1077, %dma_start3A_1078, %dma_start3A_1079] : memref<8x800x16xf32, #tpu.memory_space<vmem>> -> memref<1x800x16xf32, #tpu.memory_space<vmem>>
    %dma_start3A_1081 = tpu.memref_squeeze %dma_start3A_1080 : memref<1x800x16xf32, #tpu.memory_space<vmem>> -> memref<800x16xf32, #tpu.memory_space<vmem>>
    %dma_start3A_1082 = arith.constant 96 : i32
    %dma_start3A_1083 = tpu.memref_slice %arg4[%add3A_806, %dma_start3A_1082] : memref<102400x128xf32, #tpu.memory_space<hbm>> -> memref<800x16xf32, #tpu.memory_space<hbm>>
    %dma_start3A_1084 = arith.constant 96 : i32
    %dma_start3A_1085 = tpu.memref_slice %arg4[%add3A_806, %dma_start3A_1084] : memref<102400x128xf32, #tpu.memory_space<hbm>> -> memref<800x16xf32, #tpu.memory_space<hbm>>
    %dma_start3A_1086 = arith.constant 0 : i32
    %dma_start3A_1087 = arith.constant 0 : i32
    %dma_start3A_1088 = tpu.memref_slice %arg6[%dma_start3A_1077, %dma_start3A_1086, %dma_start3A_1087] : memref<8x800x16xf32, #tpu.memory_space<vmem>> -> memref<1x800x16xf32, #tpu.memory_space<vmem>>
    %dma_start3A_1089 = tpu.memref_squeeze %dma_start3A_1088 : memref<1x800x16xf32, #tpu.memory_space<vmem>> -> memref<800x16xf32, #tpu.memory_space<vmem>>
    tpu.enqueue_dma source(%dma_start3A_1089 : memref<800x16xf32, #tpu.memory_space<vmem>>) target(%dma_start3A_1085 : memref<800x16xf32, #tpu.memory_space<hbm>>) target_semaphore(%arg8 : memref<!tpu.dma_semaphore, #tpu.memory_space<semaphore_mem>>)
    %dma_start3A_1090 = arith.constant 7 : i32
    %dma_start3A_1091 = arith.constant 0 : i32
    %dma_start3A_1092 = arith.constant 0 : i32
    %dma_start3A_1093 = tpu.memref_slice %arg6[%dma_start3A_1090, %dma_start3A_1091, %dma_start3A_1092] : memref<8x800x16xf32, #tpu.memory_space<vmem>> -> memref<1x800x16xf32, #tpu.memory_space<vmem>>
    %dma_start3A_1094 = tpu.memref_squeeze %dma_start3A_1093 : memref<1x800x16xf32, #tpu.memory_space<vmem>> -> memref<800x16xf32, #tpu.memory_space<vmem>>
    %dma_start3A_1095 = arith.constant 112 : i32
    %dma_start3A_1096 = tpu.memref_slice %arg4[%add3A_806, %dma_start3A_1095] : memref<102400x128xf32, #tpu.memory_space<hbm>> -> memref<800x16xf32, #tpu.memory_space<hbm>>
    %dma_start3A_1097 = arith.constant 112 : i32
    %dma_start3A_1098 = tpu.memref_slice %arg4[%add3A_806, %dma_start3A_1097] : memref<102400x128xf32, #tpu.memory_space<hbm>> -> memref<800x16xf32, #tpu.memory_space<hbm>>
    %dma_start3A_1099 = arith.constant 0 : i32
    %dma_start3A_1100 = arith.constant 0 : i32
    %dma_start3A_1101 = tpu.memref_slice %arg6[%dma_start3A_1090, %dma_start3A_1099, %dma_start3A_1100] : memref<8x800x16xf32, #tpu.memory_space<vmem>> -> memref<1x800x16xf32, #tpu.memory_space<vmem>>
    %dma_start3A_1102 = tpu.memref_squeeze %dma_start3A_1101 : memref<1x800x16xf32, #tpu.memory_space<vmem>> -> memref<800x16xf32, #tpu.memory_space<vmem>>
    tpu.enqueue_dma source(%dma_start3A_1102 : memref<800x16xf32, #tpu.memory_space<vmem>>) target(%dma_start3A_1098 : memref<800x16xf32, #tpu.memory_space<hbm>>) target_semaphore(%arg8 : memref<!tpu.dma_semaphore, #tpu.memory_space<semaphore_mem>>)
    %dma_wait3A_1103 = arith.constant 0 : i32
    %dma_wait3A_1104 = arith.constant 0 : i32
    %dma_wait3A_1105 = arith.constant 0 : i32
    %dma_wait3A_1106 = tpu.memref_slice %arg6[%dma_wait3A_1103, %dma_wait3A_1104, %dma_wait3A_1105] : memref<8x800x16xf32, #tpu.memory_space<vmem>> -> memref<1x800x16xf32, #tpu.memory_space<vmem>>
    %dma_wait3A_1107 = tpu.memref_squeeze %dma_wait3A_1106 : memref<1x800x16xf32, #tpu.memory_space<vmem>> -> memref<800x16xf32, #tpu.memory_space<vmem>>
    %dma_wait3A_1108 = arith.constant 0 : i32
    %dma_wait3A_1109 = tpu.memref_slice %arg4[%add3A_806, %dma_wait3A_1108] : memref<102400x128xf32, #tpu.memory_space<hbm>> -> memref<800x16xf32, #tpu.memory_space<hbm>>
    %dma_wait3A_1110 = arith.constant 0 : i32
    %dma_wait3A_1111 = tpu.memref_slice %arg4[%add3A_806, %dma_wait3A_1110] : memref<102400x128xf32, #tpu.memory_space<hbm>> -> memref<800x16xf32, #tpu.memory_space<hbm>>
    %dma_wait3A_1112 = arith.constant 0 : i32
    %dma_wait3A_1113 = arith.constant 0 : i32
    %dma_wait3A_1114 = tpu.memref_slice %arg6[%dma_wait3A_1103, %dma_wait3A_1112, %dma_wait3A_1113] : memref<8x800x16xf32, #tpu.memory_space<vmem>> -> memref<1x800x16xf32, #tpu.memory_space<vmem>>
    %dma_wait3A_1115 = tpu.memref_squeeze %dma_wait3A_1114 : memref<1x800x16xf32, #tpu.memory_space<vmem>> -> memref<800x16xf32, #tpu.memory_space<vmem>>
    tpu.wait_dma2 semaphore(%arg8 : memref<!tpu.dma_semaphore, #tpu.memory_space<semaphore_mem>>) src(%dma_wait3A_1115 : memref<800x16xf32, #tpu.memory_space<vmem>>) dst(%dma_wait3A_1111 : memref<800x16xf32, #tpu.memory_space<hbm>>)
    %dma_wait3A_1116 = arith.constant 1 : i32
    %dma_wait3A_1117 = arith.constant 0 : i32
    %dma_wait3A_1118 = arith.constant 0 : i32
    %dma_wait3A_1119 = tpu.memref_slice %arg6[%dma_wait3A_1116, %dma_wait3A_1117, %dma_wait3A_1118] : memref<8x800x16xf32, #tpu.memory_space<vmem>> -> memref<1x800x16xf32, #tpu.memory_space<vmem>>
    %dma_wait3A_1120 = tpu.memref_squeeze %dma_wait3A_1119 : memref<1x800x16xf32, #tpu.memory_space<vmem>> -> memref<800x16xf32, #tpu.memory_space<vmem>>
    %dma_wait3A_1121 = arith.constant 16 : i32
    %dma_wait3A_1122 = tpu.memref_slice %arg4[%add3A_806, %dma_wait3A_1121] : memref<102400x128xf32, #tpu.memory_space<hbm>> -> memref<800x16xf32, #tpu.memory_space<hbm>>
    %dma_wait3A_1123 = arith.constant 16 : i32
    %dma_wait3A_1124 = tpu.memref_slice %arg4[%add3A_806, %dma_wait3A_1123] : memref<102400x128xf32, #tpu.memory_space<hbm>> -> memref<800x16xf32, #tpu.memory_space<hbm>>
    %dma_wait3A_1125 = arith.constant 0 : i32
    %dma_wait3A_1126 = arith.constant 0 : i32
    %dma_wait3A_1127 = tpu.memref_slice %arg6[%dma_wait3A_1116, %dma_wait3A_1125, %dma_wait3A_1126] : memref<8x800x16xf32, #tpu.memory_space<vmem>> -> memref<1x800x16xf32, #tpu.memory_space<vmem>>
    %dma_wait3A_1128 = tpu.memref_squeeze %dma_wait3A_1127 : memref<1x800x16xf32, #tpu.memory_space<vmem>> -> memref<800x16xf32, #tpu.memory_space<vmem>>
    tpu.wait_dma2 semaphore(%arg8 : memref<!tpu.dma_semaphore, #tpu.memory_space<semaphore_mem>>) src(%dma_wait3A_1128 : memref<800x16xf32, #tpu.memory_space<vmem>>) dst(%dma_wait3A_1124 : memref<800x16xf32, #tpu.memory_space<hbm>>)
    %dma_wait3A_1129 = arith.constant 2 : i32
    %dma_wait3A_1130 = arith.constant 0 : i32
    %dma_wait3A_1131 = arith.constant 0 : i32
    %dma_wait3A_1132 = tpu.memref_slice %arg6[%dma_wait3A_1129, %dma_wait3A_1130, %dma_wait3A_1131] : memref<8x800x16xf32, #tpu.memory_space<vmem>> -> memref<1x800x16xf32, #tpu.memory_space<vmem>>
    %dma_wait3A_1133 = tpu.memref_squeeze %dma_wait3A_1132 : memref<1x800x16xf32, #tpu.memory_space<vmem>> -> memref<800x16xf32, #tpu.memory_space<vmem>>
    %dma_wait3A_1134 = arith.constant 32 : i32
    %dma_wait3A_1135 = tpu.memref_slice %arg4[%add3A_806, %dma_wait3A_1134] : memref<102400x128xf32, #tpu.memory_space<hbm>> -> memref<800x16xf32, #tpu.memory_space<hbm>>
    %dma_wait3A_1136 = arith.constant 32 : i32
    %dma_wait3A_1137 = tpu.memref_slice %arg4[%add3A_806, %dma_wait3A_1136] : memref<102400x128xf32, #tpu.memory_space<hbm>> -> memref<800x16xf32, #tpu.memory_space<hbm>>
    %dma_wait3A_1138 = arith.constant 0 : i32
    %dma_wait3A_1139 = arith.constant 0 : i32
    %dma_wait3A_1140 = tpu.memref_slice %arg6[%dma_wait3A_1129, %dma_wait3A_1138, %dma_wait3A_1139] : memref<8x800x16xf32, #tpu.memory_space<vmem>> -> memref<1x800x16xf32, #tpu.memory_space<vmem>>
    %dma_wait3A_1141 = tpu.memref_squeeze %dma_wait3A_1140 : memref<1x800x16xf32, #tpu.memory_space<vmem>> -> memref<800x16xf32, #tpu.memory_space<vmem>>
    tpu.wait_dma2 semaphore(%arg8 : memref<!tpu.dma_semaphore, #tpu.memory_space<semaphore_mem>>) src(%dma_wait3A_1141 : memref<800x16xf32, #tpu.memory_space<vmem>>) dst(%dma_wait3A_1137 : memref<800x16xf32, #tpu.memory_space<hbm>>)
    %dma_wait3A_1142 = arith.constant 3 : i32
    %dma_wait3A_1143 = arith.constant 0 : i32
    %dma_wait3A_1144 = arith.constant 0 : i32
    %dma_wait3A_1145 = tpu.memref_slice %arg6[%dma_wait3A_1142, %dma_wait3A_1143, %dma_wait3A_1144] : memref<8x800x16xf32, #tpu.memory_space<vmem>> -> memref<1x800x16xf32, #tpu.memory_space<vmem>>
    %dma_wait3A_1146 = tpu.memref_squeeze %dma_wait3A_1145 : memref<1x800x16xf32, #tpu.memory_space<vmem>> -> memref<800x16xf32, #tpu.memory_space<vmem>>
    %dma_wait3A_1147 = arith.constant 48 : i32
    %dma_wait3A_1148 = tpu.memref_slice %arg4[%add3A_806, %dma_wait3A_1147] : memref<102400x128xf32, #tpu.memory_space<hbm>> -> memref<800x16xf32, #tpu.memory_space<hbm>>
    %dma_wait3A_1149 = arith.constant 48 : i32
    %dma_wait3A_1150 = tpu.memref_slice %arg4[%add3A_806, %dma_wait3A_1149] : memref<102400x128xf32, #tpu.memory_space<hbm>> -> memref<800x16xf32, #tpu.memory_space<hbm>>
    %dma_wait3A_1151 = arith.constant 0 : i32
    %dma_wait3A_1152 = arith.constant 0 : i32
    %dma_wait3A_1153 = tpu.memref_slice %arg6[%dma_wait3A_1142, %dma_wait3A_1151, %dma_wait3A_1152] : memref<8x800x16xf32, #tpu.memory_space<vmem>> -> memref<1x800x16xf32, #tpu.memory_space<vmem>>
    %dma_wait3A_1154 = tpu.memref_squeeze %dma_wait3A_1153 : memref<1x800x16xf32, #tpu.memory_space<vmem>> -> memref<800x16xf32, #tpu.memory_space<vmem>>
    tpu.wait_dma2 semaphore(%arg8 : memref<!tpu.dma_semaphore, #tpu.memory_space<semaphore_mem>>) src(%dma_wait3A_1154 : memref<800x16xf32, #tpu.memory_space<vmem>>) dst(%dma_wait3A_1150 : memref<800x16xf32, #tpu.memory_space<hbm>>)
    %dma_wait3A_1155 = arith.constant 4 : i32
    %dma_wait3A_1156 = arith.constant 0 : i32
    %dma_wait3A_1157 = arith.constant 0 : i32
    %dma_wait3A_1158 = tpu.memref_slice %arg6[%dma_wait3A_1155, %dma_wait3A_1156, %dma_wait3A_1157] : memref<8x800x16xf32, #tpu.memory_space<vmem>> -> memref<1x800x16xf32, #tpu.memory_space<vmem>>
    %dma_wait3A_1159 = tpu.memref_squeeze %dma_wait3A_1158 : memref<1x800x16xf32, #tpu.memory_space<vmem>> -> memref<800x16xf32, #tpu.memory_space<vmem>>
    %dma_wait3A_1160 = arith.constant 64 : i32
    %dma_wait3A_1161 = tpu.memref_slice %arg4[%add3A_806, %dma_wait3A_1160] : memref<102400x128xf32, #tpu.memory_space<hbm>> -> memref<800x16xf32, #tpu.memory_space<hbm>>
    %dma_wait3A_1162 = arith.constant 64 : i32
    %dma_wait3A_1163 = tpu.memref_slice %arg4[%add3A_806, %dma_wait3A_1162] : memref<102400x128xf32, #tpu.memory_space<hbm>> -> memref<800x16xf32, #tpu.memory_space<hbm>>
    %dma_wait3A_1164 = arith.constant 0 : i32
    %dma_wait3A_1165 = arith.constant 0 : i32
    %dma_wait3A_1166 = tpu.memref_slice %arg6[%dma_wait3A_1155, %dma_wait3A_1164, %dma_wait3A_1165] : memref<8x800x16xf32, #tpu.memory_space<vmem>> -> memref<1x800x16xf32, #tpu.memory_space<vmem>>
    %dma_wait3A_1167 = tpu.memref_squeeze %dma_wait3A_1166 : memref<1x800x16xf32, #tpu.memory_space<vmem>> -> memref<800x16xf32, #tpu.memory_space<vmem>>
    tpu.wait_dma2 semaphore(%arg8 : memref<!tpu.dma_semaphore, #tpu.memory_space<semaphore_mem>>) src(%dma_wait3A_1167 : memref<800x16xf32, #tpu.memory_space<vmem>>) dst(%dma_wait3A_1163 : memref<800x16xf32, #tpu.memory_space<hbm>>)
    %dma_wait3A_1168 = arith.constant 5 : i32
    %dma_wait3A_1169 = arith.constant 0 : i32
    %dma_wait3A_1170 = arith.constant 0 : i32
    %dma_wait3A_1171 = tpu.memref_slice %arg6[%dma_wait3A_1168, %dma_wait3A_1169, %dma_wait3A_1170] : memref<8x800x16xf32, #tpu.memory_space<vmem>> -> memref<1x800x16xf32, #tpu.memory_space<vmem>>
    %dma_wait3A_1172 = tpu.memref_squeeze %dma_wait3A_1171 : memref<1x800x16xf32, #tpu.memory_space<vmem>> -> memref<800x16xf32, #tpu.memory_space<vmem>>
    %dma_wait3A_1173 = arith.constant 80 : i32
    %dma_wait3A_1174 = tpu.memref_slice %arg4[%add3A_806, %dma_wait3A_1173] : memref<102400x128xf32, #tpu.memory_space<hbm>> -> memref<800x16xf32, #tpu.memory_space<hbm>>
    %dma_wait3A_1175 = arith.constant 80 : i32
    %dma_wait3A_1176 = tpu.memref_slice %arg4[%add3A_806, %dma_wait3A_1175] : memref<102400x128xf32, #tpu.memory_space<hbm>> -> memref<800x16xf32, #tpu.memory_space<hbm>>
    %dma_wait3A_1177 = arith.constant 0 : i32
    %dma_wait3A_1178 = arith.constant 0 : i32
    %dma_wait3A_1179 = tpu.memref_slice %arg6[%dma_wait3A_1168, %dma_wait3A_1177, %dma_wait3A_1178] : memref<8x800x16xf32, #tpu.memory_space<vmem>> -> memref<1x800x16xf32, #tpu.memory_space<vmem>>
    %dma_wait3A_1180 = tpu.memref_squeeze %dma_wait3A_1179 : memref<1x800x16xf32, #tpu.memory_space<vmem>> -> memref<800x16xf32, #tpu.memory_space<vmem>>
    tpu.wait_dma2 semaphore(%arg8 : memref<!tpu.dma_semaphore, #tpu.memory_space<semaphore_mem>>) src(%dma_wait3A_1180 : memref<800x16xf32, #tpu.memory_space<vmem>>) dst(%dma_wait3A_1176 : memref<800x16xf32, #tpu.memory_space<hbm>>)
    %dma_wait3A_1181 = arith.constant 6 : i32
    %dma_wait3A_1182 = arith.constant 0 : i32
    %dma_wait3A_1183 = arith.constant 0 : i32
    %dma_wait3A_1184 = tpu.memref_slice %arg6[%dma_wait3A_1181, %dma_wait3A_1182, %dma_wait3A_1183] : memref<8x800x16xf32, #tpu.memory_space<vmem>> -> memref<1x800x16xf32, #tpu.memory_space<vmem>>
    %dma_wait3A_1185 = tpu.memref_squeeze %dma_wait3A_1184 : memref<1x800x16xf32, #tpu.memory_space<vmem>> -> memref<800x16xf32, #tpu.memory_space<vmem>>
    %dma_wait3A_1186 = arith.constant 96 : i32
    %dma_wait3A_1187 = tpu.memref_slice %arg4[%add3A_806, %dma_wait3A_1186] : memref<102400x128xf32, #tpu.memory_space<hbm>> -> memref<800x16xf32, #tpu.memory_space<hbm>>
    %dma_wait3A_1188 = arith.constant 96 : i32
    %dma_wait3A_1189 = tpu.memref_slice %arg4[%add3A_806, %dma_wait3A_1188] : memref<102400x128xf32, #tpu.memory_space<hbm>> -> memref<800x16xf32, #tpu.memory_space<hbm>>
    %dma_wait3A_1190 = arith.constant 0 : i32
    %dma_wait3A_1191 = arith.constant 0 : i32
    %dma_wait3A_1192 = tpu.memref_slice %arg6[%dma_wait3A_1181, %dma_wait3A_1190, %dma_wait3A_1191] : memref<8x800x16xf32, #tpu.memory_space<vmem>> -> memref<1x800x16xf32, #tpu.memory_space<vmem>>
    %dma_wait3A_1193 = tpu.memref_squeeze %dma_wait3A_1192 : memref<1x800x16xf32, #tpu.memory_space<vmem>> -> memref<800x16xf32, #tpu.memory_space<vmem>>
    tpu.wait_dma2 semaphore(%arg8 : memref<!tpu.dma_semaphore, #tpu.memory_space<semaphore_mem>>) src(%dma_wait3A_1193 : memref<800x16xf32, #tpu.memory_space<vmem>>) dst(%dma_wait3A_1189 : memref<800x16xf32, #tpu.memory_space<hbm>>)
    %dma_wait3A_1194 = arith.constant 7 : i32
    %dma_wait3A_1195 = arith.constant 0 : i32
    %dma_wait3A_1196 = arith.constant 0 : i32
    %dma_wait3A_1197 = tpu.memref_slice %arg6[%dma_wait3A_1194, %dma_wait3A_1195, %dma_wait3A_1196] : memref<8x800x16xf32, #tpu.memory_space<vmem>> -> memref<1x800x16xf32, #tpu.memory_space<vmem>>
    %dma_wait3A_1198 = tpu.memref_squeeze %dma_wait3A_1197 : memref<1x800x16xf32, #tpu.memory_space<vmem>> -> memref<800x16xf32, #tpu.memory_space<vmem>>
    %dma_wait3A_1199 = arith.constant 112 : i32
    %dma_wait3A_1200 = tpu.memref_slice %arg4[%add3A_806, %dma_wait3A_1199] : memref<102400x128xf32, #tpu.memory_space<hbm>> -> memref<800x16xf32, #tpu.memory_space<hbm>>
    %dma_wait3A_1201 = arith.constant 112 : i32
    %dma_wait3A_1202 = tpu.memref_slice %arg4[%add3A_806, %dma_wait3A_1201] : memref<102400x128xf32, #tpu.memory_space<hbm>> -> memref<800x16xf32, #tpu.memory_space<hbm>>
    %dma_wait3A_1203 = arith.constant 0 : i32
    %dma_wait3A_1204 = arith.constant 0 : i32
    %dma_wait3A_1205 = tpu.memref_slice %arg6[%dma_wait3A_1194, %dma_wait3A_1203, %dma_wait3A_1204] : memref<8x800x16xf32, #tpu.memory_space<vmem>> -> memref<1x800x16xf32, #tpu.memory_space<vmem>>
    %dma_wait3A_1206 = tpu.memref_squeeze %dma_wait3A_1205 : memref<1x800x16xf32, #tpu.memory_space<vmem>> -> memref<800x16xf32, #tpu.memory_space<vmem>>
    tpu.wait_dma2 semaphore(%arg8 : memref<!tpu.dma_semaphore, #tpu.memory_space<semaphore_mem>>) src(%dma_wait3A_1206 : memref<800x16xf32, #tpu.memory_space<vmem>>) dst(%dma_wait3A_1202 : memref<800x16xf32, #tpu.memory_space<hbm>>)
    %add3A_1207 = arith.constant 2400 : i32
    %add3A_1208 = arith.addi %mul3A_2, %add3A_1207 : i32
    "tpu.region"() ({
      %run_scoped3A = tpu.sem_alloc : memref<!tpu.dma_semaphore, #tpu.memory_space<semaphore_mem>>
      %dma_start3A_1609 = arith.constant 0 : i32
      %dma_start3A_1610 = tpu.memref_slice %arg3[%dma_start3A_1609, %add3A_1208] : memref<8x102400xi32, #tpu.memory_space<hbm>> -> memref<8x800xi32, #tpu.memory_space<hbm>>
      %dma_start3A_1611 = arith.constant 0 : i32
      %dma_start3A_1612 = tpu.memref_slice %arg3[%dma_start3A_1611, %add3A_1208] : memref<8x102400xi32, #tpu.memory_space<hbm>> -> memref<8x800xi32, #tpu.memory_space<hbm>>
      tpu.enqueue_dma source(%dma_start3A_1612 : memref<8x800xi32, #tpu.memory_space<hbm>>) target(%arg5 : memref<8x800xi32, #tpu.memory_space<vmem>>) target_semaphore(%run_scoped3A : memref<!tpu.dma_semaphore, #tpu.memory_space<semaphore_mem>>)
      %dma_wait3A_1613 = arith.constant 0 : i32
      %dma_wait3A_1614 = tpu.memref_slice %arg3[%dma_wait3A_1613, %add3A_1208] : memref<8x102400xi32, #tpu.memory_space<hbm>> -> memref<8x800xi32, #tpu.memory_space<hbm>>
      %dma_wait3A_1615 = arith.constant 0 : i32
      %dma_wait3A_1616 = tpu.memref_slice %arg3[%dma_wait3A_1615, %add3A_1208] : memref<8x102400xi32, #tpu.memory_space<hbm>> -> memref<8x800xi32, #tpu.memory_space<hbm>>
      tpu.wait_dma2 semaphore(%run_scoped3A : memref<!tpu.dma_semaphore, #tpu.memory_space<semaphore_mem>>) src(%dma_wait3A_1616 : memref<8x800xi32, #tpu.memory_space<hbm>>) dst(%arg5 : memref<8x800xi32, #tpu.memory_space<vmem>>)
      tpu.yield
    }) : () -> ()
    %dma_start3A_1209 = arith.constant 0 : i32
    %dma_start3A_1210 = arith.constant 0 : i32
    %dma_start3A_1211 = arith.constant 0 : i32
    %dma_start3A_1212 = arith.constant 0 : i32
    %dma_start3A_1213 = tpu.memref_slice %arg6[%dma_start3A_1210, %dma_start3A_1211, %dma_start3A_1212] : memref<8x800x16xf32, #tpu.memory_space<vmem>> -> memref<1x800x16xf32, #tpu.memory_space<vmem>>
    %dma_start3A_1214 = tpu.memref_squeeze %dma_start3A_1213 : memref<1x800x16xf32, #tpu.memory_space<vmem>> -> memref<800x16xf32, #tpu.memory_space<vmem>>
    %dma_start3A_1215 = arith.constant 0 : i32
    %dma_start3A_1216 = tpu.memref_slice %arg5[%dma_start3A_1209, %dma_start3A_1215] : memref<8x800xi32, #tpu.memory_space<vmem>> -> memref<1x800xi32, #tpu.memory_space<vmem>>
    %dma_start3A_1217 = tpu.memref_squeeze %dma_start3A_1216 : memref<1x800xi32, #tpu.memory_space<vmem>> -> memref<800xi32, #tpu.memory_space<vmem>>
    %dma_start3A_1218 = arith.constant 0 : i32
    %dma_start3A_1219 = arith.constant 0 : i32
    %dma_start3A_1220 = tpu.memref_slice %arg2[%dma_start3A_1218, %dma_start3A_1219] : memref<1000000x16xf32, #tpu.memory_space<hbm>> -> memref<1000000x16xf32, #tpu.memory_space<hbm>>
    tpu.enqueue_indirect_dma source(%dma_start3A_1220 : memref<1000000x16xf32, #tpu.memory_space<hbm>>) target(%dma_start3A_1214 : memref<800x16xf32, #tpu.memory_space<vmem>>) offsets(%dma_start3A_1217 : memref<800xi32, #tpu.memory_space<vmem>>) semaphore(%arg7 : memref<!tpu.dma_semaphore, #tpu.memory_space<semaphore_mem>>)
    %dma_start3A_1221 = arith.constant 1 : i32
    %dma_start3A_1222 = arith.constant 1 : i32
    %dma_start3A_1223 = arith.constant 0 : i32
    %dma_start3A_1224 = arith.constant 0 : i32
    %dma_start3A_1225 = tpu.memref_slice %arg6[%dma_start3A_1222, %dma_start3A_1223, %dma_start3A_1224] : memref<8x800x16xf32, #tpu.memory_space<vmem>> -> memref<1x800x16xf32, #tpu.memory_space<vmem>>
    %dma_start3A_1226 = tpu.memref_squeeze %dma_start3A_1225 : memref<1x800x16xf32, #tpu.memory_space<vmem>> -> memref<800x16xf32, #tpu.memory_space<vmem>>
    %dma_start3A_1227 = arith.constant 0 : i32
    %dma_start3A_1228 = tpu.memref_slice %arg5[%dma_start3A_1221, %dma_start3A_1227] : memref<8x800xi32, #tpu.memory_space<vmem>> -> memref<1x800xi32, #tpu.memory_space<vmem>>
    %dma_start3A_1229 = tpu.memref_squeeze %dma_start3A_1228 : memref<1x800xi32, #tpu.memory_space<vmem>> -> memref<800xi32, #tpu.memory_space<vmem>>
    %dma_start3A_1230 = arith.constant 0 : i32
    %dma_start3A_1231 = arith.constant 0 : i32
    %dma_start3A_1232 = tpu.memref_slice %arg2[%dma_start3A_1230, %dma_start3A_1231] : memref<1000000x16xf32, #tpu.memory_space<hbm>> -> memref<1000000x16xf32, #tpu.memory_space<hbm>>
    tpu.enqueue_indirect_dma source(%dma_start3A_1232 : memref<1000000x16xf32, #tpu.memory_space<hbm>>) target(%dma_start3A_1226 : memref<800x16xf32, #tpu.memory_space<vmem>>) offsets(%dma_start3A_1229 : memref<800xi32, #tpu.memory_space<vmem>>) semaphore(%arg7 : memref<!tpu.dma_semaphore, #tpu.memory_space<semaphore_mem>>)
    %dma_start3A_1233 = arith.constant 2 : i32
    %dma_start3A_1234 = arith.constant 2 : i32
    %dma_start3A_1235 = arith.constant 0 : i32
    %dma_start3A_1236 = arith.constant 0 : i32
    %dma_start3A_1237 = tpu.memref_slice %arg6[%dma_start3A_1234, %dma_start3A_1235, %dma_start3A_1236] : memref<8x800x16xf32, #tpu.memory_space<vmem>> -> memref<1x800x16xf32, #tpu.memory_space<vmem>>
    %dma_start3A_1238 = tpu.memref_squeeze %dma_start3A_1237 : memref<1x800x16xf32, #tpu.memory_space<vmem>> -> memref<800x16xf32, #tpu.memory_space<vmem>>
    %dma_start3A_1239 = arith.constant 0 : i32
    %dma_start3A_1240 = tpu.memref_slice %arg5[%dma_start3A_1233, %dma_start3A_1239] : memref<8x800xi32, #tpu.memory_space<vmem>> -> memref<1x800xi32, #tpu.memory_space<vmem>>
    %dma_start3A_1241 = tpu.memref_squeeze %dma_start3A_1240 : memref<1x800xi32, #tpu.memory_space<vmem>> -> memref<800xi32, #tpu.memory_space<vmem>>
    %dma_start3A_1242 = arith.constant 0 : i32
    %dma_start3A_1243 = arith.constant 0 : i32
    %dma_start3A_1244 = tpu.memref_slice %arg2[%dma_start3A_1242, %dma_start3A_1243] : memref<1000000x16xf32, #tpu.memory_space<hbm>> -> memref<1000000x16xf32, #tpu.memory_space<hbm>>
    tpu.enqueue_indirect_dma source(%dma_start3A_1244 : memref<1000000x16xf32, #tpu.memory_space<hbm>>) target(%dma_start3A_1238 : memref<800x16xf32, #tpu.memory_space<vmem>>) offsets(%dma_start3A_1241 : memref<800xi32, #tpu.memory_space<vmem>>) semaphore(%arg7 : memref<!tpu.dma_semaphore, #tpu.memory_space<semaphore_mem>>)
    %dma_start3A_1245 = arith.constant 3 : i32
    %dma_start3A_1246 = arith.constant 3 : i32
    %dma_start3A_1247 = arith.constant 0 : i32
    %dma_start3A_1248 = arith.constant 0 : i32
    %dma_start3A_1249 = tpu.memref_slice %arg6[%dma_start3A_1246, %dma_start3A_1247, %dma_start3A_1248] : memref<8x800x16xf32, #tpu.memory_space<vmem>> -> memref<1x800x16xf32, #tpu.memory_space<vmem>>
    %dma_start3A_1250 = tpu.memref_squeeze %dma_start3A_1249 : memref<1x800x16xf32, #tpu.memory_space<vmem>> -> memref<800x16xf32, #tpu.memory_space<vmem>>
    %dma_start3A_1251 = arith.constant 0 : i32
    %dma_start3A_1252 = tpu.memref_slice %arg5[%dma_start3A_1245, %dma_start3A_1251] : memref<8x800xi32, #tpu.memory_space<vmem>> -> memref<1x800xi32, #tpu.memory_space<vmem>>
    %dma_start3A_1253 = tpu.memref_squeeze %dma_start3A_1252 : memref<1x800xi32, #tpu.memory_space<vmem>> -> memref<800xi32, #tpu.memory_space<vmem>>
    %dma_start3A_1254 = arith.constant 0 : i32
    %dma_start3A_1255 = arith.constant 0 : i32
    %dma_start3A_1256 = tpu.memref_slice %arg2[%dma_start3A_1254, %dma_start3A_1255] : memref<1000000x16xf32, #tpu.memory_space<hbm>> -> memref<1000000x16xf32, #tpu.memory_space<hbm>>
    tpu.enqueue_indirect_dma source(%dma_start3A_1256 : memref<1000000x16xf32, #tpu.memory_space<hbm>>) target(%dma_start3A_1250 : memref<800x16xf32, #tpu.memory_space<vmem>>) offsets(%dma_start3A_1253 : memref<800xi32, #tpu.memory_space<vmem>>) semaphore(%arg7 : memref<!tpu.dma_semaphore, #tpu.memory_space<semaphore_mem>>)
    %dma_start3A_1257 = arith.constant 4 : i32
    %dma_start3A_1258 = arith.constant 4 : i32
    %dma_start3A_1259 = arith.constant 0 : i32
    %dma_start3A_1260 = arith.constant 0 : i32
    %dma_start3A_1261 = tpu.memref_slice %arg6[%dma_start3A_1258, %dma_start3A_1259, %dma_start3A_1260] : memref<8x800x16xf32, #tpu.memory_space<vmem>> -> memref<1x800x16xf32, #tpu.memory_space<vmem>>
    %dma_start3A_1262 = tpu.memref_squeeze %dma_start3A_1261 : memref<1x800x16xf32, #tpu.memory_space<vmem>> -> memref<800x16xf32, #tpu.memory_space<vmem>>
    %dma_start3A_1263 = arith.constant 0 : i32
    %dma_start3A_1264 = tpu.memref_slice %arg5[%dma_start3A_1257, %dma_start3A_1263] : memref<8x800xi32, #tpu.memory_space<vmem>> -> memref<1x800xi32, #tpu.memory_space<vmem>>
    %dma_start3A_1265 = tpu.memref_squeeze %dma_start3A_1264 : memref<1x800xi32, #tpu.memory_space<vmem>> -> memref<800xi32, #tpu.memory_space<vmem>>
    %dma_start3A_1266 = arith.constant 0 : i32
    %dma_start3A_1267 = arith.constant 0 : i32
    %dma_start3A_1268 = tpu.memref_slice %arg2[%dma_start3A_1266, %dma_start3A_1267] : memref<1000000x16xf32, #tpu.memory_space<hbm>> -> memref<1000000x16xf32, #tpu.memory_space<hbm>>
    tpu.enqueue_indirect_dma source(%dma_start3A_1268 : memref<1000000x16xf32, #tpu.memory_space<hbm>>) target(%dma_start3A_1262 : memref<800x16xf32, #tpu.memory_space<vmem>>) offsets(%dma_start3A_1265 : memref<800xi32, #tpu.memory_space<vmem>>) semaphore(%arg7 : memref<!tpu.dma_semaphore, #tpu.memory_space<semaphore_mem>>)
    %dma_start3A_1269 = arith.constant 5 : i32
    %dma_start3A_1270 = arith.constant 5 : i32
    %dma_start3A_1271 = arith.constant 0 : i32
    %dma_start3A_1272 = arith.constant 0 : i32
    %dma_start3A_1273 = tpu.memref_slice %arg6[%dma_start3A_1270, %dma_start3A_1271, %dma_start3A_1272] : memref<8x800x16xf32, #tpu.memory_space<vmem>> -> memref<1x800x16xf32, #tpu.memory_space<vmem>>
    %dma_start3A_1274 = tpu.memref_squeeze %dma_start3A_1273 : memref<1x800x16xf32, #tpu.memory_space<vmem>> -> memref<800x16xf32, #tpu.memory_space<vmem>>
    %dma_start3A_1275 = arith.constant 0 : i32
    %dma_start3A_1276 = tpu.memref_slice %arg5[%dma_start3A_1269, %dma_start3A_1275] : memref<8x800xi32, #tpu.memory_space<vmem>> -> memref<1x800xi32, #tpu.memory_space<vmem>>
    %dma_start3A_1277 = tpu.memref_squeeze %dma_start3A_1276 : memref<1x800xi32, #tpu.memory_space<vmem>> -> memref<800xi32, #tpu.memory_space<vmem>>
    %dma_start3A_1278 = arith.constant 0 : i32
    %dma_start3A_1279 = arith.constant 0 : i32
    %dma_start3A_1280 = tpu.memref_slice %arg2[%dma_start3A_1278, %dma_start3A_1279] : memref<1000000x16xf32, #tpu.memory_space<hbm>> -> memref<1000000x16xf32, #tpu.memory_space<hbm>>
    tpu.enqueue_indirect_dma source(%dma_start3A_1280 : memref<1000000x16xf32, #tpu.memory_space<hbm>>) target(%dma_start3A_1274 : memref<800x16xf32, #tpu.memory_space<vmem>>) offsets(%dma_start3A_1277 : memref<800xi32, #tpu.memory_space<vmem>>) semaphore(%arg7 : memref<!tpu.dma_semaphore, #tpu.memory_space<semaphore_mem>>)
    %dma_start3A_1281 = arith.constant 6 : i32
    %dma_start3A_1282 = arith.constant 6 : i32
    %dma_start3A_1283 = arith.constant 0 : i32
    %dma_start3A_1284 = arith.constant 0 : i32
    %dma_start3A_1285 = tpu.memref_slice %arg6[%dma_start3A_1282, %dma_start3A_1283, %dma_start3A_1284] : memref<8x800x16xf32, #tpu.memory_space<vmem>> -> memref<1x800x16xf32, #tpu.memory_space<vmem>>
    %dma_start3A_1286 = tpu.memref_squeeze %dma_start3A_1285 : memref<1x800x16xf32, #tpu.memory_space<vmem>> -> memref<800x16xf32, #tpu.memory_space<vmem>>
    %dma_start3A_1287 = arith.constant 0 : i32
    %dma_start3A_1288 = tpu.memref_slice %arg5[%dma_start3A_1281, %dma_start3A_1287] : memref<8x800xi32, #tpu.memory_space<vmem>> -> memref<1x800xi32, #tpu.memory_space<vmem>>
    %dma_start3A_1289 = tpu.memref_squeeze %dma_start3A_1288 : memref<1x800xi32, #tpu.memory_space<vmem>> -> memref<800xi32, #tpu.memory_space<vmem>>
    %dma_start3A_1290 = arith.constant 0 : i32
    %dma_start3A_1291 = arith.constant 0 : i32
    %dma_start3A_1292 = tpu.memref_slice %arg2[%dma_start3A_1290, %dma_start3A_1291] : memref<1000000x16xf32, #tpu.memory_space<hbm>> -> memref<1000000x16xf32, #tpu.memory_space<hbm>>
    tpu.enqueue_indirect_dma source(%dma_start3A_1292 : memref<1000000x16xf32, #tpu.memory_space<hbm>>) target(%dma_start3A_1286 : memref<800x16xf32, #tpu.memory_space<vmem>>) offsets(%dma_start3A_1289 : memref<800xi32, #tpu.memory_space<vmem>>) semaphore(%arg7 : memref<!tpu.dma_semaphore, #tpu.memory_space<semaphore_mem>>)
    %dma_start3A_1293 = arith.constant 7 : i32
    %dma_start3A_1294 = arith.constant 7 : i32
    %dma_start3A_1295 = arith.constant 0 : i32
    %dma_start3A_1296 = arith.constant 0 : i32
    %dma_start3A_1297 = tpu.memref_slice %arg6[%dma_start3A_1294, %dma_start3A_1295, %dma_start3A_1296] : memref<8x800x16xf32, #tpu.memory_space<vmem>> -> memref<1x800x16xf32, #tpu.memory_space<vmem>>
    %dma_start3A_1298 = tpu.memref_squeeze %dma_start3A_1297 : memref<1x800x16xf32, #tpu.memory_space<vmem>> -> memref<800x16xf32, #tpu.memory_space<vmem>>
    %dma_start3A_1299 = arith.constant 0 : i32
    %dma_start3A_1300 = tpu.memref_slice %arg5[%dma_start3A_1293, %dma_start3A_1299] : memref<8x800xi32, #tpu.memory_space<vmem>> -> memref<1x800xi32, #tpu.memory_space<vmem>>
    %dma_start3A_1301 = tpu.memref_squeeze %dma_start3A_1300 : memref<1x800xi32, #tpu.memory_space<vmem>> -> memref<800xi32, #tpu.memory_space<vmem>>
    %dma_start3A_1302 = arith.constant 0 : i32
    %dma_start3A_1303 = arith.constant 0 : i32
    %dma_start3A_1304 = tpu.memref_slice %arg2[%dma_start3A_1302, %dma_start3A_1303] : memref<1000000x16xf32, #tpu.memory_space<hbm>> -> memref<1000000x16xf32, #tpu.memory_space<hbm>>
    tpu.enqueue_indirect_dma source(%dma_start3A_1304 : memref<1000000x16xf32, #tpu.memory_space<hbm>>) target(%dma_start3A_1298 : memref<800x16xf32, #tpu.memory_space<vmem>>) offsets(%dma_start3A_1301 : memref<800xi32, #tpu.memory_space<vmem>>) semaphore(%arg7 : memref<!tpu.dma_semaphore, #tpu.memory_space<semaphore_mem>>)
    %dma_wait3A_1305 = arith.constant 0 : i32
    %dma_wait3A_1306 = arith.constant 0 : i32
    %dma_wait3A_1307 = arith.constant 0 : i32
    %dma_wait3A_1308 = arith.constant 0 : i32
    %dma_wait3A_1309 = tpu.memref_slice %arg6[%dma_wait3A_1306, %dma_wait3A_1307, %dma_wait3A_1308] : memref<8x800x16xf32, #tpu.memory_space<vmem>> -> memref<1x800x16xf32, #tpu.memory_space<vmem>>
    %dma_wait3A_1310 = tpu.memref_squeeze %dma_wait3A_1309 : memref<1x800x16xf32, #tpu.memory_space<vmem>> -> memref<800x16xf32, #tpu.memory_space<vmem>>
    %dma_wait3A_1311 = arith.constant 0 : i32
    %dma_wait3A_1312 = tpu.memref_slice %arg5[%dma_wait3A_1305, %dma_wait3A_1311] : memref<8x800xi32, #tpu.memory_space<vmem>> -> memref<1x800xi32, #tpu.memory_space<vmem>>
    %dma_wait3A_1313 = tpu.memref_squeeze %dma_wait3A_1312 : memref<1x800xi32, #tpu.memory_space<vmem>> -> memref<800xi32, #tpu.memory_space<vmem>>
    %dma_wait3A_1314 = arith.constant 0 : i32
    %dma_wait3A_1315 = arith.constant 0 : i32
    %dma_wait3A_1316 = tpu.memref_slice %arg2[%dma_wait3A_1314, %dma_wait3A_1315] : memref<1000000x16xf32, #tpu.memory_space<hbm>> -> memref<1000000x16xf32, #tpu.memory_space<hbm>>
    tpu.wait_indirect_dma semaphore(%arg7 : memref<!tpu.dma_semaphore, #tpu.memory_space<semaphore_mem>>) src(%dma_wait3A_1316 : memref<1000000x16xf32, #tpu.memory_space<hbm>>) dst(%dma_wait3A_1310 : memref<800x16xf32, #tpu.memory_space<vmem>>)
    %dma_wait3A_1317 = arith.constant 1 : i32
    %dma_wait3A_1318 = arith.constant 1 : i32
    %dma_wait3A_1319 = arith.constant 0 : i32
    %dma_wait3A_1320 = arith.constant 0 : i32
    %dma_wait3A_1321 = tpu.memref_slice %arg6[%dma_wait3A_1318, %dma_wait3A_1319, %dma_wait3A_1320] : memref<8x800x16xf32, #tpu.memory_space<vmem>> -> memref<1x800x16xf32, #tpu.memory_space<vmem>>
    %dma_wait3A_1322 = tpu.memref_squeeze %dma_wait3A_1321 : memref<1x800x16xf32, #tpu.memory_space<vmem>> -> memref<800x16xf32, #tpu.memory_space<vmem>>
    %dma_wait3A_1323 = arith.constant 0 : i32
    %dma_wait3A_1324 = tpu.memref_slice %arg5[%dma_wait3A_1317, %dma_wait3A_1323] : memref<8x800xi32, #tpu.memory_space<vmem>> -> memref<1x800xi32, #tpu.memory_space<vmem>>
    %dma_wait3A_1325 = tpu.memref_squeeze %dma_wait3A_1324 : memref<1x800xi32, #tpu.memory_space<vmem>> -> memref<800xi32, #tpu.memory_space<vmem>>
    %dma_wait3A_1326 = arith.constant 0 : i32
    %dma_wait3A_1327 = arith.constant 0 : i32
    %dma_wait3A_1328 = tpu.memref_slice %arg2[%dma_wait3A_1326, %dma_wait3A_1327] : memref<1000000x16xf32, #tpu.memory_space<hbm>> -> memref<1000000x16xf32, #tpu.memory_space<hbm>>
    tpu.wait_indirect_dma semaphore(%arg7 : memref<!tpu.dma_semaphore, #tpu.memory_space<semaphore_mem>>) src(%dma_wait3A_1328 : memref<1000000x16xf32, #tpu.memory_space<hbm>>) dst(%dma_wait3A_1322 : memref<800x16xf32, #tpu.memory_space<vmem>>)
    %dma_wait3A_1329 = arith.constant 2 : i32
    %dma_wait3A_1330 = arith.constant 2 : i32
    %dma_wait3A_1331 = arith.constant 0 : i32
    %dma_wait3A_1332 = arith.constant 0 : i32
    %dma_wait3A_1333 = tpu.memref_slice %arg6[%dma_wait3A_1330, %dma_wait3A_1331, %dma_wait3A_1332] : memref<8x800x16xf32, #tpu.memory_space<vmem>> -> memref<1x800x16xf32, #tpu.memory_space<vmem>>
    %dma_wait3A_1334 = tpu.memref_squeeze %dma_wait3A_1333 : memref<1x800x16xf32, #tpu.memory_space<vmem>> -> memref<800x16xf32, #tpu.memory_space<vmem>>
    %dma_wait3A_1335 = arith.constant 0 : i32
    %dma_wait3A_1336 = tpu.memref_slice %arg5[%dma_wait3A_1329, %dma_wait3A_1335] : memref<8x800xi32, #tpu.memory_space<vmem>> -> memref<1x800xi32, #tpu.memory_space<vmem>>
    %dma_wait3A_1337 = tpu.memref_squeeze %dma_wait3A_1336 : memref<1x800xi32, #tpu.memory_space<vmem>> -> memref<800xi32, #tpu.memory_space<vmem>>
    %dma_wait3A_1338 = arith.constant 0 : i32
    %dma_wait3A_1339 = arith.constant 0 : i32
    %dma_wait3A_1340 = tpu.memref_slice %arg2[%dma_wait3A_1338, %dma_wait3A_1339] : memref<1000000x16xf32, #tpu.memory_space<hbm>> -> memref<1000000x16xf32, #tpu.memory_space<hbm>>
    tpu.wait_indirect_dma semaphore(%arg7 : memref<!tpu.dma_semaphore, #tpu.memory_space<semaphore_mem>>) src(%dma_wait3A_1340 : memref<1000000x16xf32, #tpu.memory_space<hbm>>) dst(%dma_wait3A_1334 : memref<800x16xf32, #tpu.memory_space<vmem>>)
    %dma_wait3A_1341 = arith.constant 3 : i32
    %dma_wait3A_1342 = arith.constant 3 : i32
    %dma_wait3A_1343 = arith.constant 0 : i32
    %dma_wait3A_1344 = arith.constant 0 : i32
    %dma_wait3A_1345 = tpu.memref_slice %arg6[%dma_wait3A_1342, %dma_wait3A_1343, %dma_wait3A_1344] : memref<8x800x16xf32, #tpu.memory_space<vmem>> -> memref<1x800x16xf32, #tpu.memory_space<vmem>>
    %dma_wait3A_1346 = tpu.memref_squeeze %dma_wait3A_1345 : memref<1x800x16xf32, #tpu.memory_space<vmem>> -> memref<800x16xf32, #tpu.memory_space<vmem>>
    %dma_wait3A_1347 = arith.constant 0 : i32
    %dma_wait3A_1348 = tpu.memref_slice %arg5[%dma_wait3A_1341, %dma_wait3A_1347] : memref<8x800xi32, #tpu.memory_space<vmem>> -> memref<1x800xi32, #tpu.memory_space<vmem>>
    %dma_wait3A_1349 = tpu.memref_squeeze %dma_wait3A_1348 : memref<1x800xi32, #tpu.memory_space<vmem>> -> memref<800xi32, #tpu.memory_space<vmem>>
    %dma_wait3A_1350 = arith.constant 0 : i32
    %dma_wait3A_1351 = arith.constant 0 : i32
    %dma_wait3A_1352 = tpu.memref_slice %arg2[%dma_wait3A_1350, %dma_wait3A_1351] : memref<1000000x16xf32, #tpu.memory_space<hbm>> -> memref<1000000x16xf32, #tpu.memory_space<hbm>>
    tpu.wait_indirect_dma semaphore(%arg7 : memref<!tpu.dma_semaphore, #tpu.memory_space<semaphore_mem>>) src(%dma_wait3A_1352 : memref<1000000x16xf32, #tpu.memory_space<hbm>>) dst(%dma_wait3A_1346 : memref<800x16xf32, #tpu.memory_space<vmem>>)
    %dma_wait3A_1353 = arith.constant 4 : i32
    %dma_wait3A_1354 = arith.constant 4 : i32
    %dma_wait3A_1355 = arith.constant 0 : i32
    %dma_wait3A_1356 = arith.constant 0 : i32
    %dma_wait3A_1357 = tpu.memref_slice %arg6[%dma_wait3A_1354, %dma_wait3A_1355, %dma_wait3A_1356] : memref<8x800x16xf32, #tpu.memory_space<vmem>> -> memref<1x800x16xf32, #tpu.memory_space<vmem>>
    %dma_wait3A_1358 = tpu.memref_squeeze %dma_wait3A_1357 : memref<1x800x16xf32, #tpu.memory_space<vmem>> -> memref<800x16xf32, #tpu.memory_space<vmem>>
    %dma_wait3A_1359 = arith.constant 0 : i32
    %dma_wait3A_1360 = tpu.memref_slice %arg5[%dma_wait3A_1353, %dma_wait3A_1359] : memref<8x800xi32, #tpu.memory_space<vmem>> -> memref<1x800xi32, #tpu.memory_space<vmem>>
    %dma_wait3A_1361 = tpu.memref_squeeze %dma_wait3A_1360 : memref<1x800xi32, #tpu.memory_space<vmem>> -> memref<800xi32, #tpu.memory_space<vmem>>
    %dma_wait3A_1362 = arith.constant 0 : i32
    %dma_wait3A_1363 = arith.constant 0 : i32
    %dma_wait3A_1364 = tpu.memref_slice %arg2[%dma_wait3A_1362, %dma_wait3A_1363] : memref<1000000x16xf32, #tpu.memory_space<hbm>> -> memref<1000000x16xf32, #tpu.memory_space<hbm>>
    tpu.wait_indirect_dma semaphore(%arg7 : memref<!tpu.dma_semaphore, #tpu.memory_space<semaphore_mem>>) src(%dma_wait3A_1364 : memref<1000000x16xf32, #tpu.memory_space<hbm>>) dst(%dma_wait3A_1358 : memref<800x16xf32, #tpu.memory_space<vmem>>)
    %dma_wait3A_1365 = arith.constant 5 : i32
    %dma_wait3A_1366 = arith.constant 5 : i32
    %dma_wait3A_1367 = arith.constant 0 : i32
    %dma_wait3A_1368 = arith.constant 0 : i32
    %dma_wait3A_1369 = tpu.memref_slice %arg6[%dma_wait3A_1366, %dma_wait3A_1367, %dma_wait3A_1368] : memref<8x800x16xf32, #tpu.memory_space<vmem>> -> memref<1x800x16xf32, #tpu.memory_space<vmem>>
    %dma_wait3A_1370 = tpu.memref_squeeze %dma_wait3A_1369 : memref<1x800x16xf32, #tpu.memory_space<vmem>> -> memref<800x16xf32, #tpu.memory_space<vmem>>
    %dma_wait3A_1371 = arith.constant 0 : i32
    %dma_wait3A_1372 = tpu.memref_slice %arg5[%dma_wait3A_1365, %dma_wait3A_1371] : memref<8x800xi32, #tpu.memory_space<vmem>> -> memref<1x800xi32, #tpu.memory_space<vmem>>
    %dma_wait3A_1373 = tpu.memref_squeeze %dma_wait3A_1372 : memref<1x800xi32, #tpu.memory_space<vmem>> -> memref<800xi32, #tpu.memory_space<vmem>>
    %dma_wait3A_1374 = arith.constant 0 : i32
    %dma_wait3A_1375 = arith.constant 0 : i32
    %dma_wait3A_1376 = tpu.memref_slice %arg2[%dma_wait3A_1374, %dma_wait3A_1375] : memref<1000000x16xf32, #tpu.memory_space<hbm>> -> memref<1000000x16xf32, #tpu.memory_space<hbm>>
    tpu.wait_indirect_dma semaphore(%arg7 : memref<!tpu.dma_semaphore, #tpu.memory_space<semaphore_mem>>) src(%dma_wait3A_1376 : memref<1000000x16xf32, #tpu.memory_space<hbm>>) dst(%dma_wait3A_1370 : memref<800x16xf32, #tpu.memory_space<vmem>>)
    %dma_wait3A_1377 = arith.constant 6 : i32
    %dma_wait3A_1378 = arith.constant 6 : i32
    %dma_wait3A_1379 = arith.constant 0 : i32
    %dma_wait3A_1380 = arith.constant 0 : i32
    %dma_wait3A_1381 = tpu.memref_slice %arg6[%dma_wait3A_1378, %dma_wait3A_1379, %dma_wait3A_1380] : memref<8x800x16xf32, #tpu.memory_space<vmem>> -> memref<1x800x16xf32, #tpu.memory_space<vmem>>
    %dma_wait3A_1382 = tpu.memref_squeeze %dma_wait3A_1381 : memref<1x800x16xf32, #tpu.memory_space<vmem>> -> memref<800x16xf32, #tpu.memory_space<vmem>>
    %dma_wait3A_1383 = arith.constant 0 : i32
    %dma_wait3A_1384 = tpu.memref_slice %arg5[%dma_wait3A_1377, %dma_wait3A_1383] : memref<8x800xi32, #tpu.memory_space<vmem>> -> memref<1x800xi32, #tpu.memory_space<vmem>>
    %dma_wait3A_1385 = tpu.memref_squeeze %dma_wait3A_1384 : memref<1x800xi32, #tpu.memory_space<vmem>> -> memref<800xi32, #tpu.memory_space<vmem>>
    %dma_wait3A_1386 = arith.constant 0 : i32
    %dma_wait3A_1387 = arith.constant 0 : i32
    %dma_wait3A_1388 = tpu.memref_slice %arg2[%dma_wait3A_1386, %dma_wait3A_1387] : memref<1000000x16xf32, #tpu.memory_space<hbm>> -> memref<1000000x16xf32, #tpu.memory_space<hbm>>
    tpu.wait_indirect_dma semaphore(%arg7 : memref<!tpu.dma_semaphore, #tpu.memory_space<semaphore_mem>>) src(%dma_wait3A_1388 : memref<1000000x16xf32, #tpu.memory_space<hbm>>) dst(%dma_wait3A_1382 : memref<800x16xf32, #tpu.memory_space<vmem>>)
    %dma_wait3A_1389 = arith.constant 7 : i32
    %dma_wait3A_1390 = arith.constant 7 : i32
    %dma_wait3A_1391 = arith.constant 0 : i32
    %dma_wait3A_1392 = arith.constant 0 : i32
    %dma_wait3A_1393 = tpu.memref_slice %arg6[%dma_wait3A_1390, %dma_wait3A_1391, %dma_wait3A_1392] : memref<8x800x16xf32, #tpu.memory_space<vmem>> -> memref<1x800x16xf32, #tpu.memory_space<vmem>>
    %dma_wait3A_1394 = tpu.memref_squeeze %dma_wait3A_1393 : memref<1x800x16xf32, #tpu.memory_space<vmem>> -> memref<800x16xf32, #tpu.memory_space<vmem>>
    %dma_wait3A_1395 = arith.constant 0 : i32
    %dma_wait3A_1396 = tpu.memref_slice %arg5[%dma_wait3A_1389, %dma_wait3A_1395] : memref<8x800xi32, #tpu.memory_space<vmem>> -> memref<1x800xi32, #tpu.memory_space<vmem>>
    %dma_wait3A_1397 = tpu.memref_squeeze %dma_wait3A_1396 : memref<1x800xi32, #tpu.memory_space<vmem>> -> memref<800xi32, #tpu.memory_space<vmem>>
    %dma_wait3A_1398 = arith.constant 0 : i32
    %dma_wait3A_1399 = arith.constant 0 : i32
    %dma_wait3A_1400 = tpu.memref_slice %arg2[%dma_wait3A_1398, %dma_wait3A_1399] : memref<1000000x16xf32, #tpu.memory_space<hbm>> -> memref<1000000x16xf32, #tpu.memory_space<hbm>>
    tpu.wait_indirect_dma semaphore(%arg7 : memref<!tpu.dma_semaphore, #tpu.memory_space<semaphore_mem>>) src(%dma_wait3A_1400 : memref<1000000x16xf32, #tpu.memory_space<hbm>>) dst(%dma_wait3A_1394 : memref<800x16xf32, #tpu.memory_space<vmem>>)
    %dma_start3A_1401 = arith.constant 0 : i32
    %dma_start3A_1402 = arith.constant 0 : i32
    %dma_start3A_1403 = arith.constant 0 : i32
    %dma_start3A_1404 = tpu.memref_slice %arg6[%dma_start3A_1401, %dma_start3A_1402, %dma_start3A_1403] : memref<8x800x16xf32, #tpu.memory_space<vmem>> -> memref<1x800x16xf32, #tpu.memory_space<vmem>>
    %dma_start3A_1405 = tpu.memref_squeeze %dma_start3A_1404 : memref<1x800x16xf32, #tpu.memory_space<vmem>> -> memref<800x16xf32, #tpu.memory_space<vmem>>
    %dma_start3A_1406 = arith.constant 0 : i32
    %dma_start3A_1407 = tpu.memref_slice %arg4[%add3A_1208, %dma_start3A_1406] : memref<102400x128xf32, #tpu.memory_space<hbm>> -> memref<800x16xf32, #tpu.memory_space<hbm>>
    %dma_start3A_1408 = arith.constant 0 : i32
    %dma_start3A_1409 = tpu.memref_slice %arg4[%add3A_1208, %dma_start3A_1408] : memref<102400x128xf32, #tpu.memory_space<hbm>> -> memref<800x16xf32, #tpu.memory_space<hbm>>
    %dma_start3A_1410 = arith.constant 0 : i32
    %dma_start3A_1411 = arith.constant 0 : i32
    %dma_start3A_1412 = tpu.memref_slice %arg6[%dma_start3A_1401, %dma_start3A_1410, %dma_start3A_1411] : memref<8x800x16xf32, #tpu.memory_space<vmem>> -> memref<1x800x16xf32, #tpu.memory_space<vmem>>
    %dma_start3A_1413 = tpu.memref_squeeze %dma_start3A_1412 : memref<1x800x16xf32, #tpu.memory_space<vmem>> -> memref<800x16xf32, #tpu.memory_space<vmem>>
    tpu.enqueue_dma source(%dma_start3A_1413 : memref<800x16xf32, #tpu.memory_space<vmem>>) target(%dma_start3A_1409 : memref<800x16xf32, #tpu.memory_space<hbm>>) target_semaphore(%arg8 : memref<!tpu.dma_semaphore, #tpu.memory_space<semaphore_mem>>)
    %dma_start3A_1414 = arith.constant 1 : i32
    %dma_start3A_1415 = arith.constant 0 : i32
    %dma_start3A_1416 = arith.constant 0 : i32
    %dma_start3A_1417 = tpu.memref_slice %arg6[%dma_start3A_1414, %dma_start3A_1415, %dma_start3A_1416] : memref<8x800x16xf32, #tpu.memory_space<vmem>> -> memref<1x800x16xf32, #tpu.memory_space<vmem>>
    %dma_start3A_1418 = tpu.memref_squeeze %dma_start3A_1417 : memref<1x800x16xf32, #tpu.memory_space<vmem>> -> memref<800x16xf32, #tpu.memory_space<vmem>>
    %dma_start3A_1419 = arith.constant 16 : i32
    %dma_start3A_1420 = tpu.memref_slice %arg4[%add3A_1208, %dma_start3A_1419] : memref<102400x128xf32, #tpu.memory_space<hbm>> -> memref<800x16xf32, #tpu.memory_space<hbm>>
    %dma_start3A_1421 = arith.constant 16 : i32
    %dma_start3A_1422 = tpu.memref_slice %arg4[%add3A_1208, %dma_start3A_1421] : memref<102400x128xf32, #tpu.memory_space<hbm>> -> memref<800x16xf32, #tpu.memory_space<hbm>>
    %dma_start3A_1423 = arith.constant 0 : i32
    %dma_start3A_1424 = arith.constant 0 : i32
    %dma_start3A_1425 = tpu.memref_slice %arg6[%dma_start3A_1414, %dma_start3A_1423, %dma_start3A_1424] : memref<8x800x16xf32, #tpu.memory_space<vmem>> -> memref<1x800x16xf32, #tpu.memory_space<vmem>>
    %dma_start3A_1426 = tpu.memref_squeeze %dma_start3A_1425 : memref<1x800x16xf32, #tpu.memory_space<vmem>> -> memref<800x16xf32, #tpu.memory_space<vmem>>
    tpu.enqueue_dma source(%dma_start3A_1426 : memref<800x16xf32, #tpu.memory_space<vmem>>) target(%dma_start3A_1422 : memref<800x16xf32, #tpu.memory_space<hbm>>) target_semaphore(%arg8 : memref<!tpu.dma_semaphore, #tpu.memory_space<semaphore_mem>>)
    %dma_start3A_1427 = arith.constant 2 : i32
    %dma_start3A_1428 = arith.constant 0 : i32
    %dma_start3A_1429 = arith.constant 0 : i32
    %dma_start3A_1430 = tpu.memref_slice %arg6[%dma_start3A_1427, %dma_start3A_1428, %dma_start3A_1429] : memref<8x800x16xf32, #tpu.memory_space<vmem>> -> memref<1x800x16xf32, #tpu.memory_space<vmem>>
    %dma_start3A_1431 = tpu.memref_squeeze %dma_start3A_1430 : memref<1x800x16xf32, #tpu.memory_space<vmem>> -> memref<800x16xf32, #tpu.memory_space<vmem>>
    %dma_start3A_1432 = arith.constant 32 : i32
    %dma_start3A_1433 = tpu.memref_slice %arg4[%add3A_1208, %dma_start3A_1432] : memref<102400x128xf32, #tpu.memory_space<hbm>> -> memref<800x16xf32, #tpu.memory_space<hbm>>
    %dma_start3A_1434 = arith.constant 32 : i32
    %dma_start3A_1435 = tpu.memref_slice %arg4[%add3A_1208, %dma_start3A_1434] : memref<102400x128xf32, #tpu.memory_space<hbm>> -> memref<800x16xf32, #tpu.memory_space<hbm>>
    %dma_start3A_1436 = arith.constant 0 : i32
    %dma_start3A_1437 = arith.constant 0 : i32
    %dma_start3A_1438 = tpu.memref_slice %arg6[%dma_start3A_1427, %dma_start3A_1436, %dma_start3A_1437] : memref<8x800x16xf32, #tpu.memory_space<vmem>> -> memref<1x800x16xf32, #tpu.memory_space<vmem>>
    %dma_start3A_1439 = tpu.memref_squeeze %dma_start3A_1438 : memref<1x800x16xf32, #tpu.memory_space<vmem>> -> memref<800x16xf32, #tpu.memory_space<vmem>>
    tpu.enqueue_dma source(%dma_start3A_1439 : memref<800x16xf32, #tpu.memory_space<vmem>>) target(%dma_start3A_1435 : memref<800x16xf32, #tpu.memory_space<hbm>>) target_semaphore(%arg8 : memref<!tpu.dma_semaphore, #tpu.memory_space<semaphore_mem>>)
    %dma_start3A_1440 = arith.constant 3 : i32
    %dma_start3A_1441 = arith.constant 0 : i32
    %dma_start3A_1442 = arith.constant 0 : i32
    %dma_start3A_1443 = tpu.memref_slice %arg6[%dma_start3A_1440, %dma_start3A_1441, %dma_start3A_1442] : memref<8x800x16xf32, #tpu.memory_space<vmem>> -> memref<1x800x16xf32, #tpu.memory_space<vmem>>
    %dma_start3A_1444 = tpu.memref_squeeze %dma_start3A_1443 : memref<1x800x16xf32, #tpu.memory_space<vmem>> -> memref<800x16xf32, #tpu.memory_space<vmem>>
    %dma_start3A_1445 = arith.constant 48 : i32
    %dma_start3A_1446 = tpu.memref_slice %arg4[%add3A_1208, %dma_start3A_1445] : memref<102400x128xf32, #tpu.memory_space<hbm>> -> memref<800x16xf32, #tpu.memory_space<hbm>>
    %dma_start3A_1447 = arith.constant 48 : i32
    %dma_start3A_1448 = tpu.memref_slice %arg4[%add3A_1208, %dma_start3A_1447] : memref<102400x128xf32, #tpu.memory_space<hbm>> -> memref<800x16xf32, #tpu.memory_space<hbm>>
    %dma_start3A_1449 = arith.constant 0 : i32
    %dma_start3A_1450 = arith.constant 0 : i32
    %dma_start3A_1451 = tpu.memref_slice %arg6[%dma_start3A_1440, %dma_start3A_1449, %dma_start3A_1450] : memref<8x800x16xf32, #tpu.memory_space<vmem>> -> memref<1x800x16xf32, #tpu.memory_space<vmem>>
    %dma_start3A_1452 = tpu.memref_squeeze %dma_start3A_1451 : memref<1x800x16xf32, #tpu.memory_space<vmem>> -> memref<800x16xf32, #tpu.memory_space<vmem>>
    tpu.enqueue_dma source(%dma_start3A_1452 : memref<800x16xf32, #tpu.memory_space<vmem>>) target(%dma_start3A_1448 : memref<800x16xf32, #tpu.memory_space<hbm>>) target_semaphore(%arg8 : memref<!tpu.dma_semaphore, #tpu.memory_space<semaphore_mem>>)
    %dma_start3A_1453 = arith.constant 4 : i32
    %dma_start3A_1454 = arith.constant 0 : i32
    %dma_start3A_1455 = arith.constant 0 : i32
    %dma_start3A_1456 = tpu.memref_slice %arg6[%dma_start3A_1453, %dma_start3A_1454, %dma_start3A_1455] : memref<8x800x16xf32, #tpu.memory_space<vmem>> -> memref<1x800x16xf32, #tpu.memory_space<vmem>>
    %dma_start3A_1457 = tpu.memref_squeeze %dma_start3A_1456 : memref<1x800x16xf32, #tpu.memory_space<vmem>> -> memref<800x16xf32, #tpu.memory_space<vmem>>
    %dma_start3A_1458 = arith.constant 64 : i32
    %dma_start3A_1459 = tpu.memref_slice %arg4[%add3A_1208, %dma_start3A_1458] : memref<102400x128xf32, #tpu.memory_space<hbm>> -> memref<800x16xf32, #tpu.memory_space<hbm>>
    %dma_start3A_1460 = arith.constant 64 : i32
    %dma_start3A_1461 = tpu.memref_slice %arg4[%add3A_1208, %dma_start3A_1460] : memref<102400x128xf32, #tpu.memory_space<hbm>> -> memref<800x16xf32, #tpu.memory_space<hbm>>
    %dma_start3A_1462 = arith.constant 0 : i32
    %dma_start3A_1463 = arith.constant 0 : i32
    %dma_start3A_1464 = tpu.memref_slice %arg6[%dma_start3A_1453, %dma_start3A_1462, %dma_start3A_1463] : memref<8x800x16xf32, #tpu.memory_space<vmem>> -> memref<1x800x16xf32, #tpu.memory_space<vmem>>
    %dma_start3A_1465 = tpu.memref_squeeze %dma_start3A_1464 : memref<1x800x16xf32, #tpu.memory_space<vmem>> -> memref<800x16xf32, #tpu.memory_space<vmem>>
    tpu.enqueue_dma source(%dma_start3A_1465 : memref<800x16xf32, #tpu.memory_space<vmem>>) target(%dma_start3A_1461 : memref<800x16xf32, #tpu.memory_space<hbm>>) target_semaphore(%arg8 : memref<!tpu.dma_semaphore, #tpu.memory_space<semaphore_mem>>)
    %dma_start3A_1466 = arith.constant 5 : i32
    %dma_start3A_1467 = arith.constant 0 : i32
    %dma_start3A_1468 = arith.constant 0 : i32
    %dma_start3A_1469 = tpu.memref_slice %arg6[%dma_start3A_1466, %dma_start3A_1467, %dma_start3A_1468] : memref<8x800x16xf32, #tpu.memory_space<vmem>> -> memref<1x800x16xf32, #tpu.memory_space<vmem>>
    %dma_start3A_1470 = tpu.memref_squeeze %dma_start3A_1469 : memref<1x800x16xf32, #tpu.memory_space<vmem>> -> memref<800x16xf32, #tpu.memory_space<vmem>>
    %dma_start3A_1471 = arith.constant 80 : i32
    %dma_start3A_1472 = tpu.memref_slice %arg4[%add3A_1208, %dma_start3A_1471] : memref<102400x128xf32, #tpu.memory_space<hbm>> -> memref<800x16xf32, #tpu.memory_space<hbm>>
    %dma_start3A_1473 = arith.constant 80 : i32
    %dma_start3A_1474 = tpu.memref_slice %arg4[%add3A_1208, %dma_start3A_1473] : memref<102400x128xf32, #tpu.memory_space<hbm>> -> memref<800x16xf32, #tpu.memory_space<hbm>>
    %dma_start3A_1475 = arith.constant 0 : i32
    %dma_start3A_1476 = arith.constant 0 : i32
    %dma_start3A_1477 = tpu.memref_slice %arg6[%dma_start3A_1466, %dma_start3A_1475, %dma_start3A_1476] : memref<8x800x16xf32, #tpu.memory_space<vmem>> -> memref<1x800x16xf32, #tpu.memory_space<vmem>>
    %dma_start3A_1478 = tpu.memref_squeeze %dma_start3A_1477 : memref<1x800x16xf32, #tpu.memory_space<vmem>> -> memref<800x16xf32, #tpu.memory_space<vmem>>
    tpu.enqueue_dma source(%dma_start3A_1478 : memref<800x16xf32, #tpu.memory_space<vmem>>) target(%dma_start3A_1474 : memref<800x16xf32, #tpu.memory_space<hbm>>) target_semaphore(%arg8 : memref<!tpu.dma_semaphore, #tpu.memory_space<semaphore_mem>>)
    %dma_start3A_1479 = arith.constant 6 : i32
    %dma_start3A_1480 = arith.constant 0 : i32
    %dma_start3A_1481 = arith.constant 0 : i32
    %dma_start3A_1482 = tpu.memref_slice %arg6[%dma_start3A_1479, %dma_start3A_1480, %dma_start3A_1481] : memref<8x800x16xf32, #tpu.memory_space<vmem>> -> memref<1x800x16xf32, #tpu.memory_space<vmem>>
    %dma_start3A_1483 = tpu.memref_squeeze %dma_start3A_1482 : memref<1x800x16xf32, #tpu.memory_space<vmem>> -> memref<800x16xf32, #tpu.memory_space<vmem>>
    %dma_start3A_1484 = arith.constant 96 : i32
    %dma_start3A_1485 = tpu.memref_slice %arg4[%add3A_1208, %dma_start3A_1484] : memref<102400x128xf32, #tpu.memory_space<hbm>> -> memref<800x16xf32, #tpu.memory_space<hbm>>
    %dma_start3A_1486 = arith.constant 96 : i32
    %dma_start3A_1487 = tpu.memref_slice %arg4[%add3A_1208, %dma_start3A_1486] : memref<102400x128xf32, #tpu.memory_space<hbm>> -> memref<800x16xf32, #tpu.memory_space<hbm>>
    %dma_start3A_1488 = arith.constant 0 : i32
    %dma_start3A_1489 = arith.constant 0 : i32
    %dma_start3A_1490 = tpu.memref_slice %arg6[%dma_start3A_1479, %dma_start3A_1488, %dma_start3A_1489] : memref<8x800x16xf32, #tpu.memory_space<vmem>> -> memref<1x800x16xf32, #tpu.memory_space<vmem>>
    %dma_start3A_1491 = tpu.memref_squeeze %dma_start3A_1490 : memref<1x800x16xf32, #tpu.memory_space<vmem>> -> memref<800x16xf32, #tpu.memory_space<vmem>>
    tpu.enqueue_dma source(%dma_start3A_1491 : memref<800x16xf32, #tpu.memory_space<vmem>>) target(%dma_start3A_1487 : memref<800x16xf32, #tpu.memory_space<hbm>>) target_semaphore(%arg8 : memref<!tpu.dma_semaphore, #tpu.memory_space<semaphore_mem>>)
    %dma_start3A_1492 = arith.constant 7 : i32
    %dma_start3A_1493 = arith.constant 0 : i32
    %dma_start3A_1494 = arith.constant 0 : i32
    %dma_start3A_1495 = tpu.memref_slice %arg6[%dma_start3A_1492, %dma_start3A_1493, %dma_start3A_1494] : memref<8x800x16xf32, #tpu.memory_space<vmem>> -> memref<1x800x16xf32, #tpu.memory_space<vmem>>
    %dma_start3A_1496 = tpu.memref_squeeze %dma_start3A_1495 : memref<1x800x16xf32, #tpu.memory_space<vmem>> -> memref<800x16xf32, #tpu.memory_space<vmem>>
    %dma_start3A_1497 = arith.constant 112 : i32
    %dma_start3A_1498 = tpu.memref_slice %arg4[%add3A_1208, %dma_start3A_1497] : memref<102400x128xf32, #tpu.memory_space<hbm>> -> memref<800x16xf32, #tpu.memory_space<hbm>>
    %dma_start3A_1499 = arith.constant 112 : i32
    %dma_start3A_1500 = tpu.memref_slice %arg4[%add3A_1208, %dma_start3A_1499] : memref<102400x128xf32, #tpu.memory_space<hbm>> -> memref<800x16xf32, #tpu.memory_space<hbm>>
    %dma_start3A_1501 = arith.constant 0 : i32
    %dma_start3A_1502 = arith.constant 0 : i32
    %dma_start3A_1503 = tpu.memref_slice %arg6[%dma_start3A_1492, %dma_start3A_1501, %dma_start3A_1502] : memref<8x800x16xf32, #tpu.memory_space<vmem>> -> memref<1x800x16xf32, #tpu.memory_space<vmem>>
    %dma_start3A_1504 = tpu.memref_squeeze %dma_start3A_1503 : memref<1x800x16xf32, #tpu.memory_space<vmem>> -> memref<800x16xf32, #tpu.memory_space<vmem>>
    tpu.enqueue_dma source(%dma_start3A_1504 : memref<800x16xf32, #tpu.memory_space<vmem>>) target(%dma_start3A_1500 : memref<800x16xf32, #tpu.memory_space<hbm>>) target_semaphore(%arg8 : memref<!tpu.dma_semaphore, #tpu.memory_space<semaphore_mem>>)
    %dma_wait3A_1505 = arith.constant 0 : i32
    %dma_wait3A_1506 = arith.constant 0 : i32
    %dma_wait3A_1507 = arith.constant 0 : i32
    %dma_wait3A_1508 = tpu.memref_slice %arg6[%dma_wait3A_1505, %dma_wait3A_1506, %dma_wait3A_1507] : memref<8x800x16xf32, #tpu.memory_space<vmem>> -> memref<1x800x16xf32, #tpu.memory_space<vmem>>
    %dma_wait3A_1509 = tpu.memref_squeeze %dma_wait3A_1508 : memref<1x800x16xf32, #tpu.memory_space<vmem>> -> memref<800x16xf32, #tpu.memory_space<vmem>>
    %dma_wait3A_1510 = arith.constant 0 : i32
    %dma_wait3A_1511 = tpu.memref_slice %arg4[%add3A_1208, %dma_wait3A_1510] : memref<102400x128xf32, #tpu.memory_space<hbm>> -> memref<800x16xf32, #tpu.memory_space<hbm>>
    %dma_wait3A_1512 = arith.constant 0 : i32
    %dma_wait3A_1513 = tpu.memref_slice %arg4[%add3A_1208, %dma_wait3A_1512] : memref<102400x128xf32, #tpu.memory_space<hbm>> -> memref<800x16xf32, #tpu.memory_space<hbm>>
    %dma_wait3A_1514 = arith.constant 0 : i32
    %dma_wait3A_1515 = arith.constant 0 : i32
    %dma_wait3A_1516 = tpu.memref_slice %arg6[%dma_wait3A_1505, %dma_wait3A_1514, %dma_wait3A_1515] : memref<8x800x16xf32, #tpu.memory_space<vmem>> -> memref<1x800x16xf32, #tpu.memory_space<vmem>>
    %dma_wait3A_1517 = tpu.memref_squeeze %dma_wait3A_1516 : memref<1x800x16xf32, #tpu.memory_space<vmem>> -> memref<800x16xf32, #tpu.memory_space<vmem>>
    tpu.wait_dma2 semaphore(%arg8 : memref<!tpu.dma_semaphore, #tpu.memory_space<semaphore_mem>>) src(%dma_wait3A_1517 : memref<800x16xf32, #tpu.memory_space<vmem>>) dst(%dma_wait3A_1513 : memref<800x16xf32, #tpu.memory_space<hbm>>)
    %dma_wait3A_1518 = arith.constant 1 : i32
    %dma_wait3A_1519 = arith.constant 0 : i32
    %dma_wait3A_1520 = arith.constant 0 : i32
    %dma_wait3A_1521 = tpu.memref_slice %arg6[%dma_wait3A_1518, %dma_wait3A_1519, %dma_wait3A_1520] : memref<8x800x16xf32, #tpu.memory_space<vmem>> -> memref<1x800x16xf32, #tpu.memory_space<vmem>>
    %dma_wait3A_1522 = tpu.memref_squeeze %dma_wait3A_1521 : memref<1x800x16xf32, #tpu.memory_space<vmem>> -> memref<800x16xf32, #tpu.memory_space<vmem>>
    %dma_wait3A_1523 = arith.constant 16 : i32
    %dma_wait3A_1524 = tpu.memref_slice %arg4[%add3A_1208, %dma_wait3A_1523] : memref<102400x128xf32, #tpu.memory_space<hbm>> -> memref<800x16xf32, #tpu.memory_space<hbm>>
    %dma_wait3A_1525 = arith.constant 16 : i32
    %dma_wait3A_1526 = tpu.memref_slice %arg4[%add3A_1208, %dma_wait3A_1525] : memref<102400x128xf32, #tpu.memory_space<hbm>> -> memref<800x16xf32, #tpu.memory_space<hbm>>
    %dma_wait3A_1527 = arith.constant 0 : i32
    %dma_wait3A_1528 = arith.constant 0 : i32
    %dma_wait3A_1529 = tpu.memref_slice %arg6[%dma_wait3A_1518, %dma_wait3A_1527, %dma_wait3A_1528] : memref<8x800x16xf32, #tpu.memory_space<vmem>> -> memref<1x800x16xf32, #tpu.memory_space<vmem>>
    %dma_wait3A_1530 = tpu.memref_squeeze %dma_wait3A_1529 : memref<1x800x16xf32, #tpu.memory_space<vmem>> -> memref<800x16xf32, #tpu.memory_space<vmem>>
    tpu.wait_dma2 semaphore(%arg8 : memref<!tpu.dma_semaphore, #tpu.memory_space<semaphore_mem>>) src(%dma_wait3A_1530 : memref<800x16xf32, #tpu.memory_space<vmem>>) dst(%dma_wait3A_1526 : memref<800x16xf32, #tpu.memory_space<hbm>>)
    %dma_wait3A_1531 = arith.constant 2 : i32
    %dma_wait3A_1532 = arith.constant 0 : i32
    %dma_wait3A_1533 = arith.constant 0 : i32
    %dma_wait3A_1534 = tpu.memref_slice %arg6[%dma_wait3A_1531, %dma_wait3A_1532, %dma_wait3A_1533] : memref<8x800x16xf32, #tpu.memory_space<vmem>> -> memref<1x800x16xf32, #tpu.memory_space<vmem>>
    %dma_wait3A_1535 = tpu.memref_squeeze %dma_wait3A_1534 : memref<1x800x16xf32, #tpu.memory_space<vmem>> -> memref<800x16xf32, #tpu.memory_space<vmem>>
    %dma_wait3A_1536 = arith.constant 32 : i32
    %dma_wait3A_1537 = tpu.memref_slice %arg4[%add3A_1208, %dma_wait3A_1536] : memref<102400x128xf32, #tpu.memory_space<hbm>> -> memref<800x16xf32, #tpu.memory_space<hbm>>
    %dma_wait3A_1538 = arith.constant 32 : i32
    %dma_wait3A_1539 = tpu.memref_slice %arg4[%add3A_1208, %dma_wait3A_1538] : memref<102400x128xf32, #tpu.memory_space<hbm>> -> memref<800x16xf32, #tpu.memory_space<hbm>>
    %dma_wait3A_1540 = arith.constant 0 : i32
    %dma_wait3A_1541 = arith.constant 0 : i32
    %dma_wait3A_1542 = tpu.memref_slice %arg6[%dma_wait3A_1531, %dma_wait3A_1540, %dma_wait3A_1541] : memref<8x800x16xf32, #tpu.memory_space<vmem>> -> memref<1x800x16xf32, #tpu.memory_space<vmem>>
    %dma_wait3A_1543 = tpu.memref_squeeze %dma_wait3A_1542 : memref<1x800x16xf32, #tpu.memory_space<vmem>> -> memref<800x16xf32, #tpu.memory_space<vmem>>
    tpu.wait_dma2 semaphore(%arg8 : memref<!tpu.dma_semaphore, #tpu.memory_space<semaphore_mem>>) src(%dma_wait3A_1543 : memref<800x16xf32, #tpu.memory_space<vmem>>) dst(%dma_wait3A_1539 : memref<800x16xf32, #tpu.memory_space<hbm>>)
    %dma_wait3A_1544 = arith.constant 3 : i32
    %dma_wait3A_1545 = arith.constant 0 : i32
    %dma_wait3A_1546 = arith.constant 0 : i32
    %dma_wait3A_1547 = tpu.memref_slice %arg6[%dma_wait3A_1544, %dma_wait3A_1545, %dma_wait3A_1546] : memref<8x800x16xf32, #tpu.memory_space<vmem>> -> memref<1x800x16xf32, #tpu.memory_space<vmem>>
    %dma_wait3A_1548 = tpu.memref_squeeze %dma_wait3A_1547 : memref<1x800x16xf32, #tpu.memory_space<vmem>> -> memref<800x16xf32, #tpu.memory_space<vmem>>
    %dma_wait3A_1549 = arith.constant 48 : i32
    %dma_wait3A_1550 = tpu.memref_slice %arg4[%add3A_1208, %dma_wait3A_1549] : memref<102400x128xf32, #tpu.memory_space<hbm>> -> memref<800x16xf32, #tpu.memory_space<hbm>>
    %dma_wait3A_1551 = arith.constant 48 : i32
    %dma_wait3A_1552 = tpu.memref_slice %arg4[%add3A_1208, %dma_wait3A_1551] : memref<102400x128xf32, #tpu.memory_space<hbm>> -> memref<800x16xf32, #tpu.memory_space<hbm>>
    %dma_wait3A_1553 = arith.constant 0 : i32
    %dma_wait3A_1554 = arith.constant 0 : i32
    %dma_wait3A_1555 = tpu.memref_slice %arg6[%dma_wait3A_1544, %dma_wait3A_1553, %dma_wait3A_1554] : memref<8x800x16xf32, #tpu.memory_space<vmem>> -> memref<1x800x16xf32, #tpu.memory_space<vmem>>
    %dma_wait3A_1556 = tpu.memref_squeeze %dma_wait3A_1555 : memref<1x800x16xf32, #tpu.memory_space<vmem>> -> memref<800x16xf32, #tpu.memory_space<vmem>>
    tpu.wait_dma2 semaphore(%arg8 : memref<!tpu.dma_semaphore, #tpu.memory_space<semaphore_mem>>) src(%dma_wait3A_1556 : memref<800x16xf32, #tpu.memory_space<vmem>>) dst(%dma_wait3A_1552 : memref<800x16xf32, #tpu.memory_space<hbm>>)
    %dma_wait3A_1557 = arith.constant 4 : i32
    %dma_wait3A_1558 = arith.constant 0 : i32
    %dma_wait3A_1559 = arith.constant 0 : i32
    %dma_wait3A_1560 = tpu.memref_slice %arg6[%dma_wait3A_1557, %dma_wait3A_1558, %dma_wait3A_1559] : memref<8x800x16xf32, #tpu.memory_space<vmem>> -> memref<1x800x16xf32, #tpu.memory_space<vmem>>
    %dma_wait3A_1561 = tpu.memref_squeeze %dma_wait3A_1560 : memref<1x800x16xf32, #tpu.memory_space<vmem>> -> memref<800x16xf32, #tpu.memory_space<vmem>>
    %dma_wait3A_1562 = arith.constant 64 : i32
    %dma_wait3A_1563 = tpu.memref_slice %arg4[%add3A_1208, %dma_wait3A_1562] : memref<102400x128xf32, #tpu.memory_space<hbm>> -> memref<800x16xf32, #tpu.memory_space<hbm>>
    %dma_wait3A_1564 = arith.constant 64 : i32
    %dma_wait3A_1565 = tpu.memref_slice %arg4[%add3A_1208, %dma_wait3A_1564] : memref<102400x128xf32, #tpu.memory_space<hbm>> -> memref<800x16xf32, #tpu.memory_space<hbm>>
    %dma_wait3A_1566 = arith.constant 0 : i32
    %dma_wait3A_1567 = arith.constant 0 : i32
    %dma_wait3A_1568 = tpu.memref_slice %arg6[%dma_wait3A_1557, %dma_wait3A_1566, %dma_wait3A_1567] : memref<8x800x16xf32, #tpu.memory_space<vmem>> -> memref<1x800x16xf32, #tpu.memory_space<vmem>>
    %dma_wait3A_1569 = tpu.memref_squeeze %dma_wait3A_1568 : memref<1x800x16xf32, #tpu.memory_space<vmem>> -> memref<800x16xf32, #tpu.memory_space<vmem>>
    tpu.wait_dma2 semaphore(%arg8 : memref<!tpu.dma_semaphore, #tpu.memory_space<semaphore_mem>>) src(%dma_wait3A_1569 : memref<800x16xf32, #tpu.memory_space<vmem>>) dst(%dma_wait3A_1565 : memref<800x16xf32, #tpu.memory_space<hbm>>)
    %dma_wait3A_1570 = arith.constant 5 : i32
    %dma_wait3A_1571 = arith.constant 0 : i32
    %dma_wait3A_1572 = arith.constant 0 : i32
    %dma_wait3A_1573 = tpu.memref_slice %arg6[%dma_wait3A_1570, %dma_wait3A_1571, %dma_wait3A_1572] : memref<8x800x16xf32, #tpu.memory_space<vmem>> -> memref<1x800x16xf32, #tpu.memory_space<vmem>>
    %dma_wait3A_1574 = tpu.memref_squeeze %dma_wait3A_1573 : memref<1x800x16xf32, #tpu.memory_space<vmem>> -> memref<800x16xf32, #tpu.memory_space<vmem>>
    %dma_wait3A_1575 = arith.constant 80 : i32
    %dma_wait3A_1576 = tpu.memref_slice %arg4[%add3A_1208, %dma_wait3A_1575] : memref<102400x128xf32, #tpu.memory_space<hbm>> -> memref<800x16xf32, #tpu.memory_space<hbm>>
    %dma_wait3A_1577 = arith.constant 80 : i32
    %dma_wait3A_1578 = tpu.memref_slice %arg4[%add3A_1208, %dma_wait3A_1577] : memref<102400x128xf32, #tpu.memory_space<hbm>> -> memref<800x16xf32, #tpu.memory_space<hbm>>
    %dma_wait3A_1579 = arith.constant 0 : i32
    %dma_wait3A_1580 = arith.constant 0 : i32
    %dma_wait3A_1581 = tpu.memref_slice %arg6[%dma_wait3A_1570, %dma_wait3A_1579, %dma_wait3A_1580] : memref<8x800x16xf32, #tpu.memory_space<vmem>> -> memref<1x800x16xf32, #tpu.memory_space<vmem>>
    %dma_wait3A_1582 = tpu.memref_squeeze %dma_wait3A_1581 : memref<1x800x16xf32, #tpu.memory_space<vmem>> -> memref<800x16xf32, #tpu.memory_space<vmem>>
    tpu.wait_dma2 semaphore(%arg8 : memref<!tpu.dma_semaphore, #tpu.memory_space<semaphore_mem>>) src(%dma_wait3A_1582 : memref<800x16xf32, #tpu.memory_space<vmem>>) dst(%dma_wait3A_1578 : memref<800x16xf32, #tpu.memory_space<hbm>>)
    %dma_wait3A_1583 = arith.constant 6 : i32
    %dma_wait3A_1584 = arith.constant 0 : i32
    %dma_wait3A_1585 = arith.constant 0 : i32
    %dma_wait3A_1586 = tpu.memref_slice %arg6[%dma_wait3A_1583, %dma_wait3A_1584, %dma_wait3A_1585] : memref<8x800x16xf32, #tpu.memory_space<vmem>> -> memref<1x800x16xf32, #tpu.memory_space<vmem>>
    %dma_wait3A_1587 = tpu.memref_squeeze %dma_wait3A_1586 : memref<1x800x16xf32, #tpu.memory_space<vmem>> -> memref<800x16xf32, #tpu.memory_space<vmem>>
    %dma_wait3A_1588 = arith.constant 96 : i32
    %dma_wait3A_1589 = tpu.memref_slice %arg4[%add3A_1208, %dma_wait3A_1588] : memref<102400x128xf32, #tpu.memory_space<hbm>> -> memref<800x16xf32, #tpu.memory_space<hbm>>
    %dma_wait3A_1590 = arith.constant 96 : i32
    %dma_wait3A_1591 = tpu.memref_slice %arg4[%add3A_1208, %dma_wait3A_1590] : memref<102400x128xf32, #tpu.memory_space<hbm>> -> memref<800x16xf32, #tpu.memory_space<hbm>>
    %dma_wait3A_1592 = arith.constant 0 : i32
    %dma_wait3A_1593 = arith.constant 0 : i32
    %dma_wait3A_1594 = tpu.memref_slice %arg6[%dma_wait3A_1583, %dma_wait3A_1592, %dma_wait3A_1593] : memref<8x800x16xf32, #tpu.memory_space<vmem>> -> memref<1x800x16xf32, #tpu.memory_space<vmem>>
    %dma_wait3A_1595 = tpu.memref_squeeze %dma_wait3A_1594 : memref<1x800x16xf32, #tpu.memory_space<vmem>> -> memref<800x16xf32, #tpu.memory_space<vmem>>
    tpu.wait_dma2 semaphore(%arg8 : memref<!tpu.dma_semaphore, #tpu.memory_space<semaphore_mem>>) src(%dma_wait3A_1595 : memref<800x16xf32, #tpu.memory_space<vmem>>) dst(%dma_wait3A_1591 : memref<800x16xf32, #tpu.memory_space<hbm>>)
    %dma_wait3A_1596 = arith.constant 7 : i32
    %dma_wait3A_1597 = arith.constant 0 : i32
    %dma_wait3A_1598 = arith.constant 0 : i32
    %dma_wait3A_1599 = tpu.memref_slice %arg6[%dma_wait3A_1596, %dma_wait3A_1597, %dma_wait3A_1598] : memref<8x800x16xf32, #tpu.memory_space<vmem>> -> memref<1x800x16xf32, #tpu.memory_space<vmem>>
    %dma_wait3A_1600 = tpu.memref_squeeze %dma_wait3A_1599 : memref<1x800x16xf32, #tpu.memory_space<vmem>> -> memref<800x16xf32, #tpu.memory_space<vmem>>
    %dma_wait3A_1601 = arith.constant 112 : i32
    %dma_wait3A_1602 = tpu.memref_slice %arg4[%add3A_1208, %dma_wait3A_1601] : memref<102400x128xf32, #tpu.memory_space<hbm>> -> memref<800x16xf32, #tpu.memory_space<hbm>>
    %dma_wait3A_1603 = arith.constant 112 : i32
    %dma_wait3A_1604 = tpu.memref_slice %arg4[%add3A_1208, %dma_wait3A_1603] : memref<102400x128xf32, #tpu.memory_space<hbm>> -> memref<800x16xf32, #tpu.memory_space<hbm>>
    %dma_wait3A_1605 = arith.constant 0 : i32
    %dma_wait3A_1606 = arith.constant 0 : i32
    %dma_wait3A_1607 = tpu.memref_slice %arg6[%dma_wait3A_1596, %dma_wait3A_1605, %dma_wait3A_1606] : memref<8x800x16xf32, #tpu.memory_space<vmem>> -> memref<1x800x16xf32, #tpu.memory_space<vmem>>
    %dma_wait3A_1608 = tpu.memref_squeeze %dma_wait3A_1607 : memref<1x800x16xf32, #tpu.memory_space<vmem>> -> memref<800x16xf32, #tpu.memory_space<vmem>>
    tpu.wait_dma2 semaphore(%arg8 : memref<!tpu.dma_semaphore, #tpu.memory_space<semaphore_mem>>) src(%dma_wait3A_1608 : memref<800x16xf32, #tpu.memory_space<vmem>>) dst(%dma_wait3A_1604 : memref<800x16xf32, #tpu.memory_space<hbm>>)
    return
  }
}

module attributes {stable_mosaic.version = 14 : i64} {
  func.func @_tc_matmul_kernel(%arg0: i32, %arg1: memref<1600x128xf32, #tpu.memory_space<vmem>>, %arg2: memref<8x128x64xf32, #tpu.memory_space<vmem>>, %arg3: memref<8x32x50x64xf32, #tpu.memory_space<vmem>>) attributes {dimension_semantics = [#tpu.dimension_semantics<arbitrary>], iteration_bounds = array<i64: 64>, scalar_prefetch = 0 : i64, scratch_operands = 0 : i64, tpu.core_type = #tpu.core_type<tc>, window_params = [{transform_indices = @transform_0, window_bounds = array<i64: 1600, 128>}, {pipeline_mode = #tpu.pipeline_mode<synchronous>, transform_indices = @transform_1, window_bounds = array<i64: 8, 128, 64>}, {transform_indices = @transform_2, window_bounds = array<i64: 8, 32, 50, 64>}]} {
    %get3A = arith.constant 0 : index
    %get3A_0 = arith.constant 0 : index
    %get3A_1 = vector.load %arg1[%get3A, %get3A_0] : memref<1600x128xf32, #tpu.memory_space<vmem>>, vector<1600x128xf32>
    %get3A_2 = arith.constant 0 : index
    %get3A_3 = arith.constant 0 : index
    %get3A_4 = arith.constant 0 : index
    %get3A_5 = vector.load %arg2[%get3A_2, %get3A_3, %get3A_4] : memref<8x128x64xf32, #tpu.memory_space<vmem>>, vector<1x128x64xf32>
    %get3A_6 = vector.shape_cast %get3A_5 : vector<1x128x64xf32> to vector<128x64xf32>
    %dot_general3A = arith.constant dense<0.000000e+00> : vector<1600x64xf32>
    %dot_general3A_7 = tpu.matmul %get3A_1, %get3A_6, %dot_general3A {dimension_numbers = #tpu.dot_dimension_numbers<[1], [0], [0], [1], [0, 0, 1, 1], [], []>, transpose_lhs_hint = false} : vector<1600x128xf32>, vector<128x64xf32>, vector<1600x64xf32> -> vector<1600x64xf32>
    %reshape3A = vector.shape_cast %dot_general3A_7 : vector<1600x64xf32> to vector<32x50x64xf32>
    %swap3A = arith.constant 0 : index
    %swap3A_8 = arith.constant 0 : index
    %swap3A_9 = arith.constant 0 : index
    %swap3A_10 = arith.constant 0 : index
    %swap3A_11 = vector.load %arg3[%swap3A, %swap3A_8, %swap3A_9, %swap3A_10] : memref<8x32x50x64xf32, #tpu.memory_space<vmem>>, vector<1x32x50x64xf32>
    %swap3A_12 = vector.shape_cast %swap3A_11 : vector<1x32x50x64xf32> to vector<32x50x64xf32>
    %swap3A_13 = vector.shape_cast %reshape3A : vector<32x50x64xf32> to vector<1x32x50x64xf32>
    tpu.vector_store %arg3[%swap3A, %swap3A_8, %swap3A_9, %swap3A_10], %swap3A_13 {strides = array<i32>} : memref<8x32x50x64xf32, #tpu.memory_space<vmem>>, vector<1x32x50x64xf32>,
    %get3A_14 = arith.constant 1 : index
    %get3A_15 = arith.constant 0 : index
    %get3A_16 = arith.constant 0 : index
    %get3A_17 = vector.load %arg2[%get3A_14, %get3A_15, %get3A_16] : memref<8x128x64xf32, #tpu.memory_space<vmem>>, vector<1x128x64xf32>
    %get3A_18 = vector.shape_cast %get3A_17 : vector<1x128x64xf32> to vector<128x64xf32>
    %dot_general3A_19 = arith.constant dense<0.000000e+00> : vector<1600x64xf32>
    %dot_general3A_20 = tpu.matmul %get3A_1, %get3A_18, %dot_general3A_19 {dimension_numbers = #tpu.dot_dimension_numbers<[1], [0], [0], [1], [0, 0, 1, 1], [], []>, transpose_lhs_hint = false} : vector<1600x128xf32>, vector<128x64xf32>, vector<1600x64xf32> -> vector<1600x64xf32>
    %reshape3A_21 = vector.shape_cast %dot_general3A_20 : vector<1600x64xf32> to vector<32x50x64xf32>
    %swap3A_22 = arith.constant 1 : index
    %swap3A_23 = arith.constant 0 : index
    %swap3A_24 = arith.constant 0 : index
    %swap3A_25 = arith.constant 0 : index
    %swap3A_26 = vector.load %arg3[%swap3A_22, %swap3A_23, %swap3A_24, %swap3A_25] : memref<8x32x50x64xf32, #tpu.memory_space<vmem>>, vector<1x32x50x64xf32>
    %swap3A_27 = vector.shape_cast %swap3A_26 : vector<1x32x50x64xf32> to vector<32x50x64xf32>
    %swap3A_28 = vector.shape_cast %reshape3A_21 : vector<32x50x64xf32> to vector<1x32x50x64xf32>
    tpu.vector_store %arg3[%swap3A_22, %swap3A_23, %swap3A_24, %swap3A_25], %swap3A_28 {strides = array<i32>} : memref<8x32x50x64xf32, #tpu.memory_space<vmem>>, vector<1x32x50x64xf32>,
    %get3A_29 = arith.constant 2 : index
    %get3A_30 = arith.constant 0 : index
    %get3A_31 = arith.constant 0 : index
    %get3A_32 = vector.load %arg2[%get3A_29, %get3A_30, %get3A_31] : memref<8x128x64xf32, #tpu.memory_space<vmem>>, vector<1x128x64xf32>
    %get3A_33 = vector.shape_cast %get3A_32 : vector<1x128x64xf32> to vector<128x64xf32>
    %dot_general3A_34 = arith.constant dense<0.000000e+00> : vector<1600x64xf32>
    %dot_general3A_35 = tpu.matmul %get3A_1, %get3A_33, %dot_general3A_34 {dimension_numbers = #tpu.dot_dimension_numbers<[1], [0], [0], [1], [0, 0, 1, 1], [], []>, transpose_lhs_hint = false} : vector<1600x128xf32>, vector<128x64xf32>, vector<1600x64xf32> -> vector<1600x64xf32>
    %reshape3A_36 = vector.shape_cast %dot_general3A_35 : vector<1600x64xf32> to vector<32x50x64xf32>
    %swap3A_37 = arith.constant 2 : index
    %swap3A_38 = arith.constant 0 : index
    %swap3A_39 = arith.constant 0 : index
    %swap3A_40 = arith.constant 0 : index
    %swap3A_41 = vector.load %arg3[%swap3A_37, %swap3A_38, %swap3A_39, %swap3A_40] : memref<8x32x50x64xf32, #tpu.memory_space<vmem>>, vector<1x32x50x64xf32>
    %swap3A_42 = vector.shape_cast %swap3A_41 : vector<1x32x50x64xf32> to vector<32x50x64xf32>
    %swap3A_43 = vector.shape_cast %reshape3A_36 : vector<32x50x64xf32> to vector<1x32x50x64xf32>
    tpu.vector_store %arg3[%swap3A_37, %swap3A_38, %swap3A_39, %swap3A_40], %swap3A_43 {strides = array<i32>} : memref<8x32x50x64xf32, #tpu.memory_space<vmem>>, vector<1x32x50x64xf32>,
    %get3A_44 = arith.constant 3 : index
    %get3A_45 = arith.constant 0 : index
    %get3A_46 = arith.constant 0 : index
    %get3A_47 = vector.load %arg2[%get3A_44, %get3A_45, %get3A_46] : memref<8x128x64xf32, #tpu.memory_space<vmem>>, vector<1x128x64xf32>
    %get3A_48 = vector.shape_cast %get3A_47 : vector<1x128x64xf32> to vector<128x64xf32>
    %dot_general3A_49 = arith.constant dense<0.000000e+00> : vector<1600x64xf32>
    %dot_general3A_50 = tpu.matmul %get3A_1, %get3A_48, %dot_general3A_49 {dimension_numbers = #tpu.dot_dimension_numbers<[1], [0], [0], [1], [0, 0, 1, 1], [], []>, transpose_lhs_hint = false} : vector<1600x128xf32>, vector<128x64xf32>, vector<1600x64xf32> -> vector<1600x64xf32>
    %reshape3A_51 = vector.shape_cast %dot_general3A_50 : vector<1600x64xf32> to vector<32x50x64xf32>
    %swap3A_52 = arith.constant 3 : index
    %swap3A_53 = arith.constant 0 : index
    %swap3A_54 = arith.constant 0 : index
    %swap3A_55 = arith.constant 0 : index
    %swap3A_56 = vector.load %arg3[%swap3A_52, %swap3A_53, %swap3A_54, %swap3A_55] : memref<8x32x50x64xf32, #tpu.memory_space<vmem>>, vector<1x32x50x64xf32>
    %swap3A_57 = vector.shape_cast %swap3A_56 : vector<1x32x50x64xf32> to vector<32x50x64xf32>
    %swap3A_58 = vector.shape_cast %reshape3A_51 : vector<32x50x64xf32> to vector<1x32x50x64xf32>
    tpu.vector_store %arg3[%swap3A_52, %swap3A_53, %swap3A_54, %swap3A_55], %swap3A_58 {strides = array<i32>} : memref<8x32x50x64xf32, #tpu.memory_space<vmem>>, vector<1x32x50x64xf32>,
    %get3A_59 = arith.constant 4 : index
    %get3A_60 = arith.constant 0 : index
    %get3A_61 = arith.constant 0 : index
    %get3A_62 = vector.load %arg2[%get3A_59, %get3A_60, %get3A_61] : memref<8x128x64xf32, #tpu.memory_space<vmem>>, vector<1x128x64xf32>
    %get3A_63 = vector.shape_cast %get3A_62 : vector<1x128x64xf32> to vector<128x64xf32>
    %dot_general3A_64 = arith.constant dense<0.000000e+00> : vector<1600x64xf32>
    %dot_general3A_65 = tpu.matmul %get3A_1, %get3A_63, %dot_general3A_64 {dimension_numbers = #tpu.dot_dimension_numbers<[1], [0], [0], [1], [0, 0, 1, 1], [], []>, transpose_lhs_hint = false} : vector<1600x128xf32>, vector<128x64xf32>, vector<1600x64xf32> -> vector<1600x64xf32>
    %reshape3A_66 = vector.shape_cast %dot_general3A_65 : vector<1600x64xf32> to vector<32x50x64xf32>
    %swap3A_67 = arith.constant 4 : index
    %swap3A_68 = arith.constant 0 : index
    %swap3A_69 = arith.constant 0 : index
    %swap3A_70 = arith.constant 0 : index
    %swap3A_71 = vector.load %arg3[%swap3A_67, %swap3A_68, %swap3A_69, %swap3A_70] : memref<8x32x50x64xf32, #tpu.memory_space<vmem>>, vector<1x32x50x64xf32>
    %swap3A_72 = vector.shape_cast %swap3A_71 : vector<1x32x50x64xf32> to vector<32x50x64xf32>
    %swap3A_73 = vector.shape_cast %reshape3A_66 : vector<32x50x64xf32> to vector<1x32x50x64xf32>
    tpu.vector_store %arg3[%swap3A_67, %swap3A_68, %swap3A_69, %swap3A_70], %swap3A_73 {strides = array<i32>} : memref<8x32x50x64xf32, #tpu.memory_space<vmem>>, vector<1x32x50x64xf32>,
    %get3A_74 = arith.constant 5 : index
    %get3A_75 = arith.constant 0 : index
    %get3A_76 = arith.constant 0 : index
    %get3A_77 = vector.load %arg2[%get3A_74, %get3A_75, %get3A_76] : memref<8x128x64xf32, #tpu.memory_space<vmem>>, vector<1x128x64xf32>
    %get3A_78 = vector.shape_cast %get3A_77 : vector<1x128x64xf32> to vector<128x64xf32>
    %dot_general3A_79 = arith.constant dense<0.000000e+00> : vector<1600x64xf32>
    %dot_general3A_80 = tpu.matmul %get3A_1, %get3A_78, %dot_general3A_79 {dimension_numbers = #tpu.dot_dimension_numbers<[1], [0], [0], [1], [0, 0, 1, 1], [], []>, transpose_lhs_hint = false} : vector<1600x128xf32>, vector<128x64xf32>, vector<1600x64xf32> -> vector<1600x64xf32>
    %reshape3A_81 = vector.shape_cast %dot_general3A_80 : vector<1600x64xf32> to vector<32x50x64xf32>
    %swap3A_82 = arith.constant 5 : index
    %swap3A_83 = arith.constant 0 : index
    %swap3A_84 = arith.constant 0 : index
    %swap3A_85 = arith.constant 0 : index
    %swap3A_86 = vector.load %arg3[%swap3A_82, %swap3A_83, %swap3A_84, %swap3A_85] : memref<8x32x50x64xf32, #tpu.memory_space<vmem>>, vector<1x32x50x64xf32>
    %swap3A_87 = vector.shape_cast %swap3A_86 : vector<1x32x50x64xf32> to vector<32x50x64xf32>
    %swap3A_88 = vector.shape_cast %reshape3A_81 : vector<32x50x64xf32> to vector<1x32x50x64xf32>
    tpu.vector_store %arg3[%swap3A_82, %swap3A_83, %swap3A_84, %swap3A_85], %swap3A_88 {strides = array<i32>} : memref<8x32x50x64xf32, #tpu.memory_space<vmem>>, vector<1x32x50x64xf32>,
    %get3A_89 = arith.constant 6 : index
    %get3A_90 = arith.constant 0 : index
    %get3A_91 = arith.constant 0 : index
    %get3A_92 = vector.load %arg2[%get3A_89, %get3A_90, %get3A_91] : memref<8x128x64xf32, #tpu.memory_space<vmem>>, vector<1x128x64xf32>
    %get3A_93 = vector.shape_cast %get3A_92 : vector<1x128x64xf32> to vector<128x64xf32>
    %dot_general3A_94 = arith.constant dense<0.000000e+00> : vector<1600x64xf32>
    %dot_general3A_95 = tpu.matmul %get3A_1, %get3A_93, %dot_general3A_94 {dimension_numbers = #tpu.dot_dimension_numbers<[1], [0], [0], [1], [0, 0, 1, 1], [], []>, transpose_lhs_hint = false} : vector<1600x128xf32>, vector<128x64xf32>, vector<1600x64xf32> -> vector<1600x64xf32>
    %reshape3A_96 = vector.shape_cast %dot_general3A_95 : vector<1600x64xf32> to vector<32x50x64xf32>
    %swap3A_97 = arith.constant 6 : index
    %swap3A_98 = arith.constant 0 : index
    %swap3A_99 = arith.constant 0 : index
    %swap3A_100 = arith.constant 0 : index
    %swap3A_101 = vector.load %arg3[%swap3A_97, %swap3A_98, %swap3A_99, %swap3A_100] : memref<8x32x50x64xf32, #tpu.memory_space<vmem>>, vector<1x32x50x64xf32>
    %swap3A_102 = vector.shape_cast %swap3A_101 : vector<1x32x50x64xf32> to vector<32x50x64xf32>
    %swap3A_103 = vector.shape_cast %reshape3A_96 : vector<32x50x64xf32> to vector<1x32x50x64xf32>
    tpu.vector_store %arg3[%swap3A_97, %swap3A_98, %swap3A_99, %swap3A_100], %swap3A_103 {strides = array<i32>} : memref<8x32x50x64xf32, #tpu.memory_space<vmem>>, vector<1x32x50x64xf32>,
    %get3A_104 = arith.constant 7 : index
    %get3A_105 = arith.constant 0 : index
    %get3A_106 = arith.constant 0 : index
    %get3A_107 = vector.load %arg2[%get3A_104, %get3A_105, %get3A_106] : memref<8x128x64xf32, #tpu.memory_space<vmem>>, vector<1x128x64xf32>
    %get3A_108 = vector.shape_cast %get3A_107 : vector<1x128x64xf32> to vector<128x64xf32>
    %dot_general3A_109 = arith.constant dense<0.000000e+00> : vector<1600x64xf32>
    %dot_general3A_110 = tpu.matmul %get3A_1, %get3A_108, %dot_general3A_109 {dimension_numbers = #tpu.dot_dimension_numbers<[1], [0], [0], [1], [0, 0, 1, 1], [], []>, transpose_lhs_hint = false} : vector<1600x128xf32>, vector<128x64xf32>, vector<1600x64xf32> -> vector<1600x64xf32>
    %reshape3A_111 = vector.shape_cast %dot_general3A_110 : vector<1600x64xf32> to vector<32x50x64xf32>
    %swap3A_112 = arith.constant 7 : index
    %swap3A_113 = arith.constant 0 : index
    %swap3A_114 = arith.constant 0 : index
    %swap3A_115 = arith.constant 0 : index
    %swap3A_116 = vector.load %arg3[%swap3A_112, %swap3A_113, %swap3A_114, %swap3A_115] : memref<8x32x50x64xf32, #tpu.memory_space<vmem>>, vector<1x32x50x64xf32>
    %swap3A_117 = vector.shape_cast %swap3A_116 : vector<1x32x50x64xf32> to vector<32x50x64xf32>
    %swap3A_118 = vector.shape_cast %reshape3A_111 : vector<32x50x64xf32> to vector<1x32x50x64xf32>
    tpu.vector_store %arg3[%swap3A_112, %swap3A_113, %swap3A_114, %swap3A_115], %swap3A_118 {strides = array<i32>} : memref<8x32x50x64xf32, #tpu.memory_space<vmem>>, vector<1x32x50x64xf32>,
    return
  }
  func.func @transform_0(%arg0: i32) -> (i32, i32) {
    %c0_i32 = arith.constant 0 : i32
    %c0_i32_0 = arith.constant 0 : i32
    return %arg0, %c0_i32 : i32, i32
  }
  func.func @transform_1(%arg0: i32) -> (i32, i32, i32) {
    %c0_i32 = arith.constant 0 : i32
    %c0_i32_0 = arith.constant 0 : i32
    %c0_i32_1 = arith.constant 0 : i32
    %c0_i32_2 = arith.constant 0 : i32
    return %c0_i32, %c0_i32_0, %c0_i32_1 : i32, i32, i32
  }
  func.func @transform_2(%arg0: i32) -> (i32, i32, i32, i32) {
    %c0_i32 = arith.constant 0 : i32
    %c0_i32_0 = arith.constant 0 : i32
    %c0_i32_1 = arith.constant 0 : i32
    %c0_i32_2 = arith.constant 0 : i32
    return %c0_i32, %arg0, %c0_i32_0, %c0_i32_1 : i32, i32, i32, i32
  }
}

</mosaic_0001>

<sc_bundles>
// kernel: kernel.4.cloned.1.call-start
scs
__scs_entry_jumppad:
0x0: {  	(pc) =	sbr.rel $0x88, $3  }
0x1: {  	(tag) =	ssettag $0x0;
	lr =	simm.s32 $0x1  }
0x2: {  	[smem:$0x3F9E] =	sst lr;
	_ =	strace $0xD0000000  }
0x3: {  	_ = 	snop  }
0x4: {  	_ = 	snop  }
0x5: {  	_ = 	snop  }
0x6: {  	_ = 	snop  }
0x7: {  	_ = 	snop  }
__scs_overlays_trampoline_lowered:
0x8: {  	[smem:$0x3FAD] =	sst s0  }
0x9: {  	[smem:$0x3FAE] =	sst s1  }
0xa: {  	[smem:$0x3FAF] =	sst s2  }
0xb: {  	[smem:$0x3FB0] =	sst s3  }
0xc: {  	[smem:$0x3FB1] =	sst s4  }
0xd: {  	[smem:$0x3FB2] =	sst s5  }
0xe: {  	[smem:$0x3FB3] =	sst s6  }
0xf: {  	[smem:$0x3FB4] =	sst s7  }
0x10: {  	[smem:$0x3FB5] =	sst s8  }
0x11: {  	[smem:$0x3FB6] =	sst s9;
	s0 =	simm.s32 @!p0 $0x0  }
0x12: {  	s1 =	sld [smem:$0x3F9C];
	s0 =	simm.s32 @p0 $0x1  }
0x13: {  	[smem:$0x3FB7] =	sst s0;
	s0 =	simm.s32 @!p1 $0x0  }
0x14: {  	s2 =	sld [smem:$0x3F9B];
	s0 =	simm.s32 @p1 $0x1  }
0x15: {  	[smem:$0x3FB8] =	sst s0;
	s0 =	simm.s32 @!p2 $0x0  }
0x16: {  	s3 =	sld [smem:$0x3FDB];
	s0 =	simm.s32 @p2 $0x1  }
0x17: {  	s4 =	simm.s32 $0x1BF5;
	[smem:$0x3FBA] =	sst s0  }
0x18: {  	s0 =	sld [smem:$0x3F9D];
	_ =	swait.ge [sflag:s4], $0x0  }
0x19: {  	s7 =	sld [smem:$0x3F9E]  }
0x1a: {  	s8 =	sadd.s32 $0xFFFFE003, lr  }
0x1b: {  	s9 =	sadd.s32 $0xFFFFFEF7, lr;
	s5 =	simm.s32 $0xFFFFFFFF;
	p2 =	slt.u32 s8, $0xFFFFF086  }
0x1c: {  	p1 =	slt.u32 s9, $0xF7A;
	s5 =	simm.s32 @!p2 $0x0  }
0x1d: {  	s5 =	simm.s32 @p1 $0x1;
	p0 =	seq.s32 s7, s2  }
0x1e: {  	s7 =	smul.u32 @!p0 $0xF7A, s2;
	p2 =	seq.s32 @!p0 s5, $0x0  }
0x1f: {  	s9 =	smul.u32 $0xF7A, s1;
	s8 =	simm.s32 @!p0 $0x1BF5;
	p2 =	por !p2, p0  }
0x20: {  	[sflag:s8] =	ssyncset.s32 @!p0 $0xFFFFF086;
	s6 =	sadd.s32 @!p0 s3, s7;
	s7 =	simm.s32 @!p0 $0x108  }
0x21: {  	s3 =	sadd.s32 s3, s9;
	s6 =	sadd.s32 @!p0 $0x88, s6;
	s7 =	simm.s32 @p2 $0x1082  }
0x22: {  	[simem:s7], [sflag:s8] =	dma.local @!p0 [hbm:s6], $0xF7A  }
0x23: {  	s9 =	sor.u32 $0xD0000000, s2;
	s6 =	simm.s32 $0x108;
	_ =	swait.ge @!p0 [sflag:s8], $0x0  }
0x24: {  	s3 =	sadd.s32 $0x88, s3;
	s6 =	simm.s32 @!p1 $0x1082;
	[sflag:s4] =	ssyncset.s32 $0xFFFFF086  }
0x25: {  	[simem:s6], [sflag:s4] =	dma.local [hbm:s3], $0xF7A  }
0x26: {  	[smem:$0x3F9E] =	sst s1;
	(tag) =	ssettag s2;
	_ =	strace s9  }
0x27: {  	s1 =	sld [smem:$0x3FAE]  }
0x28: {  	s2 =	sld [smem:$0x3FAF]  }
0x29: {  	s4 =	sld [smem:$0x3FB1]  }
0x2a: {  	p0 =	seq.s32 s5, $0x0;
	s5 =	sld [smem:$0x3FB2]  }
0x2b: {  	s6 =	sld [smem:$0x3FB3]  }
0x2c: {  	s7 =	sld [smem:$0x3FB4]  }
0x2d: {  	s3 =	simm.s32 $0x108;
	s8 =	sld [smem:$0x3FB5]  }
0x2e: {  	s3 =	simm.s32 @!p0 $0x1082;
	s9 =	sld [smem:$0x3FB6]  }
0x2f: {  	lr =	sadd.s32 s0, s3;
	s0 =	sld [smem:$0x3FAD]  }
0x30: {  	s3 =	sld [smem:$0x3FB0]  }
0x31: {  	[smem:$0x3FB9] =	sst s10  }
0x32: {  	s10 =	sld [smem:$0x3FB7];
	_ =	sdelay $0x3  }
0x33: {  	p0 =	seq.s32 s10, $0x1;
	s10 =	sld [smem:$0x3FB9];
	_ =	sdelay $0x3  }
0x34: {  	[smem:$0x3FB9] =	sst s10  }
0x35: {  	s10 =	sld [smem:$0x3FB8];
	_ =	sdelay $0x3  }
0x36: {  	p1 =	seq.s32 s10, $0x1;
	s10 =	sld [smem:$0x3FB9];
	_ =	sdelay $0x3  }
0x37: {  	[smem:$0x3FB9] =	sst s10  }
0x38: {  	s10 =	sld [smem:$0x3FBA]  }
0x39: {  	_ = 	snop;
	(pc) =	sbr.ind lr, $3  }
0x3a: {  	_ = 	snop  }
0x3b: {  	_ = 	snop  }
0x3c: {  	p2 =	seq.s32 s10, $0x1;
	s10 =	sld [smem:$0x3FB9]  }
0x3d: {  	_ =	shalt  }
0x3e: {  	_ =	shalt  }
0x3f: {  	_ =	shalt  }
0x40: {  	_ =	shalt  }
0x41: {  	_ =	shalt  }
0x42: {  	_ =	shalt  }
0x43: {  	_ =	shalt  }
0x44: {  	_ =	shalt  }
0x45: {  	_ =	shalt  }
0x46: {  	_ =	shalt  }
0x47: {  	_ =	shalt  }
0x48: {  	_ =	shalt  }
0x49: {  	_ =	shalt  }
0x4a: {  	_ =	shalt  }
0x4b: {  	_ =	shalt  }
0x4c: {  	_ =	shalt  }
0x4d: {  	_ =	shalt  }
0x4e: {  	_ =	shalt  }
0x4f: {  	_ =	shalt  }
0x50: {  	_ =	shalt  }
0x51: {  	_ =	shalt  }
0x52: {  	_ =	shalt  }
0x53: {  	_ =	shalt  }
0x54: {  	_ =	shalt  }
0x55: {  	_ =	shalt  }
0x56: {  	_ =	shalt  }
0x57: {  	_ =	shalt  }
0x58: {  	_ =	shalt  }
0x59: {  	_ =	shalt  }
0x5a: {  	_ =	shalt  }
0x5b: {  	_ =	shalt  }
0x5c: {  	_ =	shalt  }
0x5d: {  	_ =	shalt  }
0x5e: {  	_ =	shalt  }
0x5f: {  	_ =	shalt  }
0x60: {  	_ =	shalt  }
0x61: {  	_ =	shalt  }
0x62: {  	_ =	shalt  }
0x63: {  	_ =	shalt  }
0x64: {  	_ =	shalt  }
0x65: {  	_ =	shalt  }
0x66: {  	_ =	shalt  }
0x67: {  	_ =	shalt  }
0x68: {  	_ =	shalt  }
0x69: {  	_ =	shalt  }
0x6a: {  	_ =	shalt  }
0x6b: {  	_ =	shalt  }
0x6c: {  	_ =	shalt  }
0x6d: {  	_ =	shalt  }
0x6e: {  	_ =	shalt  }
0x6f: {  	_ =	shalt  }
0x70: {  	_ =	shalt  }
0x71: {  	_ =	shalt  }
0x72: {  	_ =	shalt  }
0x73: {  	_ =	shalt  }
0x74: {  	_ =	shalt  }
0x75: {  	_ =	shalt  }
0x76: {  	_ =	shalt  }
0x77: {  	_ =	shalt  }
0x78: {  	_ =	shalt  }
0x79: {  	_ =	shalt  }
0x7a: {  	_ =	shalt  }
0x7b: {  	_ =	shalt  }
0x7c: {  	_ =	shalt  }
0x7d: {  	_ =	shalt  }
0x7e: {  	_ =	shalt  }
0x7f: {  	_ =	shalt  }
0x80: {  	_ =	shalt  }
0x81: {  	_ =	shalt  }
0x82: {  	_ =	shalt  }
0x83: {  	_ =	shalt  }
0x84: {  	_ =	shalt  }
0x85: {  	_ =	shalt  }
0x86: {  	_ =	shalt  }
0x87: {  	_ =	shalt  }
.Lfunc_end0:
.L_simem_size_0:
called_computation.1_lowered:
.L_overlay_start_0:
0x88: {  	s2 =	sld [smem:$0x3FD9]  }
0x89: {  	s3 =	sld [smem:$0x3FFE];
	_ =	sdelay $0x1  }
0x8a: {  	s1 =	srdreg.scid  }
0x8b: {  	s0 =	sand.u32 $0x1, s1  }
0x8c: {  	s17 =	sshll.u32 s0, $0xA;
	s2 =	sadd.s32 s3, s2  }
0x8d: {  	s2 =	sadd.s32 s2, s17  }
0x8e: {  	[smem:$0x3FC5] =	sst s2  }
0x8f: {  	_ = 	snop  }
0x90: {  	s2 =	sld [smem:$0x3FD0];
	(tm) =	ssettm $0x1  }
0x91: {  	s18 =	sld [smem:$0x3FFB];
	_ =	sdelay $0x3  }
0x92: {  	_ =	strace s18  }
0x93: {  	s3 =	sld [smem:$0x3FFC];
	_ =	sdelay $0x3  }
0x94: {  	_ =	strace s3  }
0x95: {  	s3 =	sld [smem:$0x3FFD];
	_ =	sdelay $0x3  }
0x96: {  	_ =	strace s3  }
0x97: {  	_ =	strace $0x8FFFFFFF  }
0x98: {  	s19 =	sld [smem:$0x3FDB];
	_ =	sdelay $0x1  }
0x99: {  	s4 =	simm.s32 $_scs_section_size  }
0x9a: {  	s5 =	simm.s32 $_size__tile_overlayer_lowered;
	s6 =	simm.s32 $_tile_overlayer_lowered  }
0x9b: {  	s22 =	simm.s32 $0x1BFF;
	s21 =	sshll.u32 s6, $0x1;
	s3 =	sadd.s32 s4, s19  }
0x9c: {  	s7 =	simm.s32 $0x0;
	s20 =	sshll.u32 s5, $0x1;
	s5 =	sadd.s32 s21, s3  }
0x9d: {  	[timem:s7], [sflag:s22] =	dma.local [hbm:s5], s20  }
0x9e: {  	_ =	swait.ge [sflag:s22], s20  }
0x9f: {  	s4 =	ssub.s32 $0x0, s20;
	[sflag:s22] =	ssyncset.done $0x0  }
0xa0: {  	[sflag:s22] =	ssyncadd.s32 s4;
	_ =	sdelay $0x1  }
0xa1: {  	s23 =	simm.s32 $0x1B8B  }
0xa2: {  	_ =	swait.ge [sflag:s23], $0x1  }
0xa3: {  	[sflag:s23] =	ssyncset.done $0x0  }
0xa4: {  	s25 =	simm.s32 $0x1B8E;
	s24 =	sld [smem:$0x3FFE];
	[sflag:s23] =	ssyncadd.s32 $0xFFFFFFFF  }
0xa5: {  	s26 =	simm.s32 $execute0_lowered;
	[smem:$0x3FD2] =	sst s25  }
0xa6: {  	s5 =	sshll.u32 s26, $0x1;
	_ =	strace $0x80000046;
	[dreg:$0x1] =	wrdreg $0xFFFFFFFF  }
0xa7: {  	s28 =	simm.s32 $_size_execute0_lowered;
	s3 =	sadd.s32 s3, s5;
	[dreg:$0x0] =	wrdreg $0x0  }
0xa8: {  	s5 =	sshll.u32 s28, $0x1;
	[dreg:$0x2] =	wrdreg s3  }
0xa9: {  	[dreg:$0x3] =	wrdreg s5  }
0xaa: {  	[dreg:$0x4] =	wrdreg $0xC0  }
0xab: {  	_ =	task [dreg:s7], $0x5FFFF  }
0xac: {  	[dreg:$0x1] =	wrdreg $0xFFFFFFFF  }
0xad: {  	[dreg:$0x0] =	wrdreg $0x60  }
0xae: {  	[dreg:$0x2] =	wrdreg s2  }
0xaf: {  	[dreg:$0x3] =	wrdreg s24  }
0xb0: {  	[dreg:$0x4] =	wrdreg $0x9  }
0xb1: {  	_ =	task.clear_ibuf [dreg:s7], $0x5FFFF;
	_ =	strace $0x90000046  }
0xb2: {  	s29 =	simm.s32 $0x9;
	_ =	strace $0x80000048  }
0xb3: {  	_ =	swait.ge [sflag:s29], $0x1  }
0xb4: {  	[sflag:s29] =	ssyncadd.s32 $0xFFFFFFFF  }
0xb5: {  	_ =	strace $0x90000048  }
0xb6: {  	_ =	sfence  }
0xb7: {  	s30 =	sld [smem:$0x0];
	_ =	sdelay $0x2  }
0xb8: {  	s31 =	sshll.u32 s1, $0xD;
	s1 =	sshrl.u32 s1, $0x2  }
0xb9: {  	s3 =	sand.u32 $0x4000, s31;
	s1 =	sadd.s32 s1, s30  }
0xba: {  	s0 =	sor.u32 s3, s0;
	s1 =	sshll.u32 s1, $0x11  }
0xbb: {  	s0 =	sor.u32 s1, s0  }
0xbc: {  	s0 =	sadd.s32 $0x8F2B, s0  }
0xbd: {  	[sflag:s0] =	ssyncadd.remote.s32 $0x1  }
0xbe: {  	_ =	sfence.sel $0xFFFF  }
0xbf: {  	[dreg:$0x0] =	wrdreg $0xFFFFFFFF;
	(pc) =	sbr.abs _section_cstart, $3  }
0xc0: {  	[dreg:$0x1] =	wrdreg $0xFFFFFFFF  }
0xc1: {  	_ =	task.clear_ibuf [dreg:s7], $0x2FFFF;
	_ =	strace $0x9FFFFFFF  }
0xc2: {  	(tm) =	ssettm $0x7FFFFFFF  }
0xc3: {  	_ =	shalt  }
tec
execute0_lowered:
.L_overlay_start_1:
0x0: {  	(tag) =	ssettag $0x1  }
0x1: {  	s0 =	srdreg.scid;
	s1 =	stileid.u32  }
0x2: {  	s6 =	sand.u32 $0x1, s0;
	s16 =	sshll.u32 s1, $0x1  }
0x3: {  	s2 =	rddreg [dreg:$0x0];
	s0 =	sor.u32 s6, s16  }
0x4: {  	s13 =	rddreg [dreg:$0x1];
	s3 =	simm.s32 $0x0;
	s8 =	smul.u32 $0xC80, s0  }
0x5: {  	[smem:$0x7FF] =	sst s3;
	s0 =	smul.u32 $0xC800, s0  }
0x6: {  	s1 =	sadd.s32 $0xA00, s13;
	s4 =	sadd.s32 $0x19A00, s13;
	_ =	strace $0x80000047  }
0x7: {  	s5 =	sshrl.u32 s8, $0x3;
	s7 =	sadd.s32 s4, s0;
	s15 =	sadd.s32 $0x320, s8  }
0x8: {  	s5 =	sadd.s32 s1, s5;
	[dreg:$0x4] =	wrdreg s7;
	s7 =	sadd.s32 $0x19A04, s13  }
0x9: {  	s18 =	sshrl.u32 s15, $0x3;
	[dreg:$0x3] =	wrdreg s5;
	s10 =	sadd.s32 s0, s7  }
0xa: {  	s20 =	sshll.u32 s15, $0x4;
	s19 =	sadd.s32 s1, s18;
	[dreg:$0x6] =	wrdreg s10  }
0xb: {  	s21 =	sadd.s32 s4, s20;
	[dreg:$0xc] =	wrdreg s19  }
0xc: {  	s5 =	sadd.s32 $0x19A02, s13;
	s23 =	sadd.s32 s20, s7;
	[dreg:$0xd] =	wrdreg s21  }
0xd: {  	s16 =	sadd.s32 $0x640, s8;
	s9 =	sadd.s32 s0, s5;
	[dreg:$0xf] =	wrdreg s23  }
0xe: {  	s18 =	sshrl.u32 s16, $0x3;
	s22 =	sadd.s32 s20, s5;
	[dreg:$0x5] =	wrdreg s9  }
0xf: {  	s10 =	sadd.s32 $0x19A08, s13;
	s19 =	sadd.s32 s1, s18;
	[dreg:$0xe] =	wrdreg s22  }
0x10: {  	s12 =	sadd.s32 s0, s10;
	[dreg:$0x15] =	wrdreg s19  }
0x11: {  	s9 =	sadd.s32 $0x19A06, s13;
	s25 =	sadd.s32 s20, s10;
	[dreg:$0x8] =	wrdreg s12  }
0x12: {  	s11 =	sadd.s32 s0, s9;
	[dreg:$0x11] =	wrdreg s25  }
0x13: {  	s12 =	sadd.s32 $0x19A0C, s13;
	s24 =	sadd.s32 s20, s9;
	[dreg:$0x7] =	wrdreg s11  }
0x14: {  	s14 =	sadd.s32 s0, s12;
	[dreg:$0x10] =	wrdreg s24  }
0x15: {  	s11 =	sadd.s32 $0x19A0A, s13;
	s15 =	sadd.s32 s20, s12;
	[dreg:$0xa] =	wrdreg s14  }
0x16: {  	s13 =	sadd.s32 $0x19A0E, s13;
	s17 =	sadd.s32 s0, s11;
	[dreg:$0x13] =	wrdreg s15  }
0x17: {  	s28 =	simm.s32 $0xC80;
	s0 =	sadd.s32 s0, s13;
	[dreg:$0x9] =	wrdreg s17  }
0x18: {  	s29 =	simm.s32 $0xFA0;
	s26 =	sadd.s32 s20, s11;
	[dreg:$0xb] =	wrdreg s0  }
0x19: {  	s30 =	simm.s32 $0x12C0;
	p0 =	por $0x0, $0x0;
	[dreg:$0x12] =	wrdreg s26  }
0x1a: {  	s17 =	sadd.s32 s20, s13;
	s20 =	sshll.u32 s16, $0x4;
	s0 =	rddreg [dreg:$0x3]  }
0x1b: {  	s31 =	simm.s32 $0x15E0;
	[dreg:$0x14] =	wrdreg s17;
	s21 =	sadd.s32 s4, s20  }
0x1c: {  	s6 =	ssub.s32 $0x2, s6;
	s22 =	sadd.s32 s20, s5;
	[dreg:$0x16] =	wrdreg s21  }
0x1d: {  	s8 =	sadd.s32 $0x960, s8;
	s23 =	sadd.s32 s20, s7;
	[dreg:$0x17] =	wrdreg s22  }
0x1e: {  	s19 =	sshll.u32 s8, $0x4;
	s24 =	sadd.s32 s20, s9;
	[dreg:$0x18] =	wrdreg s23  }
0x1f: {  	s14 =	simm.s32 $0xAF00;
	s25 =	sadd.s32 s20, s10;
	[dreg:$0x19] =	wrdreg s24  }
0x20: {  	s26 =	sadd.s32 s20, s11;
	s15 =	sadd.s32 s20, s12;
	[dreg:$0x1a] =	wrdreg s25  }
0x21: {  	s16 =	sadd.s32 s20, s13;
	s17 =	sshrl.u32 s8, $0x3;
	[dreg:$0x1b] =	wrdreg s26  }
0x22: {  	s20 =	sshrl.u32 s6, $0x1;
	s8 =	sadd.s32 s19, s12;
	[dreg:$0x1c] =	wrdreg s15  }
0x23: {  	s12 =	simm.s32 $0x4B00;
	[dreg:$0x1d] =	wrdreg s16;
	s18 =	sadd.s32 s1, s17  }
0x24: {  	s21 =	sadd.s32 s4, s19;
	s22 =	ssub.s32 s6, s20;
	s23 =	sadd.s32 s19, s5  }
0x25: {  	s4 =	sadd.s32 s19, s7;
	s5 =	sadd.s32 s19, s9;
	s6 =	sadd.s32 s19, s10  }
0x26: {  	s7 =	sadd.s32 s19, s11;
	s9 =	sadd.s32 s19, s13;
	s26 =	simm.s32 $0x19000  }
0x27: {  	s11 =	simm.s32 $0x1900;
	s1 =	simm.s32 $0x640;
	s24 =	smax.u32 s22, $0x1  }
0x28: {  	s13 =	simm.s32 $0x7D00;
	s25 =	simm.s32 $0x960;
	p1 =	sne.s32 s24, $0x1  }
.Ltmp0:
0x29: {  	s15 =	simm.s32 $0xE100;
	s16 =	simm.s32 $0x11300;
	(pc) =	sbr.rel @!p1 .LBB2_5-.Ltmp0, $4  }
0x2a: {  	s17 =	simm.s32 $0x14500;
	s19 =	simm.s32 $0x10;
	[dreg:$0x1e] =	wrdreg s18  }
0x2b: {  	s20 =	simm.s32 $0x80;
	s10 =	simm.s32 $0x2;
	[dreg:$0x1f] =	wrdreg s21  }
0x2c: {  	[smem:$0x7FD] =	sst s23;
	s22 =	simm.s32 $0x320;
	s23 =	simm.s32 $0x3  }
0x2d: {  	s18 =	simm.s32 $0x17700;
	s21 =	simm.s32 $0x1;
	s24 =	sadd.s32 $0xFFFFFFFF, s24  }
0x2e: {  	[tilespmem:s3], [sflag:$0x3] =	stream.strided.gather [hbm4b:s0+s22], $0x1900, s26, s22, $0x38;
	[tilespmem:$0x1A900] =	vst v63  }
0x2f: {  	_ =	swait.ge [sflag:s23], $0x1900  }
0x30: {  	[sflag:s23] =	ssyncset.done $0x0  }
0x31: {  	[sflag:s23] =	ssyncadd.s32 $0xFFFFE700  }
0x32: {  	[tilespmem:s11], [sflag:$0x1] =	stream.indirect.gather [hbm4b:s2+s22], $0x10, s3, s22, $0xb8;
	[tilespmem:$0x1A900] =	vst v63  }
0x33: {  	_ = 	snop  }
0x34: {  	[tilespmem:s12], [sflag:$0x1] =	stream.indirect.gather [hbm4b:s2+s22], $0x10, s22, s22, $0xb8;
	[tilespmem:$0x1A900] =	vst v63  }
0x35: {  	_ = 	snop  }
0x36: {  	[tilespmem:s13], [sflag:$0x1] =	stream.indirect.gather [hbm4b:s2+s22], $0x10, s1, s22, $0xb8;
	[tilespmem:$0x1A900] =	vst v63  }
0x37: {  	_ = 	snop  }
0x38: {  	[tilespmem:s14], [sflag:$0x1] =	stream.indirect.gather [hbm4b:s2+s22], $0x10, s25, s22, $0xb8;
	[tilespmem:$0x1A900] =	vst v63  }
0x39: {  	_ = 	snop  }
0x3a: {  	[tilespmem:s15], [sflag:$0x1] =	stream.indirect.gather [hbm4b:s2+s22], $0x10, s28, s22, $0xb8;
	[tilespmem:$0x1A900] =	vst v63  }
0x3b: {  	_ = 	snop  }
0x3c: {  	[tilespmem:s16], [sflag:$0x1] =	stream.indirect.gather [hbm4b:s2+s22], $0x10, s29, s22, $0xb8;
	[tilespmem:$0x1A900] =	vst v63  }
0x3d: {  	_ = 	snop  }
0x3e: {  	[tilespmem:s17], [sflag:$0x1] =	stream.indirect.gather [hbm4b:s2+s22], $0x10, s30, s22, $0xb8;
	[tilespmem:$0x1A900] =	vst v63  }
0x3f: {  	_ = 	snop  }
0x40: {  	[tilespmem:s18], [sflag:$0x1] =	stream.indirect.gather [hbm4b:s2+s22], $0x10, s31, s22, $0xb8;
	[tilespmem:$0x1A900] =	vst v63  }
0x41: {  	_ =	swait.ge [sflag:s21], $0x3200  }
0x42: {  	[sflag:s21] =	ssyncset.done $0x0  }
0x43: {  	[sflag:s21] =	ssyncadd.s32 $0xFFFFCE00  }
0x44: {  	_ =	swait.ge [sflag:s21], $0x3200  }
0x45: {  	[sflag:s21] =	ssyncset.done $0x0  }
0x46: {  	[sflag:s21] =	ssyncadd.s32 $0xFFFFCE00  }
0x47: {  	_ =	swait.ge [sflag:s21], $0x3200  }
0x48: {  	[sflag:s21] =	ssyncset.done $0x0  }
0x49: {  	[sflag:s21] =	ssyncadd.s32 $0xFFFFCE00  }
0x4a: {  	_ =	swait.ge [sflag:s21], $0x3200  }
0x4b: {  	[sflag:s21] =	ssyncset.done $0x0  }
0x4c: {  	[sflag:s21] =	ssyncadd.s32 $0xFFFFCE00  }
0x4d: {  	_ =	swait.ge [sflag:s21], $0x3200  }
0x4e: {  	[sflag:s21] =	ssyncset.done $0x0  }
0x4f: {  	[sflag:s21] =	ssyncadd.s32 $0xFFFFCE00  }
0x50: {  	_ =	swait.ge [sflag:s21], $0x3200  }
0x51: {  	[sflag:s21] =	ssyncset.done $0x0  }
0x52: {  	[sflag:s21] =	ssyncadd.s32 $0xFFFFCE00  }
0x53: {  	_ =	swait.ge [sflag:s21], $0x3200  }
0x54: {  	[sflag:s21] =	ssyncset.done $0x0  }
0x55: {  	[sflag:s21] =	ssyncadd.s32 $0xFFFFCE00  }
0x56: {  	_ =	swait.ge [sflag:s21], $0x3200  }
0x57: {  	s0 =	rddreg [dreg:$0x4];
	[sflag:s21] =	ssyncset.done $0x0  }
0x58: {  	s12 =	simm.s32 $0x1900;
	[smem:$0x7FB] =	sst s24;
	[sflag:s21] =	ssyncadd.s32 $0xFFFFCE00  }
0x59: {  	[hbm4b:s0+s19] =	stream.strided.scatter [tilespmem:s12], [sflag:$0x2], $0x3200, s20, s19, $0x38;
	[tilespmem:$0x1A900] =	vst v63  }
0x5a: {  	s13 =	simm.s32 $0x4B00;
	s1 =	rddreg [dreg:$0x5]  }
0x5b: {  	[hbm4b:s1+s19] =	stream.strided.scatter [tilespmem:s13], [sflag:$0x2], $0x3200, s20, s19, $0x38;
	[tilespmem:$0x1A900] =	vst v63  }
0x5c: {  	s14 =	simm.s32 $0x7D00;
	s0 =	rddreg [dreg:$0x6]  }
0x5d: {  	[hbm4b:s0+s19] =	stream.strided.scatter [tilespmem:s14], [sflag:$0x2], $0x3200, s20, s19, $0x38;
	[tilespmem:$0x1A900] =	vst v63  }
0x5e: {  	s15 =	simm.s32 $0xAF00;
	s1 =	rddreg [dreg:$0x7]  }
0x5f: {  	[hbm4b:s1+s19] =	stream.strided.scatter [tilespmem:s15], [sflag:$0x2], $0x3200, s20, s19, $0x38;
	[tilespmem:$0x1A900] =	vst v63  }
0x60: {  	s16 =	simm.s32 $0xE100;
	s0 =	rddreg [dreg:$0x8]  }
0x61: {  	[hbm4b:s0+s19] =	stream.strided.scatter [tilespmem:s16], [sflag:$0x2], $0x3200, s20, s19, $0x38;
	[tilespmem:$0x1A900] =	vst v63  }
0x62: {  	s17 =	simm.s32 $0x11300;
	s1 =	rddreg [dreg:$0x9]  }
0x63: {  	[hbm4b:s1+s19] =	stream.strided.scatter [tilespmem:s17], [sflag:$0x2], $0x3200, s20, s19, $0x38;
	[tilespmem:$0x1A900] =	vst v63  }
0x64: {  	s18 =	simm.s32 $0x14500;
	s0 =	rddreg [dreg:$0xa]  }
0x65: {  	[hbm4b:s0+s19] =	stream.strided.scatter [tilespmem:s18], [sflag:$0x2], $0x3200, s20, s19, $0x38;
	[tilespmem:$0x1A900] =	vst v63  }
0x66: {  	s24 =	simm.s32 $0x17700;
	s1 =	rddreg [dreg:$0xb]  }
0x67: {  	[hbm4b:s1+s19] =	stream.strided.scatter [tilespmem:s24], [sflag:$0x2], $0x3200, s20, s19, $0x38;
	[tilespmem:$0x1A900] =	vst v63  }
0x68: {  	_ =	swait.ge [sflag:s10], $0x3200  }
0x69: {  	[sflag:s10] =	ssyncset.done $0x0  }
0x6a: {  	[sflag:s10] =	ssyncadd.s32 $0xFFFFCE00  }
0x6b: {  	_ =	swait.ge [sflag:s10], $0x3200  }
0x6c: {  	[sflag:s10] =	ssyncset.done $0x0  }
0x6d: {  	[sflag:s10] =	ssyncadd.s32 $0xFFFFCE00  }
0x6e: {  	_ =	swait.ge [sflag:s10], $0x3200  }
0x6f: {  	[sflag:s10] =	ssyncset.done $0x0  }
0x70: {  	[sflag:s10] =	ssyncadd.s32 $0xFFFFCE00  }
0x71: {  	_ =	swait.ge [sflag:s10], $0x3200  }
0x72: {  	[sflag:s10] =	ssyncset.done $0x0  }
0x73: {  	[sflag:s10] =	ssyncadd.s32 $0xFFFFCE00  }
0x74: {  	_ =	swait.ge [sflag:s10], $0x3200  }
0x75: {  	[sflag:s10] =	ssyncset.done $0x0  }
0x76: {  	[sflag:s10] =	ssyncadd.s32 $0xFFFFCE00  }
0x77: {  	_ =	swait.ge [sflag:s10], $0x3200  }
0x78: {  	[sflag:s10] =	ssyncset.done $0x0  }
0x79: {  	[sflag:s10] =	ssyncadd.s32 $0xFFFFCE00  }
0x7a: {  	_ =	swait.ge [sflag:s10], $0x3200  }
0x7b: {  	[sflag:s10] =	ssyncset.done $0x0  }
0x7c: {  	[sflag:s10] =	ssyncadd.s32 $0xFFFFCE00  }
0x7d: {  	_ =	swait.ge [sflag:s10], $0x3200  }
0x7e: {  	s11 =	simm.s32 $0x0;
	[sflag:s10] =	ssyncset.done $0x0  }
0x7f: {  	s3 =	simm.s32 $0x19000;
	s1 =	rddreg [dreg:$0xc];
	[sflag:s10] =	ssyncadd.s32 $0xFFFFCE00  }
0x80: {  	[tilespmem:s11], [sflag:$0x3] =	stream.strided.gather [hbm4b:s1+s22], $0x1900, s3, s22, $0x38;
	[tilespmem:$0x1A900] =	vst v63  }
0x81: {  	_ =	swait.ge [sflag:s23], $0x1900  }
0x82: {  	[sflag:s23] =	ssyncset.done $0x0  }
0x83: {  	[sflag:s23] =	ssyncadd.s32 $0xFFFFE700  }
0x84: {  	[tilespmem:s12], [sflag:$0x1] =	stream.indirect.gather [hbm4b:s2+s22], $0x10, s11, s22, $0xb8;
	[tilespmem:$0x1A900] =	vst v63  }
0x85: {  	_ = 	snop  }
0x86: {  	[tilespmem:s13], [sflag:$0x1] =	stream.indirect.gather [hbm4b:s2+s22], $0x10, s22, s22, $0xb8;
	[tilespmem:$0x1A900] =	vst v63  }
0x87: {  	s25 =	simm.s32 $0x640  }
0x88: {  	[tilespmem:s14], [sflag:$0x1] =	stream.indirect.gather [hbm4b:s2+s22], $0x10, s25, s22, $0xb8;
	[tilespmem:$0x1A900] =	vst v63  }
0x89: {  	s26 =	simm.s32 $0x960  }
0x8a: {  	[tilespmem:s15], [sflag:$0x1] =	stream.indirect.gather [hbm4b:s2+s22], $0x10, s26, s22, $0xb8;
	[tilespmem:$0x1A900] =	vst v63  }
0x8b: {  	s28 =	simm.s32 $0xC80  }
0x8c: {  	[tilespmem:s16], [sflag:$0x1] =	stream.indirect.gather [hbm4b:s2+s22], $0x10, s28, s22, $0xb8;
	[tilespmem:$0x1A900] =	vst v63  }
0x8d: {  	s29 =	simm.s32 $0xFA0  }
0x8e: {  	[tilespmem:s17], [sflag:$0x1] =	stream.indirect.gather [hbm4b:s2+s22], $0x10, s29, s22, $0xb8;
	[tilespmem:$0x1A900] =	vst v63  }
0x8f: {  	s30 =	simm.s32 $0x12C0  }
0x90: {  	[tilespmem:s18], [sflag:$0x1] =	stream.indirect.gather [hbm4b:s2+s22], $0x10, s30, s22, $0xb8;
	[tilespmem:$0x1A900] =	vst v63  }
0x91: {  	s31 =	simm.s32 $0x15E0  }
0x92: {  	[tilespmem:s24], [sflag:$0x1] =	stream.indirect.gather [hbm4b:s2+s22], $0x10, s31, s22, $0xb8;
	[tilespmem:$0x1A900] =	vst v63  }
0x93: {  	_ =	swait.ge [sflag:s21], $0x3200  }
0x94: {  	[sflag:s21] =	ssyncset.done $0x0  }
0x95: {  	[sflag:s21] =	ssyncadd.s32 $0xFFFFCE00  }
0x96: {  	_ =	swait.ge [sflag:s21], $0x3200  }
0x97: {  	[sflag:s21] =	ssyncset.done $0x0  }
0x98: {  	[sflag:s21] =	ssyncadd.s32 $0xFFFFCE00  }
0x99: {  	_ =	swait.ge [sflag:s21], $0x3200  }
0x9a: {  	[sflag:s21] =	ssyncset.done $0x0  }
0x9b: {  	[sflag:s21] =	ssyncadd.s32 $0xFFFFCE00  }
0x9c: {  	_ =	swait.ge [sflag:s21], $0x3200  }
0x9d: {  	[sflag:s21] =	ssyncset.done $0x0  }
0x9e: {  	[sflag:s21] =	ssyncadd.s32 $0xFFFFCE00  }
0x9f: {  	_ =	swait.ge [sflag:s21], $0x3200  }
0xa0: {  	[sflag:s21] =	ssyncset.done $0x0  }
0xa1: {  	[sflag:s21] =	ssyncadd.s32 $0xFFFFCE00  }
0xa2: {  	_ =	swait.ge [sflag:s21], $0x3200  }
0xa3: {  	[sflag:s21] =	ssyncset.done $0x0  }
0xa4: {  	[sflag:s21] =	ssyncadd.s32 $0xFFFFCE00  }
0xa5: {  	_ =	swait.ge [sflag:s21], $0x3200  }
0xa6: {  	[sflag:s21] =	ssyncset.done $0x0  }
0xa7: {  	[sflag:s21] =	ssyncadd.s32 $0xFFFFCE00  }
0xa8: {  	_ =	swait.ge [sflag:s21], $0x3200  }
0xa9: {  	[sflag:s21] =	ssyncset.done $0x0  }
0xaa: {  	s1 =	rddreg [dreg:$0xd];
	[sflag:s21] =	ssyncadd.s32 $0xFFFFCE00  }
0xab: {  	[hbm4b:s1+s19] =	stream.strided.scatter [tilespmem:s12], [sflag:$0x2], $0x3200, s20, s19, $0x38;
	[tilespmem:$0x1A900] =	vst v63  }
0xac: {  	s29 =	rddreg [dreg:$0xe]  }
0xad: {  	[hbm4b:s29+s19] =	stream.strided.scatter [tilespmem:s13], [sflag:$0x2], $0x3200, s20, s19, $0x38;
	[tilespmem:$0x1A900] =	vst v63  }
0xae: {  	s30 =	rddreg [dreg:$0xf]  }
0xaf: {  	[hbm4b:s30+s19] =	stream.strided.scatter [tilespmem:s14], [sflag:$0x2], $0x3200, s20, s19, $0x38;
	[tilespmem:$0x1A900] =	vst v63  }
0xb0: {  	s31 =	rddreg [dreg:$0x10]  }
0xb1: {  	[hbm4b:s31+s19] =	stream.strided.scatter [tilespmem:s15], [sflag:$0x2], $0x3200, s20, s19, $0x38;
	[tilespmem:$0x1A900] =	vst v63  }
0xb2: {  	s29 =	rddreg [dreg:$0x11]  }
0xb3: {  	[hbm4b:s29+s19] =	stream.strided.scatter [tilespmem:s16], [sflag:$0x2], $0x3200, s20, s19, $0x38;
	[tilespmem:$0x1A900] =	vst v63  }
0xb4: {  	s30 =	rddreg [dreg:$0x12]  }
0xb5: {  	[hbm4b:s30+s19] =	stream.strided.scatter [tilespmem:s17], [sflag:$0x2], $0x3200, s20, s19, $0x38;
	[tilespmem:$0x1A900] =	vst v63  }
0xb6: {  	s31 =	rddreg [dreg:$0x13]  }
0xb7: {  	[hbm4b:s31+s19] =	stream.strided.scatter [tilespmem:s18], [sflag:$0x2], $0x3200, s20, s19, $0x38;
	[tilespmem:$0x1A900] =	vst v63  }
0xb8: {  	s29 =	rddreg [dreg:$0x14]  }
0xb9: {  	[hbm4b:s29+s19] =	stream.strided.scatter [tilespmem:s24], [sflag:$0x2], $0x3200, s20, s19, $0x38;
	[tilespmem:$0x1A900] =	vst v63  }
0xba: {  	_ =	swait.ge [sflag:s10], $0x3200  }
0xbb: {  	[sflag:s10] =	ssyncset.done $0x0  }
0xbc: {  	[sflag:s10] =	ssyncadd.s32 $0xFFFFCE00  }
0xbd: {  	_ =	swait.ge [sflag:s10], $0x3200  }
0xbe: {  	[sflag:s10] =	ssyncset.done $0x0  }
0xbf: {  	[sflag:s10] =	ssyncadd.s32 $0xFFFFCE00  }
0xc0: {  	_ =	swait.ge [sflag:s10], $0x3200  }
0xc1: {  	[sflag:s10] =	ssyncset.done $0x0  }
0xc2: {  	[sflag:s10] =	ssyncadd.s32 $0xFFFFCE00  }
0xc3: {  	_ =	swait.ge [sflag:s10], $0x3200  }
0xc4: {  	[sflag:s10] =	ssyncset.done $0x0  }
0xc5: {  	[sflag:s10] =	ssyncadd.s32 $0xFFFFCE00  }
0xc6: {  	_ =	swait.ge [sflag:s10], $0x3200  }
0xc7: {  	[sflag:s10] =	ssyncset.done $0x0  }
0xc8: {  	[sflag:s10] =	ssyncadd.s32 $0xFFFFCE00  }
0xc9: {  	_ =	swait.ge [sflag:s10], $0x3200  }
0xca: {  	[sflag:s10] =	ssyncset.done $0x0  }
0xcb: {  	[sflag:s10] =	ssyncadd.s32 $0xFFFFCE00  }
0xcc: {  	_ =	swait.ge [sflag:s10], $0x3200  }
0xcd: {  	[sflag:s10] =	ssyncset.done $0x0  }
0xce: {  	[sflag:s10] =	ssyncadd.s32 $0xFFFFCE00  }
0xcf: {  	_ =	swait.ge [sflag:s10], $0x3200  }
0xd0: {  	[sflag:s10] =	ssyncset.done $0x0  }
0xd1: {  	s31 =	simm.s32 $0x19000;
	s30 =	rddreg [dreg:$0x15];
	[sflag:s10] =	ssyncadd.s32 $0xFFFFCE00  }
0xd2: {  	[tilespmem:s11], [sflag:$0x3] =	stream.strided.gather [hbm4b:s30+s22], $0x1900, s31, s22, $0x38;
	[tilespmem:$0x1A900] =	vst v63  }
0xd3: {  	_ =	swait.ge [sflag:s23], $0x1900  }
0xd4: {  	[sflag:s23] =	ssyncset.done $0x0  }
0xd5: {  	[sflag:s23] =	ssyncadd.s32 $0xFFFFE700  }
0xd6: {  	[tilespmem:s12], [sflag:$0x1] =	stream.indirect.gather [hbm4b:s2+s22], $0x10, s11, s22, $0xb8;
	[tilespmem:$0x1A900] =	vst v63  }
0xd7: {  	_ = 	snop  }
0xd8: {  	[tilespmem:s13], [sflag:$0x1] =	stream.indirect.gather [hbm4b:s2+s22], $0x10, s22, s22, $0xb8;
	[tilespmem:$0x1A900] =	vst v63  }
0xd9: {  	s25 =	simm.s32 $0x640  }
0xda: {  	[tilespmem:s14], [sflag:$0x1] =	stream.indirect.gather [hbm4b:s2+s22], $0x10, s25, s22, $0xb8;
	[tilespmem:$0x1A900] =	vst v63  }
0xdb: {  	s3 =	simm.s32 $0x960  }
0xdc: {  	[tilespmem:s15], [sflag:$0x1] =	stream.indirect.gather [hbm4b:s2+s22], $0x10, s3, s22, $0xb8;
	[tilespmem:$0x1A900] =	vst v63  }
0xdd: {  	s25 =	simm.s32 $0xC80  }
0xde: {  	[tilespmem:s16], [sflag:$0x1] =	stream.indirect.gather [hbm4b:s2+s22], $0x10, s25, s22, $0xb8;
	[tilespmem:$0x1A900] =	vst v63  }
0xdf: {  	s28 =	simm.s32 $0xFA0  }
0xe0: {  	[tilespmem:s17], [sflag:$0x1] =	stream.indirect.gather [hbm4b:s2+s22], $0x10, s28, s22, $0xb8;
	[tilespmem:$0x1A900] =	vst v63  }
0xe1: {  	s26 =	simm.s32 $0x12C0  }
0xe2: {  	[tilespmem:s18], [sflag:$0x1] =	stream.indirect.gather [hbm4b:s2+s22], $0x10, s26, s22, $0xb8;
	[tilespmem:$0x1A900] =	vst v63  }
0xe3: {  	s28 =	simm.s32 $0x15E0  }
0xe4: {  	[tilespmem:s24], [sflag:$0x1] =	stream.indirect.gather [hbm4b:s2+s22], $0x10, s28, s22, $0xb8;
	[tilespmem:$0x1A900] =	vst v63  }
0xe5: {  	_ =	swait.ge [sflag:s21], $0x3200  }
0xe6: {  	[sflag:s21] =	ssyncset.done $0x0  }
0xe7: {  	[sflag:s21] =	ssyncadd.s32 $0xFFFFCE00  }
0xe8: {  	_ =	swait.ge [sflag:s21], $0x3200  }
0xe9: {  	[sflag:s21] =	ssyncset.done $0x0  }
0xea: {  	[sflag:s21] =	ssyncadd.s32 $0xFFFFCE00  }
0xeb: {  	_ =	swait.ge [sflag:s21], $0x3200  }
0xec: {  	[sflag:s21] =	ssyncset.done $0x0  }
0xed: {  	[sflag:s21] =	ssyncadd.s32 $0xFFFFCE00  }
0xee: {  	_ =	swait.ge [sflag:s21], $0x3200  }
0xef: {  	[sflag:s21] =	ssyncset.done $0x0  }
0xf0: {  	[sflag:s21] =	ssyncadd.s32 $0xFFFFCE00  }
0xf1: {  	_ =	swait.ge [sflag:s21], $0x3200  }
0xf2: {  	[sflag:s21] =	ssyncset.done $0x0  }
0xf3: {  	[sflag:s21] =	ssyncadd.s32 $0xFFFFCE00  }
0xf4: {  	_ =	swait.ge [sflag:s21], $0x3200  }
0xf5: {  	[sflag:s21] =	ssyncset.done $0x0  }
0xf6: {  	[sflag:s21] =	ssyncadd.s32 $0xFFFFCE00  }
0xf7: {  	_ =	swait.ge [sflag:s21], $0x3200  }
0xf8: {  	[sflag:s21] =	ssyncset.done $0x0  }
0xf9: {  	[sflag:s21] =	ssyncadd.s32 $0xFFFFCE00  }
0xfa: {  	_ =	swait.ge [sflag:s21], $0x3200  }
0xfb: {  	[sflag:s21] =	ssyncset.done $0x0  }
0xfc: {  	s1 =	rddreg [dreg:$0x16];
	[sflag:s21] =	ssyncadd.s32 $0xFFFFCE00  }
0xfd: {  	[hbm4b:s1+s19] =	stream.strided.scatter [tilespmem:s12], [sflag:$0x2], $0x3200, s20, s19, $0x38;
	[tilespmem:$0x1A900] =	vst v63  }
0xfe: {  	s28 =	rddreg [dreg:$0x17]  }
0xff: {  	[hbm4b:s28+s19] =	stream.strided.scatter [tilespmem:s13], [sflag:$0x2], $0x3200, s20, s19, $0x38;
	[tilespmem:$0x1A900] =	vst v63  }
0x100: {  	s0 =	rddreg [dreg:$0x18]  }
0x101: {  	[hbm4b:s0+s19] =	stream.strided.scatter [tilespmem:s14], [sflag:$0x2], $0x3200, s20, s19, $0x38;
	[tilespmem:$0x1A900] =	vst v63  }
0x102: {  	s28 =	rddreg [dreg:$0x19]  }
0x103: {  	[hbm4b:s28+s19] =	stream.strided.scatter [tilespmem:s15], [sflag:$0x2], $0x3200, s20, s19, $0x38;
	[tilespmem:$0x1A900] =	vst v63  }
0x104: {  	s0 =	rddreg [dreg:$0x1a]  }
0x105: {  	[hbm4b:s0+s19] =	stream.strided.scatter [tilespmem:s16], [sflag:$0x2], $0x3200, s20, s19, $0x38;
	[tilespmem:$0x1A900] =	vst v63  }
0x106: {  	s28 =	rddreg [dreg:$0x1b]  }
0x107: {  	[hbm4b:s28+s19] =	stream.strided.scatter [tilespmem:s17], [sflag:$0x2], $0x3200, s20, s19, $0x38;
	[tilespmem:$0x1A900] =	vst v63  }
0x108: {  	s0 =	rddreg [dreg:$0x1c]  }
0x109: {  	[hbm4b:s0+s19] =	stream.strided.scatter [tilespmem:s18], [sflag:$0x2], $0x3200, s20, s19, $0x38;
	[tilespmem:$0x1A900] =	vst v63  }
0x10a: {  	s28 =	rddreg [dreg:$0x1d]  }
0x10b: {  	[hbm4b:s28+s19] =	stream.strided.scatter [tilespmem:s24], [sflag:$0x2], $0x3200, s20, s19, $0x38;
	[tilespmem:$0x1A900] =	vst v63  }
0x10c: {  	_ =	swait.ge [sflag:s10], $0x3200  }
0x10d: {  	[sflag:s10] =	ssyncset.done $0x0  }
0x10e: {  	[sflag:s10] =	ssyncadd.s32 $0xFFFFCE00  }
0x10f: {  	_ =	swait.ge [sflag:s10], $0x3200  }
0x110: {  	[sflag:s10] =	ssyncset.done $0x0  }
0x111: {  	[sflag:s10] =	ssyncadd.s32 $0xFFFFCE00  }
0x112: {  	_ =	swait.ge [sflag:s10], $0x3200  }
0x113: {  	[sflag:s10] =	ssyncset.done $0x0  }
0x114: {  	[sflag:s10] =	ssyncadd.s32 $0xFFFFCE00  }
0x115: {  	_ =	swait.ge [sflag:s10], $0x3200  }
0x116: {  	[sflag:s10] =	ssyncset.done $0x0  }
0x117: {  	[sflag:s10] =	ssyncadd.s32 $0xFFFFCE00  }
0x118: {  	_ =	swait.ge [sflag:s10], $0x3200  }
0x119: {  	[sflag:s10] =	ssyncset.done $0x0  }
0x11a: {  	[sflag:s10] =	ssyncadd.s32 $0xFFFFCE00  }
0x11b: {  	_ =	swait.ge [sflag:s10], $0x3200  }
0x11c: {  	[sflag:s10] =	ssyncset.done $0x0  }
0x11d: {  	[sflag:s10] =	ssyncadd.s32 $0xFFFFCE00  }
0x11e: {  	_ =	swait.ge [sflag:s10], $0x3200  }
0x11f: {  	[sflag:s10] =	ssyncset.done $0x0  }
0x120: {  	[sflag:s10] =	ssyncadd.s32 $0xFFFFCE00  }
0x121: {  	_ =	swait.ge [sflag:s10], $0x3200  }
0x122: {  	[sflag:s10] =	ssyncset.done $0x0  }
0x123: {  	s28 =	simm.s32 $0x19000;
	s1 =	rddreg [dreg:$0x1e];
	[sflag:s10] =	ssyncadd.s32 $0xFFFFCE00  }
0x124: {  	[tilespmem:s11], [sflag:$0x3] =	stream.strided.gather [hbm4b:s1+s22], $0x1900, s28, s22, $0x38;
	[tilespmem:$0x1A900] =	vst v63  }
0x125: {  	_ =	swait.ge [sflag:s23], $0x1900  }
0x126: {  	[sflag:s23] =	ssyncset.done $0x0  }
0x127: {  	[sflag:s23] =	ssyncadd.s32 $0xFFFFE700  }
0x128: {  	[tilespmem:s12], [sflag:$0x1] =	stream.indirect.gather [hbm4b:s2+s22], $0x10, s11, s22, $0xb8;
	[tilespmem:$0x1A900] =	vst v63  }
0x129: {  	_ = 	snop  }
0x12a: {  	[tilespmem:s13], [sflag:$0x1] =	stream.indirect.gather [hbm4b:s2+s22], $0x10, s22, s22, $0xb8;
	[tilespmem:$0x1A900] =	vst v63  }
0x12b: {  	s31 =	simm.s32 $0x640  }
0x12c: {  	[tilespmem:s14], [sflag:$0x1] =	stream.indirect.gather [hbm4b:s2+s22], $0x10, s31, s22, $0xb8;
	[tilespmem:$0x1A900] =	vst v63  }
0x12d: {  	s29 =	simm.s32 $0x960  }
0x12e: {  	[tilespmem:s15], [sflag:$0x1] =	stream.indirect.gather [hbm4b:s2+s22], $0x10, s29, s22, $0xb8;
	[tilespmem:$0x1A900] =	vst v63  }
0x12f: {  	s30 =	simm.s32 $0xC80  }
0x130: {  	[tilespmem:s16], [sflag:$0x1] =	stream.indirect.gather [hbm4b:s2+s22], $0x10, s30, s22, $0xb8;
	[tilespmem:$0x1A900] =	vst v63  }
0x131: {  	s25 =	simm.s32 $0xFA0  }
0x132: {  	[tilespmem:s17], [sflag:$0x1] =	stream.indirect.gather [hbm4b:s2+s22], $0x10, s25, s22, $0xb8;
	[tilespmem:$0x1A900] =	vst v63  }
0x133: {  	s3 =	simm.s32 $0x12C0  }
0x134: {  	[tilespmem:s18], [sflag:$0x1] =	stream.indirect.gather [hbm4b:s2+s22], $0x10, s3, s22, $0xb8;
	[tilespmem:$0x1A900] =	vst v63  }
0x135: {  	s26 =	simm.s32 $0x15E0  }
0x136: {  	[tilespmem:s24], [sflag:$0x1] =	stream.indirect.gather [hbm4b:s2+s22], $0x10, s26, s22, $0xb8;
	[tilespmem:$0x1A900] =	vst v63  }
0x137: {  	_ =	swait.ge [sflag:s21], $0x3200  }
0x138: {  	[sflag:s21] =	ssyncset.done $0x0  }
0x139: {  	[sflag:s21] =	ssyncadd.s32 $0xFFFFCE00  }
0x13a: {  	_ =	swait.ge [sflag:s21], $0x3200  }
0x13b: {  	[sflag:s21] =	ssyncset.done $0x0  }
0x13c: {  	[sflag:s21] =	ssyncadd.s32 $0xFFFFCE00  }
0x13d: {  	_ =	swait.ge [sflag:s21], $0x3200  }
0x13e: {  	[sflag:s21] =	ssyncset.done $0x0  }
0x13f: {  	[sflag:s21] =	ssyncadd.s32 $0xFFFFCE00  }
0x140: {  	_ =	swait.ge [sflag:s21], $0x3200  }
0x141: {  	[sflag:s21] =	ssyncset.done $0x0  }
0x142: {  	[sflag:s21] =	ssyncadd.s32 $0xFFFFCE00  }
0x143: {  	_ =	swait.ge [sflag:s21], $0x3200  }
0x144: {  	[sflag:s21] =	ssyncset.done $0x0  }
0x145: {  	[sflag:s21] =	ssyncadd.s32 $0xFFFFCE00  }
0x146: {  	_ =	swait.ge [sflag:s21], $0x3200  }
0x147: {  	[sflag:s21] =	ssyncset.done $0x0  }
0x148: {  	[sflag:s21] =	ssyncadd.s32 $0xFFFFCE00  }
0x149: {  	_ =	swait.ge [sflag:s21], $0x3200  }
0x14a: {  	[sflag:s21] =	ssyncset.done $0x0  }
0x14b: {  	[sflag:s21] =	ssyncadd.s32 $0xFFFFCE00  }
0x14c: {  	_ =	swait.ge [sflag:s21], $0x3200  }
0x14d: {  	s29 =	rddreg [dreg:$0x1f];
	[sflag:s21] =	ssyncset.done $0x0  }
0x14e: {  	s30 =	sld [smem:$0x7FD];
	[sflag:s21] =	ssyncadd.s32 $0xFFFFCE00  }
0x14f: {  	[hbm4b:s29+s19] =	stream.strided.scatter [tilespmem:s12], [sflag:$0x2], $0x3200, s20, s19, $0x38;
	[tilespmem:$0x1A900] =	vst v63  }
0x150: {  	_ = 	snop  }
0x151: {  	[hbm4b:s30+s19] =	stream.strided.scatter [tilespmem:s13], [sflag:$0x2], $0x3200, s20, s19, $0x38;
	[tilespmem:$0x1A900] =	vst v63  }
0x152: {  	_ = 	snop  }
0x153: {  	[hbm4b:s4+s19] =	stream.strided.scatter [tilespmem:s14], [sflag:$0x2], $0x3200, s20, s19, $0x38;
	[tilespmem:$0x1A900] =	vst v63  }
0x154: {  	_ = 	snop  }
0x155: {  	[hbm4b:s5+s19] =	stream.strided.scatter [tilespmem:s15], [sflag:$0x2], $0x3200, s20, s19, $0x38;
	[tilespmem:$0x1A900] =	vst v63  }
0x156: {  	_ = 	snop  }
0x157: {  	[hbm4b:s6+s19] =	stream.strided.scatter [tilespmem:s16], [sflag:$0x2], $0x3200, s20, s19, $0x38;
	[tilespmem:$0x1A900] =	vst v63  }
0x158: {  	_ = 	snop  }
0x159: {  	[hbm4b:s7+s19] =	stream.strided.scatter [tilespmem:s17], [sflag:$0x2], $0x3200, s20, s19, $0x38;
	[tilespmem:$0x1A900] =	vst v63  }
0x15a: {  	_ = 	snop  }
0x15b: {  	[hbm4b:s8+s19] =	stream.strided.scatter [tilespmem:s18], [sflag:$0x2], $0x3200, s20, s19, $0x38;
	[tilespmem:$0x1A900] =	vst v63  }
0x15c: {  	_ = 	snop  }
0x15d: {  	[hbm4b:s9+s19] =	stream.strided.scatter [tilespmem:s24], [sflag:$0x2], $0x3200, s20, s19, $0x38;
	[tilespmem:$0x1A900] =	vst v63  }
0x15e: {  	_ =	swait.ge [sflag:s10], $0x3200  }
0x15f: {  	[sflag:s10] =	ssyncset.done $0x0  }
0x160: {  	[sflag:s10] =	ssyncadd.s32 $0xFFFFCE00  }
0x161: {  	_ =	swait.ge [sflag:s10], $0x3200  }
0x162: {  	[sflag:s10] =	ssyncset.done $0x0  }
0x163: {  	[sflag:s10] =	ssyncadd.s32 $0xFFFFCE00  }
0x164: {  	_ =	swait.ge [sflag:s10], $0x3200  }
0x165: {  	[sflag:s10] =	ssyncset.done $0x0  }
0x166: {  	[sflag:s10] =	ssyncadd.s32 $0xFFFFCE00  }
0x167: {  	_ =	swait.ge [sflag:s10], $0x3200  }
0x168: {  	[sflag:s10] =	ssyncset.done $0x0  }
0x169: {  	[sflag:s10] =	ssyncadd.s32 $0xFFFFCE00  }
0x16a: {  	_ =	swait.ge [sflag:s10], $0x3200  }
0x16b: {  	[sflag:s10] =	ssyncset.done $0x0  }
0x16c: {  	[sflag:s10] =	ssyncadd.s32 $0xFFFFCE00  }
0x16d: {  	_ =	swait.ge [sflag:s10], $0x3200  }
0x16e: {  	[sflag:s10] =	ssyncset.done $0x0  }
0x16f: {  	[sflag:s10] =	ssyncadd.s32 $0xFFFFCE00  }
0x170: {  	_ =	swait.ge [sflag:s10], $0x3200  }
0x171: {  	s31 =	sld [smem:$0x7FB];
	_ =	sdelay $0x2  }
0x172: {  	p1 =	sne.s32 s31, $0x1  }
.Ltmp1:
0x173: {  	[sflag:s10] =	ssyncset.done $0x0;
	(pc) =	sbr.rel @!p1 .LBB2_6-.Ltmp1, $4  }
0x174: {  	[sflag:s10] =	ssyncadd.s32 $0xFFFFCE00  }
0x175: {  	_ =	swait.ge [sflag:s10], $0x3200  }
0x176: {  	p0 =	por $0x1, $0x1;
	s0 =	rddreg [dreg:$0x3]  }
0x177: {  	s1 =	sadd.s32 $0xFFFFFFFF, s31;
	[sflag:s10] =	ssyncset.done $0x0;
	[smem:$0x7FC] =	sst s9  }
0x178: {  	s31 =	simm.s32 $0x19000  }
0x179: {  	s28 =	simm.s32 $0x640;
	s29 =	simm.s32 $0x960;
	s25 =	simm.s32 $0xC80  }
0x17a: {  	s26 =	simm.s32 $0xFA0;
	s30 =	simm.s32 $0x12C0;
	s3 =	simm.s32 $0x15E0  }
.LBB2_3:
0x17b: {  	[sflag:s10] =	ssyncadd.s32 $0xFFFFCE00  }
0x17c: {  	[tilespmem:s11], [sflag:$0x3] =	stream.strided.gather [hbm4b:s0+s22], $0x1900, s31, s22, $0x38;
	[tilespmem:$0x1A900] =	vst v63  }
0x17d: {  	_ =	swait.ge [sflag:s23], $0x1900  }
0x17e: {  	[sflag:s23] =	ssyncset.done $0x0  }
0x17f: {  	[sflag:s23] =	ssyncadd.s32 $0xFFFFE700  }
0x180: {  	[tilespmem:s12], [sflag:$0x1] =	stream.indirect.gather [hbm4b:s2+s22], $0x10, s11, s22, $0xb8;
	[tilespmem:$0x1A900] =	vst v63  }
0x181: {  	_ = 	snop  }
0x182: {  	[tilespmem:s13], [sflag:$0x1] =	stream.indirect.gather [hbm4b:s2+s22], $0x10, s22, s22, $0xb8;
	[tilespmem:$0x1A900] =	vst v63  }
0x183: {  	_ = 	snop  }
0x184: {  	[tilespmem:s14], [sflag:$0x1] =	stream.indirect.gather [hbm4b:s2+s22], $0x10, s28, s22, $0xb8;
	[tilespmem:$0x1A900] =	vst v63  }
0x185: {  	_ = 	snop  }
0x186: {  	[tilespmem:s15], [sflag:$0x1] =	stream.indirect.gather [hbm4b:s2+s22], $0x10, s29, s22, $0xb8;
	[tilespmem:$0x1A900] =	vst v63  }
0x187: {  	_ = 	snop  }
0x188: {  	[tilespmem:s16], [sflag:$0x1] =	stream.indirect.gather [hbm4b:s2+s22], $0x10, s25, s22, $0xb8;
	[tilespmem:$0x1A900] =	vst v63  }
0x189: {  	_ = 	snop  }
0x18a: {  	[tilespmem:s17], [sflag:$0x1] =	stream.indirect.gather [hbm4b:s2+s22], $0x10, s26, s22, $0xb8;
	[tilespmem:$0x1A900] =	vst v63  }
0x18b: {  	_ = 	snop  }
0x18c: {  	[tilespmem:s18], [sflag:$0x1] =	stream.indirect.gather [hbm4b:s2+s22], $0x10, s30, s22, $0xb8;
	[tilespmem:$0x1A900] =	vst v63  }
0x18d: {  	_ = 	snop  }
0x18e: {  	[tilespmem:s24], [sflag:$0x1] =	stream.indirect.gather [hbm4b:s2+s22], $0x10, s3, s22, $0xb8;
	[tilespmem:$0x1A900] =	vst v63  }
0x18f: {  	_ =	swait.ge [sflag:s21], $0x3200  }
0x190: {  	[sflag:s21] =	ssyncset.done $0x0  }
0x191: {  	[sflag:s21] =	ssyncadd.s32 $0xFFFFCE00  }
0x192: {  	_ =	swait.ge [sflag:s21], $0x3200  }
0x193: {  	[sflag:s21] =	ssyncset.done $0x0  }
0x194: {  	[sflag:s21] =	ssyncadd.s32 $0xFFFFCE00  }
0x195: {  	_ =	swait.ge [sflag:s21], $0x3200  }
0x196: {  	[sflag:s21] =	ssyncset.done $0x0  }
0x197: {  	[sflag:s21] =	ssyncadd.s32 $0xFFFFCE00  }
0x198: {  	_ =	swait.ge [sflag:s21], $0x3200  }
0x199: {  	[sflag:s21] =	ssyncset.done $0x0  }
0x19a: {  	[sflag:s21] =	ssyncadd.s32 $0xFFFFCE00  }
0x19b: {  	_ =	swait.ge [sflag:s21], $0x3200  }
0x19c: {  	[sflag:s21] =	ssyncset.done $0x0  }
0x19d: {  	[sflag:s21] =	ssyncadd.s32 $0xFFFFCE00  }
0x19e: {  	_ =	swait.ge [sflag:s21], $0x3200  }
0x19f: {  	[sflag:s21] =	ssyncset.done $0x0  }
0x1a0: {  	[sflag:s21] =	ssyncadd.s32 $0xFFFFCE00  }
0x1a1: {  	_ =	swait.ge [sflag:s21], $0x3200  }
0x1a2: {  	[sflag:s21] =	ssyncset.done $0x0  }
0x1a3: {  	[sflag:s21] =	ssyncadd.s32 $0xFFFFCE00  }
0x1a4: {  	_ =	swait.ge [sflag:s21], $0x3200  }
0x1a5: {  	s9 =	smov.u32 s8;
	s8 =	smov.u32 s7;
	[sflag:s21] =	ssyncset.done $0x0  }
0x1a6: {  	s7 =	smov.u32 s6;
	s0 =	rddreg [dreg:$0x4];
	[sflag:s21] =	ssyncadd.s32 $0xFFFFCE00  }
0x1a7: {  	[hbm4b:s0+s19] =	stream.strided.scatter [tilespmem:s12], [sflag:$0x2], $0x3200, s20, s19, $0x38;
	[tilespmem:$0x1A900] =	vst v63  }
0x1a8: {  	s6 =	smov.u32 s5;
	s5 =	smov.u32 s4;
	s4 =	rddreg [dreg:$0x5]  }
0x1a9: {  	[hbm4b:s4+s19] =	stream.strided.scatter [tilespmem:s13], [sflag:$0x2], $0x3200, s20, s19, $0x38;
	[tilespmem:$0x1A900] =	vst v63  }
0x1aa: {  	s0 =	rddreg [dreg:$0x6]  }
0x1ab: {  	[hbm4b:s0+s19] =	stream.strided.scatter [tilespmem:s14], [sflag:$0x2], $0x3200, s20, s19, $0x38;
	[tilespmem:$0x1A900] =	vst v63  }
0x1ac: {  	s4 =	rddreg [dreg:$0x7]  }
0x1ad: {  	[hbm4b:s4+s19] =	stream.strided.scatter [tilespmem:s15], [sflag:$0x2], $0x3200, s20, s19, $0x38;
	[tilespmem:$0x1A900] =	vst v63  }
0x1ae: {  	s0 =	rddreg [dreg:$0x8]  }
0x1af: {  	[hbm4b:s0+s19] =	stream.strided.scatter [tilespmem:s16], [sflag:$0x2], $0x3200, s20, s19, $0x38;
	[tilespmem:$0x1A900] =	vst v63  }
0x1b0: {  	s4 =	rddreg [dreg:$0x9]  }
0x1b1: {  	[hbm4b:s4+s19] =	stream.strided.scatter [tilespmem:s17], [sflag:$0x2], $0x3200, s20, s19, $0x38;
	[tilespmem:$0x1A900] =	vst v63  }
0x1b2: {  	s0 =	rddreg [dreg:$0xa]  }
0x1b3: {  	[hbm4b:s0+s19] =	stream.strided.scatter [tilespmem:s18], [sflag:$0x2], $0x3200, s20, s19, $0x38;
	[tilespmem:$0x1A900] =	vst v63  }
0x1b4: {  	s4 =	rddreg [dreg:$0xb]  }
0x1b5: {  	[hbm4b:s4+s19] =	stream.strided.scatter [tilespmem:s24], [sflag:$0x2], $0x3200, s20, s19, $0x38;
	[tilespmem:$0x1A900] =	vst v63  }
0x1b6: {  	_ =	swait.ge [sflag:s10], $0x3200  }
0x1b7: {  	[sflag:s10] =	ssyncset.done $0x0  }
0x1b8: {  	[sflag:s10] =	ssyncadd.s32 $0xFFFFCE00  }
0x1b9: {  	_ =	swait.ge [sflag:s10], $0x3200  }
0x1ba: {  	[sflag:s10] =	ssyncset.done $0x0  }
0x1bb: {  	[sflag:s10] =	ssyncadd.s32 $0xFFFFCE00  }
0x1bc: {  	_ =	swait.ge [sflag:s10], $0x3200  }
0x1bd: {  	[sflag:s10] =	ssyncset.done $0x0  }
0x1be: {  	[sflag:s10] =	ssyncadd.s32 $0xFFFFCE00  }
0x1bf: {  	_ =	swait.ge [sflag:s10], $0x3200  }
0x1c0: {  	[sflag:s10] =	ssyncset.done $0x0  }
0x1c1: {  	[sflag:s10] =	ssyncadd.s32 $0xFFFFCE00  }
0x1c2: {  	_ =	swait.ge [sflag:s10], $0x3200  }
0x1c3: {  	[sflag:s10] =	ssyncset.done $0x0  }
0x1c4: {  	[sflag:s10] =	ssyncadd.s32 $0xFFFFCE00  }
0x1c5: {  	_ =	swait.ge [sflag:s10], $0x3200  }
0x1c6: {  	[sflag:s10] =	ssyncset.done $0x0  }
0x1c7: {  	[sflag:s10] =	ssyncadd.s32 $0xFFFFCE00  }
0x1c8: {  	_ =	swait.ge [sflag:s10], $0x3200  }
0x1c9: {  	[sflag:s10] =	ssyncset.done $0x0  }
0x1ca: {  	[sflag:s10] =	ssyncadd.s32 $0xFFFFCE00  }
0x1cb: {  	_ =	swait.ge [sflag:s10], $0x3200  }
0x1cc: {  	[sflag:s10] =	ssyncset.done $0x0  }
0x1cd: {  	s4 =	rddreg [dreg:$0xc];
	[sflag:s10] =	ssyncadd.s32 $0xFFFFCE00  }
0x1ce: {  	[tilespmem:s11], [sflag:$0x3] =	stream.strided.gather [hbm4b:s4+s22], $0x1900, s31, s22, $0x38;
	[tilespmem:$0x1A900] =	vst v63  }
0x1cf: {  	_ =	swait.ge [sflag:s23], $0x1900  }
0x1d0: {  	[sflag:s23] =	ssyncset.done $0x0  }
0x1d1: {  	[sflag:s23] =	ssyncadd.s32 $0xFFFFE700  }
0x1d2: {  	[tilespmem:s12], [sflag:$0x1] =	stream.indirect.gather [hbm4b:s2+s22], $0x10, s11, s22, $0xb8;
	[tilespmem:$0x1A900] =	vst v63  }
0x1d3: {  	_ = 	snop  }
0x1d4: {  	[tilespmem:s13], [sflag:$0x1] =	stream.indirect.gather [hbm4b:s2+s22], $0x10, s22, s22, $0xb8;
	[tilespmem:$0x1A900] =	vst v63  }
0x1d5: {  	_ = 	snop  }
0x1d6: {  	[tilespmem:s14], [sflag:$0x1] =	stream.indirect.gather [hbm4b:s2+s22], $0x10, s28, s22, $0xb8;
	[tilespmem:$0x1A900] =	vst v63  }
0x1d7: {  	_ = 	snop  }
0x1d8: {  	[tilespmem:s15], [sflag:$0x1] =	stream.indirect.gather [hbm4b:s2+s22], $0x10, s29, s22, $0xb8;
	[tilespmem:$0x1A900] =	vst v63  }
0x1d9: {  	_ = 	snop  }
0x1da: {  	[tilespmem:s16], [sflag:$0x1] =	stream.indirect.gather [hbm4b:s2+s22], $0x10, s25, s22, $0xb8;
	[tilespmem:$0x1A900] =	vst v63  }
0x1db: {  	_ = 	snop  }
0x1dc: {  	[tilespmem:s17], [sflag:$0x1] =	stream.indirect.gather [hbm4b:s2+s22], $0x10, s26, s22, $0xb8;
	[tilespmem:$0x1A900] =	vst v63  }
0x1dd: {  	_ = 	snop  }
0x1de: {  	[tilespmem:s18], [sflag:$0x1] =	stream.indirect.gather [hbm4b:s2+s22], $0x10, s30, s22, $0xb8;
	[tilespmem:$0x1A900] =	vst v63  }
0x1df: {  	_ = 	snop  }
0x1e0: {  	[tilespmem:s24], [sflag:$0x1] =	stream.indirect.gather [hbm4b:s2+s22], $0x10, s3, s22, $0xb8;
	[tilespmem:$0x1A900] =	vst v63  }
0x1e1: {  	_ =	swait.ge [sflag:s21], $0x3200  }
0x1e2: {  	[sflag:s21] =	ssyncset.done $0x0  }
0x1e3: {  	[sflag:s21] =	ssyncadd.s32 $0xFFFFCE00  }
0x1e4: {  	_ =	swait.ge [sflag:s21], $0x3200  }
0x1e5: {  	[sflag:s21] =	ssyncset.done $0x0  }
0x1e6: {  	[sflag:s21] =	ssyncadd.s32 $0xFFFFCE00  }
0x1e7: {  	_ =	swait.ge [sflag:s21], $0x3200  }
0x1e8: {  	[sflag:s21] =	ssyncset.done $0x0  }
0x1e9: {  	[sflag:s21] =	ssyncadd.s32 $0xFFFFCE00  }
0x1ea: {  	_ =	swait.ge [sflag:s21], $0x3200  }
0x1eb: {  	[sflag:s21] =	ssyncset.done $0x0  }
0x1ec: {  	[sflag:s21] =	ssyncadd.s32 $0xFFFFCE00  }
0x1ed: {  	_ =	swait.ge [sflag:s21], $0x3200  }
0x1ee: {  	[sflag:s21] =	ssyncset.done $0x0  }
0x1ef: {  	[sflag:s21] =	ssyncadd.s32 $0xFFFFCE00  }
0x1f0: {  	_ =	swait.ge [sflag:s21], $0x3200  }
0x1f1: {  	[sflag:s21] =	ssyncset.done $0x0  }
0x1f2: {  	[sflag:s21] =	ssyncadd.s32 $0xFFFFCE00  }
0x1f3: {  	_ =	swait.ge [sflag:s21], $0x3200  }
0x1f4: {  	[sflag:s21] =	ssyncset.done $0x0  }
0x1f5: {  	[sflag:s21] =	ssyncadd.s32 $0xFFFFCE00  }
0x1f6: {  	_ =	swait.ge [sflag:s21], $0x3200  }
0x1f7: {  	[sflag:s21] =	ssyncset.done $0x0  }
0x1f8: {  	s0 =	rddreg [dreg:$0xd];
	[sflag:s21] =	ssyncadd.s32 $0xFFFFCE00  }
0x1f9: {  	[hbm4b:s0+s19] =	stream.strided.scatter [tilespmem:s12], [sflag:$0x2], $0x3200, s20, s19, $0x38;
	[tilespmem:$0x1A900] =	vst v63  }
0x1fa: {  	s4 =	rddreg [dreg:$0xe]  }
0x1fb: {  	[hbm4b:s4+s19] =	stream.strided.scatter [tilespmem:s13], [sflag:$0x2], $0x3200, s20, s19, $0x38;
	[tilespmem:$0x1A900] =	vst v63  }
0x1fc: {  	s0 =	rddreg [dreg:$0xf]  }
0x1fd: {  	[hbm4b:s0+s19] =	stream.strided.scatter [tilespmem:s14], [sflag:$0x2], $0x3200, s20, s19, $0x38;
	[tilespmem:$0x1A900] =	vst v63  }
0x1fe: {  	s4 =	rddreg [dreg:$0x10]  }
0x1ff: {  	[hbm4b:s4+s19] =	stream.strided.scatter [tilespmem:s15], [sflag:$0x2], $0x3200, s20, s19, $0x38;
	[tilespmem:$0x1A900] =	vst v63  }
0x200: {  	s0 =	rddreg [dreg:$0x11]  }
0x201: {  	[hbm4b:s0+s19] =	stream.strided.scatter [tilespmem:s16], [sflag:$0x2], $0x3200, s20, s19, $0x38;
	[tilespmem:$0x1A900] =	vst v63  }
0x202: {  	s4 =	rddreg [dreg:$0x12]  }
0x203: {  	[hbm4b:s4+s19] =	stream.strided.scatter [tilespmem:s17], [sflag:$0x2], $0x3200, s20, s19, $0x38;
	[tilespmem:$0x1A900] =	vst v63  }
0x204: {  	s0 =	rddreg [dreg:$0x13]  }
0x205: {  	[hbm4b:s0+s19] =	stream.strided.scatter [tilespmem:s18], [sflag:$0x2], $0x3200, s20, s19, $0x38;
	[tilespmem:$0x1A900] =	vst v63  }
0x206: {  	s4 =	rddreg [dreg:$0x14]  }
0x207: {  	[hbm4b:s4+s19] =	stream.strided.scatter [tilespmem:s24], [sflag:$0x2], $0x3200, s20, s19, $0x38;
	[tilespmem:$0x1A900] =	vst v63  }
0x208: {  	_ =	swait.ge [sflag:s10], $0x3200  }
0x209: {  	[sflag:s10] =	ssyncset.done $0x0  }
0x20a: {  	[sflag:s10] =	ssyncadd.s32 $0xFFFFCE00  }
0x20b: {  	_ =	swait.ge [sflag:s10], $0x3200  }
0x20c: {  	[sflag:s10] =	ssyncset.done $0x0  }
0x20d: {  	[sflag:s10] =	ssyncadd.s32 $0xFFFFCE00  }
0x20e: {  	_ =	swait.ge [sflag:s10], $0x3200  }
0x20f: {  	[sflag:s10] =	ssyncset.done $0x0  }
0x210: {  	[sflag:s10] =	ssyncadd.s32 $0xFFFFCE00  }
0x211: {  	_ =	swait.ge [sflag:s10], $0x3200  }
0x212: {  	[sflag:s10] =	ssyncset.done $0x0  }
0x213: {  	[sflag:s10] =	ssyncadd.s32 $0xFFFFCE00  }
0x214: {  	_ =	swait.ge [sflag:s10], $0x3200  }
0x215: {  	[sflag:s10] =	ssyncset.done $0x0  }
0x216: {  	[sflag:s10] =	ssyncadd.s32 $0xFFFFCE00  }
0x217: {  	_ =	swait.ge [sflag:s10], $0x3200  }
0x218: {  	[sflag:s10] =	ssyncset.done $0x0  }
0x219: {  	[sflag:s10] =	ssyncadd.s32 $0xFFFFCE00  }
0x21a: {  	_ =	swait.ge [sflag:s10], $0x3200  }
0x21b: {  	[sflag:s10] =	ssyncset.done $0x0  }
0x21c: {  	[sflag:s10] =	ssyncadd.s32 $0xFFFFCE00  }
0x21d: {  	_ =	swait.ge [sflag:s10], $0x3200  }
0x21e: {  	[sflag:s10] =	ssyncset.done $0x0  }
0x21f: {  	s4 =	rddreg [dreg:$0x15];
	[sflag:s10] =	ssyncadd.s32 $0xFFFFCE00  }
0x220: {  	[tilespmem:s11], [sflag:$0x3] =	stream.strided.gather [hbm4b:s4+s22], $0x1900, s31, s22, $0x38;
	[tilespmem:$0x1A900] =	vst v63  }
0x221: {  	_ =	swait.ge [sflag:s23], $0x1900  }
0x222: {  	[sflag:s23] =	ssyncset.done $0x0  }
0x223: {  	[sflag:s23] =	ssyncadd.s32 $0xFFFFE700  }
0x224: {  	[tilespmem:s12], [sflag:$0x1] =	stream.indirect.gather [hbm4b:s2+s22], $0x10, s11, s22, $0xb8;
	[tilespmem:$0x1A900] =	vst v63  }
0x225: {  	_ = 	snop  }
0x226: {  	[tilespmem:s13], [sflag:$0x1] =	stream.indirect.gather [hbm4b:s2+s22], $0x10, s22, s22, $0xb8;
	[tilespmem:$0x1A900] =	vst v63  }
0x227: {  	_ = 	snop  }
0x228: {  	[tilespmem:s14], [sflag:$0x1] =	stream.indirect.gather [hbm4b:s2+s22], $0x10, s28, s22, $0xb8;
	[tilespmem:$0x1A900] =	vst v63  }
0x229: {  	_ = 	snop  }
0x22a: {  	[tilespmem:s15], [sflag:$0x1] =	stream.indirect.gather [hbm4b:s2+s22], $0x10, s29, s22, $0xb8;
	[tilespmem:$0x1A900] =	vst v63  }
0x22b: {  	_ = 	snop  }
0x22c: {  	[tilespmem:s16], [sflag:$0x1] =	stream.indirect.gather [hbm4b:s2+s22], $0x10, s25, s22, $0xb8;
	[tilespmem:$0x1A900] =	vst v63  }
0x22d: {  	_ = 	snop  }
0x22e: {  	[tilespmem:s17], [sflag:$0x1] =	stream.indirect.gather [hbm4b:s2+s22], $0x10, s26, s22, $0xb8;
	[tilespmem:$0x1A900] =	vst v63  }
0x22f: {  	_ = 	snop  }
0x230: {  	[tilespmem:s18], [sflag:$0x1] =	stream.indirect.gather [hbm4b:s2+s22], $0x10, s30, s22, $0xb8;
	[tilespmem:$0x1A900] =	vst v63  }
0x231: {  	_ = 	snop  }
0x232: {  	[tilespmem:s24], [sflag:$0x1] =	stream.indirect.gather [hbm4b:s2+s22], $0x10, s3, s22, $0xb8;
	[tilespmem:$0x1A900] =	vst v63  }
0x233: {  	_ =	swait.ge [sflag:s21], $0x3200  }
0x234: {  	[sflag:s21] =	ssyncset.done $0x0  }
0x235: {  	[sflag:s21] =	ssyncadd.s32 $0xFFFFCE00  }
0x236: {  	_ =	swait.ge [sflag:s21], $0x3200  }
0x237: {  	[sflag:s21] =	ssyncset.done $0x0  }
0x238: {  	[sflag:s21] =	ssyncadd.s32 $0xFFFFCE00  }
0x239: {  	_ =	swait.ge [sflag:s21], $0x3200  }
0x23a: {  	[sflag:s21] =	ssyncset.done $0x0  }
0x23b: {  	[sflag:s21] =	ssyncadd.s32 $0xFFFFCE00  }
0x23c: {  	_ =	swait.ge [sflag:s21], $0x3200  }
0x23d: {  	[sflag:s21] =	ssyncset.done $0x0  }
0x23e: {  	[sflag:s21] =	ssyncadd.s32 $0xFFFFCE00  }
0x23f: {  	_ =	swait.ge [sflag:s21], $0x3200  }
0x240: {  	[sflag:s21] =	ssyncset.done $0x0  }
0x241: {  	[sflag:s21] =	ssyncadd.s32 $0xFFFFCE00  }
0x242: {  	_ =	swait.ge [sflag:s21], $0x3200  }
0x243: {  	[sflag:s21] =	ssyncset.done $0x0  }
0x244: {  	[sflag:s21] =	ssyncadd.s32 $0xFFFFCE00  }
0x245: {  	_ =	swait.ge [sflag:s21], $0x3200  }
0x246: {  	[sflag:s21] =	ssyncset.done $0x0  }
0x247: {  	[sflag:s21] =	ssyncadd.s32 $0xFFFFCE00  }
0x248: {  	_ =	swait.ge [sflag:s21], $0x3200  }
0x249: {  	[sflag:s21] =	ssyncset.done $0x0  }
0x24a: {  	s0 =	rddreg [dreg:$0x16];
	[sflag:s21] =	ssyncadd.s32 $0xFFFFCE00  }
0x24b: {  	[hbm4b:s0+s19] =	stream.strided.scatter [tilespmem:s12], [sflag:$0x2], $0x3200, s20, s19, $0x38;
	[tilespmem:$0x1A900] =	vst v63  }
0x24c: {  	s4 =	rddreg [dreg:$0x17]  }
0x24d: {  	[hbm4b:s4+s19] =	stream.strided.scatter [tilespmem:s13], [sflag:$0x2], $0x3200, s20, s19, $0x38;
	[tilespmem:$0x1A900] =	vst v63  }
0x24e: {  	s0 =	rddreg [dreg:$0x18]  }
0x24f: {  	[hbm4b:s0+s19] =	stream.strided.scatter [tilespmem:s14], [sflag:$0x2], $0x3200, s20, s19, $0x38;
	[tilespmem:$0x1A900] =	vst v63  }
0x250: {  	s4 =	rddreg [dreg:$0x19]  }
0x251: {  	[hbm4b:s4+s19] =	stream.strided.scatter [tilespmem:s15], [sflag:$0x2], $0x3200, s20, s19, $0x38;
	[tilespmem:$0x1A900] =	vst v63  }
0x252: {  	s0 =	rddreg [dreg:$0x1a]  }
0x253: {  	[hbm4b:s0+s19] =	stream.strided.scatter [tilespmem:s16], [sflag:$0x2], $0x3200, s20, s19, $0x38;
	[tilespmem:$0x1A900] =	vst v63  }
0x254: {  	s4 =	rddreg [dreg:$0x1b]  }
0x255: {  	[hbm4b:s4+s19] =	stream.strided.scatter [tilespmem:s17], [sflag:$0x2], $0x3200, s20, s19, $0x38;
	[tilespmem:$0x1A900] =	vst v63  }
0x256: {  	s0 =	rddreg [dreg:$0x1c]  }
0x257: {  	[hbm4b:s0+s19] =	stream.strided.scatter [tilespmem:s18], [sflag:$0x2], $0x3200, s20, s19, $0x38;
	[tilespmem:$0x1A900] =	vst v63  }
0x258: {  	s4 =	rddreg [dreg:$0x1d]  }
0x259: {  	[hbm4b:s4+s19] =	stream.strided.scatter [tilespmem:s24], [sflag:$0x2], $0x3200, s20, s19, $0x38;
	[tilespmem:$0x1A900] =	vst v63  }
0x25a: {  	_ =	swait.ge [sflag:s10], $0x3200  }
0x25b: {  	[sflag:s10] =	ssyncset.done $0x0  }
0x25c: {  	[sflag:s10] =	ssyncadd.s32 $0xFFFFCE00  }
0x25d: {  	_ =	swait.ge [sflag:s10], $0x3200  }
0x25e: {  	[sflag:s10] =	ssyncset.done $0x0  }
0x25f: {  	[sflag:s10] =	ssyncadd.s32 $0xFFFFCE00  }
0x260: {  	_ =	swait.ge [sflag:s10], $0x3200  }
0x261: {  	[sflag:s10] =	ssyncset.done $0x0  }
0x262: {  	[sflag:s10] =	ssyncadd.s32 $0xFFFFCE00  }
0x263: {  	_ =	swait.ge [sflag:s10], $0x3200  }
0x264: {  	[sflag:s10] =	ssyncset.done $0x0  }
0x265: {  	[sflag:s10] =	ssyncadd.s32 $0xFFFFCE00  }
0x266: {  	_ =	swait.ge [sflag:s10], $0x3200  }
0x267: {  	[sflag:s10] =	ssyncset.done $0x0  }
0x268: {  	[sflag:s10] =	ssyncadd.s32 $0xFFFFCE00  }
0x269: {  	_ =	swait.ge [sflag:s10], $0x3200  }
0x26a: {  	[sflag:s10] =	ssyncset.done $0x0  }
0x26b: {  	[sflag:s10] =	ssyncadd.s32 $0xFFFFCE00  }
0x26c: {  	_ =	swait.ge [sflag:s10], $0x3200  }
0x26d: {  	[sflag:s10] =	ssyncset.done $0x0  }
0x26e: {  	[sflag:s10] =	ssyncadd.s32 $0xFFFFCE00  }
0x26f: {  	_ =	swait.ge [sflag:s10], $0x3200  }
0x270: {  	[sflag:s10] =	ssyncset.done $0x0  }
0x271: {  	s4 =	rddreg [dreg:$0x1e];
	[sflag:s10] =	ssyncadd.s32 $0xFFFFCE00  }
0x272: {  	[tilespmem:s11], [sflag:$0x3] =	stream.strided.gather [hbm4b:s4+s22], $0x1900, s31, s22, $0x38;
	[tilespmem:$0x1A900] =	vst v63  }
0x273: {  	_ =	swait.ge [sflag:s23], $0x1900  }
0x274: {  	[sflag:s23] =	ssyncset.done $0x0  }
0x275: {  	[sflag:s23] =	ssyncadd.s32 $0xFFFFE700  }
0x276: {  	[tilespmem:s12], [sflag:$0x1] =	stream.indirect.gather [hbm4b:s2+s22], $0x10, s11, s22, $0xb8;
	[tilespmem:$0x1A900] =	vst v63  }
0x277: {  	_ = 	snop  }
0x278: {  	[tilespmem:s13], [sflag:$0x1] =	stream.indirect.gather [hbm4b:s2+s22], $0x10, s22, s22, $0xb8;
	[tilespmem:$0x1A900] =	vst v63  }
0x279: {  	_ = 	snop  }
0x27a: {  	[tilespmem:s14], [sflag:$0x1] =	stream.indirect.gather [hbm4b:s2+s22], $0x10, s28, s22, $0xb8;
	[tilespmem:$0x1A900] =	vst v63  }
0x27b: {  	_ = 	snop  }
0x27c: {  	[tilespmem:s15], [sflag:$0x1] =	stream.indirect.gather [hbm4b:s2+s22], $0x10, s29, s22, $0xb8;
	[tilespmem:$0x1A900] =	vst v63  }
0x27d: {  	_ = 	snop  }
0x27e: {  	[tilespmem:s16], [sflag:$0x1] =	stream.indirect.gather [hbm4b:s2+s22], $0x10, s25, s22, $0xb8;
	[tilespmem:$0x1A900] =	vst v63  }
0x27f: {  	_ = 	snop  }
0x280: {  	[tilespmem:s17], [sflag:$0x1] =	stream.indirect.gather [hbm4b:s2+s22], $0x10, s26, s22, $0xb8;
	[tilespmem:$0x1A900] =	vst v63  }
0x281: {  	_ = 	snop  }
0x282: {  	[tilespmem:s18], [sflag:$0x1] =	stream.indirect.gather [hbm4b:s2+s22], $0x10, s30, s22, $0xb8;
	[tilespmem:$0x1A900] =	vst v63  }
0x283: {  	_ = 	snop  }
0x284: {  	[tilespmem:s24], [sflag:$0x1] =	stream.indirect.gather [hbm4b:s2+s22], $0x10, s3, s22, $0xb8;
	[tilespmem:$0x1A900] =	vst v63  }
0x285: {  	_ =	swait.ge [sflag:s21], $0x3200  }
0x286: {  	[sflag:s21] =	ssyncset.done $0x0  }
0x287: {  	[sflag:s21] =	ssyncadd.s32 $0xFFFFCE00  }
0x288: {  	_ =	swait.ge [sflag:s21], $0x3200  }
0x289: {  	[sflag:s21] =	ssyncset.done $0x0  }
0x28a: {  	[sflag:s21] =	ssyncadd.s32 $0xFFFFCE00  }
0x28b: {  	_ =	swait.ge [sflag:s21], $0x3200  }
0x28c: {  	[sflag:s21] =	ssyncset.done $0x0  }
0x28d: {  	[sflag:s21] =	ssyncadd.s32 $0xFFFFCE00  }
0x28e: {  	_ =	swait.ge [sflag:s21], $0x3200  }
0x28f: {  	[sflag:s21] =	ssyncset.done $0x0  }
0x290: {  	[sflag:s21] =	ssyncadd.s32 $0xFFFFCE00  }
0x291: {  	_ =	swait.ge [sflag:s21], $0x3200  }
0x292: {  	[sflag:s21] =	ssyncset.done $0x0  }
0x293: {  	[sflag:s21] =	ssyncadd.s32 $0xFFFFCE00  }
0x294: {  	_ =	swait.ge [sflag:s21], $0x3200  }
0x295: {  	[sflag:s21] =	ssyncset.done $0x0  }
0x296: {  	[sflag:s21] =	ssyncadd.s32 $0xFFFFCE00  }
0x297: {  	_ =	swait.ge [sflag:s21], $0x3200  }
0x298: {  	[sflag:s21] =	ssyncset.done $0x0  }
0x299: {  	[sflag:s21] =	ssyncadd.s32 $0xFFFFCE00  }
0x29a: {  	_ =	swait.ge [sflag:s21], $0x3200  }
0x29b: {  	s0 =	rddreg [dreg:$0x1f];
	[sflag:s21] =	ssyncset.done $0x0  }
0x29c: {  	s4 =	sld [smem:$0x7FD];
	[sflag:s21] =	ssyncadd.s32 $0xFFFFCE00  }
0x29d: {  	[hbm4b:s0+s19] =	stream.strided.scatter [tilespmem:s12], [sflag:$0x2], $0x3200, s20, s19, $0x38;
	[tilespmem:$0x1A900] =	vst v63  }
0x29e: {  	_ = 	snop  }
0x29f: {  	[hbm4b:s4+s19] =	stream.strided.scatter [tilespmem:s13], [sflag:$0x2], $0x3200, s20, s19, $0x38;
	[tilespmem:$0x1A900] =	vst v63  }
0x2a0: {  	s4 =	smov.u32 s5  }
0x2a1: {  	[hbm4b:s4+s19] =	stream.strided.scatter [tilespmem:s14], [sflag:$0x2], $0x3200, s20, s19, $0x38;
	[tilespmem:$0x1A900] =	vst v63  }
0x2a2: {  	s5 =	smov.u32 s6  }
0x2a3: {  	[hbm4b:s5+s19] =	stream.strided.scatter [tilespmem:s15], [sflag:$0x2], $0x3200, s20, s19, $0x38;
	[tilespmem:$0x1A900] =	vst v63  }
0x2a4: {  	s6 =	smov.u32 s7  }
0x2a5: {  	[hbm4b:s6+s19] =	stream.strided.scatter [tilespmem:s16], [sflag:$0x2], $0x3200, s20, s19, $0x38;
	[tilespmem:$0x1A900] =	vst v63  }
0x2a6: {  	s7 =	smov.u32 s8  }
0x2a7: {  	[hbm4b:s7+s19] =	stream.strided.scatter [tilespmem:s17], [sflag:$0x2], $0x3200, s20, s19, $0x38;
	[tilespmem:$0x1A900] =	vst v63  }
0x2a8: {  	s8 =	smov.u32 s9;
	s9 =	sld [smem:$0x7FC]  }
0x2a9: {  	[hbm4b:s8+s19] =	stream.strided.scatter [tilespmem:s18], [sflag:$0x2], $0x3200, s20, s19, $0x38;
	[tilespmem:$0x1A900] =	vst v63  }
0x2aa: {  	_ = 	snop  }
0x2ab: {  	[hbm4b:s9+s19] =	stream.strided.scatter [tilespmem:s24], [sflag:$0x2], $0x3200, s20, s19, $0x38;
	[tilespmem:$0x1A900] =	vst v63  }
0x2ac: {  	_ =	swait.ge [sflag:s10], $0x3200  }
0x2ad: {  	[sflag:s10] =	ssyncset.done $0x0  }
0x2ae: {  	[sflag:s10] =	ssyncadd.s32 $0xFFFFCE00  }
0x2af: {  	_ =	swait.ge [sflag:s10], $0x3200  }
0x2b0: {  	[sflag:s10] =	ssyncset.done $0x0  }
0x2b1: {  	[sflag:s10] =	ssyncadd.s32 $0xFFFFCE00  }
0x2b2: {  	_ =	swait.ge [sflag:s10], $0x3200  }
0x2b3: {  	[sflag:s10] =	ssyncset.done $0x0  }
0x2b4: {  	[sflag:s10] =	ssyncadd.s32 $0xFFFFCE00  }
0x2b5: {  	_ =	swait.ge [sflag:s10], $0x3200  }
0x2b6: {  	[sflag:s10] =	ssyncset.done $0x0  }
0x2b7: {  	[sflag:s10] =	ssyncadd.s32 $0xFFFFCE00  }
0x2b8: {  	_ =	swait.ge [sflag:s10], $0x3200  }
0x2b9: {  	[sflag:s10] =	ssyncset.done $0x0  }
0x2ba: {  	[sflag:s10] =	ssyncadd.s32 $0xFFFFCE00  }
0x2bb: {  	_ =	swait.ge [sflag:s10], $0x3200  }
0x2bc: {  	[sflag:s10] =	ssyncset.done $0x0  }
0x2bd: {  	p1 =	sne.s32 s1, $0x1;
	[sflag:s10] =	ssyncadd.s32 $0xFFFFCE00  }
.Ltmp2:
0x2be: {  	_ =	swait.ge [sflag:s10], $0x3200;
	(pc) =	sbr.rel @p1 .LBB2_3-.Ltmp2, $4  }
0x2bf: {  	[sflag:s10] =	ssyncset.done $0x0  }
0x2c0: {  	[sflag:s10] =	ssyncadd.s32 $0xFFFFCE00  }
0x2c1: {  	_ =	swait.ge [sflag:s10], $0x3200  }
0x2c2: {  	s1 =	sadd.s32 $0xFFFFFFFF, s1;
	s0 =	rddreg [dreg:$0x3];
	[sflag:s10] =	ssyncset.done $0x0  }
0x2c3: {  	s1 =	simm.s32 $0x640  }
0x2c4: {  	s25 =	simm.s32 $0x960;
	s26 =	simm.s32 $0x19000;
	s28 =	simm.s32 $0xC80  }
0x2c5: {  	s29 =	simm.s32 $0xFA0;
	s30 =	simm.s32 $0x12C0;
	s31 =	simm.s32 $0x15E0  }
0x2c6: {  	s3 =	simm.s32 $0x0;
	s11 =	simm.s32 $0x1900;
	s12 =	simm.s32 $0x4B00  }
0x2c7: {  	s13 =	simm.s32 $0x7D00;
	s14 =	simm.s32 $0xAF00;
	s15 =	simm.s32 $0xE100  }
0x2c8: {  	s16 =	simm.s32 $0x11300;
	s17 =	simm.s32 $0x14500;
	s18 =	simm.s32 $0x17700  }
.LBB2_5:
0x2c9: {  	[sflag:s10] =	ssyncadd.s32 @p0 $0xFFFFCE00  }
0x2ca: {  	[tilespmem:s3], [sflag:$0x3] =	stream.strided.gather [hbm4b:s0+s22], $0x1900, s26, s22, $0x38;
	[tilespmem:$0x1A900] =	vst v63  }
0x2cb: {  	_ =	swait.ge [sflag:s23], $0x1900  }
0x2cc: {  	[sflag:s23] =	ssyncset.done $0x0  }
0x2cd: {  	[sflag:s23] =	ssyncadd.s32 $0xFFFFE700  }
0x2ce: {  	[tilespmem:s11], [sflag:$0x1] =	stream.indirect.gather [hbm4b:s2+s22], $0x10, s3, s22, $0xb8;
	[tilespmem:$0x1A900] =	vst v63  }
0x2cf: {  	_ = 	snop  }
0x2d0: {  	[tilespmem:s12], [sflag:$0x1] =	stream.indirect.gather [hbm4b:s2+s22], $0x10, s22, s22, $0xb8;
	[tilespmem:$0x1A900] =	vst v63  }
0x2d1: {  	_ = 	snop  }
0x2d2: {  	[tilespmem:s13], [sflag:$0x1] =	stream.indirect.gather [hbm4b:s2+s22], $0x10, s1, s22, $0xb8;
	[tilespmem:$0x1A900] =	vst v63  }
0x2d3: {  	_ = 	snop  }
0x2d4: {  	[tilespmem:s14], [sflag:$0x1] =	stream.indirect.gather [hbm4b:s2+s22], $0x10, s25, s22, $0xb8;
	[tilespmem:$0x1A900] =	vst v63  }
0x2d5: {  	_ = 	snop  }
0x2d6: {  	[tilespmem:s15], [sflag:$0x1] =	stream.indirect.gather [hbm4b:s2+s22], $0x10, s28, s22, $0xb8;
	[tilespmem:$0x1A900] =	vst v63  }
0x2d7: {  	_ = 	snop  }
0x2d8: {  	[tilespmem:s16], [sflag:$0x1] =	stream.indirect.gather [hbm4b:s2+s22], $0x10, s29, s22, $0xb8;
	[tilespmem:$0x1A900] =	vst v63  }
0x2d9: {  	_ = 	snop  }
0x2da: {  	[tilespmem:s17], [sflag:$0x1] =	stream.indirect.gather [hbm4b:s2+s22], $0x10, s30, s22, $0xb8;
	[tilespmem:$0x1A900] =	vst v63  }
0x2db: {  	_ = 	snop  }
0x2dc: {  	[tilespmem:s18], [sflag:$0x1] =	stream.indirect.gather [hbm4b:s2+s22], $0x10, s31, s22, $0xb8;
	[tilespmem:$0x1A900] =	vst v63  }
0x2dd: {  	_ =	swait.ge [sflag:s21], $0x3200  }
0x2de: {  	[sflag:s21] =	ssyncset.done $0x0  }
0x2df: {  	[sflag:s21] =	ssyncadd.s32 $0xFFFFCE00  }
0x2e0: {  	_ =	swait.ge [sflag:s21], $0x3200  }
0x2e1: {  	[sflag:s21] =	ssyncset.done $0x0  }
0x2e2: {  	[sflag:s21] =	ssyncadd.s32 $0xFFFFCE00  }
0x2e3: {  	_ =	swait.ge [sflag:s21], $0x3200  }
0x2e4: {  	[sflag:s21] =	ssyncset.done $0x0  }
0x2e5: {  	[sflag:s21] =	ssyncadd.s32 $0xFFFFCE00  }
0x2e6: {  	_ =	swait.ge [sflag:s21], $0x3200  }
0x2e7: {  	[sflag:s21] =	ssyncset.done $0x0  }
0x2e8: {  	[sflag:s21] =	ssyncadd.s32 $0xFFFFCE00  }
0x2e9: {  	_ =	swait.ge [sflag:s21], $0x3200  }
0x2ea: {  	[sflag:s21] =	ssyncset.done $0x0  }
0x2eb: {  	[sflag:s21] =	ssyncadd.s32 $0xFFFFCE00  }
0x2ec: {  	_ =	swait.ge [sflag:s21], $0x3200  }
0x2ed: {  	[sflag:s21] =	ssyncset.done $0x0  }
0x2ee: {  	[sflag:s21] =	ssyncadd.s32 $0xFFFFCE00  }
0x2ef: {  	_ =	swait.ge [sflag:s21], $0x3200  }
0x2f0: {  	[sflag:s21] =	ssyncset.done $0x0  }
0x2f1: {  	[sflag:s21] =	ssyncadd.s32 $0xFFFFCE00  }
0x2f2: {  	_ =	swait.ge [sflag:s21], $0x3200  }
0x2f3: {  	[sflag:s21] =	ssyncset.done $0x0  }
0x2f4: {  	s0 =	rddreg [dreg:$0x4];
	[sflag:s21] =	ssyncadd.s32 $0xFFFFCE00  }
0x2f5: {  	[hbm4b:s0+s19] =	stream.strided.scatter [tilespmem:s11], [sflag:$0x2], $0x3200, s20, s19, $0x38;
	[tilespmem:$0x1A900] =	vst v63  }
0x2f6: {  	s1 =	rddreg [dreg:$0x5]  }
0x2f7: {  	[hbm4b:s1+s19] =	stream.strided.scatter [tilespmem:s12], [sflag:$0x2], $0x3200, s20, s19, $0x38;
	[tilespmem:$0x1A900] =	vst v63  }
0x2f8: {  	s0 =	rddreg [dreg:$0x6]  }
0x2f9: {  	[hbm4b:s0+s19] =	stream.strided.scatter [tilespmem:s13], [sflag:$0x2], $0x3200, s20, s19, $0x38;
	[tilespmem:$0x1A900] =	vst v63  }
0x2fa: {  	s1 =	rddreg [dreg:$0x7]  }
0x2fb: {  	[hbm4b:s1+s19] =	stream.strided.scatter [tilespmem:s14], [sflag:$0x2], $0x3200, s20, s19, $0x38;
	[tilespmem:$0x1A900] =	vst v63  }
0x2fc: {  	s0 =	rddreg [dreg:$0x8]  }
0x2fd: {  	[hbm4b:s0+s19] =	stream.strided.scatter [tilespmem:s15], [sflag:$0x2], $0x3200, s20, s19, $0x38;
	[tilespmem:$0x1A900] =	vst v63  }
0x2fe: {  	s1 =	rddreg [dreg:$0x9]  }
0x2ff: {  	[hbm4b:s1+s19] =	stream.strided.scatter [tilespmem:s16], [sflag:$0x2], $0x3200, s20, s19, $0x38;
	[tilespmem:$0x1A900] =	vst v63  }
0x300: {  	s0 =	rddreg [dreg:$0xa]  }
0x301: {  	[hbm4b:s0+s19] =	stream.strided.scatter [tilespmem:s17], [sflag:$0x2], $0x3200, s20, s19, $0x38;
	[tilespmem:$0x1A900] =	vst v63  }
0x302: {  	s1 =	rddreg [dreg:$0xb]  }
0x303: {  	[hbm4b:s1+s19] =	stream.strided.scatter [tilespmem:s18], [sflag:$0x2], $0x3200, s20, s19, $0x38;
	[tilespmem:$0x1A900] =	vst v63  }
0x304: {  	_ =	swait.ge [sflag:s10], $0x3200  }
0x305: {  	[sflag:s10] =	ssyncset.done $0x0  }
0x306: {  	[sflag:s10] =	ssyncadd.s32 $0xFFFFCE00  }
0x307: {  	_ =	swait.ge [sflag:s10], $0x3200  }
0x308: {  	[sflag:s10] =	ssyncset.done $0x0  }
0x309: {  	[sflag:s10] =	ssyncadd.s32 $0xFFFFCE00  }
0x30a: {  	_ =	swait.ge [sflag:s10], $0x3200  }
0x30b: {  	[sflag:s10] =	ssyncset.done $0x0  }
0x30c: {  	[sflag:s10] =	ssyncadd.s32 $0xFFFFCE00  }
0x30d: {  	_ =	swait.ge [sflag:s10], $0x3200  }
0x30e: {  	[sflag:s10] =	ssyncset.done $0x0  }
0x30f: {  	[sflag:s10] =	ssyncadd.s32 $0xFFFFCE00  }
0x310: {  	_ =	swait.ge [sflag:s10], $0x3200  }
0x311: {  	[sflag:s10] =	ssyncset.done $0x0  }
0x312: {  	[sflag:s10] =	ssyncadd.s32 $0xFFFFCE00  }
0x313: {  	_ =	swait.ge [sflag:s10], $0x3200  }
0x314: {  	[sflag:s10] =	ssyncset.done $0x0  }
0x315: {  	[sflag:s10] =	ssyncadd.s32 $0xFFFFCE00  }
0x316: {  	_ =	swait.ge [sflag:s10], $0x3200  }
0x317: {  	[sflag:s10] =	ssyncset.done $0x0  }
0x318: {  	[sflag:s10] =	ssyncadd.s32 $0xFFFFCE00  }
0x319: {  	_ =	swait.ge [sflag:s10], $0x3200  }
0x31a: {  	[sflag:s10] =	ssyncset.done $0x0  }
0x31b: {  	s1 =	rddreg [dreg:$0xc];
	[sflag:s10] =	ssyncadd.s32 $0xFFFFCE00  }
0x31c: {  	[tilespmem:s3], [sflag:$0x3] =	stream.strided.gather [hbm4b:s1+s22], $0x1900, s26, s22, $0x38;
	[tilespmem:$0x1A900] =	vst v63  }
0x31d: {  	_ =	swait.ge [sflag:s23], $0x1900  }
0x31e: {  	[sflag:s23] =	ssyncset.done $0x0  }
0x31f: {  	[sflag:s23] =	ssyncadd.s32 $0xFFFFE700  }
0x320: {  	[tilespmem:s11], [sflag:$0x1] =	stream.indirect.gather [hbm4b:s2+s22], $0x10, s3, s22, $0xb8;
	[tilespmem:$0x1A900] =	vst v63  }
0x321: {  	_ = 	snop  }
0x322: {  	[tilespmem:s12], [sflag:$0x1] =	stream.indirect.gather [hbm4b:s2+s22], $0x10, s22, s22, $0xb8;
	[tilespmem:$0x1A900] =	vst v63  }
0x323: {  	s24 =	simm.s32 $0x640  }
0x324: {  	[tilespmem:s13], [sflag:$0x1] =	stream.indirect.gather [hbm4b:s2+s22], $0x10, s24, s22, $0xb8;
	[tilespmem:$0x1A900] =	vst v63  }
0x325: {  	_ = 	snop  }
0x326: {  	[tilespmem:s14], [sflag:$0x1] =	stream.indirect.gather [hbm4b:s2+s22], $0x10, s25, s22, $0xb8;
	[tilespmem:$0x1A900] =	vst v63  }
0x327: {  	_ = 	snop  }
0x328: {  	[tilespmem:s15], [sflag:$0x1] =	stream.indirect.gather [hbm4b:s2+s22], $0x10, s28, s22, $0xb8;
	[tilespmem:$0x1A900] =	vst v63  }
0x329: {  	_ = 	snop  }
0x32a: {  	[tilespmem:s16], [sflag:$0x1] =	stream.indirect.gather [hbm4b:s2+s22], $0x10, s29, s22, $0xb8;
	[tilespmem:$0x1A900] =	vst v63  }
0x32b: {  	_ = 	snop  }
0x32c: {  	[tilespmem:s17], [sflag:$0x1] =	stream.indirect.gather [hbm4b:s2+s22], $0x10, s30, s22, $0xb8;
	[tilespmem:$0x1A900] =	vst v63  }
0x32d: {  	_ = 	snop  }
0x32e: {  	[tilespmem:s18], [sflag:$0x1] =	stream.indirect.gather [hbm4b:s2+s22], $0x10, s31, s22, $0xb8;
	[tilespmem:$0x1A900] =	vst v63  }
0x32f: {  	_ =	swait.ge [sflag:s21], $0x3200  }
0x330: {  	[sflag:s21] =	ssyncset.done $0x0  }
0x331: {  	[sflag:s21] =	ssyncadd.s32 $0xFFFFCE00  }
0x332: {  	_ =	swait.ge [sflag:s21], $0x3200  }
0x333: {  	[sflag:s21] =	ssyncset.done $0x0  }
0x334: {  	[sflag:s21] =	ssyncadd.s32 $0xFFFFCE00  }
0x335: {  	_ =	swait.ge [sflag:s21], $0x3200  }
0x336: {  	[sflag:s21] =	ssyncset.done $0x0  }
0x337: {  	[sflag:s21] =	ssyncadd.s32 $0xFFFFCE00  }
0x338: {  	_ =	swait.ge [sflag:s21], $0x3200  }
0x339: {  	[sflag:s21] =	ssyncset.done $0x0  }
0x33a: {  	[sflag:s21] =	ssyncadd.s32 $0xFFFFCE00  }
0x33b: {  	_ =	swait.ge [sflag:s21], $0x3200  }
0x33c: {  	[sflag:s21] =	ssyncset.done $0x0  }
0x33d: {  	[sflag:s21] =	ssyncadd.s32 $0xFFFFCE00  }
0x33e: {  	_ =	swait.ge [sflag:s21], $0x3200  }
0x33f: {  	[sflag:s21] =	ssyncset.done $0x0  }
0x340: {  	[sflag:s21] =	ssyncadd.s32 $0xFFFFCE00  }
0x341: {  	_ =	swait.ge [sflag:s21], $0x3200  }
0x342: {  	[sflag:s21] =	ssyncset.done $0x0  }
0x343: {  	[sflag:s21] =	ssyncadd.s32 $0xFFFFCE00  }
0x344: {  	_ =	swait.ge [sflag:s21], $0x3200  }
0x345: {  	[sflag:s21] =	ssyncset.done $0x0  }
0x346: {  	s0 =	rddreg [dreg:$0xd];
	[sflag:s21] =	ssyncadd.s32 $0xFFFFCE00  }
0x347: {  	[hbm4b:s0+s19] =	stream.strided.scatter [tilespmem:s11], [sflag:$0x2], $0x3200, s20, s19, $0x38;
	[tilespmem:$0x1A900] =	vst v63  }
0x348: {  	s1 =	rddreg [dreg:$0xe]  }
0x349: {  	[hbm4b:s1+s19] =	stream.strided.scatter [tilespmem:s12], [sflag:$0x2], $0x3200, s20, s19, $0x38;
	[tilespmem:$0x1A900] =	vst v63  }
0x34a: {  	s0 =	rddreg [dreg:$0xf]  }
0x34b: {  	[hbm4b:s0+s19] =	stream.strided.scatter [tilespmem:s13], [sflag:$0x2], $0x3200, s20, s19, $0x38;
	[tilespmem:$0x1A900] =	vst v63  }
0x34c: {  	s1 =	rddreg [dreg:$0x10]  }
0x34d: {  	[hbm4b:s1+s19] =	stream.strided.scatter [tilespmem:s14], [sflag:$0x2], $0x3200, s20, s19, $0x38;
	[tilespmem:$0x1A900] =	vst v63  }
0x34e: {  	s0 =	rddreg [dreg:$0x11]  }
0x34f: {  	[hbm4b:s0+s19] =	stream.strided.scatter [tilespmem:s15], [sflag:$0x2], $0x3200, s20, s19, $0x38;
	[tilespmem:$0x1A900] =	vst v63  }
0x350: {  	s1 =	rddreg [dreg:$0x12]  }
0x351: {  	[hbm4b:s1+s19] =	stream.strided.scatter [tilespmem:s16], [sflag:$0x2], $0x3200, s20, s19, $0x38;
	[tilespmem:$0x1A900] =	vst v63  }
0x352: {  	s0 =	rddreg [dreg:$0x13]  }
0x353: {  	[hbm4b:s0+s19] =	stream.strided.scatter [tilespmem:s17], [sflag:$0x2], $0x3200, s20, s19, $0x38;
	[tilespmem:$0x1A900] =	vst v63  }
0x354: {  	s1 =	rddreg [dreg:$0x14]  }
0x355: {  	[hbm4b:s1+s19] =	stream.strided.scatter [tilespmem:s18], [sflag:$0x2], $0x3200, s20, s19, $0x38;
	[tilespmem:$0x1A900] =	vst v63  }
0x356: {  	_ =	swait.ge [sflag:s10], $0x3200  }
0x357: {  	[sflag:s10] =	ssyncset.done $0x0  }
0x358: {  	[sflag:s10] =	ssyncadd.s32 $0xFFFFCE00  }
0x359: {  	_ =	swait.ge [sflag:s10], $0x3200  }
0x35a: {  	[sflag:s10] =	ssyncset.done $0x0  }
0x35b: {  	[sflag:s10] =	ssyncadd.s32 $0xFFFFCE00  }
0x35c: {  	_ =	swait.ge [sflag:s10], $0x3200  }
0x35d: {  	[sflag:s10] =	ssyncset.done $0x0  }
0x35e: {  	[sflag:s10] =	ssyncadd.s32 $0xFFFFCE00  }
0x35f: {  	_ =	swait.ge [sflag:s10], $0x3200  }
0x360: {  	[sflag:s10] =	ssyncset.done $0x0  }
0x361: {  	[sflag:s10] =	ssyncadd.s32 $0xFFFFCE00  }
0x362: {  	_ =	swait.ge [sflag:s10], $0x3200  }
0x363: {  	[sflag:s10] =	ssyncset.done $0x0  }
0x364: {  	[sflag:s10] =	ssyncadd.s32 $0xFFFFCE00  }
0x365: {  	_ =	swait.ge [sflag:s10], $0x3200  }
0x366: {  	[sflag:s10] =	ssyncset.done $0x0  }
0x367: {  	[sflag:s10] =	ssyncadd.s32 $0xFFFFCE00  }
0x368: {  	_ =	swait.ge [sflag:s10], $0x3200  }
0x369: {  	[sflag:s10] =	ssyncset.done $0x0  }
0x36a: {  	[sflag:s10] =	ssyncadd.s32 $0xFFFFCE00  }
0x36b: {  	_ =	swait.ge [sflag:s10], $0x3200  }
0x36c: {  	[sflag:s10] =	ssyncset.done $0x0  }
0x36d: {  	s1 =	rddreg [dreg:$0x15];
	[sflag:s10] =	ssyncadd.s32 $0xFFFFCE00  }
0x36e: {  	[tilespmem:s3], [sflag:$0x3] =	stream.strided.gather [hbm4b:s1+s22], $0x1900, s26, s22, $0x38;
	[tilespmem:$0x1A900] =	vst v63  }
0x36f: {  	_ =	swait.ge [sflag:s23], $0x1900  }
0x370: {  	[sflag:s23] =	ssyncset.done $0x0  }
0x371: {  	[sflag:s23] =	ssyncadd.s32 $0xFFFFE700  }
0x372: {  	[tilespmem:s11], [sflag:$0x1] =	stream.indirect.gather [hbm4b:s2+s22], $0x10, s3, s22, $0xb8;
	[tilespmem:$0x1A900] =	vst v63  }
0x373: {  	_ = 	snop  }
0x374: {  	[tilespmem:s12], [sflag:$0x1] =	stream.indirect.gather [hbm4b:s2+s22], $0x10, s22, s22, $0xb8;
	[tilespmem:$0x1A900] =	vst v63  }
0x375: {  	_ = 	snop  }
0x376: {  	[tilespmem:s13], [sflag:$0x1] =	stream.indirect.gather [hbm4b:s2+s22], $0x10, s24, s22, $0xb8;
	[tilespmem:$0x1A900] =	vst v63  }
0x377: {  	_ = 	snop  }
0x378: {  	[tilespmem:s14], [sflag:$0x1] =	stream.indirect.gather [hbm4b:s2+s22], $0x10, s25, s22, $0xb8;
	[tilespmem:$0x1A900] =	vst v63  }
0x379: {  	_ = 	snop  }
0x37a: {  	[tilespmem:s15], [sflag:$0x1] =	stream.indirect.gather [hbm4b:s2+s22], $0x10, s28, s22, $0xb8;
	[tilespmem:$0x1A900] =	vst v63  }
0x37b: {  	_ = 	snop  }
0x37c: {  	[tilespmem:s16], [sflag:$0x1] =	stream.indirect.gather [hbm4b:s2+s22], $0x10, s29, s22, $0xb8;
	[tilespmem:$0x1A900] =	vst v63  }
0x37d: {  	_ = 	snop  }
0x37e: {  	[tilespmem:s17], [sflag:$0x1] =	stream.indirect.gather [hbm4b:s2+s22], $0x10, s30, s22, $0xb8;
	[tilespmem:$0x1A900] =	vst v63  }
0x37f: {  	_ = 	snop  }
0x380: {  	[tilespmem:s18], [sflag:$0x1] =	stream.indirect.gather [hbm4b:s2+s22], $0x10, s31, s22, $0xb8;
	[tilespmem:$0x1A900] =	vst v63  }
0x381: {  	_ =	swait.ge [sflag:s21], $0x3200  }
0x382: {  	[sflag:s21] =	ssyncset.done $0x0  }
0x383: {  	[sflag:s21] =	ssyncadd.s32 $0xFFFFCE00  }
0x384: {  	_ =	swait.ge [sflag:s21], $0x3200  }
0x385: {  	[sflag:s21] =	ssyncset.done $0x0  }
0x386: {  	[sflag:s21] =	ssyncadd.s32 $0xFFFFCE00  }
0x387: {  	_ =	swait.ge [sflag:s21], $0x3200  }
0x388: {  	[sflag:s21] =	ssyncset.done $0x0  }
0x389: {  	[sflag:s21] =	ssyncadd.s32 $0xFFFFCE00  }
0x38a: {  	_ =	swait.ge [sflag:s21], $0x3200  }
0x38b: {  	[sflag:s21] =	ssyncset.done $0x0  }
0x38c: {  	[sflag:s21] =	ssyncadd.s32 $0xFFFFCE00  }
0x38d: {  	_ =	swait.ge [sflag:s21], $0x3200  }
0x38e: {  	[sflag:s21] =	ssyncset.done $0x0  }
0x38f: {  	[sflag:s21] =	ssyncadd.s32 $0xFFFFCE00  }
0x390: {  	_ =	swait.ge [sflag:s21], $0x3200  }
0x391: {  	[sflag:s21] =	ssyncset.done $0x0  }
0x392: {  	[sflag:s21] =	ssyncadd.s32 $0xFFFFCE00  }
0x393: {  	_ =	swait.ge [sflag:s21], $0x3200  }
0x394: {  	[sflag:s21] =	ssyncset.done $0x0  }
0x395: {  	[sflag:s21] =	ssyncadd.s32 $0xFFFFCE00  }
0x396: {  	_ =	swait.ge [sflag:s21], $0x3200  }
0x397: {  	[sflag:s21] =	ssyncset.done $0x0  }
0x398: {  	s0 =	rddreg [dreg:$0x16];
	[sflag:s21] =	ssyncadd.s32 $0xFFFFCE00  }
0x399: {  	[hbm4b:s0+s19] =	stream.strided.scatter [tilespmem:s11], [sflag:$0x2], $0x3200, s20, s19, $0x38;
	[tilespmem:$0x1A900] =	vst v63  }
0x39a: {  	s1 =	rddreg [dreg:$0x17]  }
0x39b: {  	[hbm4b:s1+s19] =	stream.strided.scatter [tilespmem:s12], [sflag:$0x2], $0x3200, s20, s19, $0x38;
	[tilespmem:$0x1A900] =	vst v63  }
0x39c: {  	s0 =	rddreg [dreg:$0x18]  }
0x39d: {  	[hbm4b:s0+s19] =	stream.strided.scatter [tilespmem:s13], [sflag:$0x2], $0x3200, s20, s19, $0x38;
	[tilespmem:$0x1A900] =	vst v63  }
0x39e: {  	s1 =	rddreg [dreg:$0x19]  }
0x39f: {  	[hbm4b:s1+s19] =	stream.strided.scatter [tilespmem:s14], [sflag:$0x2], $0x3200, s20, s19, $0x38;
	[tilespmem:$0x1A900] =	vst v63  }
0x3a0: {  	s0 =	rddreg [dreg:$0x1a]  }
0x3a1: {  	[hbm4b:s0+s19] =	stream.strided.scatter [tilespmem:s15], [sflag:$0x2], $0x3200, s20, s19, $0x38;
	[tilespmem:$0x1A900] =	vst v63  }
0x3a2: {  	s1 =	rddreg [dreg:$0x1b]  }
0x3a3: {  	[hbm4b:s1+s19] =	stream.strided.scatter [tilespmem:s16], [sflag:$0x2], $0x3200, s20, s19, $0x38;
	[tilespmem:$0x1A900] =	vst v63  }
0x3a4: {  	s0 =	rddreg [dreg:$0x1c]  }
0x3a5: {  	[hbm4b:s0+s19] =	stream.strided.scatter [tilespmem:s17], [sflag:$0x2], $0x3200, s20, s19, $0x38;
	[tilespmem:$0x1A900] =	vst v63  }
0x3a6: {  	s1 =	rddreg [dreg:$0x1d]  }
0x3a7: {  	[hbm4b:s1+s19] =	stream.strided.scatter [tilespmem:s18], [sflag:$0x2], $0x3200, s20, s19, $0x38;
	[tilespmem:$0x1A900] =	vst v63  }
0x3a8: {  	_ =	swait.ge [sflag:s10], $0x3200  }
0x3a9: {  	[sflag:s10] =	ssyncset.done $0x0  }
0x3aa: {  	[sflag:s10] =	ssyncadd.s32 $0xFFFFCE00  }
0x3ab: {  	_ =	swait.ge [sflag:s10], $0x3200  }
0x3ac: {  	[sflag:s10] =	ssyncset.done $0x0  }
0x3ad: {  	[sflag:s10] =	ssyncadd.s32 $0xFFFFCE00  }
0x3ae: {  	_ =	swait.ge [sflag:s10], $0x3200  }
0x3af: {  	[sflag:s10] =	ssyncset.done $0x0  }
0x3b0: {  	[sflag:s10] =	ssyncadd.s32 $0xFFFFCE00  }
0x3b1: {  	_ =	swait.ge [sflag:s10], $0x3200  }
0x3b2: {  	[sflag:s10] =	ssyncset.done $0x0  }
0x3b3: {  	[sflag:s10] =	ssyncadd.s32 $0xFFFFCE00  }
0x3b4: {  	_ =	swait.ge [sflag:s10], $0x3200  }
0x3b5: {  	[sflag:s10] =	ssyncset.done $0x0  }
0x3b6: {  	[sflag:s10] =	ssyncadd.s32 $0xFFFFCE00  }
0x3b7: {  	_ =	swait.ge [sflag:s10], $0x3200  }
0x3b8: {  	[sflag:s10] =	ssyncset.done $0x0  }
0x3b9: {  	[sflag:s10] =	ssyncadd.s32 $0xFFFFCE00  }
0x3ba: {  	_ =	swait.ge [sflag:s10], $0x3200  }
0x3bb: {  	[sflag:s10] =	ssyncset.done $0x0  }
0x3bc: {  	[sflag:s10] =	ssyncadd.s32 $0xFFFFCE00  }
0x3bd: {  	_ =	swait.ge [sflag:s10], $0x3200  }
0x3be: {  	[sflag:s10] =	ssyncset.done $0x0  }
0x3bf: {  	s1 =	rddreg [dreg:$0x1e];
	[sflag:s10] =	ssyncadd.s32 $0xFFFFCE00  }
0x3c0: {  	[tilespmem:s3], [sflag:$0x3] =	stream.strided.gather [hbm4b:s1+s22], $0x1900, s26, s22, $0x38;
	[tilespmem:$0x1A900] =	vst v63  }
0x3c1: {  	_ =	swait.ge [sflag:s23], $0x1900  }
0x3c2: {  	[sflag:s23] =	ssyncset.done $0x0  }
0x3c3: {  	[sflag:s23] =	ssyncadd.s32 $0xFFFFE700  }
0x3c4: {  	[tilespmem:s11], [sflag:$0x1] =	stream.indirect.gather [hbm4b:s2+s22], $0x10, s3, s22, $0xb8;
	[tilespmem:$0x1A900] =	vst v63  }
0x3c5: {  	_ = 	snop  }
0x3c6: {  	[tilespmem:s12], [sflag:$0x1] =	stream.indirect.gather [hbm4b:s2+s22], $0x10, s22, s22, $0xb8;
	[tilespmem:$0x1A900] =	vst v63  }
0x3c7: {  	_ = 	snop  }
0x3c8: {  	[tilespmem:s13], [sflag:$0x1] =	stream.indirect.gather [hbm4b:s2+s22], $0x10, s24, s22, $0xb8;
	[tilespmem:$0x1A900] =	vst v63  }
0x3c9: {  	_ = 	snop  }
0x3ca: {  	[tilespmem:s14], [sflag:$0x1] =	stream.indirect.gather [hbm4b:s2+s22], $0x10, s25, s22, $0xb8;
	[tilespmem:$0x1A900] =	vst v63  }
0x3cb: {  	_ = 	snop  }
0x3cc: {  	[tilespmem:s15], [sflag:$0x1] =	stream.indirect.gather [hbm4b:s2+s22], $0x10, s28, s22, $0xb8;
	[tilespmem:$0x1A900] =	vst v63  }
0x3cd: {  	_ = 	snop  }
0x3ce: {  	[tilespmem:s16], [sflag:$0x1] =	stream.indirect.gather [hbm4b:s2+s22], $0x10, s29, s22, $0xb8;
	[tilespmem:$0x1A900] =	vst v63  }
0x3cf: {  	_ = 	snop  }
0x3d0: {  	[tilespmem:s17], [sflag:$0x1] =	stream.indirect.gather [hbm4b:s2+s22], $0x10, s30, s22, $0xb8;
	[tilespmem:$0x1A900] =	vst v63  }
0x3d1: {  	_ = 	snop  }
0x3d2: {  	[tilespmem:s18], [sflag:$0x1] =	stream.indirect.gather [hbm4b:s2+s22], $0x10, s31, s22, $0xb8;
	[tilespmem:$0x1A900] =	vst v63  }
0x3d3: {  	_ =	swait.ge [sflag:s21], $0x3200  }
0x3d4: {  	[sflag:s21] =	ssyncset.done $0x0  }
0x3d5: {  	[sflag:s21] =	ssyncadd.s32 $0xFFFFCE00  }
0x3d6: {  	_ =	swait.ge [sflag:s21], $0x3200  }
0x3d7: {  	[sflag:s21] =	ssyncset.done $0x0  }
0x3d8: {  	[sflag:s21] =	ssyncadd.s32 $0xFFFFCE00  }
0x3d9: {  	_ =	swait.ge [sflag:s21], $0x3200  }
0x3da: {  	[sflag:s21] =	ssyncset.done $0x0  }
0x3db: {  	[sflag:s21] =	ssyncadd.s32 $0xFFFFCE00  }
0x3dc: {  	_ =	swait.ge [sflag:s21], $0x3200  }
0x3dd: {  	[sflag:s21] =	ssyncset.done $0x0  }
0x3de: {  	[sflag:s21] =	ssyncadd.s32 $0xFFFFCE00  }
0x3df: {  	_ =	swait.ge [sflag:s21], $0x3200  }
0x3e0: {  	[sflag:s21] =	ssyncset.done $0x0  }
0x3e1: {  	[sflag:s21] =	ssyncadd.s32 $0xFFFFCE00  }
0x3e2: {  	_ =	swait.ge [sflag:s21], $0x3200  }
0x3e3: {  	[sflag:s21] =	ssyncset.done $0x0  }
0x3e4: {  	[sflag:s21] =	ssyncadd.s32 $0xFFFFCE00  }
0x3e5: {  	_ =	swait.ge [sflag:s21], $0x3200  }
0x3e6: {  	[sflag:s21] =	ssyncset.done $0x0  }
0x3e7: {  	[sflag:s21] =	ssyncadd.s32 $0xFFFFCE00  }
0x3e8: {  	_ =	swait.ge [sflag:s21], $0x3200  }
0x3e9: {  	s29 =	rddreg [dreg:$0x1f];
	[sflag:s21] =	ssyncset.done $0x0  }
0x3ea: {  	s30 =	sld [smem:$0x7FD];
	[sflag:s21] =	ssyncadd.s32 $0xFFFFCE00  }
0x3eb: {  	[hbm4b:s29+s19] =	stream.strided.scatter [tilespmem:s11], [sflag:$0x2], $0x3200, s20, s19, $0x38;
	[tilespmem:$0x1A900] =	vst v63  }
0x3ec: {  	_ = 	snop  }
0x3ed: {  	[hbm4b:s30+s19] =	stream.strided.scatter [tilespmem:s12], [sflag:$0x2], $0x3200, s20, s19, $0x38;
	[tilespmem:$0x1A900] =	vst v63  }
0x3ee: {  	_ = 	snop  }
0x3ef: {  	[hbm4b:s4+s19] =	stream.strided.scatter [tilespmem:s13], [sflag:$0x2], $0x3200, s20, s19, $0x38;
	[tilespmem:$0x1A900] =	vst v63  }
0x3f0: {  	_ = 	snop  }
0x3f1: {  	[hbm4b:s5+s19] =	stream.strided.scatter [tilespmem:s14], [sflag:$0x2], $0x3200, s20, s19, $0x38;
	[tilespmem:$0x1A900] =	vst v63  }
0x3f2: {  	_ = 	snop  }
0x3f3: {  	[hbm4b:s6+s19] =	stream.strided.scatter [tilespmem:s15], [sflag:$0x2], $0x3200, s20, s19, $0x38;
	[tilespmem:$0x1A900] =	vst v63  }
0x3f4: {  	_ = 	snop  }
0x3f5: {  	[hbm4b:s7+s19] =	stream.strided.scatter [tilespmem:s16], [sflag:$0x2], $0x3200, s20, s19, $0x38;
	[tilespmem:$0x1A900] =	vst v63  }
0x3f6: {  	_ = 	snop  }
0x3f7: {  	[hbm4b:s8+s19] =	stream.strided.scatter [tilespmem:s17], [sflag:$0x2], $0x3200, s20, s19, $0x38;
	[tilespmem:$0x1A900] =	vst v63  }
0x3f8: {  	_ = 	snop  }
0x3f9: {  	[hbm4b:s9+s19] =	stream.strided.scatter [tilespmem:s18], [sflag:$0x2], $0x3200, s20, s19, $0x38;
	[tilespmem:$0x1A900] =	vst v63  }
0x3fa: {  	_ =	swait.ge [sflag:s10], $0x3200  }
0x3fb: {  	[sflag:s10] =	ssyncset.done $0x0  }
0x3fc: {  	[sflag:s10] =	ssyncadd.s32 $0xFFFFCE00  }
0x3fd: {  	_ =	swait.ge [sflag:s10], $0x3200  }
0x3fe: {  	[sflag:s10] =	ssyncset.done $0x0  }
0x3ff: {  	[sflag:s10] =	ssyncadd.s32 $0xFFFFCE00  }
0x400: {  	_ =	swait.ge [sflag:s10], $0x3200  }
0x401: {  	[sflag:s10] =	ssyncset.done $0x0  }
0x402: {  	[sflag:s10] =	ssyncadd.s32 $0xFFFFCE00  }
0x403: {  	_ =	swait.ge [sflag:s10], $0x3200  }
0x404: {  	[sflag:s10] =	ssyncset.done $0x0  }
0x405: {  	[sflag:s10] =	ssyncadd.s32 $0xFFFFCE00  }
0x406: {  	_ =	swait.ge [sflag:s10], $0x3200  }
0x407: {  	[sflag:s10] =	ssyncset.done $0x0  }
0x408: {  	[sflag:s10] =	ssyncadd.s32 $0xFFFFCE00  }
0x409: {  	_ =	swait.ge [sflag:s10], $0x3200  }
0x40a: {  	[sflag:s10] =	ssyncset.done $0x0  }
0x40b: {  	[sflag:s10] =	ssyncadd.s32 $0xFFFFCE00  }
0x40c: {  	_ =	swait.ge [sflag:s10], $0x3200  }
0x40d: {  	[sflag:s10] =	ssyncset.done $0x0  }
0x40e: {  	[sflag:s10] =	ssyncadd.s32 $0xFFFFCE00  }
0x40f: {  	_ =	swait.ge [sflag:s10], $0x3200  }
0x410: {  	[sflag:s10] =	ssyncset.done $0x0  }
0x411: {  	[sflag:s10] =	ssyncadd.s32 $0xFFFFCE00  }
0x412: {  	_ =	sfence.sel $0x180000  }
0x413: {  	[bflag:$0x0] =	sbarrier.arrive $0xFFFF  }
0x414: {  	_ =	strace $0x90000047  }
0x415: {  	s31 =	stileid.u32;
	[bflag:$0x2] =	sbarrier.arrive $0xFFFF  }
0x416: {  	p0 =	sne.s32 s31, $0x0;
	s0 =	rddreg [dreg:$0x2]  }
0x417: {  	s0 =	sadd.s32 @!p0 $0x100000, s0  }
0x418: {  	[sflag:s0] =	ssyncadd.tile.s32 @!p0 $0x1;
	_ =	shalt  }
.LBB2_6:
0x419: {  	s1 =	simm.s32 $0x640;
	s25 =	simm.s32 $0x960  }
.Ltmp3:
0x41a: {  	s26 =	simm.s32 $0x19000;
	s28 =	simm.s32 $0xC80;
	(pc) =	sbr.rel .LBB2_5-.Ltmp3, $4  }
0x41b: {  	s29 =	simm.s32 $0xFA0;
	s30 =	simm.s32 $0x12C0;
	s31 =	simm.s32 $0x15E0  }
0x41c: {  	s3 =	simm.s32 $0x0;
	s11 =	simm.s32 $0x1900;
	s12 =	simm.s32 $0x4B00  }
0x41d: {  	s13 =	simm.s32 $0x7D00;
	s14 =	simm.s32 $0xAF00;
	s15 =	simm.s32 $0xE100  }
0x41e: {  	s16 =	simm.s32 $0x11300;
	s17 =	simm.s32 $0x14500;
	s18 =	simm.s32 $0x17700  }
.Lfunc_end2:
_tile_overlayer_lowered:
.L_overlay_start_2:
0x41f: {  	(tag) =	ssettag $0x2  }
0x420: {  	s0 =	rddreg [dreg:$0x0];
	s2 =	stileid.u32  }
0x421: {  	s1 =	rddreg [dreg:$0x1];
	p0 =	sne.s32 s2, $0x0  }
0x422: {  	s3 =	rddreg [dreg:$0x2];
	[bflag:$0x3] =	sbarrier.arrive $0xFFFF;
	s2 =	simm.s32 @!p0 $0x1C03  }
0x423: {  	[timem:s3], [sflag:s2] =	dma.local @!p0 [hbm:s0], s1  }
0x424: {  	s0 =	simm.s32 @!p0 $0x3  }
0x425: {  	_ =	swait.ge @!p0 [sflag:s0], s1  }
0x426: {  	s1 =	ssub.s32 @!p0 $0x0, s1;
	[sflag:s0] =	ssyncset.done @!p0 $0x0  }
0x427: {  	[sflag:s0] =	ssyncadd.s32 @!p0 s1  }
0x428: {  	[bflag:$0x3] =	sbarrier.arrive $0xFFFF  }
0x429: {  	_ =	shalt  }

// kernel: sparse-core-data-format-call.cloned.1.call-start
scs
called_computation_lowered:
.L_overlay_start_0:
0x0: {  	s2 =	sld [smem:$0x3FD9]  }
0x1: {  	s3 =	sld [smem:$0x3FFE];
	_ =	sdelay $0x1  }
0x2: {  	s1 =	srdreg.scid  }
0x3: {  	s0 =	sand.u32 $0x1, s1  }
0x4: {  	s18 =	sshll.u32 s0, $0xA;
	s2 =	sadd.s32 s3, s2  }
0x5: {  	s2 =	sadd.s32 s2, s18  }
0x6: {  	[smem:$0x3FC5] =	sst s2  }
0x7: {  	_ = 	snop  }
0x8: {  	s2 =	sld [smem:$0x3FD0];
	(tm) =	ssettm $0x1  }
0x9: {  	s19 =	sld [smem:$0x3FFB];
	_ =	sdelay $0x3  }
0xa: {  	_ =	strace s19  }
0xb: {  	s3 =	sld [smem:$0x3FFC];
	_ =	sdelay $0x3  }
0xc: {  	_ =	strace s3  }
0xd: {  	s3 =	sld [smem:$0x3FFD];
	_ =	sdelay $0x3  }
0xe: {  	_ =	strace s3  }
0xf: {  	_ =	strace $0x8FFFFFFF  }
0x10: {  	s20 =	sld [smem:$0x3FDB];
	_ =	sdelay $0x1  }
0x11: {  	s4 =	simm.s32 $_scs_section_size  }
0x12: {  	s5 =	simm.s32 $_size__tile_overlayer_lowered;
	s6 =	simm.s32 $_tile_overlayer_lowered  }
0x13: {  	s23 =	simm.s32 $0x1BFF;
	s22 =	sshll.u32 s6, $0x1;
	s3 =	sadd.s32 s4, s20  }
0x14: {  	s7 =	simm.s32 $0x0;
	s21 =	sshll.u32 s5, $0x1;
	s5 =	sadd.s32 s22, s3  }
0x15: {  	[timem:s7], [sflag:s23] =	dma.local [hbm:s5], s21  }
0x16: {  	_ =	swait.ge [sflag:s23], s21  }
0x17: {  	s4 =	ssub.s32 $0x0, s21;
	[sflag:s23] =	ssyncset.done $0x0  }
0x18: {  	[sflag:s23] =	ssyncadd.s32 s4;
	_ =	sdelay $0x1  }
0x19: {  	s24 =	simm.s32 $0x1B8B  }
0x1a: {  	_ =	swait.ge [sflag:s24], $0x1  }
0x1b: {  	[sflag:s24] =	ssyncset.done $0x0  }
0x1c: {  	s26 =	simm.s32 $0x1B8E;
	s25 =	sld [smem:$0x3FFE];
	[sflag:s24] =	ssyncadd.s32 $0xFFFFFFFF  }
0x1d: {  	s27 =	simm.s32 $execute0_lowered;
	[smem:$0x3FD2] =	sst s26  }
0x1e: {  	s5 =	sshll.u32 s27, $0x1;
	_ =	strace $0x80000049;
	[dreg:$0x1] =	wrdreg $0xFFFFFFFF  }
0x1f: {  	s28 =	simm.s32 $_size_execute0_lowered;
	s3 =	sadd.s32 s3, s5;
	[dreg:$0x0] =	wrdreg $0x0  }
0x20: {  	s5 =	sshll.u32 s28, $0x1;
	[dreg:$0x2] =	wrdreg s3  }
0x21: {  	[dreg:$0x3] =	wrdreg s5  }
0x22: {  	[dreg:$0x4] =	wrdreg $0xC0  }
0x23: {  	_ =	task [dreg:s7], $0x5FFFF  }
0x24: {  	[dreg:$0x1] =	wrdreg $0xFFFFFFFF  }
0x25: {  	[dreg:$0x0] =	wrdreg $0x60  }
0x26: {  	[dreg:$0x2] =	wrdreg s25  }
0x27: {  	[dreg:$0x3] =	wrdreg s2  }
0x28: {  	[dreg:$0x4] =	wrdreg $0x9  }
0x29: {  	_ =	task.clear_ibuf [dreg:s7], $0x5FFFF;
	_ =	strace $0x90000049  }
0x2a: {  	s29 =	simm.s32 $0x9;
	_ =	strace $0x8000004B  }
0x2b: {  	_ =	swait.ge [sflag:s29], $0x1  }
0x2c: {  	[sflag:s29] =	ssyncadd.s32 $0xFFFFFFFF  }
0x2d: {  	_ =	strace $0x9000004B  }
0x2e: {  	_ =	sfence  }
0x2f: {  	s30 =	sld [smem:$0x0];
	_ =	sdelay $0x2  }
0x30: {  	s31 =	sshll.u32 s1, $0xD;
	s1 =	sshrl.u32 s1, $0x2  }
0x31: {  	s3 =	sand.u32 $0x4000, s31;
	s1 =	sadd.s32 s1, s30  }
0x32: {  	s0 =	sor.u32 s3, s0;
	s1 =	sshll.u32 s1, $0x11  }
0x33: {  	s0 =	sor.u32 s1, s0  }
0x34: {  	s0 =	sadd.s32 $0x8F2B, s0  }
0x35: {  	[sflag:s0] =	ssyncadd.remote.s32 $0x1  }
0x36: {  	_ =	sfence.sel $0xFFFF  }
0x37: {  	[dreg:$0x0] =	wrdreg $0xFFFFFFFF;
	(pc) =	sbr.abs _section_cstart, $3  }
0x38: {  	[dreg:$0x1] =	wrdreg $0xFFFFFFFF  }
0x39: {  	_ =	task.clear_ibuf [dreg:s7], $0x2FFFF;
	_ =	strace $0x9FFFFFFF  }
0x3a: {  	(tm) =	ssettm $0x7FFFFFFF  }
0x3b: {  	_ =	shalt  }
tec
execute0_lowered:
.L_overlay_start_1:
0x0: {  	(tag) =	ssettag $0x1  }
0x1: {  	s0 =	srdreg.scid  }
0x2: {  	s1 =	sshll.u32 s0, $0x4  }
0x3: {  	s0 =	stileid.u32;
	s1 =	sand.u32 $0x10, s1  }
0x4: {  	s1 =	sor.u32 s0, s1  }
0x5: {  	s6 =	rddreg [dreg:$0x0];
	s4 =	simm.s32 $0x1;
	s2 =	sshll.u32 s1, $0x7  }
0x6: {  	s7 =	simm.s32 $0x2;
	s12 =	simm.s32 $0x0;
	s1 =	ssub.s32 $0x4000, s2  }
0x7: {  	s8 =	simm.s32 $0x20000;
	s13 =	simm.s32 $0x0;
	s3 =	sand.u32 $0xF80, s1  }
0x8: {  	s9 =	simm.s32 $0x0;
	s5 =	sshrl.u32 s1, $0xC;
	p0 =	sne.s32 s3, $0x0  }
.Ltmp0:
0x9: {  	s1 =	rddreg [dreg:$0x2];
	s4 =	simm.s32 @!p0 $0x0;
	(pc) =	sbr.rel .LBB1_1-.Ltmp0, $4  }
0xa: {  	s11 =	simm.s32 $0x0;
	s3 =	rddreg [dreg:$0x1];
	s5 =	sadd.s32 s4, s5  }
0xb: {  	_ =	strace $0x8000004A;
	s4 =	simm.s32 $0x1;
	s5 =	smul.u32 $0x32, s5  }
0xc: {  	s6 =	sadd.s32 $0x1A9A00, s6;
	s10 =	smov.u32 s2;
	[sflag:s4] =	ssyncpa.u1 $0x0  }
0xd: {  	p0 =	por $0x0, $0x0;
	[sflag:s7] =	ssyncpa.u1 $0x0;
	s7 =	sor.u32 $0x1, s5  }
.LBB1_4:
0xe: {  	s16 =	sshll.u32 s13, $0x3;
	s17 =	sand.u32 $0x78, s13  }
0xf: {  	s30 =	sand.u32 $0x1F800, s13;
	s12 =	sshll.u32 s12, $0x11;
	s16 =	sand.u32 $0x3C00, s16  }
0x10: {  	[tilespmem:s15+$0x810 ss:$0x81] =	vst.msk $0xffff, v2;
	s31 =	sand.u32 $0x7, s13;
	s16 =	sor.u32 s17, s16;
	s17 =	sadd.s32 s3, s30  }
0x11: {  	[tilespmem:s15+$0x1020 ss:$0x81] =	vst.msk $0xffff, v0;
	s13 =	sshll.u32 s31, $0x12;
	s12 =	sadd.s32 s12, s17;
	s16 =	sshrl.u32 s16, $0x3  }
0x12: {  	[tilespmem:s15+$0x0 ss:$0x81] =	vst.msk $0xffff, v1;
	s13 =	sor.u32 $0x400, s13;
	s12 =	sadd.s32 s16, s12  }
0x13: {  	[hbm4b:s12+s13] =	stream.strided.scatter [tilespmem:s14], [sflag:$0x2], $0x2000, s8, s13, $0x20;
	[tilespmem:$0x8080] =	vst v63  }
.LBB1_5:
0x14: {  	s14 =	sadd.s32 $0x1, s9  }
0x15: {  	s12 =	sadd.s32 $0x1000, s10;
	s16 =	smov.u32 s10;
	p2 =	sgt.s32 s14, $0x31  }
0x16: {  	s16 =	smov.u32 @p2 s12  }
0x17: {  	s14 =	simm.s32 @p2 $0x0;
	p2 =	sgt.s32 s16, $0x3FFF  }
0x18: {  	s16 =	smov.u32 @p2 s2;
	p2 =	sne.s32 s11, s7  }
.Ltmp1:
0x19: {  	p1 =	slt.u32 s11, $0x2;
	(pc) =	sbr.rel @!p2 .LBB1_6-.Ltmp1, $4  }
0x1a: {  	s15 =	simm.s32 @!p1 $0x2  }
0x1b: {  	s13 =	smov.u32 s10;
	p0 =	por !p0, !p0;
	_ =	swait.ge @!p1 [sflag:s15], $0x2000  }
0x1c: {  	s12 =	smov.u32 s9;
	[sflag:s15] =	ssyncset.done @!p1 $0x0;
	s9 =	smov.u32 s14  }
0x1d: {  	s11 =	sadd.s32 $0x1, s11;
	[sflag:s15] =	ssyncadd.s32 @!p1 $0xFFFFE000;
	s10 =	smov.u32 s16  }
.LBB1_1:
0x1e: {  	p1 =	sge.u32 s11, s5  }
0x1f: {  	s14 =	sand.u32 @!p1 $0x1FFFFFF, s9  }
0x20: {  	s15 =	smulhi.u32 @!p1 $0x4924925, s14;
	_ =	sdelay $0x1  }
0x21: {  	s15 =	smul.u32 @!p1 $0x38, s15  }
0x22: {  	s16 =	sxor.u32 @!p1 $0xFFFFFFFF, s11;
	s17 =	smul.u32 @!p1 $0x380, s10  }
0x23: {  	s31 =	sadd.s32 $0xFFFFFFFF, s11;
	s16 =	sshll.u32 @!p1 s16, $0xD;
	s14 =	ssub.s32 @!p1 s14, s15  }
0x24: {  	s15 =	sand.u32 @!p1 $0x2000, s16;
	s16 =	sadd.s32 @!p1 s6, s17;
	s14 =	sshll.u32 @!p1 s14, $0x4  }
0x25: {  	s17 =	simm.s32 @!p1 $0x1C00;
	s14 =	sadd.s32 @!p1 s14, s16;
	s16 =	simm.s32 @!p1 $0x40  }
0x26: {  	[tilespmem:s15], [sflag:$0x1] =	stream.strided.gather @!p1 [hbm4b:s14+s16], $0x2000, s17, s16, $0x38;
	[tilespmem:$0x8080] =	vst v63  }
0x27: {  	p1 =	sge.u32 s31, s5  }
.Ltmp2:
0x28: {  	_ = 	snop;
	(pc) =	sbr.rel @p1 .LBB1_5-.Ltmp2, $1  }
0x29: {  	_ =	sdelay $0x3  }
0x2a: {  	s14 =	simm.s32 $0x1  }
0x2b: {  	_ =	swait.ge [sflag:s4], $0x2000;
	s14 =	simm.s32 @!p0 $0x0  }
0x2c: {  	[sflag:s4] =	ssyncset.done $0x0;
	s15 =	sshll.u32 s14, $0xD  }
0x2d: {  	[sflag:s4] =	ssyncadd.s32 $0xFFFFE000;
	s18 =	sor.u32 $0x20, s15  }
0x2e: {  	s14 =	smul.u32 $0x8100, s14;
	v3 =	vld [tilespmem:s18+$0x10]  }
0x2f: {  	s30 =	sand.u32 $0x1, s11;
	v2 =	vld [tilespmem:s18+$0xFFFFFFF0]  }
0x30: {  	s15 =	smul.u32 $0x8100, s30;
	s14 =	sshrl.u32 s14, $0x2;
	v0 =	vld [tilespmem:s18+$0x0]  }
0x31: {  	v1 =	vld [tilespmem:s18+$0xFFFFFFE0];
	s16 =	sor.u32 $0x4000, s14  }
0x32: {  	s31 =	sshrl.u32 s15, $0x2;
	s15 =	sadd.s32 $0x0, s16  }
0x33: {  	s17 =	simm.s32 $0x4;
	s18 =	sadd.s32 $0x40, s18;
	s14 =	sor.u32 $0x4000, s31;
	[tilespmem:s15+$0x1830 ss:$0x81] =	vst.msk $0xffff, v3  }
.LBB1_3:
0x34: {  	v3 =	vld [tilespmem:s18+$0x10];
	p1 =	sne.s32 s17, $0x1FC;
	[tilespmem:s15+$0x810 ss:$0x81] =	vst.msk $0xffff, v2;
	s19 =	smov.u32 s17;
	s17 =	sadd.s32 $0x4, s17  }
.Ltmp3:
0x35: {  	v2 =	vld [tilespmem:s18+$0xFFFFFFF0];
	[tilespmem:s15+$0x1020 ss:$0x81] =	vst.msk $0xffff, v0;
	(pc) =	sbr.rel @p1 .LBB1_3-.Ltmp3, $4  }
0x36: {  	v0 =	vld [tilespmem:s18+$0x0];
	[tilespmem:s15+$0x0 ss:$0x81] =	vst.msk $0xffff, v1  }
0x37: {  	s15 =	sshra.s32 s19, $0x2;
	v1 =	vld [tilespmem:s18+$0xFFFFFFE0]  }
0x38: {  	s15 =	sadd.s32 s15, s16  }
0x39: {  	s18 =	sadd.s32 $0x40, s18;
	[tilespmem:s15+$0x1830 ss:$0x81] =	vst.msk $0xffff, v3  }
.Ltmp4:
0x3a: {  	_ = 	snop;
	(pc) =	sbr.rel .LBB1_4-.Ltmp4, $1  }
0x3b: {  	_ =	sdelay $0x3  }
.LBB1_6:
0x3c: {  	_ =	sfence.sel $0x180000  }
0x3d: {  	s2 =	simm.s32 $0x1;
	[bflag:$0x0] =	sbarrier.arrive $0xFFFF  }
0x3e: {  	s31 =	simm.s32 $0x2;
	[sflag:s2] =	ssyncpa.u1 $0x1  }
0x3f: {  	[sflag:s31] =	ssyncpa.u1 $0x1  }
0x40: {  	p0 =	sne.s32 s0, $0x0;
	_ =	strace $0x9000004A  }
0x41: {  	s0 =	sadd.s32 @!p0 $0x100000, s1;
	[bflag:$0x2] =	sbarrier.arrive $0xFFFF  }
0x42: {  	[sflag:s0] =	ssyncadd.tile.s32 @!p0 $0x1;
	_ =	shalt  }
.Lfunc_end1:
_tile_overlayer_lowered:
.L_overlay_start_2:
0x43: {  	(tag) =	ssettag $0x2  }
0x44: {  	s0 =	rddreg [dreg:$0x0];
	s2 =	stileid.u32  }
0x45: {  	s1 =	rddreg [dreg:$0x1];
	p0 =	sne.s32 s2, $0x0  }
0x46: {  	s3 =	rddreg [dreg:$0x2];
	[bflag:$0x3] =	sbarrier.arrive $0xFFFF;
	s2 =	simm.s32 @!p0 $0x1C01  }
0x47: {  	[timem:s3], [sflag:s2] =	dma.local @!p0 [hbm:s0], s1  }
0x48: {  	s0 =	simm.s32 @!p0 $0x1  }
0x49: {  	_ =	swait.ge @!p0 [sflag:s0], s1  }
0x4a: {  	s1 =	ssub.s32 @!p0 $0x0, s1;
	[sflag:s0] =	ssyncset.done @!p0 $0x0  }
0x4b: {  	[sflag:s0] =	ssyncadd.s32 @!p0 s1  }
0x4c: {  	[bflag:$0x3] =	sbarrier.arrive $0xFFFF  }
0x4d: {  	_ =	shalt  }

</sc_bundles>
